<compile_context>
chip_gen: v7x
topology: tpu7x:2x2x1
jax: 0.10.2.dev20260603
libtpu: 0.0.44.dev20260713+nightly
codegen_flags: <defaults>
</compile_context>

<pallas_src>
import functools

import jax
import jax.numpy as jnp
from jax import lax
from jax.experimental import pallas as pl
from jax.experimental.pallas import tpu as pltpu
from jax.experimental.pallas import tpu_sc as plsc

N = 10000
NP = 10240
E = 640000
NCLASS = 16
HID = 128

NC = 2
NS = 16
NW = NC * NS

B = 80
E2 = 655360
EPT = E2 // NW
RPT = EPT // B
ROWS = E2 // B
NPT = NP // NS
DCH = 1280
SR = 16
RPT0 = 320
RPT1 = 192

_mesh = plsc.VectorSubcoreMesh(core_axis_name="c", subcore_axis_name="s")
_sc_params = pltpu.CompilerParams(needs_layout_passes=False)


@functools.partial(
    pl.kernel,
    out_type=jax.ShapeDtypeStruct((NW * NP,), jnp.float32),
    mesh=_mesh,
    compiler_params=_sc_params,
    scratch_types=[
        pltpu.VMEM((DCH,), jnp.int32),
        pltpu.VMEM((DCH,), jnp.float32),
        pltpu.VMEM((NP,), jnp.float32),
        pltpu.SemaphoreType.DMA,
    ],
)
def _deg_kernel(dst_hbm, ew_hbm, out_hbm, dst_v, ew_v, deg_v, sem):
    cid = lax.axis_index("c")
    sid = lax.axis_index("s")
    w = cid * NS + sid
    base = w * EPT
    zero = jnp.zeros((16,), jnp.float32)

    def zbody(i, _):
        deg_v[pl.ds(i * 16, 16)] = zero
        return 0

    lax.fori_loop(0, NP // 16, zbody, 0)

    def body(i, _):
        d = dst_v[pl.ds(i * 16, 16)]
        e = ew_v[pl.ds(i * 16, 16)]
        plsc.addupdate_scatter(deg_v, [d], e)
        return 0

    for c in range(EPT // DCH):
        cp1 = pltpu.async_copy(dst_hbm.at[pl.ds(base + c * DCH, DCH)], dst_v, sem)
        cp2 = pltpu.async_copy(ew_hbm.at[pl.ds(base + c * DCH, DCH)], ew_v, sem)
        cp1.wait()
        cp2.wait()
        lax.fori_loop(0, DCH // 16, body, 0)
    pltpu.sync_copy(deg_v, out_hbm.at[pl.ds(w * NP, NP)])


@functools.partial(
    pl.kernel,
    out_type=jax.ShapeDtypeStruct((NC, NP, HID), jnp.float32),
    mesh=_mesh,
    compiler_params=_sc_params,
    scratch_types=[
        pltpu.VMEM((SR, B), jnp.int32),
        pltpu.VMEM((SR, B), jnp.int32),
        pltpu.VMEM((SR, B), jnp.float32),
        pltpu.VMEM((B, HID), jnp.float32),
        pltpu.VMEM((B, HID), jnp.float32),
        pltpu.VMEM_SHARED((NP, HID), jnp.float32),
        pltpu.SemaphoreType.DMA,
        pltpu.SemaphoreType.DMA,
    ],
)
def _agg_kernel(src_hbm, dst_hbm, ew_hbm, h_hbm, acc_out,
                src_v, dst_v, ew_v, xb0, xb1, acc_sh,
                sem_st, sem_g):
    cid = lax.axis_index("c")
    sid = lax.axis_index("s")
    r0 = jnp.where(cid == 0, sid * RPT0, NS * RPT0 + sid * RPT1)
    nchunk = jnp.where(cid == 0, RPT0 // SR, RPT1 // SR)
    zero = jnp.zeros((16,), jnp.float32)
    gbufs = (xb0, xb1)

    def zbody(i, _):
        for k in range(HID // 16):
            xb0[i, pl.ds(k * 16, 16)] = zero
        return 0

    lax.fori_loop(0, B, zbody, 0)
    for q in range(NPT // B):
        pltpu.sync_copy(xb0, acc_sh.at[pl.ds(sid * NPT + q * B, B)])
    plsc.subcore_barrier()

    def gissue(r, buf):
        pltpu.async_copy(h_hbm.at[src_v.at[r]], buf, sem_g)

    def gwait(r, buf):
        pltpu.make_async_copy(h_hbm.at[src_v.at[r]], buf, sem_g).wait()

    def scale_row(r, buf):
        def ebody(jj, _):
            j = 2 * jj
            bc0 = plsc.load_gather(
                ew_v,
                [jnp.full((16,), r, jnp.int32), jnp.full((16,), j, jnp.int32)],
            )
            bc1 = plsc.load_gather(
                ew_v,
                [jnp.full((16,), r, jnp.int32), jnp.full((16,), j + 1, jnp.int32)],
            )
            for k in range(HID // 16):
                buf[j, pl.ds(k * 16, 16)] = buf[j, pl.ds(k * 16, 16)] * bc0
            for k in range(HID // 16):
                buf[j + 1, pl.ds(k * 16, 16)] = buf[j + 1, pl.ds(k * 16, 16)] * bc1
            return 0

        lax.fori_loop(0, B // 2, ebody, 0)

    def scatter_row(r, buf):
        pltpu.sync_copy(buf, acc_sh.at[dst_v.at[r]], add=True)

    def chunk_body(c, _):
        rc = r0 + c * SR
        cps = [
            pltpu.async_copy(src_hbm.at[pl.ds(rc, SR)], src_v, sem_st),
            pltpu.async_copy(dst_hbm.at[pl.ds(rc, SR)], dst_v, sem_st),
            pltpu.async_copy(ew_hbm.at[pl.ds(rc, SR)], ew_v, sem_st),
        ]
        for cp in cps:
            cp.wait()

        gissue(0, gbufs[0])

        def pair_body(p, _):
            r = 2 * p
            gissue(r + 1, gbufs[1])
            gwait(r, gbufs[0])
            scale_row(r, gbufs[0])
            scatter_row(r, gbufs[0])

            @pl.when(r + 2 < SR)
            def _():
                gissue(r + 2, gbufs[0])

            gwait(r + 1, gbufs[1])
            scale_row(r + 1, gbufs[1])
            scatter_row(r + 1, gbufs[1])
            return 0

        lax.fori_loop(0, SR // 2, pair_body, 0)
        return 0

    lax.fori_loop(0, nchunk, chunk_body, 0)
    plsc.subcore_barrier()
    pltpu.sync_copy(acc_sh.at[pl.ds(sid * NPT, NPT)],
                    acc_out.at[cid, pl.ds(sid * NPT, NPT)])


def _dinv_body(degp_ref, dinv_ref):
    s = jnp.sum(degp_ref[...], axis=0)
    dinv_ref[...] = lax.rsqrt(jnp.maximum(s, 1e-12))


def _g0_body(x_ref, dinv_ref, w_ref, o_ref):
    xs = x_ref[...] * dinv_ref[...]
    o_ref[...] = jnp.dot(xs, w_ref[...], preferred_element_type=jnp.float32)


def _h1_body(a0_ref, a1_ref, dinv_ref, b_ref, o_ref):
    dv = dinv_ref[...]
    agg = (a0_ref[...] + a1_ref[...]) * dv
    o_ref[...] = jnp.maximum(agg + b_ref[...], 0.0) * dv


def _out_body(a0_ref, a1_ref, dinv_ref, w_ref, b_ref, wfc_ref, bfc_ref, o_ref):
    agg = (a0_ref[...] + a1_ref[...]) * dinv_ref[...]
    h = jnp.maximum(
        jnp.dot(agg, w_ref[...], preferred_element_type=jnp.float32) + b_ref[...],
        0.0,
    )
    o_ref[...] = jnp.dot(h, wfc_ref[...], preferred_element_type=jnp.float32) + bfc_ref[...]


def kernel(x, edge_index, edge_weight, W1, b1, W2, b2, Wfc, bfc):
    src = edge_index[0].astype(jnp.int32)
    dst = edge_index[1].astype(jnp.int32)
    ew = edge_weight.astype(jnp.float32)

    pad = E2 - E - N
    loop = jnp.arange(N, dtype=jnp.int32)
    zpad = jnp.zeros((pad,), jnp.int32)
    src_e = jnp.concatenate([src, loop, zpad]).reshape(ROWS, B)
    dst_e = jnp.concatenate([dst, loop, zpad]).reshape(ROWS, B)
    ew_e = jnp.concatenate(
        [ew, jnp.ones((N,), jnp.float32), jnp.zeros((pad,), jnp.float32)]
    ).reshape(ROWS, B)

    deg_p = _deg_kernel(dst_e.reshape(E2), ew_e.reshape(E2))
    dinv = pl.pallas_call(
        _dinv_body,
        out_shape=jax.ShapeDtypeStruct((NP,), jnp.float32),
    )(deg_p.reshape(NW, NP))
    dinv_n = dinv[:N].reshape(N, 1)
    dinv_p = dinv.reshape(NP, 1)

    g0 = pl.pallas_call(
        _g0_body,
        out_shape=jax.ShapeDtypeStruct((N, HID), jnp.float32),
    )(x, dinv_n, W1)

    acc1 = _agg_kernel(src_e, dst_e, ew_e, g0)
    t1 = pl.pallas_call(
        _h1_body,
        out_shape=jax.ShapeDtypeStruct((NP, HID), jnp.float32),
    )(acc1[0], acc1[1], dinv_p, b1[None, :])

    acc2 = _agg_kernel(src_e, dst_e, ew_e, t1)
    out = pl.pallas_call(
        _out_body,
        out_shape=jax.ShapeDtypeStruct((NP, NCLASS), jnp.float32),
    )(acc2[0], acc2[1], dinv_p, W2, b2[None, :], Wfc, bfc[None, :])
    return out[:N]

# --- scband reference (transcript-rebuilt; emitter-appended) ---
"""Pipeline reference for scband-gcn-52896817218206 (READ-ONLY COPY).

The authoritative reference and input builder live on the scoring server;
editing this copy changes nothing except your own understanding.
"""

import jax, jax.numpy as jnp
import numpy as np

N = 10000
E = 640000
NCLASS = 16
HID = 128

def _gcn_conv(x, src, dst, ew, W, b, num_nodes):
    # PyG GCNConv with normalize=True, add_self_loops=True (fill_value=1.0)
    loop = jnp.arange(num_nodes, dtype=src.dtype)
    src2 = jnp.concatenate([src, loop])
    dst2 = jnp.concatenate([dst, loop])
    ew2 = jnp.concatenate([ew, jnp.ones((num_nodes,), dtype=ew.dtype)])
    deg = jnp.zeros((num_nodes,), dtype=ew.dtype).at[dst2].add(ew2)
    dinv = jnp.where(deg > 0, deg ** -0.5, 0.0)
    norm = dinv[src2] * ew2 * dinv[dst2]
    h = x @ W
    out = jnp.zeros((num_nodes, W.shape[1]), dtype=h.dtype).at[dst2].add(norm[:, None] * h[src2])
    return out + b

def setup_inputs(seed: int = 0) -> dict:
    key = jax.random.key(seed)
    ks = jax.random.split(key, 10)
    x = jax.random.normal(ks[0], (N, NCLASS), dtype=jnp.float32)
    edge_index = jax.random.randint(ks[1], (2, E), 0, N, dtype=jnp.int64)
    edge_weight = jax.random.uniform(ks[2], (E,), dtype=jnp.float32)
    s1 = 1.0 / np.sqrt(NCLASS)
    s2 = 1.0 / np.sqrt(HID)
    W1 = jax.random.uniform(ks[3], (NCLASS, HID), dtype=jnp.float32, minval=-s1, maxval=s1)
    b1 = jnp.zeros((HID,), dtype=jnp.float32)
    W2 = jax.random.uniform(ks[4], (HID, HID), dtype=jnp.float32, minval=-s2, maxval=s2)
    b2 = jnp.zeros((HID,), dtype=jnp.float32)
    Wfc = jax.random.uniform(ks[5], (HID, NCLASS), dtype=jnp.float32, minval=-s2, maxval=s2)
    bfc = jax.random.uniform(ks[6], (NCLASS,), dtype=jnp.float32, minval=-s2, maxval=s2)
    return {"x": x, "edge_index": edge_index, "edge_weight": edge_weight,
            "W1": W1, "b1": b1, "W2": W2, "b2": b2, "Wfc": Wfc, "bfc": bfc}

def reference(x, edge_index, edge_weight, W1, b1, W2, b2, Wfc, bfc):
    src = edge_index[0]
    dst = edge_index[1]
    h = _gcn_conv(x, src, dst, edge_weight, W1, b1, N)
    h = jax.nn.relu(h)
    h = _gcn_conv(h, src, dst, edge_weight, W2, b2, N)
    h = jax.nn.relu(h)
    out = h @ Wfc + bfc
    return out

if __name__ == "__main__":
    import jax
    _d = setup_inputs()
    print(jax.jit(kernel)(*tuple(_d.values())))

</pallas_src>

<mosaic_0001>
#map = affine_map<(d0, d1) -> (0, 0)>
#map1 = affine_map<(d0, d1) -> (0, 0, 0)>
module attributes {stable_mosaic.version = 14 : i64} {
  func.func @_agg_kernel(%arg0: i32, %arg1: i32, %arg2: memref<8192x80xi32, #tpu.memory_space<hbm>>, %arg3: memref<8192x80xi32, #tpu.memory_space<hbm>>, %arg4: memref<8192x80xf32, #tpu.memory_space<hbm>>, %arg5: memref<10000x128xf32, #tpu.memory_space<hbm>>, %arg6: memref<2x10240x128xf32, #tpu.memory_space<hbm>>, %arg7: memref<16x80xi32, #tpu.memory_space<vmem>>, %arg8: memref<16x80xi32, #tpu.memory_space<vmem>>, %arg9: memref<16x80xf32, #tpu.memory_space<vmem>>, %arg10: memref<80x128xf32, #tpu.memory_space<vmem>>, %arg11: memref<80x128xf32, #tpu.memory_space<vmem>>, %arg12: memref<10240x128xf32, #tpu.memory_space<vmem_shared>>, %arg13: memref<!tpu.dma_semaphore, #tpu.memory_space<semaphore_mem>>, %arg14: memref<!tpu.dma_semaphore, #tpu.memory_space<semaphore_mem>>) attributes {dimension_semantics = [#tpu.dimension_semantics<core_parallel>, #tpu.dimension_semantics<subcore_parallel>], iteration_bounds = array<i64: 2, 16>, scalar_prefetch = 0 : i64, scratch_operands = 8 : i64, tpu.core_type = #tpu.core_type<sc_vector_subcore>, window_params = [{transform_indices = #map}, {transform_indices = #map}, {transform_indices = #map}, {transform_indices = #map}, {transform_indices = #map1}]} {
    %eq3A = arith.constant 0 : i32
    %eq3A_0 = arith.cmpi eq, %arg0, %eq3A : i32
    %mul3A = arith.constant 320 : i32
    %mul3A_1 = arith.muli %arg1, %mul3A : i32
    %mul3A_2 = arith.constant 192 : i32
    %mul3A_3 = arith.muli %arg1, %mul3A_2 : i32
    %add3A = arith.constant 5120 : i32
    %add3A_4 = arith.addi %add3A, %mul3A_3 : i32
    %select_n3A = arith.select %eq3A_0, %mul3A_1, %add3A_4 : i32
    %eq3A_5 = arith.constant 0 : i32
    %eq3A_6 = arith.cmpi eq, %arg0, %eq3A_5 : i32
    %jit3A = arith.constant 20 : i32
    %jit3A_7 = arith.constant 12 : i32
    %select_n3A_8 = arith.select %eq3A_6, %jit3A, %jit3A_7 : i32
    %broadcast_in_dim3A = arith.constant 0.000000e+00 : f32
    %broadcast_in_dim3A_9 = vector.broadcast %broadcast_in_dim3A : f32 to vector<16xf32>
    %scan3A = arith.constant 0 : i32
    %scan3A_10 = arith.constant 0 : i32
    %scan3A_11 = arith.constant 80 : i32
    %scan3A_12 = arith.addi %scan3A_10, %scan3A_11 : i32
    %scan3A_13 = arith.constant 1 : i32
    %scan3A_14 = scf.for %scan3A_64 = %scan3A_10 to %scan3A_12 step %scan3A_13 iter_args(%scan3A_65 = %scan3A) -> (i32)  : i32 {
      %swap3A = arith.index_cast %scan3A_64 : i32 to index
      %swap3A_66 = arith.constant 0 : index
      %swap3A_67 = tpu.vector_load %arg10[%swap3A, %swap3A_66] {strides = array<i32>} : memref<80x128xf32, #tpu.memory_space<vmem>>, vector<16xf32>,
      tpu.vector_store %arg10[%swap3A, %swap3A_66], %broadcast_in_dim3A_9 {strides = array<i32>} : memref<80x128xf32, #tpu.memory_space<vmem>>, vector<16xf32>,
      %swap3A_68 = arith.index_cast %scan3A_64 : i32 to index
      %swap3A_69 = arith.constant 16 : index
      %swap3A_70 = tpu.vector_load %arg10[%swap3A_68, %swap3A_69] {strides = array<i32>} : memref<80x128xf32, #tpu.memory_space<vmem>>, vector<16xf32>,
      tpu.vector_store %arg10[%swap3A_68, %swap3A_69], %broadcast_in_dim3A_9 {strides = array<i32>} : memref<80x128xf32, #tpu.memory_space<vmem>>, vector<16xf32>,
      %swap3A_71 = arith.index_cast %scan3A_64 : i32 to index
      %swap3A_72 = arith.constant 32 : index
      %swap3A_73 = tpu.vector_load %arg10[%swap3A_71, %swap3A_72] {strides = array<i32>} : memref<80x128xf32, #tpu.memory_space<vmem>>, vector<16xf32>,
      tpu.vector_store %arg10[%swap3A_71, %swap3A_72], %broadcast_in_dim3A_9 {strides = array<i32>} : memref<80x128xf32, #tpu.memory_space<vmem>>, vector<16xf32>,
      %swap3A_74 = arith.index_cast %scan3A_64 : i32 to index
      %swap3A_75 = arith.constant 48 : index
      %swap3A_76 = tpu.vector_load %arg10[%swap3A_74, %swap3A_75] {strides = array<i32>} : memref<80x128xf32, #tpu.memory_space<vmem>>, vector<16xf32>,
      tpu.vector_store %arg10[%swap3A_74, %swap3A_75], %broadcast_in_dim3A_9 {strides = array<i32>} : memref<80x128xf32, #tpu.memory_space<vmem>>, vector<16xf32>,
      %swap3A_77 = arith.index_cast %scan3A_64 : i32 to index
      %swap3A_78 = arith.constant 64 : index
      %swap3A_79 = tpu.vector_load %arg10[%swap3A_77, %swap3A_78] {strides = array<i32>} : memref<80x128xf32, #tpu.memory_space<vmem>>, vector<16xf32>,
      tpu.vector_store %arg10[%swap3A_77, %swap3A_78], %broadcast_in_dim3A_9 {strides = array<i32>} : memref<80x128xf32, #tpu.memory_space<vmem>>, vector<16xf32>,
      %swap3A_80 = arith.index_cast %scan3A_64 : i32 to index
      %swap3A_81 = arith.constant 80 : index
      %swap3A_82 = tpu.vector_load %arg10[%swap3A_80, %swap3A_81] {strides = array<i32>} : memref<80x128xf32, #tpu.memory_space<vmem>>, vector<16xf32>,
      tpu.vector_store %arg10[%swap3A_80, %swap3A_81], %broadcast_in_dim3A_9 {strides = array<i32>} : memref<80x128xf32, #tpu.memory_space<vmem>>, vector<16xf32>,
      %swap3A_83 = arith.index_cast %scan3A_64 : i32 to index
      %swap3A_84 = arith.constant 96 : index
      %swap3A_85 = tpu.vector_load %arg10[%swap3A_83, %swap3A_84] {strides = array<i32>} : memref<80x128xf32, #tpu.memory_space<vmem>>, vector<16xf32>,
      tpu.vector_store %arg10[%swap3A_83, %swap3A_84], %broadcast_in_dim3A_9 {strides = array<i32>} : memref<80x128xf32, #tpu.memory_space<vmem>>, vector<16xf32>,
      %swap3A_86 = arith.index_cast %scan3A_64 : i32 to index
      %swap3A_87 = arith.constant 112 : index
      %swap3A_88 = tpu.vector_load %arg10[%swap3A_86, %swap3A_87] {strides = array<i32>} : memref<80x128xf32, #tpu.memory_space<vmem>>, vector<16xf32>,
      tpu.vector_store %arg10[%swap3A_86, %swap3A_87], %broadcast_in_dim3A_9 {strides = array<i32>} : memref<80x128xf32, #tpu.memory_space<vmem>>, vector<16xf32>,
      %scan3A_89 = arith.constant 0 : i32
      scf.yield %scan3A_89 : i32
    }
    %scan3A_15 = arith.constant 80 : i32
    %mul3A_16 = arith.constant 640 : i32
    %mul3A_17 = arith.muli %arg1, %mul3A_16 : i32
    %add3A_18 = arith.constant 0 : i32
    %add3A_19 = arith.addi %mul3A_17, %add3A_18 : i32
    "tpu.region"() ({
      %run_scoped3A = tpu.sem_alloc : memref<!tpu.dma_semaphore, #tpu.memory_space<semaphore_mem>>
      %dma_start3A = arith.constant 0 : i32
      %dma_start3A_64 = tpu.memref_slice %arg12[%add3A_19, %dma_start3A] : memref<10240x128xf32, #tpu.memory_space<vmem_shared>> -> memref<80x128xf32, #tpu.memory_space<vmem_shared>>
      %dma_start3A_65 = arith.constant 0 : i32
      %dma_start3A_66 = tpu.memref_slice %arg12[%add3A_19, %dma_start3A_65] : memref<10240x128xf32, #tpu.memory_space<vmem_shared>> -> memref<80x128xf32, #tpu.memory_space<vmem_shared>>
      tpu.enqueue_dma source(%arg10 : memref<80x128xf32, #tpu.memory_space<vmem>>) target(%dma_start3A_66 : memref<80x128xf32, #tpu.memory_space<vmem_shared>>) target_semaphore(%run_scoped3A : memref<!tpu.dma_semaphore, #tpu.memory_space<semaphore_mem>>)
      %dma_wait3A = arith.constant 0 : i32
      %dma_wait3A_67 = tpu.memref_slice %arg12[%add3A_19, %dma_wait3A] : memref<10240x128xf32, #tpu.memory_space<vmem_shared>> -> memref<80x128xf32, #tpu.memory_space<vmem_shared>>
      %dma_wait3A_68 = arith.constant 0 : i32
      %dma_wait3A_69 = tpu.memref_slice %arg12[%add3A_19, %dma_wait3A_68] : memref<10240x128xf32, #tpu.memory_space<vmem_shared>> -> memref<80x128xf32, #tpu.memory_space<vmem_shared>>
      tpu.wait_dma2 semaphore(%run_scoped3A : memref<!tpu.dma_semaphore, #tpu.memory_space<semaphore_mem>>) src(%arg10 : memref<80x128xf32, #tpu.memory_space<vmem>>) dst(%dma_wait3A_69 : memref<80x128xf32, #tpu.memory_space<vmem_shared>>)
      tpu.yield
    }) : () -> ()
    %mul3A_20 = arith.constant 640 : i32
    %mul3A_21 = arith.muli %arg1, %mul3A_20 : i32
    %add3A_22 = arith.constant 80 : i32
    %add3A_23 = arith.addi %mul3A_21, %add3A_22 : i32
    "tpu.region"() ({
      %run_scoped3A = tpu.sem_alloc : memref<!tpu.dma_semaphore, #tpu.memory_space<semaphore_mem>>
      %dma_start3A = arith.constant 0 : i32
      %dma_start3A_64 = tpu.memref_slice %arg12[%add3A_23, %dma_start3A] : memref<10240x128xf32, #tpu.memory_space<vmem_shared>> -> memref<80x128xf32, #tpu.memory_space<vmem_shared>>
      %dma_start3A_65 = arith.constant 0 : i32
      %dma_start3A_66 = tpu.memref_slice %arg12[%add3A_23, %dma_start3A_65] : memref<10240x128xf32, #tpu.memory_space<vmem_shared>> -> memref<80x128xf32, #tpu.memory_space<vmem_shared>>
      tpu.enqueue_dma source(%arg10 : memref<80x128xf32, #tpu.memory_space<vmem>>) target(%dma_start3A_66 : memref<80x128xf32, #tpu.memory_space<vmem_shared>>) target_semaphore(%run_scoped3A : memref<!tpu.dma_semaphore, #tpu.memory_space<semaphore_mem>>)
      %dma_wait3A = arith.constant 0 : i32
      %dma_wait3A_67 = tpu.memref_slice %arg12[%add3A_23, %dma_wait3A] : memref<10240x128xf32, #tpu.memory_space<vmem_shared>> -> memref<80x128xf32, #tpu.memory_space<vmem_shared>>
      %dma_wait3A_68 = arith.constant 0 : i32
      %dma_wait3A_69 = tpu.memref_slice %arg12[%add3A_23, %dma_wait3A_68] : memref<10240x128xf32, #tpu.memory_space<vmem_shared>> -> memref<80x128xf32, #tpu.memory_space<vmem_shared>>
      tpu.wait_dma2 semaphore(%run_scoped3A : memref<!tpu.dma_semaphore, #tpu.memory_space<semaphore_mem>>) src(%arg10 : memref<80x128xf32, #tpu.memory_space<vmem>>) dst(%dma_wait3A_69 : memref<80x128xf32, #tpu.memory_space<vmem_shared>>)
      tpu.yield
    }) : () -> ()
    %mul3A_24 = arith.constant 640 : i32
    %mul3A_25 = arith.muli %arg1, %mul3A_24 : i32
    %add3A_26 = arith.constant 160 : i32
    %add3A_27 = arith.addi %mul3A_25, %add3A_26 : i32
    "tpu.region"() ({
      %run_scoped3A = tpu.sem_alloc : memref<!tpu.dma_semaphore, #tpu.memory_space<semaphore_mem>>
      %dma_start3A = arith.constant 0 : i32
      %dma_start3A_64 = tpu.memref_slice %arg12[%add3A_27, %dma_start3A] : memref<10240x128xf32, #tpu.memory_space<vmem_shared>> -> memref<80x128xf32, #tpu.memory_space<vmem_shared>>
      %dma_start3A_65 = arith.constant 0 : i32
      %dma_start3A_66 = tpu.memref_slice %arg12[%add3A_27, %dma_start3A_65] : memref<10240x128xf32, #tpu.memory_space<vmem_shared>> -> memref<80x128xf32, #tpu.memory_space<vmem_shared>>
      tpu.enqueue_dma source(%arg10 : memref<80x128xf32, #tpu.memory_space<vmem>>) target(%dma_start3A_66 : memref<80x128xf32, #tpu.memory_space<vmem_shared>>) target_semaphore(%run_scoped3A : memref<!tpu.dma_semaphore, #tpu.memory_space<semaphore_mem>>)
      %dma_wait3A = arith.constant 0 : i32
      %dma_wait3A_67 = tpu.memref_slice %arg12[%add3A_27, %dma_wait3A] : memref<10240x128xf32, #tpu.memory_space<vmem_shared>> -> memref<80x128xf32, #tpu.memory_space<vmem_shared>>
      %dma_wait3A_68 = arith.constant 0 : i32
      %dma_wait3A_69 = tpu.memref_slice %arg12[%add3A_27, %dma_wait3A_68] : memref<10240x128xf32, #tpu.memory_space<vmem_shared>> -> memref<80x128xf32, #tpu.memory_space<vmem_shared>>
      tpu.wait_dma2 semaphore(%run_scoped3A : memref<!tpu.dma_semaphore, #tpu.memory_space<semaphore_mem>>) src(%arg10 : memref<80x128xf32, #tpu.memory_space<vmem>>) dst(%dma_wait3A_69 : memref<80x128xf32, #tpu.memory_space<vmem_shared>>)
      tpu.yield
    }) : () -> ()
    %mul3A_28 = arith.constant 640 : i32
    %mul3A_29 = arith.muli %arg1, %mul3A_28 : i32
    %add3A_30 = arith.constant 240 : i32
    %add3A_31 = arith.addi %mul3A_29, %add3A_30 : i32
    "tpu.region"() ({
      %run_scoped3A = tpu.sem_alloc : memref<!tpu.dma_semaphore, #tpu.memory_space<semaphore_mem>>
      %dma_start3A = arith.constant 0 : i32
      %dma_start3A_64 = tpu.memref_slice %arg12[%add3A_31, %dma_start3A] : memref<10240x128xf32, #tpu.memory_space<vmem_shared>> -> memref<80x128xf32, #tpu.memory_space<vmem_shared>>
      %dma_start3A_65 = arith.constant 0 : i32
      %dma_start3A_66 = tpu.memref_slice %arg12[%add3A_31, %dma_start3A_65] : memref<10240x128xf32, #tpu.memory_space<vmem_shared>> -> memref<80x128xf32, #tpu.memory_space<vmem_shared>>
      tpu.enqueue_dma source(%arg10 : memref<80x128xf32, #tpu.memory_space<vmem>>) target(%dma_start3A_66 : memref<80x128xf32, #tpu.memory_space<vmem_shared>>) target_semaphore(%run_scoped3A : memref<!tpu.dma_semaphore, #tpu.memory_space<semaphore_mem>>)
      %dma_wait3A = arith.constant 0 : i32
      %dma_wait3A_67 = tpu.memref_slice %arg12[%add3A_31, %dma_wait3A] : memref<10240x128xf32, #tpu.memory_space<vmem_shared>> -> memref<80x128xf32, #tpu.memory_space<vmem_shared>>
      %dma_wait3A_68 = arith.constant 0 : i32
      %dma_wait3A_69 = tpu.memref_slice %arg12[%add3A_31, %dma_wait3A_68] : memref<10240x128xf32, #tpu.memory_space<vmem_shared>> -> memref<80x128xf32, #tpu.memory_space<vmem_shared>>
      tpu.wait_dma2 semaphore(%run_scoped3A : memref<!tpu.dma_semaphore, #tpu.memory_space<semaphore_mem>>) src(%arg10 : memref<80x128xf32, #tpu.memory_space<vmem>>) dst(%dma_wait3A_69 : memref<80x128xf32, #tpu.memory_space<vmem_shared>>)
      tpu.yield
    }) : () -> ()
    %mul3A_32 = arith.constant 640 : i32
    %mul3A_33 = arith.muli %arg1, %mul3A_32 : i32
    %add3A_34 = arith.constant 320 : i32
    %add3A_35 = arith.addi %mul3A_33, %add3A_34 : i32
    "tpu.region"() ({
      %run_scoped3A = tpu.sem_alloc : memref<!tpu.dma_semaphore, #tpu.memory_space<semaphore_mem>>
      %dma_start3A = arith.constant 0 : i32
      %dma_start3A_64 = tpu.memref_slice %arg12[%add3A_35, %dma_start3A] : memref<10240x128xf32, #tpu.memory_space<vmem_shared>> -> memref<80x128xf32, #tpu.memory_space<vmem_shared>>
      %dma_start3A_65 = arith.constant 0 : i32
      %dma_start3A_66 = tpu.memref_slice %arg12[%add3A_35, %dma_start3A_65] : memref<10240x128xf32, #tpu.memory_space<vmem_shared>> -> memref<80x128xf32, #tpu.memory_space<vmem_shared>>
      tpu.enqueue_dma source(%arg10 : memref<80x128xf32, #tpu.memory_space<vmem>>) target(%dma_start3A_66 : memref<80x128xf32, #tpu.memory_space<vmem_shared>>) target_semaphore(%run_scoped3A : memref<!tpu.dma_semaphore, #tpu.memory_space<semaphore_mem>>)
      %dma_wait3A = arith.constant 0 : i32
      %dma_wait3A_67 = tpu.memref_slice %arg12[%add3A_35, %dma_wait3A] : memref<10240x128xf32, #tpu.memory_space<vmem_shared>> -> memref<80x128xf32, #tpu.memory_space<vmem_shared>>
      %dma_wait3A_68 = arith.constant 0 : i32
      %dma_wait3A_69 = tpu.memref_slice %arg12[%add3A_35, %dma_wait3A_68] : memref<10240x128xf32, #tpu.memory_space<vmem_shared>> -> memref<80x128xf32, #tpu.memory_space<vmem_shared>>
      tpu.wait_dma2 semaphore(%run_scoped3A : memref<!tpu.dma_semaphore, #tpu.memory_space<semaphore_mem>>) src(%arg10 : memref<80x128xf32, #tpu.memory_space<vmem>>) dst(%dma_wait3A_69 : memref<80x128xf32, #tpu.memory_space<vmem_shared>>)
      tpu.yield
    }) : () -> ()
    %mul3A_36 = arith.constant 640 : i32
    %mul3A_37 = arith.muli %arg1, %mul3A_36 : i32
    %add3A_38 = arith.constant 400 : i32
    %add3A_39 = arith.addi %mul3A_37, %add3A_38 : i32
    "tpu.region"() ({
      %run_scoped3A = tpu.sem_alloc : memref<!tpu.dma_semaphore, #tpu.memory_space<semaphore_mem>>
      %dma_start3A = arith.constant 0 : i32
      %dma_start3A_64 = tpu.memref_slice %arg12[%add3A_39, %dma_start3A] : memref<10240x128xf32, #tpu.memory_space<vmem_shared>> -> memref<80x128xf32, #tpu.memory_space<vmem_shared>>
      %dma_start3A_65 = arith.constant 0 : i32
      %dma_start3A_66 = tpu.memref_slice %arg12[%add3A_39, %dma_start3A_65] : memref<10240x128xf32, #tpu.memory_space<vmem_shared>> -> memref<80x128xf32, #tpu.memory_space<vmem_shared>>
      tpu.enqueue_dma source(%arg10 : memref<80x128xf32, #tpu.memory_space<vmem>>) target(%dma_start3A_66 : memref<80x128xf32, #tpu.memory_space<vmem_shared>>) target_semaphore(%run_scoped3A : memref<!tpu.dma_semaphore, #tpu.memory_space<semaphore_mem>>)
      %dma_wait3A = arith.constant 0 : i32
      %dma_wait3A_67 = tpu.memref_slice %arg12[%add3A_39, %dma_wait3A] : memref<10240x128xf32, #tpu.memory_space<vmem_shared>> -> memref<80x128xf32, #tpu.memory_space<vmem_shared>>
      %dma_wait3A_68 = arith.constant 0 : i32
      %dma_wait3A_69 = tpu.memref_slice %arg12[%add3A_39, %dma_wait3A_68] : memref<10240x128xf32, #tpu.memory_space<vmem_shared>> -> memref<80x128xf32, #tpu.memory_space<vmem_shared>>
      tpu.wait_dma2 semaphore(%run_scoped3A : memref<!tpu.dma_semaphore, #tpu.memory_space<semaphore_mem>>) src(%arg10 : memref<80x128xf32, #tpu.memory_space<vmem>>) dst(%dma_wait3A_69 : memref<80x128xf32, #tpu.memory_space<vmem_shared>>)
      tpu.yield
    }) : () -> ()
    %mul3A_40 = arith.constant 640 : i32
    %mul3A_41 = arith.muli %arg1, %mul3A_40 : i32
    %add3A_42 = arith.constant 480 : i32
    %add3A_43 = arith.addi %mul3A_41, %add3A_42 : i32
    "tpu.region"() ({
      %run_scoped3A = tpu.sem_alloc : memref<!tpu.dma_semaphore, #tpu.memory_space<semaphore_mem>>
      %dma_start3A = arith.constant 0 : i32
      %dma_start3A_64 = tpu.memref_slice %arg12[%add3A_43, %dma_start3A] : memref<10240x128xf32, #tpu.memory_space<vmem_shared>> -> memref<80x128xf32, #tpu.memory_space<vmem_shared>>
      %dma_start3A_65 = arith.constant 0 : i32
      %dma_start3A_66 = tpu.memref_slice %arg12[%add3A_43, %dma_start3A_65] : memref<10240x128xf32, #tpu.memory_space<vmem_shared>> -> memref<80x128xf32, #tpu.memory_space<vmem_shared>>
      tpu.enqueue_dma source(%arg10 : memref<80x128xf32, #tpu.memory_space<vmem>>) target(%dma_start3A_66 : memref<80x128xf32, #tpu.memory_space<vmem_shared>>) target_semaphore(%run_scoped3A : memref<!tpu.dma_semaphore, #tpu.memory_space<semaphore_mem>>)
      %dma_wait3A = arith.constant 0 : i32
      %dma_wait3A_67 = tpu.memref_slice %arg12[%add3A_43, %dma_wait3A] : memref<10240x128xf32, #tpu.memory_space<vmem_shared>> -> memref<80x128xf32, #tpu.memory_space<vmem_shared>>
      %dma_wait3A_68 = arith.constant 0 : i32
      %dma_wait3A_69 = tpu.memref_slice %arg12[%add3A_43, %dma_wait3A_68] : memref<10240x128xf32, #tpu.memory_space<vmem_shared>> -> memref<80x128xf32, #tpu.memory_space<vmem_shared>>
      tpu.wait_dma2 semaphore(%run_scoped3A : memref<!tpu.dma_semaphore, #tpu.memory_space<semaphore_mem>>) src(%arg10 : memref<80x128xf32, #tpu.memory_space<vmem>>) dst(%dma_wait3A_69 : memref<80x128xf32, #tpu.memory_space<vmem_shared>>)
      tpu.yield
    }) : () -> ()
    %mul3A_44 = arith.constant 640 : i32
    %mul3A_45 = arith.muli %arg1, %mul3A_44 : i32
    %add3A_46 = arith.constant 560 : i32
    %add3A_47 = arith.addi %mul3A_45, %add3A_46 : i32
    "tpu.region"() ({
      %run_scoped3A = tpu.sem_alloc : memref<!tpu.dma_semaphore, #tpu.memory_space<semaphore_mem>>
      %dma_start3A = arith.constant 0 : i32
      %dma_start3A_64 = tpu.memref_slice %arg12[%add3A_47, %dma_start3A] : memref<10240x128xf32, #tpu.memory_space<vmem_shared>> -> memref<80x128xf32, #tpu.memory_space<vmem_shared>>
      %dma_start3A_65 = arith.constant 0 : i32
      %dma_start3A_66 = tpu.memref_slice %arg12[%add3A_47, %dma_start3A_65] : memref<10240x128xf32, #tpu.memory_space<vmem_shared>> -> memref<80x128xf32, #tpu.memory_space<vmem_shared>>
      tpu.enqueue_dma source(%arg10 : memref<80x128xf32, #tpu.memory_space<vmem>>) target(%dma_start3A_66 : memref<80x128xf32, #tpu.memory_space<vmem_shared>>) target_semaphore(%run_scoped3A : memref<!tpu.dma_semaphore, #tpu.memory_space<semaphore_mem>>)
      %dma_wait3A = arith.constant 0 : i32
      %dma_wait3A_67 = tpu.memref_slice %arg12[%add3A_47, %dma_wait3A] : memref<10240x128xf32, #tpu.memory_space<vmem_shared>> -> memref<80x128xf32, #tpu.memory_space<vmem_shared>>
      %dma_wait3A_68 = arith.constant 0 : i32
      %dma_wait3A_69 = tpu.memref_slice %arg12[%add3A_47, %dma_wait3A_68] : memref<10240x128xf32, #tpu.memory_space<vmem_shared>> -> memref<80x128xf32, #tpu.memory_space<vmem_shared>>
      tpu.wait_dma2 semaphore(%run_scoped3A : memref<!tpu.dma_semaphore, #tpu.memory_space<semaphore_mem>>) src(%arg10 : memref<80x128xf32, #tpu.memory_space<vmem>>) dst(%dma_wait3A_69 : memref<80x128xf32, #tpu.memory_space<vmem_shared>>)
      tpu.yield
    }) : () -> ()
    %barrier3A = arith.constant 0 : index
    tpu.barrier barrier_id(%barrier3A)
    %while3A = arith.constant 0 : i32
    %while3A_48 = arith.constant 0 : i32
    %while3A_49 = arith.subi %select_n3A_8, %while3A : i32
    %while3A_50 = arith.addi %while3A, %while3A_49 : i32
    %while3A_51 = arith.constant 1 : i32
    %while3A_52 = arith.divsi %while3A_49, %while3A_51 : i32
    %while3A_53 = arith.muli %while3A_52, %while3A_51 : i32
    %while3A_54 = arith.addi %while3A, %while3A_53 : i32
    %while3A_55 = arith.constant 1 : i32
    %while3A_56 = scf.for %while3A_64 = %while3A to %while3A_54 step %while3A_55 iter_args(%while3A_65 = %while3A_48) -> (i32)  : i32 {
      %mul3A_66 = arith.constant 16 : i32
      %mul3A_67 = arith.muli %while3A_64, %mul3A_66 : i32
      %add3A_68 = arith.addi %select_n3A, %mul3A_67 : i32
      %dma_start3A = arith.constant 0 : i32
      %dma_start3A_69 = tpu.memref_slice %arg2[%add3A_68, %dma_start3A] : memref<8192x80xi32, #tpu.memory_space<hbm>> -> memref<16x80xi32, #tpu.memory_space<hbm>>
      %dma_start3A_70 = arith.constant 0 : i32
      %dma_start3A_71 = tpu.memref_slice %arg2[%add3A_68, %dma_start3A_70] : memref<8192x80xi32, #tpu.memory_space<hbm>> -> memref<16x80xi32, #tpu.memory_space<hbm>>
      tpu.enqueue_dma source(%dma_start3A_71 : memref<16x80xi32, #tpu.memory_space<hbm>>) target(%arg7 : memref<16x80xi32, #tpu.memory_space<vmem>>) target_semaphore(%arg13 : memref<!tpu.dma_semaphore, #tpu.memory_space<semaphore_mem>>)
      %dma_start3A_72 = arith.constant 0 : i32
      %dma_start3A_73 = tpu.memref_slice %arg3[%add3A_68, %dma_start3A_72] : memref<8192x80xi32, #tpu.memory_space<hbm>> -> memref<16x80xi32, #tpu.memory_space<hbm>>
      %dma_start3A_74 = arith.constant 0 : i32
      %dma_start3A_75 = tpu.memref_slice %arg3[%add3A_68, %dma_start3A_74] : memref<8192x80xi32, #tpu.memory_space<hbm>> -> memref<16x80xi32, #tpu.memory_space<hbm>>
      tpu.enqueue_dma source(%dma_start3A_75 : memref<16x80xi32, #tpu.memory_space<hbm>>) target(%arg8 : memref<16x80xi32, #tpu.memory_space<vmem>>) target_semaphore(%arg13 : memref<!tpu.dma_semaphore, #tpu.memory_space<semaphore_mem>>)
      %dma_start3A_76 = arith.constant 0 : i32
      %dma_start3A_77 = tpu.memref_slice %arg4[%add3A_68, %dma_start3A_76] : memref<8192x80xf32, #tpu.memory_space<hbm>> -> memref<16x80xf32, #tpu.memory_space<hbm>>
      %dma_start3A_78 = arith.constant 0 : i32
      %dma_start3A_79 = tpu.memref_slice %arg4[%add3A_68, %dma_start3A_78] : memref<8192x80xf32, #tpu.memory_space<hbm>> -> memref<16x80xf32, #tpu.memory_space<hbm>>
      tpu.enqueue_dma source(%dma_start3A_79 : memref<16x80xf32, #tpu.memory_space<hbm>>) target(%arg9 : memref<16x80xf32, #tpu.memory_space<vmem>>) target_semaphore(%arg13 : memref<!tpu.dma_semaphore, #tpu.memory_space<semaphore_mem>>)
      %dma_wait3A = arith.constant 0 : i32
      %dma_wait3A_80 = tpu.memref_slice %arg2[%add3A_68, %dma_wait3A] : memref<8192x80xi32, #tpu.memory_space<hbm>> -> memref<16x80xi32, #tpu.memory_space<hbm>>
      %dma_wait3A_81 = arith.constant 0 : i32
      %dma_wait3A_82 = tpu.memref_slice %arg2[%add3A_68, %dma_wait3A_81] : memref<8192x80xi32, #tpu.memory_space<hbm>> -> memref<16x80xi32, #tpu.memory_space<hbm>>
      tpu.wait_dma2 semaphore(%arg13 : memref<!tpu.dma_semaphore, #tpu.memory_space<semaphore_mem>>) src(%dma_wait3A_82 : memref<16x80xi32, #tpu.memory_space<hbm>>) dst(%arg7 : memref<16x80xi32, #tpu.memory_space<vmem>>)
      %dma_wait3A_83 = arith.constant 0 : i32
      %dma_wait3A_84 = tpu.memref_slice %arg3[%add3A_68, %dma_wait3A_83] : memref<8192x80xi32, #tpu.memory_space<hbm>> -> memref<16x80xi32, #tpu.memory_space<hbm>>
      %dma_wait3A_85 = arith.constant 0 : i32
      %dma_wait3A_86 = tpu.memref_slice %arg3[%add3A_68, %dma_wait3A_85] : memref<8192x80xi32, #tpu.memory_space<hbm>> -> memref<16x80xi32, #tpu.memory_space<hbm>>
      tpu.wait_dma2 semaphore(%arg13 : memref<!tpu.dma_semaphore, #tpu.memory_space<semaphore_mem>>) src(%dma_wait3A_86 : memref<16x80xi32, #tpu.memory_space<hbm>>) dst(%arg8 : memref<16x80xi32, #tpu.memory_space<vmem>>)
      %dma_wait3A_87 = arith.constant 0 : i32
      %dma_wait3A_88 = tpu.memref_slice %arg4[%add3A_68, %dma_wait3A_87] : memref<8192x80xf32, #tpu.memory_space<hbm>> -> memref<16x80xf32, #tpu.memory_space<hbm>>
      %dma_wait3A_89 = arith.constant 0 : i32
      %dma_wait3A_90 = tpu.memref_slice %arg4[%add3A_68, %dma_wait3A_89] : memref<8192x80xf32, #tpu.memory_space<hbm>> -> memref<16x80xf32, #tpu.memory_space<hbm>>
      tpu.wait_dma2 semaphore(%arg13 : memref<!tpu.dma_semaphore, #tpu.memory_space<semaphore_mem>>) src(%dma_wait3A_90 : memref<16x80xf32, #tpu.memory_space<hbm>>) dst(%arg9 : memref<16x80xf32, #tpu.memory_space<vmem>>)
      %dma_start3A_91 = arith.constant 0 : i32
      %dma_start3A_92 = arith.constant 0 : i32
      %dma_start3A_93 = tpu.memref_slice %arg7[%dma_start3A_91, %dma_start3A_92] : memref<16x80xi32, #tpu.memory_space<vmem>> -> memref<1x80xi32, #tpu.memory_space<vmem>>
      %dma_start3A_94 = tpu.memref_squeeze %dma_start3A_93 : memref<1x80xi32, #tpu.memory_space<vmem>> -> memref<80xi32, #tpu.memory_space<vmem>>
      %dma_start3A_95 = arith.constant 0 : i32
      %dma_start3A_96 = arith.constant 0 : i32
      %dma_start3A_97 = tpu.memref_slice %arg5[%dma_start3A_95, %dma_start3A_96] : memref<10000x128xf32, #tpu.memory_space<hbm>> -> memref<10000x128xf32, #tpu.memory_space<hbm>>
      tpu.enqueue_indirect_dma source(%dma_start3A_97 : memref<10000x128xf32, #tpu.memory_space<hbm>>) target(%arg10 : memref<80x128xf32, #tpu.memory_space<vmem>>) offsets(%dma_start3A_94 : memref<80xi32, #tpu.memory_space<vmem>>) semaphore(%arg14 : memref<!tpu.dma_semaphore, #tpu.memory_space<semaphore_mem>>)
      %scan3A_98 = arith.constant 0 : i32
      %scan3A_99 = arith.constant 0 : i32
      %scan3A_100 = arith.constant 8 : i32
      %scan3A_101 = arith.addi %scan3A_99, %scan3A_100 : i32
      %scan3A_102 = arith.constant 1 : i32
      %scan3A_103 = scf.for %scan3A_106 = %scan3A_99 to %scan3A_101 step %scan3A_102 iter_args(%scan3A_107 = %scan3A_98) -> (i32)  : i32 {
        %mul3A_108 = arith.constant 2 : i32
        %mul3A_109 = arith.muli %mul3A_108, %scan3A_106 : i32
        %add3A_110 = arith.constant 1 : i32
        %add3A_111 = arith.addi %mul3A_109, %add3A_110 : i32
        %dma_start3A_112 = arith.constant 0 : i32
        %dma_start3A_113 = tpu.memref_slice %arg7[%add3A_111, %dma_start3A_112] : memref<16x80xi32, #tpu.memory_space<vmem>> -> memref<1x80xi32, #tpu.memory_space<vmem>>
        %dma_start3A_114 = tpu.memref_squeeze %dma_start3A_113 : memref<1x80xi32, #tpu.memory_space<vmem>> -> memref<80xi32, #tpu.memory_space<vmem>>
        %dma_start3A_115 = arith.constant 0 : i32
        %dma_start3A_116 = arith.constant 0 : i32
        %dma_start3A_117 = tpu.memref_slice %arg5[%dma_start3A_115, %dma_start3A_116] : memref<10000x128xf32, #tpu.memory_space<hbm>> -> memref<10000x128xf32, #tpu.memory_space<hbm>>
        tpu.enqueue_indirect_dma source(%dma_start3A_117 : memref<10000x128xf32, #tpu.memory_space<hbm>>) target(%arg11 : memref<80x128xf32, #tpu.memory_space<vmem>>) offsets(%dma_start3A_114 : memref<80xi32, #tpu.memory_space<vmem>>) semaphore(%arg14 : memref<!tpu.dma_semaphore, #tpu.memory_space<semaphore_mem>>)
        %dma_wait3A_118 = arith.constant 0 : i32
        %dma_wait3A_119 = tpu.memref_slice %arg7[%mul3A_109, %dma_wait3A_118] : memref<16x80xi32, #tpu.memory_space<vmem>> -> memref<1x80xi32, #tpu.memory_space<vmem>>
        %dma_wait3A_120 = tpu.memref_squeeze %dma_wait3A_119 : memref<1x80xi32, #tpu.memory_space<vmem>> -> memref<80xi32, #tpu.memory_space<vmem>>
        %dma_wait3A_121 = arith.constant 0 : i32
        %dma_wait3A_122 = arith.constant 0 : i32
        %dma_wait3A_123 = tpu.memref_slice %arg5[%dma_wait3A_121, %dma_wait3A_122] : memref<10000x128xf32, #tpu.memory_space<hbm>> -> memref<10000x128xf32, #tpu.memory_space<hbm>>
        tpu.wait_indirect_dma semaphore(%arg14 : memref<!tpu.dma_semaphore, #tpu.memory_space<semaphore_mem>>) src(%dma_wait3A_123 : memref<10000x128xf32, #tpu.memory_space<hbm>>) dst(%arg10 : memref<80x128xf32, #tpu.memory_space<vmem>>)
        %scan3A_124 = arith.constant 0 : i32
        %scan3A_125 = arith.constant 0 : i32
        %scan3A_126 = arith.constant 40 : i32
        %scan3A_127 = arith.addi %scan3A_125, %scan3A_126 : i32
        %scan3A_128 = arith.constant 1 : i32
        %scan3A_129 = scf.for %scan3A_155 = %scan3A_125 to %scan3A_127 step %scan3A_128 iter_args(%scan3A_156 = %scan3A_124) -> (i32)  : i32 {
          %mul3A_157 = arith.constant 2 : i32
          %mul3A_158 = arith.muli %mul3A_157, %scan3A_155 : i32
          %broadcast_in_dim3A_159 = vector.broadcast %mul3A_109 : i32 to vector<16xi32>
          %broadcast_in_dim3A_160 = vector.broadcast %mul3A_158 : i32 to vector<16xi32>
          %gather3A = tpu.vector_load_idx %arg9[%broadcast_in_dim3A_159, %broadcast_in_dim3A_160] : memref<16x80xf32, #tpu.memory_space<vmem>>[vector<16xi32>, vector<16xi32>], vector<16xf32>,
          %broadcast_in_dim3A_161 = vector.broadcast %mul3A_109 : i32 to vector<16xi32>
          %add3A_162 = arith.constant 1 : i32
          %add3A_163 = arith.addi %mul3A_158, %add3A_162 : i32
          %broadcast_in_dim3A_164 = vector.broadcast %add3A_163 : i32 to vector<16xi32>
          %gather3A_165 = tpu.vector_load_idx %arg9[%broadcast_in_dim3A_161, %broadcast_in_dim3A_164] : memref<16x80xf32, #tpu.memory_space<vmem>>[vector<16xi32>, vector<16xi32>], vector<16xf32>,
          %get3A = arith.index_cast %mul3A_158 : i32 to index
          %get3A_166 = arith.constant 0 : index
          %get3A_167 = tpu.vector_load %arg10[%get3A, %get3A_166] {strides = array<i32>} : memref<80x128xf32, #tpu.memory_space<vmem>>, vector<16xf32>,
          %mul3A_168 = arith.mulf %get3A_167, %gather3A : vector<16xf32>
          %swap3A = arith.index_cast %mul3A_158 : i32 to index
          %swap3A_169 = arith.constant 0 : index
          %swap3A_170 = tpu.vector_load %arg10[%swap3A, %swap3A_169] {strides = array<i32>} : memref<80x128xf32, #tpu.memory_space<vmem>>, vector<16xf32>,
          tpu.vector_store %arg10[%swap3A, %swap3A_169], %mul3A_168 {strides = array<i32>} : memref<80x128xf32, #tpu.memory_space<vmem>>, vector<16xf32>,
          %get3A_171 = arith.index_cast %mul3A_158 : i32 to index
          %get3A_172 = arith.constant 16 : index
          %get3A_173 = tpu.vector_load %arg10[%get3A_171, %get3A_172] {strides = array<i32>} : memref<80x128xf32, #tpu.memory_space<vmem>>, vector<16xf32>,
          %mul3A_174 = arith.mulf %get3A_173, %gather3A : vector<16xf32>
          %swap3A_175 = arith.index_cast %mul3A_158 : i32 to index
          %swap3A_176 = arith.constant 16 : index
          %swap3A_177 = tpu.vector_load %arg10[%swap3A_175, %swap3A_176] {strides = array<i32>} : memref<80x128xf32, #tpu.memory_space<vmem>>, vector<16xf32>,
          tpu.vector_store %arg10[%swap3A_175, %swap3A_176], %mul3A_174 {strides = array<i32>} : memref<80x128xf32, #tpu.memory_space<vmem>>, vector<16xf32>,
          %get3A_178 = arith.index_cast %mul3A_158 : i32 to index
          %get3A_179 = arith.constant 32 : index
          %get3A_180 = tpu.vector_load %arg10[%get3A_178, %get3A_179] {strides = array<i32>} : memref<80x128xf32, #tpu.memory_space<vmem>>, vector<16xf32>,
          %mul3A_181 = arith.mulf %get3A_180, %gather3A : vector<16xf32>
          %swap3A_182 = arith.index_cast %mul3A_158 : i32 to index
          %swap3A_183 = arith.constant 32 : index
          %swap3A_184 = tpu.vector_load %arg10[%swap3A_182, %swap3A_183] {strides = array<i32>} : memref<80x128xf32, #tpu.memory_space<vmem>>, vector<16xf32>,
          tpu.vector_store %arg10[%swap3A_182, %swap3A_183], %mul3A_181 {strides = array<i32>} : memref<80x128xf32, #tpu.memory_space<vmem>>, vector<16xf32>,
          %get3A_185 = arith.index_cast %mul3A_158 : i32 to index
          %get3A_186 = arith.constant 48 : index
          %get3A_187 = tpu.vector_load %arg10[%get3A_185, %get3A_186] {strides = array<i32>} : memref<80x128xf32, #tpu.memory_space<vmem>>, vector<16xf32>,
          %mul3A_188 = arith.mulf %get3A_187, %gather3A : vector<16xf32>
          %swap3A_189 = arith.index_cast %mul3A_158 : i32 to index
          %swap3A_190 = arith.constant 48 : index
          %swap3A_191 = tpu.vector_load %arg10[%swap3A_189, %swap3A_190] {strides = array<i32>} : memref<80x128xf32, #tpu.memory_space<vmem>>, vector<16xf32>,
          tpu.vector_store %arg10[%swap3A_189, %swap3A_190], %mul3A_188 {strides = array<i32>} : memref<80x128xf32, #tpu.memory_space<vmem>>, vector<16xf32>,
          %get3A_192 = arith.index_cast %mul3A_158 : i32 to index
          %get3A_193 = arith.constant 64 : index
          %get3A_194 = tpu.vector_load %arg10[%get3A_192, %get3A_193] {strides = array<i32>} : memref<80x128xf32, #tpu.memory_space<vmem>>, vector<16xf32>,
          %mul3A_195 = arith.mulf %get3A_194, %gather3A : vector<16xf32>
          %swap3A_196 = arith.index_cast %mul3A_158 : i32 to index
          %swap3A_197 = arith.constant 64 : index
          %swap3A_198 = tpu.vector_load %arg10[%swap3A_196, %swap3A_197] {strides = array<i32>} : memref<80x128xf32, #tpu.memory_space<vmem>>, vector<16xf32>,
          tpu.vector_store %arg10[%swap3A_196, %swap3A_197], %mul3A_195 {strides = array<i32>} : memref<80x128xf32, #tpu.memory_space<vmem>>, vector<16xf32>,
          %get3A_199 = arith.index_cast %mul3A_158 : i32 to index
          %get3A_200 = arith.constant 80 : index
          %get3A_201 = tpu.vector_load %arg10[%get3A_199, %get3A_200] {strides = array<i32>} : memref<80x128xf32, #tpu.memory_space<vmem>>, vector<16xf32>,
          %mul3A_202 = arith.mulf %get3A_201, %gather3A : vector<16xf32>
          %swap3A_203 = arith.index_cast %mul3A_158 : i32 to index
          %swap3A_204 = arith.constant 80 : index
          %swap3A_205 = tpu.vector_load %arg10[%swap3A_203, %swap3A_204] {strides = array<i32>} : memref<80x128xf32, #tpu.memory_space<vmem>>, vector<16xf32>,
          tpu.vector_store %arg10[%swap3A_203, %swap3A_204], %mul3A_202 {strides = array<i32>} : memref<80x128xf32, #tpu.memory_space<vmem>>, vector<16xf32>,
          %get3A_206 = arith.index_cast %mul3A_158 : i32 to index
          %get3A_207 = arith.constant 96 : index
          %get3A_208 = tpu.vector_load %arg10[%get3A_206, %get3A_207] {strides = array<i32>} : memref<80x128xf32, #tpu.memory_space<vmem>>, vector<16xf32>,
          %mul3A_209 = arith.mulf %get3A_208, %gather3A : vector<16xf32>
          %swap3A_210 = arith.index_cast %mul3A_158 : i32 to index
          %swap3A_211 = arith.constant 96 : index
          %swap3A_212 = tpu.vector_load %arg10[%swap3A_210, %swap3A_211] {strides = array<i32>} : memref<80x128xf32, #tpu.memory_space<vmem>>, vector<16xf32>,
          tpu.vector_store %arg10[%swap3A_210, %swap3A_211], %mul3A_209 {strides = array<i32>} : memref<80x128xf32, #tpu.memory_space<vmem>>, vector<16xf32>,
          %get3A_213 = arith.index_cast %mul3A_158 : i32 to index
          %get3A_214 = arith.constant 112 : index
          %get3A_215 = tpu.vector_load %arg10[%get3A_213, %get3A_214] {strides = array<i32>} : memref<80x128xf32, #tpu.memory_space<vmem>>, vector<16xf32>,
          %mul3A_216 = arith.mulf %get3A_215, %gather3A : vector<16xf32>
          %swap3A_217 = arith.index_cast %mul3A_158 : i32 to index
          %swap3A_218 = arith.constant 112 : index
          %swap3A_219 = tpu.vector_load %arg10[%swap3A_217, %swap3A_218] {strides = array<i32>} : memref<80x128xf32, #tpu.memory_space<vmem>>, vector<16xf32>,
          tpu.vector_store %arg10[%swap3A_217, %swap3A_218], %mul3A_216 {strides = array<i32>} : memref<80x128xf32, #tpu.memory_space<vmem>>, vector<16xf32>,
          %add3A_220 = arith.constant 1 : i32
          %add3A_221 = arith.addi %mul3A_158, %add3A_220 : i32
          %get3A_222 = arith.index_cast %add3A_221 : i32 to index
          %get3A_223 = arith.constant 0 : index
          %get3A_224 = tpu.vector_load %arg10[%get3A_222, %get3A_223] {strides = array<i32>} : memref<80x128xf32, #tpu.memory_space<vmem>>, vector<16xf32>,
          %mul3A_225 = arith.mulf %get3A_224, %gather3A_165 : vector<16xf32>
          %add3A_226 = arith.constant 1 : i32
          %add3A_227 = arith.addi %mul3A_158, %add3A_226 : i32
          %swap3A_228 = arith.index_cast %add3A_227 : i32 to index
          %swap3A_229 = arith.constant 0 : index
          %swap3A_230 = tpu.vector_load %arg10[%swap3A_228, %swap3A_229] {strides = array<i32>} : memref<80x128xf32, #tpu.memory_space<vmem>>, vector<16xf32>,
          tpu.vector_store %arg10[%swap3A_228, %swap3A_229], %mul3A_225 {strides = array<i32>} : memref<80x128xf32, #tpu.memory_space<vmem>>, vector<16xf32>,
          %add3A_231 = arith.constant 1 : i32
          %add3A_232 = arith.addi %mul3A_158, %add3A_231 : i32
          %get3A_233 = arith.index_cast %add3A_232 : i32 to index
          %get3A_234 = arith.constant 16 : index
          %get3A_235 = tpu.vector_load %arg10[%get3A_233, %get3A_234] {strides = array<i32>} : memref<80x128xf32, #tpu.memory_space<vmem>>, vector<16xf32>,
          %mul3A_236 = arith.mulf %get3A_235, %gather3A_165 : vector<16xf32>
          %add3A_237 = arith.constant 1 : i32
          %add3A_238 = arith.addi %mul3A_158, %add3A_237 : i32
          %swap3A_239 = arith.index_cast %add3A_238 : i32 to index
          %swap3A_240 = arith.constant 16 : index
          %swap3A_241 = tpu.vector_load %arg10[%swap3A_239, %swap3A_240] {strides = array<i32>} : memref<80x128xf32, #tpu.memory_space<vmem>>, vector<16xf32>,
          tpu.vector_store %arg10[%swap3A_239, %swap3A_240], %mul3A_236 {strides = array<i32>} : memref<80x128xf32, #tpu.memory_space<vmem>>, vector<16xf32>,
          %add3A_242 = arith.constant 1 : i32
          %add3A_243 = arith.addi %mul3A_158, %add3A_242 : i32
          %get3A_244 = arith.index_cast %add3A_243 : i32 to index
          %get3A_245 = arith.constant 32 : index
          %get3A_246 = tpu.vector_load %arg10[%get3A_244, %get3A_245] {strides = array<i32>} : memref<80x128xf32, #tpu.memory_space<vmem>>, vector<16xf32>,
          %mul3A_247 = arith.mulf %get3A_246, %gather3A_165 : vector<16xf32>
          %add3A_248 = arith.constant 1 : i32
          %add3A_249 = arith.addi %mul3A_158, %add3A_248 : i32
          %swap3A_250 = arith.index_cast %add3A_249 : i32 to index
          %swap3A_251 = arith.constant 32 : index
          %swap3A_252 = tpu.vector_load %arg10[%swap3A_250, %swap3A_251] {strides = array<i32>} : memref<80x128xf32, #tpu.memory_space<vmem>>, vector<16xf32>,
          tpu.vector_store %arg10[%swap3A_250, %swap3A_251], %mul3A_247 {strides = array<i32>} : memref<80x128xf32, #tpu.memory_space<vmem>>, vector<16xf32>,
          %add3A_253 = arith.constant 1 : i32
          %add3A_254 = arith.addi %mul3A_158, %add3A_253 : i32
          %get3A_255 = arith.index_cast %add3A_254 : i32 to index
          %get3A_256 = arith.constant 48 : index
          %get3A_257 = tpu.vector_load %arg10[%get3A_255, %get3A_256] {strides = array<i32>} : memref<80x128xf32, #tpu.memory_space<vmem>>, vector<16xf32>,
          %mul3A_258 = arith.mulf %get3A_257, %gather3A_165 : vector<16xf32>
          %add3A_259 = arith.constant 1 : i32
          %add3A_260 = arith.addi %mul3A_158, %add3A_259 : i32
          %swap3A_261 = arith.index_cast %add3A_260 : i32 to index
          %swap3A_262 = arith.constant 48 : index
          %swap3A_263 = tpu.vector_load %arg10[%swap3A_261, %swap3A_262] {strides = array<i32>} : memref<80x128xf32, #tpu.memory_space<vmem>>, vector<16xf32>,
          tpu.vector_store %arg10[%swap3A_261, %swap3A_262], %mul3A_258 {strides = array<i32>} : memref<80x128xf32, #tpu.memory_space<vmem>>, vector<16xf32>,
          %add3A_264 = arith.constant 1 : i32
          %add3A_265 = arith.addi %mul3A_158, %add3A_264 : i32
          %get3A_266 = arith.index_cast %add3A_265 : i32 to index
          %get3A_267 = arith.constant 64 : index
          %get3A_268 = tpu.vector_load %arg10[%get3A_266, %get3A_267] {strides = array<i32>} : memref<80x128xf32, #tpu.memory_space<vmem>>, vector<16xf32>,
          %mul3A_269 = arith.mulf %get3A_268, %gather3A_165 : vector<16xf32>
          %add3A_270 = arith.constant 1 : i32
          %add3A_271 = arith.addi %mul3A_158, %add3A_270 : i32
          %swap3A_272 = arith.index_cast %add3A_271 : i32 to index
          %swap3A_273 = arith.constant 64 : index
          %swap3A_274 = tpu.vector_load %arg10[%swap3A_272, %swap3A_273] {strides = array<i32>} : memref<80x128xf32, #tpu.memory_space<vmem>>, vector<16xf32>,
          tpu.vector_store %arg10[%swap3A_272, %swap3A_273], %mul3A_269 {strides = array<i32>} : memref<80x128xf32, #tpu.memory_space<vmem>>, vector<16xf32>,
          %add3A_275 = arith.constant 1 : i32
          %add3A_276 = arith.addi %mul3A_158, %add3A_275 : i32
          %get3A_277 = arith.index_cast %add3A_276 : i32 to index
          %get3A_278 = arith.constant 80 : index
          %get3A_279 = tpu.vector_load %arg10[%get3A_277, %get3A_278] {strides = array<i32>} : memref<80x128xf32, #tpu.memory_space<vmem>>, vector<16xf32>,
          %mul3A_280 = arith.mulf %get3A_279, %gather3A_165 : vector<16xf32>
          %add3A_281 = arith.constant 1 : i32
          %add3A_282 = arith.addi %mul3A_158, %add3A_281 : i32
          %swap3A_283 = arith.index_cast %add3A_282 : i32 to index
          %swap3A_284 = arith.constant 80 : index
          %swap3A_285 = tpu.vector_load %arg10[%swap3A_283, %swap3A_284] {strides = array<i32>} : memref<80x128xf32, #tpu.memory_space<vmem>>, vector<16xf32>,
          tpu.vector_store %arg10[%swap3A_283, %swap3A_284], %mul3A_280 {strides = array<i32>} : memref<80x128xf32, #tpu.memory_space<vmem>>, vector<16xf32>,
          %add3A_286 = arith.constant 1 : i32
          %add3A_287 = arith.addi %mul3A_158, %add3A_286 : i32
          %get3A_288 = arith.index_cast %add3A_287 : i32 to index
          %get3A_289 = arith.constant 96 : index
          %get3A_290 = tpu.vector_load %arg10[%get3A_288, %get3A_289] {strides = array<i32>} : memref<80x128xf32, #tpu.memory_space<vmem>>, vector<16xf32>,
          %mul3A_291 = arith.mulf %get3A_290, %gather3A_165 : vector<16xf32>
          %add3A_292 = arith.constant 1 : i32
          %add3A_293 = arith.addi %mul3A_158, %add3A_292 : i32
          %swap3A_294 = arith.index_cast %add3A_293 : i32 to index
          %swap3A_295 = arith.constant 96 : index
          %swap3A_296 = tpu.vector_load %arg10[%swap3A_294, %swap3A_295] {strides = array<i32>} : memref<80x128xf32, #tpu.memory_space<vmem>>, vector<16xf32>,
          tpu.vector_store %arg10[%swap3A_294, %swap3A_295], %mul3A_291 {strides = array<i32>} : memref<80x128xf32, #tpu.memory_space<vmem>>, vector<16xf32>,
          %add3A_297 = arith.constant 1 : i32
          %add3A_298 = arith.addi %mul3A_158, %add3A_297 : i32
          %get3A_299 = arith.index_cast %add3A_298 : i32 to index
          %get3A_300 = arith.constant 112 : index
          %get3A_301 = tpu.vector_load %arg10[%get3A_299, %get3A_300] {strides = array<i32>} : memref<80x128xf32, #tpu.memory_space<vmem>>, vector<16xf32>,
          %mul3A_302 = arith.mulf %get3A_301, %gather3A_165 : vector<16xf32>
          %add3A_303 = arith.constant 1 : i32
          %add3A_304 = arith.addi %mul3A_158, %add3A_303 : i32
          %swap3A_305 = arith.index_cast %add3A_304 : i32 to index
          %swap3A_306 = arith.constant 112 : index
          %swap3A_307 = tpu.vector_load %arg10[%swap3A_305, %swap3A_306] {strides = array<i32>} : memref<80x128xf32, #tpu.memory_space<vmem>>, vector<16xf32>,
          tpu.vector_store %arg10[%swap3A_305, %swap3A_306], %mul3A_302 {strides = array<i32>} : memref<80x128xf32, #tpu.memory_space<vmem>>, vector<16xf32>,
          %scan3A_308 = arith.constant 0 : i32
          scf.yield %scan3A_308 : i32
        }
        %scan3A_130 = arith.constant 40 : i32
        "tpu.region"() ({
          %run_scoped3A = tpu.sem_alloc : memref<!tpu.dma_semaphore, #tpu.memory_space<semaphore_mem>>
          %dma_start3A_155 = arith.constant 0 : i32
          %dma_start3A_156 = tpu.memref_slice %arg8[%mul3A_109, %dma_start3A_155] : memref<16x80xi32, #tpu.memory_space<vmem>> -> memref<1x80xi32, #tpu.memory_space<vmem>>
          %dma_start3A_157 = tpu.memref_squeeze %dma_start3A_156 : memref<1x80xi32, #tpu.memory_space<vmem>> -> memref<80xi32, #tpu.memory_space<vmem>>
          %dma_start3A_158 = arith.constant 0 : i32
          %dma_start3A_159 = arith.constant 0 : i32
          %dma_start3A_160 = tpu.memref_slice %arg12[%dma_start3A_158, %dma_start3A_159] : memref<10240x128xf32, #tpu.memory_space<vmem_shared>> -> memref<10240x128xf32, #tpu.memory_space<vmem_shared>>
          tpu.enqueue_indirect_dma source(%arg10 : memref<80x128xf32, #tpu.memory_space<vmem>>) target(%dma_start3A_160 : memref<10240x128xf32, #tpu.memory_space<vmem_shared>>) offsets(%dma_start3A_157 : memref<80xi32, #tpu.memory_space<vmem>>) semaphore(%run_scoped3A : memref<!tpu.dma_semaphore, #tpu.memory_space<semaphore_mem>>) {add = true}
          %dma_wait3A_161 = arith.constant 0 : i32
          %dma_wait3A_162 = tpu.memref_slice %arg8[%mul3A_109, %dma_wait3A_161] : memref<16x80xi32, #tpu.memory_space<vmem>> -> memref<1x80xi32, #tpu.memory_space<vmem>>
          %dma_wait3A_163 = tpu.memref_squeeze %dma_wait3A_162 : memref<1x80xi32, #tpu.memory_space<vmem>> -> memref<80xi32, #tpu.memory_space<vmem>>
          %dma_wait3A_164 = arith.constant 0 : i32
          %dma_wait3A_165 = arith.constant 0 : i32
          %dma_wait3A_166 = tpu.memref_slice %arg12[%dma_wait3A_164, %dma_wait3A_165] : memref<10240x128xf32, #tpu.memory_space<vmem_shared>> -> memref<10240x128xf32, #tpu.memory_space<vmem_shared>>
          tpu.wait_indirect_dma semaphore(%run_scoped3A : memref<!tpu.dma_semaphore, #tpu.memory_space<semaphore_mem>>) src(%arg10 : memref<80x128xf32, #tpu.memory_space<vmem>>) dst(%dma_wait3A_166 : memref<10240x128xf32, #tpu.memory_space<vmem_shared>>)
          tpu.yield
        }) : () -> ()
        %add3A_131 = arith.constant 2 : i32
        %add3A_132 = arith.addi %mul3A_109, %add3A_131 : i32
        %lt3A = arith.constant 16 : i32
        %lt3A_133 = arith.cmpi slt, %add3A_132, %lt3A : i32
        %convert_element_type3A = arith.extui %lt3A_133 : i1 to i32
        %cond3A = arith.constant 0 : i32
        %cond3A_134 = arith.cmpi ne, %convert_element_type3A, %cond3A : i32
        scf.if %cond3A_134 {
          %add3A_155 = arith.constant 2 : i32
          %add3A_156 = arith.addi %mul3A_109, %add3A_155 : i32
          %dma_start3A_157 = arith.constant 0 : i32
          %dma_start3A_158 = tpu.memref_slice %arg7[%add3A_156, %dma_start3A_157] : memref<16x80xi32, #tpu.memory_space<vmem>> -> memref<1x80xi32, #tpu.memory_space<vmem>>
          %dma_start3A_159 = tpu.memref_squeeze %dma_start3A_158 : memref<1x80xi32, #tpu.memory_space<vmem>> -> memref<80xi32, #tpu.memory_space<vmem>>
          %dma_start3A_160 = arith.constant 0 : i32
          %dma_start3A_161 = arith.constant 0 : i32
          %dma_start3A_162 = tpu.memref_slice %arg5[%dma_start3A_160, %dma_start3A_161] : memref<10000x128xf32, #tpu.memory_space<hbm>> -> memref<10000x128xf32, #tpu.memory_space<hbm>>
          tpu.enqueue_indirect_dma source(%dma_start3A_162 : memref<10000x128xf32, #tpu.memory_space<hbm>>) target(%arg10 : memref<80x128xf32, #tpu.memory_space<vmem>>) offsets(%dma_start3A_159 : memref<80xi32, #tpu.memory_space<vmem>>) semaphore(%arg14 : memref<!tpu.dma_semaphore, #tpu.memory_space<semaphore_mem>>)
        } else {
        }
        %add3A_135 = arith.constant 1 : i32
        %add3A_136 = arith.addi %mul3A_109, %add3A_135 : i32
        %dma_wait3A_137 = arith.constant 0 : i32
        %dma_wait3A_138 = tpu.memref_slice %arg7[%add3A_136, %dma_wait3A_137] : memref<16x80xi32, #tpu.memory_space<vmem>> -> memref<1x80xi32, #tpu.memory_space<vmem>>
        %dma_wait3A_139 = tpu.memref_squeeze %dma_wait3A_138 : memref<1x80xi32, #tpu.memory_space<vmem>> -> memref<80xi32, #tpu.memory_space<vmem>>
        %dma_wait3A_140 = arith.constant 0 : i32
        %dma_wait3A_141 = arith.constant 0 : i32
        %dma_wait3A_142 = tpu.memref_slice %arg5[%dma_wait3A_140, %dma_wait3A_141] : memref<10000x128xf32, #tpu.memory_space<hbm>> -> memref<10000x128xf32, #tpu.memory_space<hbm>>
        tpu.wait_indirect_dma semaphore(%arg14 : memref<!tpu.dma_semaphore, #tpu.memory_space<semaphore_mem>>) src(%dma_wait3A_142 : memref<10000x128xf32, #tpu.memory_space<hbm>>) dst(%arg11 : memref<80x128xf32, #tpu.memory_space<vmem>>)
        %add3A_143 = arith.constant 1 : i32
        %add3A_144 = arith.addi %mul3A_109, %add3A_143 : i32
        %scan3A_145 = arith.constant 0 : i32
        %scan3A_146 = arith.constant 0 : i32
        %scan3A_147 = arith.constant 40 : i32
        %scan3A_148 = arith.addi %scan3A_146, %scan3A_147 : i32
        %scan3A_149 = arith.constant 1 : i32
        %scan3A_150 = scf.for %scan3A_155 = %scan3A_146 to %scan3A_148 step %scan3A_149 iter_args(%scan3A_156 = %scan3A_145) -> (i32)  : i32 {
          %mul3A_157 = arith.constant 2 : i32
          %mul3A_158 = arith.muli %mul3A_157, %scan3A_155 : i32
          %broadcast_in_dim3A_159 = vector.broadcast %add3A_144 : i32 to vector<16xi32>
          %broadcast_in_dim3A_160 = vector.broadcast %mul3A_158 : i32 to vector<16xi32>
          %gather3A = tpu.vector_load_idx %arg9[%broadcast_in_dim3A_159, %broadcast_in_dim3A_160] : memref<16x80xf32, #tpu.memory_space<vmem>>[vector<16xi32>, vector<16xi32>], vector<16xf32>,
          %broadcast_in_dim3A_161 = vector.broadcast %add3A_144 : i32 to vector<16xi32>
          %add3A_162 = arith.constant 1 : i32
          %add3A_163 = arith.addi %mul3A_158, %add3A_162 : i32
          %broadcast_in_dim3A_164 = vector.broadcast %add3A_163 : i32 to vector<16xi32>
          %gather3A_165 = tpu.vector_load_idx %arg9[%broadcast_in_dim3A_161, %broadcast_in_dim3A_164] : memref<16x80xf32, #tpu.memory_space<vmem>>[vector<16xi32>, vector<16xi32>], vector<16xf32>,
          %get3A = arith.index_cast %mul3A_158 : i32 to index
          %get3A_166 = arith.constant 0 : index
          %get3A_167 = tpu.vector_load %arg11[%get3A, %get3A_166] {strides = array<i32>} : memref<80x128xf32, #tpu.memory_space<vmem>>, vector<16xf32>,
          %mul3A_168 = arith.mulf %get3A_167, %gather3A : vector<16xf32>
          %swap3A = arith.index_cast %mul3A_158 : i32 to index
          %swap3A_169 = arith.constant 0 : index
          %swap3A_170 = tpu.vector_load %arg11[%swap3A, %swap3A_169] {strides = array<i32>} : memref<80x128xf32, #tpu.memory_space<vmem>>, vector<16xf32>,
          tpu.vector_store %arg11[%swap3A, %swap3A_169], %mul3A_168 {strides = array<i32>} : memref<80x128xf32, #tpu.memory_space<vmem>>, vector<16xf32>,
          %get3A_171 = arith.index_cast %mul3A_158 : i32 to index
          %get3A_172 = arith.constant 16 : index
          %get3A_173 = tpu.vector_load %arg11[%get3A_171, %get3A_172] {strides = array<i32>} : memref<80x128xf32, #tpu.memory_space<vmem>>, vector<16xf32>,
          %mul3A_174 = arith.mulf %get3A_173, %gather3A : vector<16xf32>
          %swap3A_175 = arith.index_cast %mul3A_158 : i32 to index
          %swap3A_176 = arith.constant 16 : index
          %swap3A_177 = tpu.vector_load %arg11[%swap3A_175, %swap3A_176] {strides = array<i32>} : memref<80x128xf32, #tpu.memory_space<vmem>>, vector<16xf32>,
          tpu.vector_store %arg11[%swap3A_175, %swap3A_176], %mul3A_174 {strides = array<i32>} : memref<80x128xf32, #tpu.memory_space<vmem>>, vector<16xf32>,
          %get3A_178 = arith.index_cast %mul3A_158 : i32 to index
          %get3A_179 = arith.constant 32 : index
          %get3A_180 = tpu.vector_load %arg11[%get3A_178, %get3A_179] {strides = array<i32>} : memref<80x128xf32, #tpu.memory_space<vmem>>, vector<16xf32>,
          %mul3A_181 = arith.mulf %get3A_180, %gather3A : vector<16xf32>
          %swap3A_182 = arith.index_cast %mul3A_158 : i32 to index
          %swap3A_183 = arith.constant 32 : index
          %swap3A_184 = tpu.vector_load %arg11[%swap3A_182, %swap3A_183] {strides = array<i32>} : memref<80x128xf32, #tpu.memory_space<vmem>>, vector<16xf32>,
          tpu.vector_store %arg11[%swap3A_182, %swap3A_183], %mul3A_181 {strides = array<i32>} : memref<80x128xf32, #tpu.memory_space<vmem>>, vector<16xf32>,
          %get3A_185 = arith.index_cast %mul3A_158 : i32 to index
          %get3A_186 = arith.constant 48 : index
          %get3A_187 = tpu.vector_load %arg11[%get3A_185, %get3A_186] {strides = array<i32>} : memref<80x128xf32, #tpu.memory_space<vmem>>, vector<16xf32>,
          %mul3A_188 = arith.mulf %get3A_187, %gather3A : vector<16xf32>
          %swap3A_189 = arith.index_cast %mul3A_158 : i32 to index
          %swap3A_190 = arith.constant 48 : index
          %swap3A_191 = tpu.vector_load %arg11[%swap3A_189, %swap3A_190] {strides = array<i32>} : memref<80x128xf32, #tpu.memory_space<vmem>>, vector<16xf32>,
          tpu.vector_store %arg11[%swap3A_189, %swap3A_190], %mul3A_188 {strides = array<i32>} : memref<80x128xf32, #tpu.memory_space<vmem>>, vector<16xf32>,
          %get3A_192 = arith.index_cast %mul3A_158 : i32 to index
          %get3A_193 = arith.constant 64 : index
          %get3A_194 = tpu.vector_load %arg11[%get3A_192, %get3A_193] {strides = array<i32>} : memref<80x128xf32, #tpu.memory_space<vmem>>, vector<16xf32>,
          %mul3A_195 = arith.mulf %get3A_194, %gather3A : vector<16xf32>
          %swap3A_196 = arith.index_cast %mul3A_158 : i32 to index
          %swap3A_197 = arith.constant 64 : index
          %swap3A_198 = tpu.vector_load %arg11[%swap3A_196, %swap3A_197] {strides = array<i32>} : memref<80x128xf32, #tpu.memory_space<vmem>>, vector<16xf32>,
          tpu.vector_store %arg11[%swap3A_196, %swap3A_197], %mul3A_195 {strides = array<i32>} : memref<80x128xf32, #tpu.memory_space<vmem>>, vector<16xf32>,
          %get3A_199 = arith.index_cast %mul3A_158 : i32 to index
          %get3A_200 = arith.constant 80 : index
          %get3A_201 = tpu.vector_load %arg11[%get3A_199, %get3A_200] {strides = array<i32>} : memref<80x128xf32, #tpu.memory_space<vmem>>, vector<16xf32>,
          %mul3A_202 = arith.mulf %get3A_201, %gather3A : vector<16xf32>
          %swap3A_203 = arith.index_cast %mul3A_158 : i32 to index
          %swap3A_204 = arith.constant 80 : index
          %swap3A_205 = tpu.vector_load %arg11[%swap3A_203, %swap3A_204] {strides = array<i32>} : memref<80x128xf32, #tpu.memory_space<vmem>>, vector<16xf32>,
          tpu.vector_store %arg11[%swap3A_203, %swap3A_204], %mul3A_202 {strides = array<i32>} : memref<80x128xf32, #tpu.memory_space<vmem>>, vector<16xf32>,
          %get3A_206 = arith.index_cast %mul3A_158 : i32 to index
          %get3A_207 = arith.constant 96 : index
          %get3A_208 = tpu.vector_load %arg11[%get3A_206, %get3A_207] {strides = array<i32>} : memref<80x128xf32, #tpu.memory_space<vmem>>, vector<16xf32>,
          %mul3A_209 = arith.mulf %get3A_208, %gather3A : vector<16xf32>
          %swap3A_210 = arith.index_cast %mul3A_158 : i32 to index
          %swap3A_211 = arith.constant 96 : index
          %swap3A_212 = tpu.vector_load %arg11[%swap3A_210, %swap3A_211] {strides = array<i32>} : memref<80x128xf32, #tpu.memory_space<vmem>>, vector<16xf32>,
          tpu.vector_store %arg11[%swap3A_210, %swap3A_211], %mul3A_209 {strides = array<i32>} : memref<80x128xf32, #tpu.memory_space<vmem>>, vector<16xf32>,
          %get3A_213 = arith.index_cast %mul3A_158 : i32 to index
          %get3A_214 = arith.constant 112 : index
          %get3A_215 = tpu.vector_load %arg11[%get3A_213, %get3A_214] {strides = array<i32>} : memref<80x128xf32, #tpu.memory_space<vmem>>, vector<16xf32>,
          %mul3A_216 = arith.mulf %get3A_215, %gather3A : vector<16xf32>
          %swap3A_217 = arith.index_cast %mul3A_158 : i32 to index
          %swap3A_218 = arith.constant 112 : index
          %swap3A_219 = tpu.vector_load %arg11[%swap3A_217, %swap3A_218] {strides = array<i32>} : memref<80x128xf32, #tpu.memory_space<vmem>>, vector<16xf32>,
          tpu.vector_store %arg11[%swap3A_217, %swap3A_218], %mul3A_216 {strides = array<i32>} : memref<80x128xf32, #tpu.memory_space<vmem>>, vector<16xf32>,
          %add3A_220 = arith.constant 1 : i32
          %add3A_221 = arith.addi %mul3A_158, %add3A_220 : i32
          %get3A_222 = arith.index_cast %add3A_221 : i32 to index
          %get3A_223 = arith.constant 0 : index
          %get3A_224 = tpu.vector_load %arg11[%get3A_222, %get3A_223] {strides = array<i32>} : memref<80x128xf32, #tpu.memory_space<vmem>>, vector<16xf32>,
          %mul3A_225 = arith.mulf %get3A_224, %gather3A_165 : vector<16xf32>
          %add3A_226 = arith.constant 1 : i32
          %add3A_227 = arith.addi %mul3A_158, %add3A_226 : i32
          %swap3A_228 = arith.index_cast %add3A_227 : i32 to index
          %swap3A_229 = arith.constant 0 : index
          %swap3A_230 = tpu.vector_load %arg11[%swap3A_228, %swap3A_229] {strides = array<i32>} : memref<80x128xf32, #tpu.memory_space<vmem>>, vector<16xf32>,
          tpu.vector_store %arg11[%swap3A_228, %swap3A_229], %mul3A_225 {strides = array<i32>} : memref<80x128xf32, #tpu.memory_space<vmem>>, vector<16xf32>,
          %add3A_231 = arith.constant 1 : i32
          %add3A_232 = arith.addi %mul3A_158, %add3A_231 : i32
          %get3A_233 = arith.index_cast %add3A_232 : i32 to index
          %get3A_234 = arith.constant 16 : index
          %get3A_235 = tpu.vector_load %arg11[%get3A_233, %get3A_234] {strides = array<i32>} : memref<80x128xf32, #tpu.memory_space<vmem>>, vector<16xf32>,
          %mul3A_236 = arith.mulf %get3A_235, %gather3A_165 : vector<16xf32>
          %add3A_237 = arith.constant 1 : i32
          %add3A_238 = arith.addi %mul3A_158, %add3A_237 : i32
          %swap3A_239 = arith.index_cast %add3A_238 : i32 to index
          %swap3A_240 = arith.constant 16 : index
          %swap3A_241 = tpu.vector_load %arg11[%swap3A_239, %swap3A_240] {strides = array<i32>} : memref<80x128xf32, #tpu.memory_space<vmem>>, vector<16xf32>,
          tpu.vector_store %arg11[%swap3A_239, %swap3A_240], %mul3A_236 {strides = array<i32>} : memref<80x128xf32, #tpu.memory_space<vmem>>, vector<16xf32>,
          %add3A_242 = arith.constant 1 : i32
          %add3A_243 = arith.addi %mul3A_158, %add3A_242 : i32
          %get3A_244 = arith.index_cast %add3A_243 : i32 to index
          %get3A_245 = arith.constant 32 : index
          %get3A_246 = tpu.vector_load %arg11[%get3A_244, %get3A_245] {strides = array<i32>} : memref<80x128xf32, #tpu.memory_space<vmem>>, vector<16xf32>,
          %mul3A_247 = arith.mulf %get3A_246, %gather3A_165 : vector<16xf32>
          %add3A_248 = arith.constant 1 : i32
          %add3A_249 = arith.addi %mul3A_158, %add3A_248 : i32
          %swap3A_250 = arith.index_cast %add3A_249 : i32 to index
          %swap3A_251 = arith.constant 32 : index
          %swap3A_252 = tpu.vector_load %arg11[%swap3A_250, %swap3A_251] {strides = array<i32>} : memref<80x128xf32, #tpu.memory_space<vmem>>, vector<16xf32>,
          tpu.vector_store %arg11[%swap3A_250, %swap3A_251], %mul3A_247 {strides = array<i32>} : memref<80x128xf32, #tpu.memory_space<vmem>>, vector<16xf32>,
          %add3A_253 = arith.constant 1 : i32
          %add3A_254 = arith.addi %mul3A_158, %add3A_253 : i32
          %get3A_255 = arith.index_cast %add3A_254 : i32 to index
          %get3A_256 = arith.constant 48 : index
          %get3A_257 = tpu.vector_load %arg11[%get3A_255, %get3A_256] {strides = array<i32>} : memref<80x128xf32, #tpu.memory_space<vmem>>, vector<16xf32>,
          %mul3A_258 = arith.mulf %get3A_257, %gather3A_165 : vector<16xf32>
          %add3A_259 = arith.constant 1 : i32
          %add3A_260 = arith.addi %mul3A_158, %add3A_259 : i32
          %swap3A_261 = arith.index_cast %add3A_260 : i32 to index
          %swap3A_262 = arith.constant 48 : index
          %swap3A_263 = tpu.vector_load %arg11[%swap3A_261, %swap3A_262] {strides = array<i32>} : memref<80x128xf32, #tpu.memory_space<vmem>>, vector<16xf32>,
          tpu.vector_store %arg11[%swap3A_261, %swap3A_262], %mul3A_258 {strides = array<i32>} : memref<80x128xf32, #tpu.memory_space<vmem>>, vector<16xf32>,
          %add3A_264 = arith.constant 1 : i32
          %add3A_265 = arith.addi %mul3A_158, %add3A_264 : i32
          %get3A_266 = arith.index_cast %add3A_265 : i32 to index
          %get3A_267 = arith.constant 64 : index
          %get3A_268 = tpu.vector_load %arg11[%get3A_266, %get3A_267] {strides = array<i32>} : memref<80x128xf32, #tpu.memory_space<vmem>>, vector<16xf32>,
          %mul3A_269 = arith.mulf %get3A_268, %gather3A_165 : vector<16xf32>
          %add3A_270 = arith.constant 1 : i32
          %add3A_271 = arith.addi %mul3A_158, %add3A_270 : i32
          %swap3A_272 = arith.index_cast %add3A_271 : i32 to index
          %swap3A_273 = arith.constant 64 : index
          %swap3A_274 = tpu.vector_load %arg11[%swap3A_272, %swap3A_273] {strides = array<i32>} : memref<80x128xf32, #tpu.memory_space<vmem>>, vector<16xf32>,
          tpu.vector_store %arg11[%swap3A_272, %swap3A_273], %mul3A_269 {strides = array<i32>} : memref<80x128xf32, #tpu.memory_space<vmem>>, vector<16xf32>,
          %add3A_275 = arith.constant 1 : i32
          %add3A_276 = arith.addi %mul3A_158, %add3A_275 : i32
          %get3A_277 = arith.index_cast %add3A_276 : i32 to index
          %get3A_278 = arith.constant 80 : index
          %get3A_279 = tpu.vector_load %arg11[%get3A_277, %get3A_278] {strides = array<i32>} : memref<80x128xf32, #tpu.memory_space<vmem>>, vector<16xf32>,
          %mul3A_280 = arith.mulf %get3A_279, %gather3A_165 : vector<16xf32>
          %add3A_281 = arith.constant 1 : i32
          %add3A_282 = arith.addi %mul3A_158, %add3A_281 : i32
          %swap3A_283 = arith.index_cast %add3A_282 : i32 to index
          %swap3A_284 = arith.constant 80 : index
          %swap3A_285 = tpu.vector_load %arg11[%swap3A_283, %swap3A_284] {strides = array<i32>} : memref<80x128xf32, #tpu.memory_space<vmem>>, vector<16xf32>,
          tpu.vector_store %arg11[%swap3A_283, %swap3A_284], %mul3A_280 {strides = array<i32>} : memref<80x128xf32, #tpu.memory_space<vmem>>, vector<16xf32>,
          %add3A_286 = arith.constant 1 : i32
          %add3A_287 = arith.addi %mul3A_158, %add3A_286 : i32
          %get3A_288 = arith.index_cast %add3A_287 : i32 to index
          %get3A_289 = arith.constant 96 : index
          %get3A_290 = tpu.vector_load %arg11[%get3A_288, %get3A_289] {strides = array<i32>} : memref<80x128xf32, #tpu.memory_space<vmem>>, vector<16xf32>,
          %mul3A_291 = arith.mulf %get3A_290, %gather3A_165 : vector<16xf32>
          %add3A_292 = arith.constant 1 : i32
          %add3A_293 = arith.addi %mul3A_158, %add3A_292 : i32
          %swap3A_294 = arith.index_cast %add3A_293 : i32 to index
          %swap3A_295 = arith.constant 96 : index
          %swap3A_296 = tpu.vector_load %arg11[%swap3A_294, %swap3A_295] {strides = array<i32>} : memref<80x128xf32, #tpu.memory_space<vmem>>, vector<16xf32>,
          tpu.vector_store %arg11[%swap3A_294, %swap3A_295], %mul3A_291 {strides = array<i32>} : memref<80x128xf32, #tpu.memory_space<vmem>>, vector<16xf32>,
          %add3A_297 = arith.constant 1 : i32
          %add3A_298 = arith.addi %mul3A_158, %add3A_297 : i32
          %get3A_299 = arith.index_cast %add3A_298 : i32 to index
          %get3A_300 = arith.constant 112 : index
          %get3A_301 = tpu.vector_load %arg11[%get3A_299, %get3A_300] {strides = array<i32>} : memref<80x128xf32, #tpu.memory_space<vmem>>, vector<16xf32>,
          %mul3A_302 = arith.mulf %get3A_301, %gather3A_165 : vector<16xf32>
          %add3A_303 = arith.constant 1 : i32
          %add3A_304 = arith.addi %mul3A_158, %add3A_303 : i32
          %swap3A_305 = arith.index_cast %add3A_304 : i32 to index
          %swap3A_306 = arith.constant 112 : index
          %swap3A_307 = tpu.vector_load %arg11[%swap3A_305, %swap3A_306] {strides = array<i32>} : memref<80x128xf32, #tpu.memory_space<vmem>>, vector<16xf32>,
          tpu.vector_store %arg11[%swap3A_305, %swap3A_306], %mul3A_302 {strides = array<i32>} : memref<80x128xf32, #tpu.memory_space<vmem>>, vector<16xf32>,
          %scan3A_308 = arith.constant 0 : i32
          scf.yield %scan3A_308 : i32
        }
        %scan3A_151 = arith.constant 40 : i32
        %add3A_152 = arith.constant 1 : i32
        %add3A_153 = arith.addi %mul3A_109, %add3A_152 : i32
        "tpu.region"() ({
          %run_scoped3A = tpu.sem_alloc : memref<!tpu.dma_semaphore, #tpu.memory_space<semaphore_mem>>
          %dma_start3A_155 = arith.constant 0 : i32
          %dma_start3A_156 = tpu.memref_slice %arg8[%add3A_153, %dma_start3A_155] : memref<16x80xi32, #tpu.memory_space<vmem>> -> memref<1x80xi32, #tpu.memory_space<vmem>>
          %dma_start3A_157 = tpu.memref_squeeze %dma_start3A_156 : memref<1x80xi32, #tpu.memory_space<vmem>> -> memref<80xi32, #tpu.memory_space<vmem>>
          %dma_start3A_158 = arith.constant 0 : i32
          %dma_start3A_159 = arith.constant 0 : i32
          %dma_start3A_160 = tpu.memref_slice %arg12[%dma_start3A_158, %dma_start3A_159] : memref<10240x128xf32, #tpu.memory_space<vmem_shared>> -> memref<10240x128xf32, #tpu.memory_space<vmem_shared>>
          tpu.enqueue_indirect_dma source(%arg11 : memref<80x128xf32, #tpu.memory_space<vmem>>) target(%dma_start3A_160 : memref<10240x128xf32, #tpu.memory_space<vmem_shared>>) offsets(%dma_start3A_157 : memref<80xi32, #tpu.memory_space<vmem>>) semaphore(%run_scoped3A : memref<!tpu.dma_semaphore, #tpu.memory_space<semaphore_mem>>) {add = true}
          %dma_wait3A_161 = arith.constant 0 : i32
          %dma_wait3A_162 = tpu.memref_slice %arg8[%add3A_153, %dma_wait3A_161] : memref<16x80xi32, #tpu.memory_space<vmem>> -> memref<1x80xi32, #tpu.memory_space<vmem>>
          %dma_wait3A_163 = tpu.memref_squeeze %dma_wait3A_162 : memref<1x80xi32, #tpu.memory_space<vmem>> -> memref<80xi32, #tpu.memory_space<vmem>>
          %dma_wait3A_164 = arith.constant 0 : i32
          %dma_wait3A_165 = arith.constant 0 : i32
          %dma_wait3A_166 = tpu.memref_slice %arg12[%dma_wait3A_164, %dma_wait3A_165] : memref<10240x128xf32, #tpu.memory_space<vmem_shared>> -> memref<10240x128xf32, #tpu.memory_space<vmem_shared>>
          tpu.wait_indirect_dma semaphore(%run_scoped3A : memref<!tpu.dma_semaphore, #tpu.memory_space<semaphore_mem>>) src(%arg11 : memref<80x128xf32, #tpu.memory_space<vmem>>) dst(%dma_wait3A_166 : memref<10240x128xf32, #tpu.memory_space<vmem_shared>>)
          tpu.yield
        }) : () -> ()
        %scan3A_154 = arith.constant 0 : i32
        scf.yield %scan3A_154 : i32
      }
      %scan3A_104 = arith.constant 8 : i32
      %while3A_105 = arith.constant 0 : i32
      scf.yield %while3A_105 : i32
    }
    %while3A_57 = arith.constant 1 : i32
    %while3A_58 = scf.for %while3A_64 = %while3A_54 to %while3A_50 step %while3A_57 iter_args(%while3A_65 = %while3A_56) -> (i32)  : i32 {
      %mul3A_66 = arith.constant 16 : i32
      %mul3A_67 = arith.muli %while3A_64, %mul3A_66 : i32
      %add3A_68 = arith.addi %select_n3A, %mul3A_67 : i32
      %dma_start3A = arith.constant 0 : i32
      %dma_start3A_69 = tpu.memref_slice %arg2[%add3A_68, %dma_start3A] : memref<8192x80xi32, #tpu.memory_space<hbm>> -> memref<16x80xi32, #tpu.memory_space<hbm>>
      %dma_start3A_70 = arith.constant 0 : i32
      %dma_start3A_71 = tpu.memref_slice %arg2[%add3A_68, %dma_start3A_70] : memref<8192x80xi32, #tpu.memory_space<hbm>> -> memref<16x80xi32, #tpu.memory_space<hbm>>
      tpu.enqueue_dma source(%dma_start3A_71 : memref<16x80xi32, #tpu.memory_space<hbm>>) target(%arg7 : memref<16x80xi32, #tpu.memory_space<vmem>>) target_semaphore(%arg13 : memref<!tpu.dma_semaphore, #tpu.memory_space<semaphore_mem>>)
      %dma_start3A_72 = arith.constant 0 : i32
      %dma_start3A_73 = tpu.memref_slice %arg3[%add3A_68, %dma_start3A_72] : memref<8192x80xi32, #tpu.memory_space<hbm>> -> memref<16x80xi32, #tpu.memory_space<hbm>>
      %dma_start3A_74 = arith.constant 0 : i32
      %dma_start3A_75 = tpu.memref_slice %arg3[%add3A_68, %dma_start3A_74] : memref<8192x80xi32, #tpu.memory_space<hbm>> -> memref<16x80xi32, #tpu.memory_space<hbm>>
      tpu.enqueue_dma source(%dma_start3A_75 : memref<16x80xi32, #tpu.memory_space<hbm>>) target(%arg8 : memref<16x80xi32, #tpu.memory_space<vmem>>) target_semaphore(%arg13 : memref<!tpu.dma_semaphore, #tpu.memory_space<semaphore_mem>>)
      %dma_start3A_76 = arith.constant 0 : i32
      %dma_start3A_77 = tpu.memref_slice %arg4[%add3A_68, %dma_start3A_76] : memref<8192x80xf32, #tpu.memory_space<hbm>> -> memref<16x80xf32, #tpu.memory_space<hbm>>
      %dma_start3A_78 = arith.constant 0 : i32
      %dma_start3A_79 = tpu.memref_slice %arg4[%add3A_68, %dma_start3A_78] : memref<8192x80xf32, #tpu.memory_space<hbm>> -> memref<16x80xf32, #tpu.memory_space<hbm>>
      tpu.enqueue_dma source(%dma_start3A_79 : memref<16x80xf32, #tpu.memory_space<hbm>>) target(%arg9 : memref<16x80xf32, #tpu.memory_space<vmem>>) target_semaphore(%arg13 : memref<!tpu.dma_semaphore, #tpu.memory_space<semaphore_mem>>)
      %dma_wait3A = arith.constant 0 : i32
      %dma_wait3A_80 = tpu.memref_slice %arg2[%add3A_68, %dma_wait3A] : memref<8192x80xi32, #tpu.memory_space<hbm>> -> memref<16x80xi32, #tpu.memory_space<hbm>>
      %dma_wait3A_81 = arith.constant 0 : i32
      %dma_wait3A_82 = tpu.memref_slice %arg2[%add3A_68, %dma_wait3A_81] : memref<8192x80xi32, #tpu.memory_space<hbm>> -> memref<16x80xi32, #tpu.memory_space<hbm>>
      tpu.wait_dma2 semaphore(%arg13 : memref<!tpu.dma_semaphore, #tpu.memory_space<semaphore_mem>>) src(%dma_wait3A_82 : memref<16x80xi32, #tpu.memory_space<hbm>>) dst(%arg7 : memref<16x80xi32, #tpu.memory_space<vmem>>)
      %dma_wait3A_83 = arith.constant 0 : i32
      %dma_wait3A_84 = tpu.memref_slice %arg3[%add3A_68, %dma_wait3A_83] : memref<8192x80xi32, #tpu.memory_space<hbm>> -> memref<16x80xi32, #tpu.memory_space<hbm>>
      %dma_wait3A_85 = arith.constant 0 : i32
      %dma_wait3A_86 = tpu.memref_slice %arg3[%add3A_68, %dma_wait3A_85] : memref<8192x80xi32, #tpu.memory_space<hbm>> -> memref<16x80xi32, #tpu.memory_space<hbm>>
      tpu.wait_dma2 semaphore(%arg13 : memref<!tpu.dma_semaphore, #tpu.memory_space<semaphore_mem>>) src(%dma_wait3A_86 : memref<16x80xi32, #tpu.memory_space<hbm>>) dst(%arg8 : memref<16x80xi32, #tpu.memory_space<vmem>>)
      %dma_wait3A_87 = arith.constant 0 : i32
      %dma_wait3A_88 = tpu.memref_slice %arg4[%add3A_68, %dma_wait3A_87] : memref<8192x80xf32, #tpu.memory_space<hbm>> -> memref<16x80xf32, #tpu.memory_space<hbm>>
      %dma_wait3A_89 = arith.constant 0 : i32
      %dma_wait3A_90 = tpu.memref_slice %arg4[%add3A_68, %dma_wait3A_89] : memref<8192x80xf32, #tpu.memory_space<hbm>> -> memref<16x80xf32, #tpu.memory_space<hbm>>
      tpu.wait_dma2 semaphore(%arg13 : memref<!tpu.dma_semaphore, #tpu.memory_space<semaphore_mem>>) src(%dma_wait3A_90 : memref<16x80xf32, #tpu.memory_space<hbm>>) dst(%arg9 : memref<16x80xf32, #tpu.memory_space<vmem>>)
      %dma_start3A_91 = arith.constant 0 : i32
      %dma_start3A_92 = arith.constant 0 : i32
      %dma_start3A_93 = tpu.memref_slice %arg7[%dma_start3A_91, %dma_start3A_92] : memref<16x80xi32, #tpu.memory_space<vmem>> -> memref<1x80xi32, #tpu.memory_space<vmem>>
      %dma_start3A_94 = tpu.memref_squeeze %dma_start3A_93 : memref<1x80xi32, #tpu.memory_space<vmem>> -> memref<80xi32, #tpu.memory_space<vmem>>
      %dma_start3A_95 = arith.constant 0 : i32
      %dma_start3A_96 = arith.constant 0 : i32
      %dma_start3A_97 = tpu.memref_slice %arg5[%dma_start3A_95, %dma_start3A_96] : memref<10000x128xf32, #tpu.memory_space<hbm>> -> memref<10000x128xf32, #tpu.memory_space<hbm>>
      tpu.enqueue_indirect_dma source(%dma_start3A_97 : memref<10000x128xf32, #tpu.memory_space<hbm>>) target(%arg10 : memref<80x128xf32, #tpu.memory_space<vmem>>) offsets(%dma_start3A_94 : memref<80xi32, #tpu.memory_space<vmem>>) semaphore(%arg14 : memref<!tpu.dma_semaphore, #tpu.memory_space<semaphore_mem>>)
      %scan3A_98 = arith.constant 0 : i32
      %scan3A_99 = arith.constant 0 : i32
      %scan3A_100 = arith.constant 8 : i32
      %scan3A_101 = arith.addi %scan3A_99, %scan3A_100 : i32
      %scan3A_102 = arith.constant 1 : i32
      %scan3A_103 = scf.for %scan3A_106 = %scan3A_99 to %scan3A_101 step %scan3A_102 iter_args(%scan3A_107 = %scan3A_98) -> (i32)  : i32 {
        %mul3A_108 = arith.constant 2 : i32
        %mul3A_109 = arith.muli %mul3A_108, %scan3A_106 : i32
        %add3A_110 = arith.constant 1 : i32
        %add3A_111 = arith.addi %mul3A_109, %add3A_110 : i32
        %dma_start3A_112 = arith.constant 0 : i32
        %dma_start3A_113 = tpu.memref_slice %arg7[%add3A_111, %dma_start3A_112] : memref<16x80xi32, #tpu.memory_space<vmem>> -> memref<1x80xi32, #tpu.memory_space<vmem>>
        %dma_start3A_114 = tpu.memref_squeeze %dma_start3A_113 : memref<1x80xi32, #tpu.memory_space<vmem>> -> memref<80xi32, #tpu.memory_space<vmem>>
        %dma_start3A_115 = arith.constant 0 : i32
        %dma_start3A_116 = arith.constant 0 : i32
        %dma_start3A_117 = tpu.memref_slice %arg5[%dma_start3A_115, %dma_start3A_116] : memref<10000x128xf32, #tpu.memory_space<hbm>> -> memref<10000x128xf32, #tpu.memory_space<hbm>>
        tpu.enqueue_indirect_dma source(%dma_start3A_117 : memref<10000x128xf32, #tpu.memory_space<hbm>>) target(%arg11 : memref<80x128xf32, #tpu.memory_space<vmem>>) offsets(%dma_start3A_114 : memref<80xi32, #tpu.memory_space<vmem>>) semaphore(%arg14 : memref<!tpu.dma_semaphore, #tpu.memory_space<semaphore_mem>>)
        %dma_wait3A_118 = arith.constant 0 : i32
        %dma_wait3A_119 = tpu.memref_slice %arg7[%mul3A_109, %dma_wait3A_118] : memref<16x80xi32, #tpu.memory_space<vmem>> -> memref<1x80xi32, #tpu.memory_space<vmem>>
        %dma_wait3A_120 = tpu.memref_squeeze %dma_wait3A_119 : memref<1x80xi32, #tpu.memory_space<vmem>> -> memref<80xi32, #tpu.memory_space<vmem>>
        %dma_wait3A_121 = arith.constant 0 : i32
        %dma_wait3A_122 = arith.constant 0 : i32
        %dma_wait3A_123 = tpu.memref_slice %arg5[%dma_wait3A_121, %dma_wait3A_122] : memref<10000x128xf32, #tpu.memory_space<hbm>> -> memref<10000x128xf32, #tpu.memory_space<hbm>>
        tpu.wait_indirect_dma semaphore(%arg14 : memref<!tpu.dma_semaphore, #tpu.memory_space<semaphore_mem>>) src(%dma_wait3A_123 : memref<10000x128xf32, #tpu.memory_space<hbm>>) dst(%arg10 : memref<80x128xf32, #tpu.memory_space<vmem>>)
        %scan3A_124 = arith.constant 0 : i32
        %scan3A_125 = arith.constant 0 : i32
        %scan3A_126 = arith.constant 40 : i32
        %scan3A_127 = arith.addi %scan3A_125, %scan3A_126 : i32
        %scan3A_128 = arith.constant 1 : i32
        %scan3A_129 = scf.for %scan3A_155 = %scan3A_125 to %scan3A_127 step %scan3A_128 iter_args(%scan3A_156 = %scan3A_124) -> (i32)  : i32 {
          %mul3A_157 = arith.constant 2 : i32
          %mul3A_158 = arith.muli %mul3A_157, %scan3A_155 : i32
          %broadcast_in_dim3A_159 = vector.broadcast %mul3A_109 : i32 to vector<16xi32>
          %broadcast_in_dim3A_160 = vector.broadcast %mul3A_158 : i32 to vector<16xi32>
          %gather3A = tpu.vector_load_idx %arg9[%broadcast_in_dim3A_159, %broadcast_in_dim3A_160] : memref<16x80xf32, #tpu.memory_space<vmem>>[vector<16xi32>, vector<16xi32>], vector<16xf32>,
          %broadcast_in_dim3A_161 = vector.broadcast %mul3A_109 : i32 to vector<16xi32>
          %add3A_162 = arith.constant 1 : i32
          %add3A_163 = arith.addi %mul3A_158, %add3A_162 : i32
          %broadcast_in_dim3A_164 = vector.broadcast %add3A_163 : i32 to vector<16xi32>
          %gather3A_165 = tpu.vector_load_idx %arg9[%broadcast_in_dim3A_161, %broadcast_in_dim3A_164] : memref<16x80xf32, #tpu.memory_space<vmem>>[vector<16xi32>, vector<16xi32>], vector<16xf32>,
          %get3A = arith.index_cast %mul3A_158 : i32 to index
          %get3A_166 = arith.constant 0 : index
          %get3A_167 = tpu.vector_load %arg10[%get3A, %get3A_166] {strides = array<i32>} : memref<80x128xf32, #tpu.memory_space<vmem>>, vector<16xf32>,
          %mul3A_168 = arith.mulf %get3A_167, %gather3A : vector<16xf32>
          %swap3A = arith.index_cast %mul3A_158 : i32 to index
          %swap3A_169 = arith.constant 0 : index
          %swap3A_170 = tpu.vector_load %arg10[%swap3A, %swap3A_169] {strides = array<i32>} : memref<80x128xf32, #tpu.memory_space<vmem>>, vector<16xf32>,
          tpu.vector_store %arg10[%swap3A, %swap3A_169], %mul3A_168 {strides = array<i32>} : memref<80x128xf32, #tpu.memory_space<vmem>>, vector<16xf32>,
          %get3A_171 = arith.index_cast %mul3A_158 : i32 to index
          %get3A_172 = arith.constant 16 : index
          %get3A_173 = tpu.vector_load %arg10[%get3A_171, %get3A_172] {strides = array<i32>} : memref<80x128xf32, #tpu.memory_space<vmem>>, vector<16xf32>,
          %mul3A_174 = arith.mulf %get3A_173, %gather3A : vector<16xf32>
          %swap3A_175 = arith.index_cast %mul3A_158 : i32 to index
          %swap3A_176 = arith.constant 16 : index
          %swap3A_177 = tpu.vector_load %arg10[%swap3A_175, %swap3A_176] {strides = array<i32>} : memref<80x128xf32, #tpu.memory_space<vmem>>, vector<16xf32>,
          tpu.vector_store %arg10[%swap3A_175, %swap3A_176], %mul3A_174 {strides = array<i32>} : memref<80x128xf32, #tpu.memory_space<vmem>>, vector<16xf32>,
          %get3A_178 = arith.index_cast %mul3A_158 : i32 to index
          %get3A_179 = arith.constant 32 : index
          %get3A_180 = tpu.vector_load %arg10[%get3A_178, %get3A_179] {strides = array<i32>} : memref<80x128xf32, #tpu.memory_space<vmem>>, vector<16xf32>,
          %mul3A_181 = arith.mulf %get3A_180, %gather3A : vector<16xf32>
          %swap3A_182 = arith.index_cast %mul3A_158 : i32 to index
          %swap3A_183 = arith.constant 32 : index
          %swap3A_184 = tpu.vector_load %arg10[%swap3A_182, %swap3A_183] {strides = array<i32>} : memref<80x128xf32, #tpu.memory_space<vmem>>, vector<16xf32>,
          tpu.vector_store %arg10[%swap3A_182, %swap3A_183], %mul3A_181 {strides = array<i32>} : memref<80x128xf32, #tpu.memory_space<vmem>>, vector<16xf32>,
          %get3A_185 = arith.index_cast %mul3A_158 : i32 to index
          %get3A_186 = arith.constant 48 : index
          %get3A_187 = tpu.vector_load %arg10[%get3A_185, %get3A_186] {strides = array<i32>} : memref<80x128xf32, #tpu.memory_space<vmem>>, vector<16xf32>,
          %mul3A_188 = arith.mulf %get3A_187, %gather3A : vector<16xf32>
          %swap3A_189 = arith.index_cast %mul3A_158 : i32 to index
          %swap3A_190 = arith.constant 48 : index
          %swap3A_191 = tpu.vector_load %arg10[%swap3A_189, %swap3A_190] {strides = array<i32>} : memref<80x128xf32, #tpu.memory_space<vmem>>, vector<16xf32>,
          tpu.vector_store %arg10[%swap3A_189, %swap3A_190], %mul3A_188 {strides = array<i32>} : memref<80x128xf32, #tpu.memory_space<vmem>>, vector<16xf32>,
          %get3A_192 = arith.index_cast %mul3A_158 : i32 to index
          %get3A_193 = arith.constant 64 : index
          %get3A_194 = tpu.vector_load %arg10[%get3A_192, %get3A_193] {strides = array<i32>} : memref<80x128xf32, #tpu.memory_space<vmem>>, vector<16xf32>,
          %mul3A_195 = arith.mulf %get3A_194, %gather3A : vector<16xf32>
          %swap3A_196 = arith.index_cast %mul3A_158 : i32 to index
          %swap3A_197 = arith.constant 64 : index
          %swap3A_198 = tpu.vector_load %arg10[%swap3A_196, %swap3A_197] {strides = array<i32>} : memref<80x128xf32, #tpu.memory_space<vmem>>, vector<16xf32>,
          tpu.vector_store %arg10[%swap3A_196, %swap3A_197], %mul3A_195 {strides = array<i32>} : memref<80x128xf32, #tpu.memory_space<vmem>>, vector<16xf32>,
          %get3A_199 = arith.index_cast %mul3A_158 : i32 to index
          %get3A_200 = arith.constant 80 : index
          %get3A_201 = tpu.vector_load %arg10[%get3A_199, %get3A_200] {strides = array<i32>} : memref<80x128xf32, #tpu.memory_space<vmem>>, vector<16xf32>,
          %mul3A_202 = arith.mulf %get3A_201, %gather3A : vector<16xf32>
          %swap3A_203 = arith.index_cast %mul3A_158 : i32 to index
          %swap3A_204 = arith.constant 80 : index
          %swap3A_205 = tpu.vector_load %arg10[%swap3A_203, %swap3A_204] {strides = array<i32>} : memref<80x128xf32, #tpu.memory_space<vmem>>, vector<16xf32>,
          tpu.vector_store %arg10[%swap3A_203, %swap3A_204], %mul3A_202 {strides = array<i32>} : memref<80x128xf32, #tpu.memory_space<vmem>>, vector<16xf32>,
          %get3A_206 = arith.index_cast %mul3A_158 : i32 to index
          %get3A_207 = arith.constant 96 : index
          %get3A_208 = tpu.vector_load %arg10[%get3A_206, %get3A_207] {strides = array<i32>} : memref<80x128xf32, #tpu.memory_space<vmem>>, vector<16xf32>,
          %mul3A_209 = arith.mulf %get3A_208, %gather3A : vector<16xf32>
          %swap3A_210 = arith.index_cast %mul3A_158 : i32 to index
          %swap3A_211 = arith.constant 96 : index
          %swap3A_212 = tpu.vector_load %arg10[%swap3A_210, %swap3A_211] {strides = array<i32>} : memref<80x128xf32, #tpu.memory_space<vmem>>, vector<16xf32>,
          tpu.vector_store %arg10[%swap3A_210, %swap3A_211], %mul3A_209 {strides = array<i32>} : memref<80x128xf32, #tpu.memory_space<vmem>>, vector<16xf32>,
          %get3A_213 = arith.index_cast %mul3A_158 : i32 to index
          %get3A_214 = arith.constant 112 : index
          %get3A_215 = tpu.vector_load %arg10[%get3A_213, %get3A_214] {strides = array<i32>} : memref<80x128xf32, #tpu.memory_space<vmem>>, vector<16xf32>,
          %mul3A_216 = arith.mulf %get3A_215, %gather3A : vector<16xf32>
          %swap3A_217 = arith.index_cast %mul3A_158 : i32 to index
          %swap3A_218 = arith.constant 112 : index
          %swap3A_219 = tpu.vector_load %arg10[%swap3A_217, %swap3A_218] {strides = array<i32>} : memref<80x128xf32, #tpu.memory_space<vmem>>, vector<16xf32>,
          tpu.vector_store %arg10[%swap3A_217, %swap3A_218], %mul3A_216 {strides = array<i32>} : memref<80x128xf32, #tpu.memory_space<vmem>>, vector<16xf32>,
          %add3A_220 = arith.constant 1 : i32
          %add3A_221 = arith.addi %mul3A_158, %add3A_220 : i32
          %get3A_222 = arith.index_cast %add3A_221 : i32 to index
          %get3A_223 = arith.constant 0 : index
          %get3A_224 = tpu.vector_load %arg10[%get3A_222, %get3A_223] {strides = array<i32>} : memref<80x128xf32, #tpu.memory_space<vmem>>, vector<16xf32>,
          %mul3A_225 = arith.mulf %get3A_224, %gather3A_165 : vector<16xf32>
          %add3A_226 = arith.constant 1 : i32
          %add3A_227 = arith.addi %mul3A_158, %add3A_226 : i32
          %swap3A_228 = arith.index_cast %add3A_227 : i32 to index
          %swap3A_229 = arith.constant 0 : index
          %swap3A_230 = tpu.vector_load %arg10[%swap3A_228, %swap3A_229] {strides = array<i32>} : memref<80x128xf32, #tpu.memory_space<vmem>>, vector<16xf32>,
          tpu.vector_store %arg10[%swap3A_228, %swap3A_229], %mul3A_225 {strides = array<i32>} : memref<80x128xf32, #tpu.memory_space<vmem>>, vector<16xf32>,
          %add3A_231 = arith.constant 1 : i32
          %add3A_232 = arith.addi %mul3A_158, %add3A_231 : i32
          %get3A_233 = arith.index_cast %add3A_232 : i32 to index
          %get3A_234 = arith.constant 16 : index
          %get3A_235 = tpu.vector_load %arg10[%get3A_233, %get3A_234] {strides = array<i32>} : memref<80x128xf32, #tpu.memory_space<vmem>>, vector<16xf32>,
          %mul3A_236 = arith.mulf %get3A_235, %gather3A_165 : vector<16xf32>
          %add3A_237 = arith.constant 1 : i32
          %add3A_238 = arith.addi %mul3A_158, %add3A_237 : i32
          %swap3A_239 = arith.index_cast %add3A_238 : i32 to index
          %swap3A_240 = arith.constant 16 : index
          %swap3A_241 = tpu.vector_load %arg10[%swap3A_239, %swap3A_240] {strides = array<i32>} : memref<80x128xf32, #tpu.memory_space<vmem>>, vector<16xf32>,
          tpu.vector_store %arg10[%swap3A_239, %swap3A_240], %mul3A_236 {strides = array<i32>} : memref<80x128xf32, #tpu.memory_space<vmem>>, vector<16xf32>,
          %add3A_242 = arith.constant 1 : i32
          %add3A_243 = arith.addi %mul3A_158, %add3A_242 : i32
          %get3A_244 = arith.index_cast %add3A_243 : i32 to index
          %get3A_245 = arith.constant 32 : index
          %get3A_246 = tpu.vector_load %arg10[%get3A_244, %get3A_245] {strides = array<i32>} : memref<80x128xf32, #tpu.memory_space<vmem>>, vector<16xf32>,
          %mul3A_247 = arith.mulf %get3A_246, %gather3A_165 : vector<16xf32>
          %add3A_248 = arith.constant 1 : i32
          %add3A_249 = arith.addi %mul3A_158, %add3A_248 : i32
          %swap3A_250 = arith.index_cast %add3A_249 : i32 to index
          %swap3A_251 = arith.constant 32 : index
          %swap3A_252 = tpu.vector_load %arg10[%swap3A_250, %swap3A_251] {strides = array<i32>} : memref<80x128xf32, #tpu.memory_space<vmem>>, vector<16xf32>,
          tpu.vector_store %arg10[%swap3A_250, %swap3A_251], %mul3A_247 {strides = array<i32>} : memref<80x128xf32, #tpu.memory_space<vmem>>, vector<16xf32>,
          %add3A_253 = arith.constant 1 : i32
          %add3A_254 = arith.addi %mul3A_158, %add3A_253 : i32
          %get3A_255 = arith.index_cast %add3A_254 : i32 to index
          %get3A_256 = arith.constant 48 : index
          %get3A_257 = tpu.vector_load %arg10[%get3A_255, %get3A_256] {strides = array<i32>} : memref<80x128xf32, #tpu.memory_space<vmem>>, vector<16xf32>,
          %mul3A_258 = arith.mulf %get3A_257, %gather3A_165 : vector<16xf32>
          %add3A_259 = arith.constant 1 : i32
          %add3A_260 = arith.addi %mul3A_158, %add3A_259 : i32
          %swap3A_261 = arith.index_cast %add3A_260 : i32 to index
          %swap3A_262 = arith.constant 48 : index
          %swap3A_263 = tpu.vector_load %arg10[%swap3A_261, %swap3A_262] {strides = array<i32>} : memref<80x128xf32, #tpu.memory_space<vmem>>, vector<16xf32>,
          tpu.vector_store %arg10[%swap3A_261, %swap3A_262], %mul3A_258 {strides = array<i32>} : memref<80x128xf32, #tpu.memory_space<vmem>>, vector<16xf32>,
          %add3A_264 = arith.constant 1 : i32
          %add3A_265 = arith.addi %mul3A_158, %add3A_264 : i32
          %get3A_266 = arith.index_cast %add3A_265 : i32 to index
          %get3A_267 = arith.constant 64 : index
          %get3A_268 = tpu.vector_load %arg10[%get3A_266, %get3A_267] {strides = array<i32>} : memref<80x128xf32, #tpu.memory_space<vmem>>, vector<16xf32>,
          %mul3A_269 = arith.mulf %get3A_268, %gather3A_165 : vector<16xf32>
          %add3A_270 = arith.constant 1 : i32
          %add3A_271 = arith.addi %mul3A_158, %add3A_270 : i32
          %swap3A_272 = arith.index_cast %add3A_271 : i32 to index
          %swap3A_273 = arith.constant 64 : index
          %swap3A_274 = tpu.vector_load %arg10[%swap3A_272, %swap3A_273] {strides = array<i32>} : memref<80x128xf32, #tpu.memory_space<vmem>>, vector<16xf32>,
          tpu.vector_store %arg10[%swap3A_272, %swap3A_273], %mul3A_269 {strides = array<i32>} : memref<80x128xf32, #tpu.memory_space<vmem>>, vector<16xf32>,
          %add3A_275 = arith.constant 1 : i32
          %add3A_276 = arith.addi %mul3A_158, %add3A_275 : i32
          %get3A_277 = arith.index_cast %add3A_276 : i32 to index
          %get3A_278 = arith.constant 80 : index
          %get3A_279 = tpu.vector_load %arg10[%get3A_277, %get3A_278] {strides = array<i32>} : memref<80x128xf32, #tpu.memory_space<vmem>>, vector<16xf32>,
          %mul3A_280 = arith.mulf %get3A_279, %gather3A_165 : vector<16xf32>
          %add3A_281 = arith.constant 1 : i32
          %add3A_282 = arith.addi %mul3A_158, %add3A_281 : i32
          %swap3A_283 = arith.index_cast %add3A_282 : i32 to index
          %swap3A_284 = arith.constant 80 : index
          %swap3A_285 = tpu.vector_load %arg10[%swap3A_283, %swap3A_284] {strides = array<i32>} : memref<80x128xf32, #tpu.memory_space<vmem>>, vector<16xf32>,
          tpu.vector_store %arg10[%swap3A_283, %swap3A_284], %mul3A_280 {strides = array<i32>} : memref<80x128xf32, #tpu.memory_space<vmem>>, vector<16xf32>,
          %add3A_286 = arith.constant 1 : i32
          %add3A_287 = arith.addi %mul3A_158, %add3A_286 : i32
          %get3A_288 = arith.index_cast %add3A_287 : i32 to index
          %get3A_289 = arith.constant 96 : index
          %get3A_290 = tpu.vector_load %arg10[%get3A_288, %get3A_289] {strides = array<i32>} : memref<80x128xf32, #tpu.memory_space<vmem>>, vector<16xf32>,
          %mul3A_291 = arith.mulf %get3A_290, %gather3A_165 : vector<16xf32>
          %add3A_292 = arith.constant 1 : i32
          %add3A_293 = arith.addi %mul3A_158, %add3A_292 : i32
          %swap3A_294 = arith.index_cast %add3A_293 : i32 to index
          %swap3A_295 = arith.constant 96 : index
          %swap3A_296 = tpu.vector_load %arg10[%swap3A_294, %swap3A_295] {strides = array<i32>} : memref<80x128xf32, #tpu.memory_space<vmem>>, vector<16xf32>,
          tpu.vector_store %arg10[%swap3A_294, %swap3A_295], %mul3A_291 {strides = array<i32>} : memref<80x128xf32, #tpu.memory_space<vmem>>, vector<16xf32>,
          %add3A_297 = arith.constant 1 : i32
          %add3A_298 = arith.addi %mul3A_158, %add3A_297 : i32
          %get3A_299 = arith.index_cast %add3A_298 : i32 to index
          %get3A_300 = arith.constant 112 : index
          %get3A_301 = tpu.vector_load %arg10[%get3A_299, %get3A_300] {strides = array<i32>} : memref<80x128xf32, #tpu.memory_space<vmem>>, vector<16xf32>,
          %mul3A_302 = arith.mulf %get3A_301, %gather3A_165 : vector<16xf32>
          %add3A_303 = arith.constant 1 : i32
          %add3A_304 = arith.addi %mul3A_158, %add3A_303 : i32
          %swap3A_305 = arith.index_cast %add3A_304 : i32 to index
          %swap3A_306 = arith.constant 112 : index
          %swap3A_307 = tpu.vector_load %arg10[%swap3A_305, %swap3A_306] {strides = array<i32>} : memref<80x128xf32, #tpu.memory_space<vmem>>, vector<16xf32>,
          tpu.vector_store %arg10[%swap3A_305, %swap3A_306], %mul3A_302 {strides = array<i32>} : memref<80x128xf32, #tpu.memory_space<vmem>>, vector<16xf32>,
          %scan3A_308 = arith.constant 0 : i32
          scf.yield %scan3A_308 : i32
        }
        %scan3A_130 = arith.constant 40 : i32
        "tpu.region"() ({
          %run_scoped3A = tpu.sem_alloc : memref<!tpu.dma_semaphore, #tpu.memory_space<semaphore_mem>>
          %dma_start3A_155 = arith.constant 0 : i32
          %dma_start3A_156 = tpu.memref_slice %arg8[%mul3A_109, %dma_start3A_155] : memref<16x80xi32, #tpu.memory_space<vmem>> -> memref<1x80xi32, #tpu.memory_space<vmem>>
          %dma_start3A_157 = tpu.memref_squeeze %dma_start3A_156 : memref<1x80xi32, #tpu.memory_space<vmem>> -> memref<80xi32, #tpu.memory_space<vmem>>
          %dma_start3A_158 = arith.constant 0 : i32
          %dma_start3A_159 = arith.constant 0 : i32
          %dma_start3A_160 = tpu.memref_slice %arg12[%dma_start3A_158, %dma_start3A_159] : memref<10240x128xf32, #tpu.memory_space<vmem_shared>> -> memref<10240x128xf32, #tpu.memory_space<vmem_shared>>
          tpu.enqueue_indirect_dma source(%arg10 : memref<80x128xf32, #tpu.memory_space<vmem>>) target(%dma_start3A_160 : memref<10240x128xf32, #tpu.memory_space<vmem_shared>>) offsets(%dma_start3A_157 : memref<80xi32, #tpu.memory_space<vmem>>) semaphore(%run_scoped3A : memref<!tpu.dma_semaphore, #tpu.memory_space<semaphore_mem>>) {add = true}
          %dma_wait3A_161 = arith.constant 0 : i32
          %dma_wait3A_162 = tpu.memref_slice %arg8[%mul3A_109, %dma_wait3A_161] : memref<16x80xi32, #tpu.memory_space<vmem>> -> memref<1x80xi32, #tpu.memory_space<vmem>>
          %dma_wait3A_163 = tpu.memref_squeeze %dma_wait3A_162 : memref<1x80xi32, #tpu.memory_space<vmem>> -> memref<80xi32, #tpu.memory_space<vmem>>
          %dma_wait3A_164 = arith.constant 0 : i32
          %dma_wait3A_165 = arith.constant 0 : i32
          %dma_wait3A_166 = tpu.memref_slice %arg12[%dma_wait3A_164, %dma_wait3A_165] : memref<10240x128xf32, #tpu.memory_space<vmem_shared>> -> memref<10240x128xf32, #tpu.memory_space<vmem_shared>>
          tpu.wait_indirect_dma semaphore(%run_scoped3A : memref<!tpu.dma_semaphore, #tpu.memory_space<semaphore_mem>>) src(%arg10 : memref<80x128xf32, #tpu.memory_space<vmem>>) dst(%dma_wait3A_166 : memref<10240x128xf32, #tpu.memory_space<vmem_shared>>)
          tpu.yield
        }) : () -> ()
        %add3A_131 = arith.constant 2 : i32
        %add3A_132 = arith.addi %mul3A_109, %add3A_131 : i32
        %lt3A = arith.constant 16 : i32
        %lt3A_133 = arith.cmpi slt, %add3A_132, %lt3A : i32
        %convert_element_type3A = arith.extui %lt3A_133 : i1 to i32
        %cond3A = arith.constant 0 : i32
        %cond3A_134 = arith.cmpi ne, %convert_element_type3A, %cond3A : i32
        scf.if %cond3A_134 {
          %add3A_155 = arith.constant 2 : i32
          %add3A_156 = arith.addi %mul3A_109, %add3A_155 : i32
          %dma_start3A_157 = arith.constant 0 : i32
          %dma_start3A_158 = tpu.memref_slice %arg7[%add3A_156, %dma_start3A_157] : memref<16x80xi32, #tpu.memory_space<vmem>> -> memref<1x80xi32, #tpu.memory_space<vmem>>
          %dma_start3A_159 = tpu.memref_squeeze %dma_start3A_158 : memref<1x80xi32, #tpu.memory_space<vmem>> -> memref<80xi32, #tpu.memory_space<vmem>>
          %dma_start3A_160 = arith.constant 0 : i32
          %dma_start3A_161 = arith.constant 0 : i32
          %dma_start3A_162 = tpu.memref_slice %arg5[%dma_start3A_160, %dma_start3A_161] : memref<10000x128xf32, #tpu.memory_space<hbm>> -> memref<10000x128xf32, #tpu.memory_space<hbm>>
          tpu.enqueue_indirect_dma source(%dma_start3A_162 : memref<10000x128xf32, #tpu.memory_space<hbm>>) target(%arg10 : memref<80x128xf32, #tpu.memory_space<vmem>>) offsets(%dma_start3A_159 : memref<80xi32, #tpu.memory_space<vmem>>) semaphore(%arg14 : memref<!tpu.dma_semaphore, #tpu.memory_space<semaphore_mem>>)
        } else {
        }
        %add3A_135 = arith.constant 1 : i32
        %add3A_136 = arith.addi %mul3A_109, %add3A_135 : i32
        %dma_wait3A_137 = arith.constant 0 : i32
        %dma_wait3A_138 = tpu.memref_slice %arg7[%add3A_136, %dma_wait3A_137] : memref<16x80xi32, #tpu.memory_space<vmem>> -> memref<1x80xi32, #tpu.memory_space<vmem>>
        %dma_wait3A_139 = tpu.memref_squeeze %dma_wait3A_138 : memref<1x80xi32, #tpu.memory_space<vmem>> -> memref<80xi32, #tpu.memory_space<vmem>>
        %dma_wait3A_140 = arith.constant 0 : i32
        %dma_wait3A_141 = arith.constant 0 : i32
        %dma_wait3A_142 = tpu.memref_slice %arg5[%dma_wait3A_140, %dma_wait3A_141] : memref<10000x128xf32, #tpu.memory_space<hbm>> -> memref<10000x128xf32, #tpu.memory_space<hbm>>
        tpu.wait_indirect_dma semaphore(%arg14 : memref<!tpu.dma_semaphore, #tpu.memory_space<semaphore_mem>>) src(%dma_wait3A_142 : memref<10000x128xf32, #tpu.memory_space<hbm>>) dst(%arg11 : memref<80x128xf32, #tpu.memory_space<vmem>>)
        %add3A_143 = arith.constant 1 : i32
        %add3A_144 = arith.addi %mul3A_109, %add3A_143 : i32
        %scan3A_145 = arith.constant 0 : i32
        %scan3A_146 = arith.constant 0 : i32
        %scan3A_147 = arith.constant 40 : i32
        %scan3A_148 = arith.addi %scan3A_146, %scan3A_147 : i32
        %scan3A_149 = arith.constant 1 : i32
        %scan3A_150 = scf.for %scan3A_155 = %scan3A_146 to %scan3A_148 step %scan3A_149 iter_args(%scan3A_156 = %scan3A_145) -> (i32)  : i32 {
          %mul3A_157 = arith.constant 2 : i32
          %mul3A_158 = arith.muli %mul3A_157, %scan3A_155 : i32
          %broadcast_in_dim3A_159 = vector.broadcast %add3A_144 : i32 to vector<16xi32>
          %broadcast_in_dim3A_160 = vector.broadcast %mul3A_158 : i32 to vector<16xi32>
          %gather3A = tpu.vector_load_idx %arg9[%broadcast_in_dim3A_159, %broadcast_in_dim3A_160] : memref<16x80xf32, #tpu.memory_space<vmem>>[vector<16xi32>, vector<16xi32>], vector<16xf32>,
          %broadcast_in_dim3A_161 = vector.broadcast %add3A_144 : i32 to vector<16xi32>
          %add3A_162 = arith.constant 1 : i32
          %add3A_163 = arith.addi %mul3A_158, %add3A_162 : i32
          %broadcast_in_dim3A_164 = vector.broadcast %add3A_163 : i32 to vector<16xi32>
          %gather3A_165 = tpu.vector_load_idx %arg9[%broadcast_in_dim3A_161, %broadcast_in_dim3A_164] : memref<16x80xf32, #tpu.memory_space<vmem>>[vector<16xi32>, vector<16xi32>], vector<16xf32>,
          %get3A = arith.index_cast %mul3A_158 : i32 to index
          %get3A_166 = arith.constant 0 : index
          %get3A_167 = tpu.vector_load %arg11[%get3A, %get3A_166] {strides = array<i32>} : memref<80x128xf32, #tpu.memory_space<vmem>>, vector<16xf32>,
          %mul3A_168 = arith.mulf %get3A_167, %gather3A : vector<16xf32>
          %swap3A = arith.index_cast %mul3A_158 : i32 to index
          %swap3A_169 = arith.constant 0 : index
          %swap3A_170 = tpu.vector_load %arg11[%swap3A, %swap3A_169] {strides = array<i32>} : memref<80x128xf32, #tpu.memory_space<vmem>>, vector<16xf32>,
          tpu.vector_store %arg11[%swap3A, %swap3A_169], %mul3A_168 {strides = array<i32>} : memref<80x128xf32, #tpu.memory_space<vmem>>, vector<16xf32>,
          %get3A_171 = arith.index_cast %mul3A_158 : i32 to index
          %get3A_172 = arith.constant 16 : index
          %get3A_173 = tpu.vector_load %arg11[%get3A_171, %get3A_172] {strides = array<i32>} : memref<80x128xf32, #tpu.memory_space<vmem>>, vector<16xf32>,
          %mul3A_174 = arith.mulf %get3A_173, %gather3A : vector<16xf32>
          %swap3A_175 = arith.index_cast %mul3A_158 : i32 to index
          %swap3A_176 = arith.constant 16 : index
          %swap3A_177 = tpu.vector_load %arg11[%swap3A_175, %swap3A_176] {strides = array<i32>} : memref<80x128xf32, #tpu.memory_space<vmem>>, vector<16xf32>,
          tpu.vector_store %arg11[%swap3A_175, %swap3A_176], %mul3A_174 {strides = array<i32>} : memref<80x128xf32, #tpu.memory_space<vmem>>, vector<16xf32>,
          %get3A_178 = arith.index_cast %mul3A_158 : i32 to index
          %get3A_179 = arith.constant 32 : index
          %get3A_180 = tpu.vector_load %arg11[%get3A_178, %get3A_179] {strides = array<i32>} : memref<80x128xf32, #tpu.memory_space<vmem>>, vector<16xf32>,
          %mul3A_181 = arith.mulf %get3A_180, %gather3A : vector<16xf32>
          %swap3A_182 = arith.index_cast %mul3A_158 : i32 to index
          %swap3A_183 = arith.constant 32 : index
          %swap3A_184 = tpu.vector_load %arg11[%swap3A_182, %swap3A_183] {strides = array<i32>} : memref<80x128xf32, #tpu.memory_space<vmem>>, vector<16xf32>,
          tpu.vector_store %arg11[%swap3A_182, %swap3A_183], %mul3A_181 {strides = array<i32>} : memref<80x128xf32, #tpu.memory_space<vmem>>, vector<16xf32>,
          %get3A_185 = arith.index_cast %mul3A_158 : i32 to index
          %get3A_186 = arith.constant 48 : index
          %get3A_187 = tpu.vector_load %arg11[%get3A_185, %get3A_186] {strides = array<i32>} : memref<80x128xf32, #tpu.memory_space<vmem>>, vector<16xf32>,
          %mul3A_188 = arith.mulf %get3A_187, %gather3A : vector<16xf32>
          %swap3A_189 = arith.index_cast %mul3A_158 : i32 to index
          %swap3A_190 = arith.constant 48 : index
          %swap3A_191 = tpu.vector_load %arg11[%swap3A_189, %swap3A_190] {strides = array<i32>} : memref<80x128xf32, #tpu.memory_space<vmem>>, vector<16xf32>,
          tpu.vector_store %arg11[%swap3A_189, %swap3A_190], %mul3A_188 {strides = array<i32>} : memref<80x128xf32, #tpu.memory_space<vmem>>, vector<16xf32>,
          %get3A_192 = arith.index_cast %mul3A_158 : i32 to index
          %get3A_193 = arith.constant 64 : index
          %get3A_194 = tpu.vector_load %arg11[%get3A_192, %get3A_193] {strides = array<i32>} : memref<80x128xf32, #tpu.memory_space<vmem>>, vector<16xf32>,
          %mul3A_195 = arith.mulf %get3A_194, %gather3A : vector<16xf32>
          %swap3A_196 = arith.index_cast %mul3A_158 : i32 to index
          %swap3A_197 = arith.constant 64 : index
          %swap3A_198 = tpu.vector_load %arg11[%swap3A_196, %swap3A_197] {strides = array<i32>} : memref<80x128xf32, #tpu.memory_space<vmem>>, vector<16xf32>,
          tpu.vector_store %arg11[%swap3A_196, %swap3A_197], %mul3A_195 {strides = array<i32>} : memref<80x128xf32, #tpu.memory_space<vmem>>, vector<16xf32>,
          %get3A_199 = arith.index_cast %mul3A_158 : i32 to index
          %get3A_200 = arith.constant 80 : index
          %get3A_201 = tpu.vector_load %arg11[%get3A_199, %get3A_200] {strides = array<i32>} : memref<80x128xf32, #tpu.memory_space<vmem>>, vector<16xf32>,
          %mul3A_202 = arith.mulf %get3A_201, %gather3A : vector<16xf32>
          %swap3A_203 = arith.index_cast %mul3A_158 : i32 to index
          %swap3A_204 = arith.constant 80 : index
          %swap3A_205 = tpu.vector_load %arg11[%swap3A_203, %swap3A_204] {strides = array<i32>} : memref<80x128xf32, #tpu.memory_space<vmem>>, vector<16xf32>,
          tpu.vector_store %arg11[%swap3A_203, %swap3A_204], %mul3A_202 {strides = array<i32>} : memref<80x128xf32, #tpu.memory_space<vmem>>, vector<16xf32>,
          %get3A_206 = arith.index_cast %mul3A_158 : i32 to index
          %get3A_207 = arith.constant 96 : index
          %get3A_208 = tpu.vector_load %arg11[%get3A_206, %get3A_207] {strides = array<i32>} : memref<80x128xf32, #tpu.memory_space<vmem>>, vector<16xf32>,
          %mul3A_209 = arith.mulf %get3A_208, %gather3A : vector<16xf32>
          %swap3A_210 = arith.index_cast %mul3A_158 : i32 to index
          %swap3A_211 = arith.constant 96 : index
          %swap3A_212 = tpu.vector_load %arg11[%swap3A_210, %swap3A_211] {strides = array<i32>} : memref<80x128xf32, #tpu.memory_space<vmem>>, vector<16xf32>,
          tpu.vector_store %arg11[%swap3A_210, %swap3A_211], %mul3A_209 {strides = array<i32>} : memref<80x128xf32, #tpu.memory_space<vmem>>, vector<16xf32>,
          %get3A_213 = arith.index_cast %mul3A_158 : i32 to index
          %get3A_214 = arith.constant 112 : index
          %get3A_215 = tpu.vector_load %arg11[%get3A_213, %get3A_214] {strides = array<i32>} : memref<80x128xf32, #tpu.memory_space<vmem>>, vector<16xf32>,
          %mul3A_216 = arith.mulf %get3A_215, %gather3A : vector<16xf32>
          %swap3A_217 = arith.index_cast %mul3A_158 : i32 to index
          %swap3A_218 = arith.constant 112 : index
          %swap3A_219 = tpu.vector_load %arg11[%swap3A_217, %swap3A_218] {strides = array<i32>} : memref<80x128xf32, #tpu.memory_space<vmem>>, vector<16xf32>,
          tpu.vector_store %arg11[%swap3A_217, %swap3A_218], %mul3A_216 {strides = array<i32>} : memref<80x128xf32, #tpu.memory_space<vmem>>, vector<16xf32>,
          %add3A_220 = arith.constant 1 : i32
          %add3A_221 = arith.addi %mul3A_158, %add3A_220 : i32
          %get3A_222 = arith.index_cast %add3A_221 : i32 to index
          %get3A_223 = arith.constant 0 : index
          %get3A_224 = tpu.vector_load %arg11[%get3A_222, %get3A_223] {strides = array<i32>} : memref<80x128xf32, #tpu.memory_space<vmem>>, vector<16xf32>,
          %mul3A_225 = arith.mulf %get3A_224, %gather3A_165 : vector<16xf32>
          %add3A_226 = arith.constant 1 : i32
          %add3A_227 = arith.addi %mul3A_158, %add3A_226 : i32
          %swap3A_228 = arith.index_cast %add3A_227 : i32 to index
          %swap3A_229 = arith.constant 0 : index
          %swap3A_230 = tpu.vector_load %arg11[%swap3A_228, %swap3A_229] {strides = array<i32>} : memref<80x128xf32, #tpu.memory_space<vmem>>, vector<16xf32>,
          tpu.vector_store %arg11[%swap3A_228, %swap3A_229], %mul3A_225 {strides = array<i32>} : memref<80x128xf32, #tpu.memory_space<vmem>>, vector<16xf32>,
          %add3A_231 = arith.constant 1 : i32
          %add3A_232 = arith.addi %mul3A_158, %add3A_231 : i32
          %get3A_233 = arith.index_cast %add3A_232 : i32 to index
          %get3A_234 = arith.constant 16 : index
          %get3A_235 = tpu.vector_load %arg11[%get3A_233, %get3A_234] {strides = array<i32>} : memref<80x128xf32, #tpu.memory_space<vmem>>, vector<16xf32>,
          %mul3A_236 = arith.mulf %get3A_235, %gather3A_165 : vector<16xf32>
          %add3A_237 = arith.constant 1 : i32
          %add3A_238 = arith.addi %mul3A_158, %add3A_237 : i32
          %swap3A_239 = arith.index_cast %add3A_238 : i32 to index
          %swap3A_240 = arith.constant 16 : index
          %swap3A_241 = tpu.vector_load %arg11[%swap3A_239, %swap3A_240] {strides = array<i32>} : memref<80x128xf32, #tpu.memory_space<vmem>>, vector<16xf32>,
          tpu.vector_store %arg11[%swap3A_239, %swap3A_240], %mul3A_236 {strides = array<i32>} : memref<80x128xf32, #tpu.memory_space<vmem>>, vector<16xf32>,
          %add3A_242 = arith.constant 1 : i32
          %add3A_243 = arith.addi %mul3A_158, %add3A_242 : i32
          %get3A_244 = arith.index_cast %add3A_243 : i32 to index
          %get3A_245 = arith.constant 32 : index
          %get3A_246 = tpu.vector_load %arg11[%get3A_244, %get3A_245] {strides = array<i32>} : memref<80x128xf32, #tpu.memory_space<vmem>>, vector<16xf32>,
          %mul3A_247 = arith.mulf %get3A_246, %gather3A_165 : vector<16xf32>
          %add3A_248 = arith.constant 1 : i32
          %add3A_249 = arith.addi %mul3A_158, %add3A_248 : i32
          %swap3A_250 = arith.index_cast %add3A_249 : i32 to index
          %swap3A_251 = arith.constant 32 : index
          %swap3A_252 = tpu.vector_load %arg11[%swap3A_250, %swap3A_251] {strides = array<i32>} : memref<80x128xf32, #tpu.memory_space<vmem>>, vector<16xf32>,
          tpu.vector_store %arg11[%swap3A_250, %swap3A_251], %mul3A_247 {strides = array<i32>} : memref<80x128xf32, #tpu.memory_space<vmem>>, vector<16xf32>,
          %add3A_253 = arith.constant 1 : i32
          %add3A_254 = arith.addi %mul3A_158, %add3A_253 : i32
          %get3A_255 = arith.index_cast %add3A_254 : i32 to index
          %get3A_256 = arith.constant 48 : index
          %get3A_257 = tpu.vector_load %arg11[%get3A_255, %get3A_256] {strides = array<i32>} : memref<80x128xf32, #tpu.memory_space<vmem>>, vector<16xf32>,
          %mul3A_258 = arith.mulf %get3A_257, %gather3A_165 : vector<16xf32>
          %add3A_259 = arith.constant 1 : i32
          %add3A_260 = arith.addi %mul3A_158, %add3A_259 : i32
          %swap3A_261 = arith.index_cast %add3A_260 : i32 to index
          %swap3A_262 = arith.constant 48 : index
          %swap3A_263 = tpu.vector_load %arg11[%swap3A_261, %swap3A_262] {strides = array<i32>} : memref<80x128xf32, #tpu.memory_space<vmem>>, vector<16xf32>,
          tpu.vector_store %arg11[%swap3A_261, %swap3A_262], %mul3A_258 {strides = array<i32>} : memref<80x128xf32, #tpu.memory_space<vmem>>, vector<16xf32>,
          %add3A_264 = arith.constant 1 : i32
          %add3A_265 = arith.addi %mul3A_158, %add3A_264 : i32
          %get3A_266 = arith.index_cast %add3A_265 : i32 to index
          %get3A_267 = arith.constant 64 : index
          %get3A_268 = tpu.vector_load %arg11[%get3A_266, %get3A_267] {strides = array<i32>} : memref<80x128xf32, #tpu.memory_space<vmem>>, vector<16xf32>,
          %mul3A_269 = arith.mulf %get3A_268, %gather3A_165 : vector<16xf32>
          %add3A_270 = arith.constant 1 : i32
          %add3A_271 = arith.addi %mul3A_158, %add3A_270 : i32
          %swap3A_272 = arith.index_cast %add3A_271 : i32 to index
          %swap3A_273 = arith.constant 64 : index
          %swap3A_274 = tpu.vector_load %arg11[%swap3A_272, %swap3A_273] {strides = array<i32>} : memref<80x128xf32, #tpu.memory_space<vmem>>, vector<16xf32>,
          tpu.vector_store %arg11[%swap3A_272, %swap3A_273], %mul3A_269 {strides = array<i32>} : memref<80x128xf32, #tpu.memory_space<vmem>>, vector<16xf32>,
          %add3A_275 = arith.constant 1 : i32
          %add3A_276 = arith.addi %mul3A_158, %add3A_275 : i32
          %get3A_277 = arith.index_cast %add3A_276 : i32 to index
          %get3A_278 = arith.constant 80 : index
          %get3A_279 = tpu.vector_load %arg11[%get3A_277, %get3A_278] {strides = array<i32>} : memref<80x128xf32, #tpu.memory_space<vmem>>, vector<16xf32>,
          %mul3A_280 = arith.mulf %get3A_279, %gather3A_165 : vector<16xf32>
          %add3A_281 = arith.constant 1 : i32
          %add3A_282 = arith.addi %mul3A_158, %add3A_281 : i32
          %swap3A_283 = arith.index_cast %add3A_282 : i32 to index
          %swap3A_284 = arith.constant 80 : index
          %swap3A_285 = tpu.vector_load %arg11[%swap3A_283, %swap3A_284] {strides = array<i32>} : memref<80x128xf32, #tpu.memory_space<vmem>>, vector<16xf32>,
          tpu.vector_store %arg11[%swap3A_283, %swap3A_284], %mul3A_280 {strides = array<i32>} : memref<80x128xf32, #tpu.memory_space<vmem>>, vector<16xf32>,
          %add3A_286 = arith.constant 1 : i32
          %add3A_287 = arith.addi %mul3A_158, %add3A_286 : i32
          %get3A_288 = arith.index_cast %add3A_287 : i32 to index
          %get3A_289 = arith.constant 96 : index
          %get3A_290 = tpu.vector_load %arg11[%get3A_288, %get3A_289] {strides = array<i32>} : memref<80x128xf32, #tpu.memory_space<vmem>>, vector<16xf32>,
          %mul3A_291 = arith.mulf %get3A_290, %gather3A_165 : vector<16xf32>
          %add3A_292 = arith.constant 1 : i32
          %add3A_293 = arith.addi %mul3A_158, %add3A_292 : i32
          %swap3A_294 = arith.index_cast %add3A_293 : i32 to index
          %swap3A_295 = arith.constant 96 : index
          %swap3A_296 = tpu.vector_load %arg11[%swap3A_294, %swap3A_295] {strides = array<i32>} : memref<80x128xf32, #tpu.memory_space<vmem>>, vector<16xf32>,
          tpu.vector_store %arg11[%swap3A_294, %swap3A_295], %mul3A_291 {strides = array<i32>} : memref<80x128xf32, #tpu.memory_space<vmem>>, vector<16xf32>,
          %add3A_297 = arith.constant 1 : i32
          %add3A_298 = arith.addi %mul3A_158, %add3A_297 : i32
          %get3A_299 = arith.index_cast %add3A_298 : i32 to index
          %get3A_300 = arith.constant 112 : index
          %get3A_301 = tpu.vector_load %arg11[%get3A_299, %get3A_300] {strides = array<i32>} : memref<80x128xf32, #tpu.memory_space<vmem>>, vector<16xf32>,
          %mul3A_302 = arith.mulf %get3A_301, %gather3A_165 : vector<16xf32>
          %add3A_303 = arith.constant 1 : i32
          %add3A_304 = arith.addi %mul3A_158, %add3A_303 : i32
          %swap3A_305 = arith.index_cast %add3A_304 : i32 to index
          %swap3A_306 = arith.constant 112 : index
          %swap3A_307 = tpu.vector_load %arg11[%swap3A_305, %swap3A_306] {strides = array<i32>} : memref<80x128xf32, #tpu.memory_space<vmem>>, vector<16xf32>,
          tpu.vector_store %arg11[%swap3A_305, %swap3A_306], %mul3A_302 {strides = array<i32>} : memref<80x128xf32, #tpu.memory_space<vmem>>, vector<16xf32>,
          %scan3A_308 = arith.constant 0 : i32
          scf.yield %scan3A_308 : i32
        }
        %scan3A_151 = arith.constant 40 : i32
        %add3A_152 = arith.constant 1 : i32
        %add3A_153 = arith.addi %mul3A_109, %add3A_152 : i32
        "tpu.region"() ({
          %run_scoped3A = tpu.sem_alloc : memref<!tpu.dma_semaphore, #tpu.memory_space<semaphore_mem>>
          %dma_start3A_155 = arith.constant 0 : i32
          %dma_start3A_156 = tpu.memref_slice %arg8[%add3A_153, %dma_start3A_155] : memref<16x80xi32, #tpu.memory_space<vmem>> -> memref<1x80xi32, #tpu.memory_space<vmem>>
          %dma_start3A_157 = tpu.memref_squeeze %dma_start3A_156 : memref<1x80xi32, #tpu.memory_space<vmem>> -> memref<80xi32, #tpu.memory_space<vmem>>
          %dma_start3A_158 = arith.constant 0 : i32
          %dma_start3A_159 = arith.constant 0 : i32
          %dma_start3A_160 = tpu.memref_slice %arg12[%dma_start3A_158, %dma_start3A_159] : memref<10240x128xf32, #tpu.memory_space<vmem_shared>> -> memref<10240x128xf32, #tpu.memory_space<vmem_shared>>
          tpu.enqueue_indirect_dma source(%arg11 : memref<80x128xf32, #tpu.memory_space<vmem>>) target(%dma_start3A_160 : memref<10240x128xf32, #tpu.memory_space<vmem_shared>>) offsets(%dma_start3A_157 : memref<80xi32, #tpu.memory_space<vmem>>) semaphore(%run_scoped3A : memref<!tpu.dma_semaphore, #tpu.memory_space<semaphore_mem>>) {add = true}
          %dma_wait3A_161 = arith.constant 0 : i32
          %dma_wait3A_162 = tpu.memref_slice %arg8[%add3A_153, %dma_wait3A_161] : memref<16x80xi32, #tpu.memory_space<vmem>> -> memref<1x80xi32, #tpu.memory_space<vmem>>
          %dma_wait3A_163 = tpu.memref_squeeze %dma_wait3A_162 : memref<1x80xi32, #tpu.memory_space<vmem>> -> memref<80xi32, #tpu.memory_space<vmem>>
          %dma_wait3A_164 = arith.constant 0 : i32
          %dma_wait3A_165 = arith.constant 0 : i32
          %dma_wait3A_166 = tpu.memref_slice %arg12[%dma_wait3A_164, %dma_wait3A_165] : memref<10240x128xf32, #tpu.memory_space<vmem_shared>> -> memref<10240x128xf32, #tpu.memory_space<vmem_shared>>
          tpu.wait_indirect_dma semaphore(%run_scoped3A : memref<!tpu.dma_semaphore, #tpu.memory_space<semaphore_mem>>) src(%arg11 : memref<80x128xf32, #tpu.memory_space<vmem>>) dst(%dma_wait3A_166 : memref<10240x128xf32, #tpu.memory_space<vmem_shared>>)
          tpu.yield
        }) : () -> ()
        %scan3A_154 = arith.constant 0 : i32
        scf.yield %scan3A_154 : i32
      }
      %scan3A_104 = arith.constant 8 : i32
      %while3A_105 = arith.constant 0 : i32
      scf.yield %while3A_105 : i32
    }
    %barrier3A_59 = arith.constant 0 : index
    tpu.barrier barrier_id(%barrier3A_59)
    %mul3A_60 = arith.constant 640 : i32
    %mul3A_61 = arith.muli %arg1, %mul3A_60 : i32
    %mul3A_62 = arith.constant 640 : i32
    %mul3A_63 = arith.muli %arg1, %mul3A_62 : i32
    "tpu.region"() ({
      %run_scoped3A = tpu.sem_alloc : memref<!tpu.dma_semaphore, #tpu.memory_space<semaphore_mem>>
      %dma_start3A = arith.constant 0 : i32
      %dma_start3A_64 = tpu.memref_slice %arg6[%arg0, %mul3A_63, %dma_start3A] : memref<2x10240x128xf32, #tpu.memory_space<hbm>> -> memref<1x640x128xf32, #tpu.memory_space<hbm>>
      %dma_start3A_65 = tpu.memref_squeeze %dma_start3A_64 : memref<1x640x128xf32, #tpu.memory_space<hbm>> -> memref<640x128xf32, #tpu.memory_space<hbm>>
      %dma_start3A_66 = arith.constant 0 : i32
      %dma_start3A_67 = tpu.memref_slice %arg12[%mul3A_61, %dma_start3A_66] : memref<10240x128xf32, #tpu.memory_space<vmem_shared>> -> memref<640x128xf32, #tpu.memory_space<vmem_shared>>
      tpu.enqueue_dma source(%dma_start3A_67 : memref<640x128xf32, #tpu.memory_space<vmem_shared>>) target(%dma_start3A_65 : memref<640x128xf32, #tpu.memory_space<hbm>>) target_semaphore(%run_scoped3A : memref<!tpu.dma_semaphore, #tpu.memory_space<semaphore_mem>>)
      %dma_wait3A = arith.constant 0 : i32
      %dma_wait3A_68 = tpu.memref_slice %arg6[%arg0, %mul3A_63, %dma_wait3A] : memref<2x10240x128xf32, #tpu.memory_space<hbm>> -> memref<1x640x128xf32, #tpu.memory_space<hbm>>
      %dma_wait3A_69 = tpu.memref_squeeze %dma_wait3A_68 : memref<1x640x128xf32, #tpu.memory_space<hbm>> -> memref<640x128xf32, #tpu.memory_space<hbm>>
      %dma_wait3A_70 = arith.constant 0 : i32
      %dma_wait3A_71 = tpu.memref_slice %arg12[%mul3A_61, %dma_wait3A_70] : memref<10240x128xf32, #tpu.memory_space<vmem_shared>> -> memref<640x128xf32, #tpu.memory_space<vmem_shared>>
      tpu.wait_dma2 semaphore(%run_scoped3A : memref<!tpu.dma_semaphore, #tpu.memory_space<semaphore_mem>>) src(%dma_wait3A_71 : memref<640x128xf32, #tpu.memory_space<vmem_shared>>) dst(%dma_wait3A_69 : memref<640x128xf32, #tpu.memory_space<hbm>>)
      tpu.yield
    }) : () -> ()
    return
  }
}

#map = affine_map<(d0, d1) -> (0)>
module attributes {stable_mosaic.version = 14 : i64} {
  func.func @_deg_kernel(%arg0: i32, %arg1: i32, %arg2: memref<655360xi32, #tpu.memory_space<hbm>>, %arg3: memref<655360xf32, #tpu.memory_space<hbm>>, %arg4: memref<327680xf32, #tpu.memory_space<hbm>>, %arg5: memref<1280xi32, #tpu.memory_space<vmem>>, %arg6: memref<1280xf32, #tpu.memory_space<vmem>>, %arg7: memref<10240xf32, #tpu.memory_space<vmem>>, %arg8: memref<!tpu.dma_semaphore, #tpu.memory_space<semaphore_mem>>) attributes {dimension_semantics = [#tpu.dimension_semantics<core_parallel>, #tpu.dimension_semantics<subcore_parallel>], iteration_bounds = array<i64: 2, 16>, scalar_prefetch = 0 : i64, scratch_operands = 4 : i64, tpu.core_type = #tpu.core_type<sc_vector_subcore>, window_params = [{transform_indices = #map}, {transform_indices = #map}, {transform_indices = #map}]} {
    %mul3A = arith.constant 16 : i32
    %mul3A_0 = arith.muli %arg0, %mul3A : i32
    %add3A = arith.addi %mul3A_0, %arg1 : i32
    %mul3A_1 = arith.constant 20480 : i32
    %mul3A_2 = arith.muli %add3A, %mul3A_1 : i32
    %broadcast_in_dim3A = arith.constant 0.000000e+00 : f32
    %broadcast_in_dim3A_3 = vector.broadcast %broadcast_in_dim3A : f32 to vector<16xf32>
    %scan3A = arith.constant 0 : i32
    %scan3A_4 = arith.constant 0 : i32
    %scan3A_5 = arith.constant 640 : i32
    %scan3A_6 = arith.addi %scan3A_4, %scan3A_5 : i32
    %scan3A_7 = arith.constant 1 : i32
    %scan3A_8 = scf.for %scan3A_314 = %scan3A_4 to %scan3A_6 step %scan3A_7 iter_args(%scan3A_315 = %scan3A) -> (i32)  : i32 {
      %mul3A_316 = arith.constant 16 : i32
      %mul3A_317 = arith.muli %scan3A_314, %mul3A_316 : i32
      %swap3A = arith.index_cast %mul3A_317 : i32 to index
      %swap3A_318 = tpu.vector_load %arg7[%swap3A] {strides = array<i32>} : memref<10240xf32, #tpu.memory_space<vmem>>, vector<16xf32>,
      tpu.vector_store %arg7[%swap3A], %broadcast_in_dim3A_3 {strides = array<i32>} : memref<10240xf32, #tpu.memory_space<vmem>>, vector<16xf32>,
      %scan3A_319 = arith.constant 0 : i32
      scf.yield %scan3A_319 : i32
    }
    %scan3A_9 = arith.constant 640 : i32
    %add3A_10 = arith.constant 0 : i32
    %add3A_11 = arith.addi %mul3A_2, %add3A_10 : i32
    %dma_start3A = tpu.memref_slice %arg2[%add3A_11] : memref<655360xi32, #tpu.memory_space<hbm>> -> memref<1280xi32, #tpu.memory_space<hbm>>
    %dma_start3A_12 = tpu.memref_slice %arg2[%add3A_11] : memref<655360xi32, #tpu.memory_space<hbm>> -> memref<1280xi32, #tpu.memory_space<hbm>>
    tpu.enqueue_dma source(%dma_start3A_12 : memref<1280xi32, #tpu.memory_space<hbm>>) target(%arg5 : memref<1280xi32, #tpu.memory_space<vmem>>) target_semaphore(%arg8 : memref<!tpu.dma_semaphore, #tpu.memory_space<semaphore_mem>>)
    %add3A_13 = arith.constant 0 : i32
    %add3A_14 = arith.addi %mul3A_2, %add3A_13 : i32
    %dma_start3A_15 = tpu.memref_slice %arg3[%add3A_14] : memref<655360xf32, #tpu.memory_space<hbm>> -> memref<1280xf32, #tpu.memory_space<hbm>>
    %dma_start3A_16 = tpu.memref_slice %arg3[%add3A_14] : memref<655360xf32, #tpu.memory_space<hbm>> -> memref<1280xf32, #tpu.memory_space<hbm>>
    tpu.enqueue_dma source(%dma_start3A_16 : memref<1280xf32, #tpu.memory_space<hbm>>) target(%arg6 : memref<1280xf32, #tpu.memory_space<vmem>>) target_semaphore(%arg8 : memref<!tpu.dma_semaphore, #tpu.memory_space<semaphore_mem>>)
    %dma_wait3A = tpu.memref_slice %arg2[%add3A_11] : memref<655360xi32, #tpu.memory_space<hbm>> -> memref<1280xi32, #tpu.memory_space<hbm>>
    %dma_wait3A_17 = tpu.memref_slice %arg2[%add3A_11] : memref<655360xi32, #tpu.memory_space<hbm>> -> memref<1280xi32, #tpu.memory_space<hbm>>
    tpu.wait_dma2 semaphore(%arg8 : memref<!tpu.dma_semaphore, #tpu.memory_space<semaphore_mem>>) src(%dma_wait3A_17 : memref<1280xi32, #tpu.memory_space<hbm>>) dst(%arg5 : memref<1280xi32, #tpu.memory_space<vmem>>)
    %dma_wait3A_18 = tpu.memref_slice %arg3[%add3A_14] : memref<655360xf32, #tpu.memory_space<hbm>> -> memref<1280xf32, #tpu.memory_space<hbm>>
    %dma_wait3A_19 = tpu.memref_slice %arg3[%add3A_14] : memref<655360xf32, #tpu.memory_space<hbm>> -> memref<1280xf32, #tpu.memory_space<hbm>>
    tpu.wait_dma2 semaphore(%arg8 : memref<!tpu.dma_semaphore, #tpu.memory_space<semaphore_mem>>) src(%dma_wait3A_19 : memref<1280xf32, #tpu.memory_space<hbm>>) dst(%arg6 : memref<1280xf32, #tpu.memory_space<vmem>>)
    %scan3A_20 = arith.constant 0 : i32
    %scan3A_21 = arith.constant 0 : i32
    %scan3A_22 = arith.constant 80 : i32
    %scan3A_23 = arith.addi %scan3A_21, %scan3A_22 : i32
    %scan3A_24 = arith.constant 1 : i32
    %scan3A_25 = scf.for %scan3A_314 = %scan3A_21 to %scan3A_23 step %scan3A_24 iter_args(%scan3A_315 = %scan3A_20) -> (i32)  : i32 {
      %mul3A_316 = arith.constant 16 : i32
      %mul3A_317 = arith.muli %scan3A_314, %mul3A_316 : i32
      %get3A = arith.index_cast %mul3A_317 : i32 to index
      %get3A_318 = tpu.vector_load %arg5[%get3A] {strides = array<i32>} : memref<1280xi32, #tpu.memory_space<vmem>>, vector<16xi32>,
      %mul3A_319 = arith.constant 16 : i32
      %mul3A_320 = arith.muli %scan3A_314, %mul3A_319 : i32
      %get3A_321 = arith.index_cast %mul3A_320 : i32 to index
      %get3A_322 = tpu.vector_load %arg6[%get3A_321] {strides = array<i32>} : memref<1280xf32, #tpu.memory_space<vmem>>, vector<16xf32>,
      tpu.vector_store_idx %arg7[%get3A_318], %get3A_322 {add = true} : memref<10240xf32, #tpu.memory_space<vmem>>[vector<16xi32>], vector<16xf32>,
      %scan3A_323 = arith.constant 0 : i32
      scf.yield %scan3A_323 : i32
    }
    %scan3A_26 = arith.constant 80 : i32
    %add3A_27 = arith.constant 1280 : i32
    %add3A_28 = arith.addi %mul3A_2, %add3A_27 : i32
    %dma_start3A_29 = tpu.memref_slice %arg2[%add3A_28] : memref<655360xi32, #tpu.memory_space<hbm>> -> memref<1280xi32, #tpu.memory_space<hbm>>
    %dma_start3A_30 = tpu.memref_slice %arg2[%add3A_28] : memref<655360xi32, #tpu.memory_space<hbm>> -> memref<1280xi32, #tpu.memory_space<hbm>>
    tpu.enqueue_dma source(%dma_start3A_30 : memref<1280xi32, #tpu.memory_space<hbm>>) target(%arg5 : memref<1280xi32, #tpu.memory_space<vmem>>) target_semaphore(%arg8 : memref<!tpu.dma_semaphore, #tpu.memory_space<semaphore_mem>>)
    %add3A_31 = arith.constant 1280 : i32
    %add3A_32 = arith.addi %mul3A_2, %add3A_31 : i32
    %dma_start3A_33 = tpu.memref_slice %arg3[%add3A_32] : memref<655360xf32, #tpu.memory_space<hbm>> -> memref<1280xf32, #tpu.memory_space<hbm>>
    %dma_start3A_34 = tpu.memref_slice %arg3[%add3A_32] : memref<655360xf32, #tpu.memory_space<hbm>> -> memref<1280xf32, #tpu.memory_space<hbm>>
    tpu.enqueue_dma source(%dma_start3A_34 : memref<1280xf32, #tpu.memory_space<hbm>>) target(%arg6 : memref<1280xf32, #tpu.memory_space<vmem>>) target_semaphore(%arg8 : memref<!tpu.dma_semaphore, #tpu.memory_space<semaphore_mem>>)
    %dma_wait3A_35 = tpu.memref_slice %arg2[%add3A_28] : memref<655360xi32, #tpu.memory_space<hbm>> -> memref<1280xi32, #tpu.memory_space<hbm>>
    %dma_wait3A_36 = tpu.memref_slice %arg2[%add3A_28] : memref<655360xi32, #tpu.memory_space<hbm>> -> memref<1280xi32, #tpu.memory_space<hbm>>
    tpu.wait_dma2 semaphore(%arg8 : memref<!tpu.dma_semaphore, #tpu.memory_space<semaphore_mem>>) src(%dma_wait3A_36 : memref<1280xi32, #tpu.memory_space<hbm>>) dst(%arg5 : memref<1280xi32, #tpu.memory_space<vmem>>)
    %dma_wait3A_37 = tpu.memref_slice %arg3[%add3A_32] : memref<655360xf32, #tpu.memory_space<hbm>> -> memref<1280xf32, #tpu.memory_space<hbm>>
    %dma_wait3A_38 = tpu.memref_slice %arg3[%add3A_32] : memref<655360xf32, #tpu.memory_space<hbm>> -> memref<1280xf32, #tpu.memory_space<hbm>>
    tpu.wait_dma2 semaphore(%arg8 : memref<!tpu.dma_semaphore, #tpu.memory_space<semaphore_mem>>) src(%dma_wait3A_38 : memref<1280xf32, #tpu.memory_space<hbm>>) dst(%arg6 : memref<1280xf32, #tpu.memory_space<vmem>>)
    %scan3A_39 = arith.constant 0 : i32
    %scan3A_40 = arith.constant 0 : i32
    %scan3A_41 = arith.constant 80 : i32
    %scan3A_42 = arith.addi %scan3A_40, %scan3A_41 : i32
    %scan3A_43 = arith.constant 1 : i32
    %scan3A_44 = scf.for %scan3A_314 = %scan3A_40 to %scan3A_42 step %scan3A_43 iter_args(%scan3A_315 = %scan3A_39) -> (i32)  : i32 {
      %mul3A_316 = arith.constant 16 : i32
      %mul3A_317 = arith.muli %scan3A_314, %mul3A_316 : i32
      %get3A = arith.index_cast %mul3A_317 : i32 to index
      %get3A_318 = tpu.vector_load %arg5[%get3A] {strides = array<i32>} : memref<1280xi32, #tpu.memory_space<vmem>>, vector<16xi32>,
      %mul3A_319 = arith.constant 16 : i32
      %mul3A_320 = arith.muli %scan3A_314, %mul3A_319 : i32
      %get3A_321 = arith.index_cast %mul3A_320 : i32 to index
      %get3A_322 = tpu.vector_load %arg6[%get3A_321] {strides = array<i32>} : memref<1280xf32, #tpu.memory_space<vmem>>, vector<16xf32>,
      tpu.vector_store_idx %arg7[%get3A_318], %get3A_322 {add = true} : memref<10240xf32, #tpu.memory_space<vmem>>[vector<16xi32>], vector<16xf32>,
      %scan3A_323 = arith.constant 0 : i32
      scf.yield %scan3A_323 : i32
    }
    %scan3A_45 = arith.constant 80 : i32
    %add3A_46 = arith.constant 2560 : i32
    %add3A_47 = arith.addi %mul3A_2, %add3A_46 : i32
    %dma_start3A_48 = tpu.memref_slice %arg2[%add3A_47] : memref<655360xi32, #tpu.memory_space<hbm>> -> memref<1280xi32, #tpu.memory_space<hbm>>
    %dma_start3A_49 = tpu.memref_slice %arg2[%add3A_47] : memref<655360xi32, #tpu.memory_space<hbm>> -> memref<1280xi32, #tpu.memory_space<hbm>>
    tpu.enqueue_dma source(%dma_start3A_49 : memref<1280xi32, #tpu.memory_space<hbm>>) target(%arg5 : memref<1280xi32, #tpu.memory_space<vmem>>) target_semaphore(%arg8 : memref<!tpu.dma_semaphore, #tpu.memory_space<semaphore_mem>>)
    %add3A_50 = arith.constant 2560 : i32
    %add3A_51 = arith.addi %mul3A_2, %add3A_50 : i32
    %dma_start3A_52 = tpu.memref_slice %arg3[%add3A_51] : memref<655360xf32, #tpu.memory_space<hbm>> -> memref<1280xf32, #tpu.memory_space<hbm>>
    %dma_start3A_53 = tpu.memref_slice %arg3[%add3A_51] : memref<655360xf32, #tpu.memory_space<hbm>> -> memref<1280xf32, #tpu.memory_space<hbm>>
    tpu.enqueue_dma source(%dma_start3A_53 : memref<1280xf32, #tpu.memory_space<hbm>>) target(%arg6 : memref<1280xf32, #tpu.memory_space<vmem>>) target_semaphore(%arg8 : memref<!tpu.dma_semaphore, #tpu.memory_space<semaphore_mem>>)
    %dma_wait3A_54 = tpu.memref_slice %arg2[%add3A_47] : memref<655360xi32, #tpu.memory_space<hbm>> -> memref<1280xi32, #tpu.memory_space<hbm>>
    %dma_wait3A_55 = tpu.memref_slice %arg2[%add3A_47] : memref<655360xi32, #tpu.memory_space<hbm>> -> memref<1280xi32, #tpu.memory_space<hbm>>
    tpu.wait_dma2 semaphore(%arg8 : memref<!tpu.dma_semaphore, #tpu.memory_space<semaphore_mem>>) src(%dma_wait3A_55 : memref<1280xi32, #tpu.memory_space<hbm>>) dst(%arg5 : memref<1280xi32, #tpu.memory_space<vmem>>)
    %dma_wait3A_56 = tpu.memref_slice %arg3[%add3A_51] : memref<655360xf32, #tpu.memory_space<hbm>> -> memref<1280xf32, #tpu.memory_space<hbm>>
    %dma_wait3A_57 = tpu.memref_slice %arg3[%add3A_51] : memref<655360xf32, #tpu.memory_space<hbm>> -> memref<1280xf32, #tpu.memory_space<hbm>>
    tpu.wait_dma2 semaphore(%arg8 : memref<!tpu.dma_semaphore, #tpu.memory_space<semaphore_mem>>) src(%dma_wait3A_57 : memref<1280xf32, #tpu.memory_space<hbm>>) dst(%arg6 : memref<1280xf32, #tpu.memory_space<vmem>>)
    %scan3A_58 = arith.constant 0 : i32
    %scan3A_59 = arith.constant 0 : i32
    %scan3A_60 = arith.constant 80 : i32
    %scan3A_61 = arith.addi %scan3A_59, %scan3A_60 : i32
    %scan3A_62 = arith.constant 1 : i32
    %scan3A_63 = scf.for %scan3A_314 = %scan3A_59 to %scan3A_61 step %scan3A_62 iter_args(%scan3A_315 = %scan3A_58) -> (i32)  : i32 {
      %mul3A_316 = arith.constant 16 : i32
      %mul3A_317 = arith.muli %scan3A_314, %mul3A_316 : i32
      %get3A = arith.index_cast %mul3A_317 : i32 to index
      %get3A_318 = tpu.vector_load %arg5[%get3A] {strides = array<i32>} : memref<1280xi32, #tpu.memory_space<vmem>>, vector<16xi32>,
      %mul3A_319 = arith.constant 16 : i32
      %mul3A_320 = arith.muli %scan3A_314, %mul3A_319 : i32
      %get3A_321 = arith.index_cast %mul3A_320 : i32 to index
      %get3A_322 = tpu.vector_load %arg6[%get3A_321] {strides = array<i32>} : memref<1280xf32, #tpu.memory_space<vmem>>, vector<16xf32>,
      tpu.vector_store_idx %arg7[%get3A_318], %get3A_322 {add = true} : memref<10240xf32, #tpu.memory_space<vmem>>[vector<16xi32>], vector<16xf32>,
      %scan3A_323 = arith.constant 0 : i32
      scf.yield %scan3A_323 : i32
    }
    %scan3A_64 = arith.constant 80 : i32
    %add3A_65 = arith.constant 3840 : i32
    %add3A_66 = arith.addi %mul3A_2, %add3A_65 : i32
    %dma_start3A_67 = tpu.memref_slice %arg2[%add3A_66] : memref<655360xi32, #tpu.memory_space<hbm>> -> memref<1280xi32, #tpu.memory_space<hbm>>
    %dma_start3A_68 = tpu.memref_slice %arg2[%add3A_66] : memref<655360xi32, #tpu.memory_space<hbm>> -> memref<1280xi32, #tpu.memory_space<hbm>>
    tpu.enqueue_dma source(%dma_start3A_68 : memref<1280xi32, #tpu.memory_space<hbm>>) target(%arg5 : memref<1280xi32, #tpu.memory_space<vmem>>) target_semaphore(%arg8 : memref<!tpu.dma_semaphore, #tpu.memory_space<semaphore_mem>>)
    %add3A_69 = arith.constant 3840 : i32
    %add3A_70 = arith.addi %mul3A_2, %add3A_69 : i32
    %dma_start3A_71 = tpu.memref_slice %arg3[%add3A_70] : memref<655360xf32, #tpu.memory_space<hbm>> -> memref<1280xf32, #tpu.memory_space<hbm>>
    %dma_start3A_72 = tpu.memref_slice %arg3[%add3A_70] : memref<655360xf32, #tpu.memory_space<hbm>> -> memref<1280xf32, #tpu.memory_space<hbm>>
    tpu.enqueue_dma source(%dma_start3A_72 : memref<1280xf32, #tpu.memory_space<hbm>>) target(%arg6 : memref<1280xf32, #tpu.memory_space<vmem>>) target_semaphore(%arg8 : memref<!tpu.dma_semaphore, #tpu.memory_space<semaphore_mem>>)
    %dma_wait3A_73 = tpu.memref_slice %arg2[%add3A_66] : memref<655360xi32, #tpu.memory_space<hbm>> -> memref<1280xi32, #tpu.memory_space<hbm>>
    %dma_wait3A_74 = tpu.memref_slice %arg2[%add3A_66] : memref<655360xi32, #tpu.memory_space<hbm>> -> memref<1280xi32, #tpu.memory_space<hbm>>
    tpu.wait_dma2 semaphore(%arg8 : memref<!tpu.dma_semaphore, #tpu.memory_space<semaphore_mem>>) src(%dma_wait3A_74 : memref<1280xi32, #tpu.memory_space<hbm>>) dst(%arg5 : memref<1280xi32, #tpu.memory_space<vmem>>)
    %dma_wait3A_75 = tpu.memref_slice %arg3[%add3A_70] : memref<655360xf32, #tpu.memory_space<hbm>> -> memref<1280xf32, #tpu.memory_space<hbm>>
    %dma_wait3A_76 = tpu.memref_slice %arg3[%add3A_70] : memref<655360xf32, #tpu.memory_space<hbm>> -> memref<1280xf32, #tpu.memory_space<hbm>>
    tpu.wait_dma2 semaphore(%arg8 : memref<!tpu.dma_semaphore, #tpu.memory_space<semaphore_mem>>) src(%dma_wait3A_76 : memref<1280xf32, #tpu.memory_space<hbm>>) dst(%arg6 : memref<1280xf32, #tpu.memory_space<vmem>>)
    %scan3A_77 = arith.constant 0 : i32
    %scan3A_78 = arith.constant 0 : i32
    %scan3A_79 = arith.constant 80 : i32
    %scan3A_80 = arith.addi %scan3A_78, %scan3A_79 : i32
    %scan3A_81 = arith.constant 1 : i32
    %scan3A_82 = scf.for %scan3A_314 = %scan3A_78 to %scan3A_80 step %scan3A_81 iter_args(%scan3A_315 = %scan3A_77) -> (i32)  : i32 {
      %mul3A_316 = arith.constant 16 : i32
      %mul3A_317 = arith.muli %scan3A_314, %mul3A_316 : i32
      %get3A = arith.index_cast %mul3A_317 : i32 to index
      %get3A_318 = tpu.vector_load %arg5[%get3A] {strides = array<i32>} : memref<1280xi32, #tpu.memory_space<vmem>>, vector<16xi32>,
      %mul3A_319 = arith.constant 16 : i32
      %mul3A_320 = arith.muli %scan3A_314, %mul3A_319 : i32
      %get3A_321 = arith.index_cast %mul3A_320 : i32 to index
      %get3A_322 = tpu.vector_load %arg6[%get3A_321] {strides = array<i32>} : memref<1280xf32, #tpu.memory_space<vmem>>, vector<16xf32>,
      tpu.vector_store_idx %arg7[%get3A_318], %get3A_322 {add = true} : memref<10240xf32, #tpu.memory_space<vmem>>[vector<16xi32>], vector<16xf32>,
      %scan3A_323 = arith.constant 0 : i32
      scf.yield %scan3A_323 : i32
    }
    %scan3A_83 = arith.constant 80 : i32
    %add3A_84 = arith.constant 5120 : i32
    %add3A_85 = arith.addi %mul3A_2, %add3A_84 : i32
    %dma_start3A_86 = tpu.memref_slice %arg2[%add3A_85] : memref<655360xi32, #tpu.memory_space<hbm>> -> memref<1280xi32, #tpu.memory_space<hbm>>
    %dma_start3A_87 = tpu.memref_slice %arg2[%add3A_85] : memref<655360xi32, #tpu.memory_space<hbm>> -> memref<1280xi32, #tpu.memory_space<hbm>>
    tpu.enqueue_dma source(%dma_start3A_87 : memref<1280xi32, #tpu.memory_space<hbm>>) target(%arg5 : memref<1280xi32, #tpu.memory_space<vmem>>) target_semaphore(%arg8 : memref<!tpu.dma_semaphore, #tpu.memory_space<semaphore_mem>>)
    %add3A_88 = arith.constant 5120 : i32
    %add3A_89 = arith.addi %mul3A_2, %add3A_88 : i32
    %dma_start3A_90 = tpu.memref_slice %arg3[%add3A_89] : memref<655360xf32, #tpu.memory_space<hbm>> -> memref<1280xf32, #tpu.memory_space<hbm>>
    %dma_start3A_91 = tpu.memref_slice %arg3[%add3A_89] : memref<655360xf32, #tpu.memory_space<hbm>> -> memref<1280xf32, #tpu.memory_space<hbm>>
    tpu.enqueue_dma source(%dma_start3A_91 : memref<1280xf32, #tpu.memory_space<hbm>>) target(%arg6 : memref<1280xf32, #tpu.memory_space<vmem>>) target_semaphore(%arg8 : memref<!tpu.dma_semaphore, #tpu.memory_space<semaphore_mem>>)
    %dma_wait3A_92 = tpu.memref_slice %arg2[%add3A_85] : memref<655360xi32, #tpu.memory_space<hbm>> -> memref<1280xi32, #tpu.memory_space<hbm>>
    %dma_wait3A_93 = tpu.memref_slice %arg2[%add3A_85] : memref<655360xi32, #tpu.memory_space<hbm>> -> memref<1280xi32, #tpu.memory_space<hbm>>
    tpu.wait_dma2 semaphore(%arg8 : memref<!tpu.dma_semaphore, #tpu.memory_space<semaphore_mem>>) src(%dma_wait3A_93 : memref<1280xi32, #tpu.memory_space<hbm>>) dst(%arg5 : memref<1280xi32, #tpu.memory_space<vmem>>)
    %dma_wait3A_94 = tpu.memref_slice %arg3[%add3A_89] : memref<655360xf32, #tpu.memory_space<hbm>> -> memref<1280xf32, #tpu.memory_space<hbm>>
    %dma_wait3A_95 = tpu.memref_slice %arg3[%add3A_89] : memref<655360xf32, #tpu.memory_space<hbm>> -> memref<1280xf32, #tpu.memory_space<hbm>>
    tpu.wait_dma2 semaphore(%arg8 : memref<!tpu.dma_semaphore, #tpu.memory_space<semaphore_mem>>) src(%dma_wait3A_95 : memref<1280xf32, #tpu.memory_space<hbm>>) dst(%arg6 : memref<1280xf32, #tpu.memory_space<vmem>>)
    %scan3A_96 = arith.constant 0 : i32
    %scan3A_97 = arith.constant 0 : i32
    %scan3A_98 = arith.constant 80 : i32
    %scan3A_99 = arith.addi %scan3A_97, %scan3A_98 : i32
    %scan3A_100 = arith.constant 1 : i32
    %scan3A_101 = scf.for %scan3A_314 = %scan3A_97 to %scan3A_99 step %scan3A_100 iter_args(%scan3A_315 = %scan3A_96) -> (i32)  : i32 {
      %mul3A_316 = arith.constant 16 : i32
      %mul3A_317 = arith.muli %scan3A_314, %mul3A_316 : i32
      %get3A = arith.index_cast %mul3A_317 : i32 to index
      %get3A_318 = tpu.vector_load %arg5[%get3A] {strides = array<i32>} : memref<1280xi32, #tpu.memory_space<vmem>>, vector<16xi32>,
      %mul3A_319 = arith.constant 16 : i32
      %mul3A_320 = arith.muli %scan3A_314, %mul3A_319 : i32
      %get3A_321 = arith.index_cast %mul3A_320 : i32 to index
      %get3A_322 = tpu.vector_load %arg6[%get3A_321] {strides = array<i32>} : memref<1280xf32, #tpu.memory_space<vmem>>, vector<16xf32>,
      tpu.vector_store_idx %arg7[%get3A_318], %get3A_322 {add = true} : memref<10240xf32, #tpu.memory_space<vmem>>[vector<16xi32>], vector<16xf32>,
      %scan3A_323 = arith.constant 0 : i32
      scf.yield %scan3A_323 : i32
    }
    %scan3A_102 = arith.constant 80 : i32
    %add3A_103 = arith.constant 6400 : i32
    %add3A_104 = arith.addi %mul3A_2, %add3A_103 : i32
    %dma_start3A_105 = tpu.memref_slice %arg2[%add3A_104] : memref<655360xi32, #tpu.memory_space<hbm>> -> memref<1280xi32, #tpu.memory_space<hbm>>
    %dma_start3A_106 = tpu.memref_slice %arg2[%add3A_104] : memref<655360xi32, #tpu.memory_space<hbm>> -> memref<1280xi32, #tpu.memory_space<hbm>>
    tpu.enqueue_dma source(%dma_start3A_106 : memref<1280xi32, #tpu.memory_space<hbm>>) target(%arg5 : memref<1280xi32, #tpu.memory_space<vmem>>) target_semaphore(%arg8 : memref<!tpu.dma_semaphore, #tpu.memory_space<semaphore_mem>>)
    %add3A_107 = arith.constant 6400 : i32
    %add3A_108 = arith.addi %mul3A_2, %add3A_107 : i32
    %dma_start3A_109 = tpu.memref_slice %arg3[%add3A_108] : memref<655360xf32, #tpu.memory_space<hbm>> -> memref<1280xf32, #tpu.memory_space<hbm>>
    %dma_start3A_110 = tpu.memref_slice %arg3[%add3A_108] : memref<655360xf32, #tpu.memory_space<hbm>> -> memref<1280xf32, #tpu.memory_space<hbm>>
    tpu.enqueue_dma source(%dma_start3A_110 : memref<1280xf32, #tpu.memory_space<hbm>>) target(%arg6 : memref<1280xf32, #tpu.memory_space<vmem>>) target_semaphore(%arg8 : memref<!tpu.dma_semaphore, #tpu.memory_space<semaphore_mem>>)
    %dma_wait3A_111 = tpu.memref_slice %arg2[%add3A_104] : memref<655360xi32, #tpu.memory_space<hbm>> -> memref<1280xi32, #tpu.memory_space<hbm>>
    %dma_wait3A_112 = tpu.memref_slice %arg2[%add3A_104] : memref<655360xi32, #tpu.memory_space<hbm>> -> memref<1280xi32, #tpu.memory_space<hbm>>
    tpu.wait_dma2 semaphore(%arg8 : memref<!tpu.dma_semaphore, #tpu.memory_space<semaphore_mem>>) src(%dma_wait3A_112 : memref<1280xi32, #tpu.memory_space<hbm>>) dst(%arg5 : memref<1280xi32, #tpu.memory_space<vmem>>)
    %dma_wait3A_113 = tpu.memref_slice %arg3[%add3A_108] : memref<655360xf32, #tpu.memory_space<hbm>> -> memref<1280xf32, #tpu.memory_space<hbm>>
    %dma_wait3A_114 = tpu.memref_slice %arg3[%add3A_108] : memref<655360xf32, #tpu.memory_space<hbm>> -> memref<1280xf32, #tpu.memory_space<hbm>>
    tpu.wait_dma2 semaphore(%arg8 : memref<!tpu.dma_semaphore, #tpu.memory_space<semaphore_mem>>) src(%dma_wait3A_114 : memref<1280xf32, #tpu.memory_space<hbm>>) dst(%arg6 : memref<1280xf32, #tpu.memory_space<vmem>>)
    %scan3A_115 = arith.constant 0 : i32
    %scan3A_116 = arith.constant 0 : i32
    %scan3A_117 = arith.constant 80 : i32
    %scan3A_118 = arith.addi %scan3A_116, %scan3A_117 : i32
    %scan3A_119 = arith.constant 1 : i32
    %scan3A_120 = scf.for %scan3A_314 = %scan3A_116 to %scan3A_118 step %scan3A_119 iter_args(%scan3A_315 = %scan3A_115) -> (i32)  : i32 {
      %mul3A_316 = arith.constant 16 : i32
      %mul3A_317 = arith.muli %scan3A_314, %mul3A_316 : i32
      %get3A = arith.index_cast %mul3A_317 : i32 to index
      %get3A_318 = tpu.vector_load %arg5[%get3A] {strides = array<i32>} : memref<1280xi32, #tpu.memory_space<vmem>>, vector<16xi32>,
      %mul3A_319 = arith.constant 16 : i32
      %mul3A_320 = arith.muli %scan3A_314, %mul3A_319 : i32
      %get3A_321 = arith.index_cast %mul3A_320 : i32 to index
      %get3A_322 = tpu.vector_load %arg6[%get3A_321] {strides = array<i32>} : memref<1280xf32, #tpu.memory_space<vmem>>, vector<16xf32>,
      tpu.vector_store_idx %arg7[%get3A_318], %get3A_322 {add = true} : memref<10240xf32, #tpu.memory_space<vmem>>[vector<16xi32>], vector<16xf32>,
      %scan3A_323 = arith.constant 0 : i32
      scf.yield %scan3A_323 : i32
    }
    %scan3A_121 = arith.constant 80 : i32
    %add3A_122 = arith.constant 7680 : i32
    %add3A_123 = arith.addi %mul3A_2, %add3A_122 : i32
    %dma_start3A_124 = tpu.memref_slice %arg2[%add3A_123] : memref<655360xi32, #tpu.memory_space<hbm>> -> memref<1280xi32, #tpu.memory_space<hbm>>
    %dma_start3A_125 = tpu.memref_slice %arg2[%add3A_123] : memref<655360xi32, #tpu.memory_space<hbm>> -> memref<1280xi32, #tpu.memory_space<hbm>>
    tpu.enqueue_dma source(%dma_start3A_125 : memref<1280xi32, #tpu.memory_space<hbm>>) target(%arg5 : memref<1280xi32, #tpu.memory_space<vmem>>) target_semaphore(%arg8 : memref<!tpu.dma_semaphore, #tpu.memory_space<semaphore_mem>>)
    %add3A_126 = arith.constant 7680 : i32
    %add3A_127 = arith.addi %mul3A_2, %add3A_126 : i32
    %dma_start3A_128 = tpu.memref_slice %arg3[%add3A_127] : memref<655360xf32, #tpu.memory_space<hbm>> -> memref<1280xf32, #tpu.memory_space<hbm>>
    %dma_start3A_129 = tpu.memref_slice %arg3[%add3A_127] : memref<655360xf32, #tpu.memory_space<hbm>> -> memref<1280xf32, #tpu.memory_space<hbm>>
    tpu.enqueue_dma source(%dma_start3A_129 : memref<1280xf32, #tpu.memory_space<hbm>>) target(%arg6 : memref<1280xf32, #tpu.memory_space<vmem>>) target_semaphore(%arg8 : memref<!tpu.dma_semaphore, #tpu.memory_space<semaphore_mem>>)
    %dma_wait3A_130 = tpu.memref_slice %arg2[%add3A_123] : memref<655360xi32, #tpu.memory_space<hbm>> -> memref<1280xi32, #tpu.memory_space<hbm>>
    %dma_wait3A_131 = tpu.memref_slice %arg2[%add3A_123] : memref<655360xi32, #tpu.memory_space<hbm>> -> memref<1280xi32, #tpu.memory_space<hbm>>
    tpu.wait_dma2 semaphore(%arg8 : memref<!tpu.dma_semaphore, #tpu.memory_space<semaphore_mem>>) src(%dma_wait3A_131 : memref<1280xi32, #tpu.memory_space<hbm>>) dst(%arg5 : memref<1280xi32, #tpu.memory_space<vmem>>)
    %dma_wait3A_132 = tpu.memref_slice %arg3[%add3A_127] : memref<655360xf32, #tpu.memory_space<hbm>> -> memref<1280xf32, #tpu.memory_space<hbm>>
    %dma_wait3A_133 = tpu.memref_slice %arg3[%add3A_127] : memref<655360xf32, #tpu.memory_space<hbm>> -> memref<1280xf32, #tpu.memory_space<hbm>>
    tpu.wait_dma2 semaphore(%arg8 : memref<!tpu.dma_semaphore, #tpu.memory_space<semaphore_mem>>) src(%dma_wait3A_133 : memref<1280xf32, #tpu.memory_space<hbm>>) dst(%arg6 : memref<1280xf32, #tpu.memory_space<vmem>>)
    %scan3A_134 = arith.constant 0 : i32
    %scan3A_135 = arith.constant 0 : i32
    %scan3A_136 = arith.constant 80 : i32
    %scan3A_137 = arith.addi %scan3A_135, %scan3A_136 : i32
    %scan3A_138 = arith.constant 1 : i32
    %scan3A_139 = scf.for %scan3A_314 = %scan3A_135 to %scan3A_137 step %scan3A_138 iter_args(%scan3A_315 = %scan3A_134) -> (i32)  : i32 {
      %mul3A_316 = arith.constant 16 : i32
      %mul3A_317 = arith.muli %scan3A_314, %mul3A_316 : i32
      %get3A = arith.index_cast %mul3A_317 : i32 to index
      %get3A_318 = tpu.vector_load %arg5[%get3A] {strides = array<i32>} : memref<1280xi32, #tpu.memory_space<vmem>>, vector<16xi32>,
      %mul3A_319 = arith.constant 16 : i32
      %mul3A_320 = arith.muli %scan3A_314, %mul3A_319 : i32
      %get3A_321 = arith.index_cast %mul3A_320 : i32 to index
      %get3A_322 = tpu.vector_load %arg6[%get3A_321] {strides = array<i32>} : memref<1280xf32, #tpu.memory_space<vmem>>, vector<16xf32>,
      tpu.vector_store_idx %arg7[%get3A_318], %get3A_322 {add = true} : memref<10240xf32, #tpu.memory_space<vmem>>[vector<16xi32>], vector<16xf32>,
      %scan3A_323 = arith.constant 0 : i32
      scf.yield %scan3A_323 : i32
    }
    %scan3A_140 = arith.constant 80 : i32
    %add3A_141 = arith.constant 8960 : i32
    %add3A_142 = arith.addi %mul3A_2, %add3A_141 : i32
    %dma_start3A_143 = tpu.memref_slice %arg2[%add3A_142] : memref<655360xi32, #tpu.memory_space<hbm>> -> memref<1280xi32, #tpu.memory_space<hbm>>
    %dma_start3A_144 = tpu.memref_slice %arg2[%add3A_142] : memref<655360xi32, #tpu.memory_space<hbm>> -> memref<1280xi32, #tpu.memory_space<hbm>>
    tpu.enqueue_dma source(%dma_start3A_144 : memref<1280xi32, #tpu.memory_space<hbm>>) target(%arg5 : memref<1280xi32, #tpu.memory_space<vmem>>) target_semaphore(%arg8 : memref<!tpu.dma_semaphore, #tpu.memory_space<semaphore_mem>>)
    %add3A_145 = arith.constant 8960 : i32
    %add3A_146 = arith.addi %mul3A_2, %add3A_145 : i32
    %dma_start3A_147 = tpu.memref_slice %arg3[%add3A_146] : memref<655360xf32, #tpu.memory_space<hbm>> -> memref<1280xf32, #tpu.memory_space<hbm>>
    %dma_start3A_148 = tpu.memref_slice %arg3[%add3A_146] : memref<655360xf32, #tpu.memory_space<hbm>> -> memref<1280xf32, #tpu.memory_space<hbm>>
    tpu.enqueue_dma source(%dma_start3A_148 : memref<1280xf32, #tpu.memory_space<hbm>>) target(%arg6 : memref<1280xf32, #tpu.memory_space<vmem>>) target_semaphore(%arg8 : memref<!tpu.dma_semaphore, #tpu.memory_space<semaphore_mem>>)
    %dma_wait3A_149 = tpu.memref_slice %arg2[%add3A_142] : memref<655360xi32, #tpu.memory_space<hbm>> -> memref<1280xi32, #tpu.memory_space<hbm>>
    %dma_wait3A_150 = tpu.memref_slice %arg2[%add3A_142] : memref<655360xi32, #tpu.memory_space<hbm>> -> memref<1280xi32, #tpu.memory_space<hbm>>
    tpu.wait_dma2 semaphore(%arg8 : memref<!tpu.dma_semaphore, #tpu.memory_space<semaphore_mem>>) src(%dma_wait3A_150 : memref<1280xi32, #tpu.memory_space<hbm>>) dst(%arg5 : memref<1280xi32, #tpu.memory_space<vmem>>)
    %dma_wait3A_151 = tpu.memref_slice %arg3[%add3A_146] : memref<655360xf32, #tpu.memory_space<hbm>> -> memref<1280xf32, #tpu.memory_space<hbm>>
    %dma_wait3A_152 = tpu.memref_slice %arg3[%add3A_146] : memref<655360xf32, #tpu.memory_space<hbm>> -> memref<1280xf32, #tpu.memory_space<hbm>>
    tpu.wait_dma2 semaphore(%arg8 : memref<!tpu.dma_semaphore, #tpu.memory_space<semaphore_mem>>) src(%dma_wait3A_152 : memref<1280xf32, #tpu.memory_space<hbm>>) dst(%arg6 : memref<1280xf32, #tpu.memory_space<vmem>>)
    %scan3A_153 = arith.constant 0 : i32
    %scan3A_154 = arith.constant 0 : i32
    %scan3A_155 = arith.constant 80 : i32
    %scan3A_156 = arith.addi %scan3A_154, %scan3A_155 : i32
    %scan3A_157 = arith.constant 1 : i32
    %scan3A_158 = scf.for %scan3A_314 = %scan3A_154 to %scan3A_156 step %scan3A_157 iter_args(%scan3A_315 = %scan3A_153) -> (i32)  : i32 {
      %mul3A_316 = arith.constant 16 : i32
      %mul3A_317 = arith.muli %scan3A_314, %mul3A_316 : i32
      %get3A = arith.index_cast %mul3A_317 : i32 to index
      %get3A_318 = tpu.vector_load %arg5[%get3A] {strides = array<i32>} : memref<1280xi32, #tpu.memory_space<vmem>>, vector<16xi32>,
      %mul3A_319 = arith.constant 16 : i32
      %mul3A_320 = arith.muli %scan3A_314, %mul3A_319 : i32
      %get3A_321 = arith.index_cast %mul3A_320 : i32 to index
      %get3A_322 = tpu.vector_load %arg6[%get3A_321] {strides = array<i32>} : memref<1280xf32, #tpu.memory_space<vmem>>, vector<16xf32>,
      tpu.vector_store_idx %arg7[%get3A_318], %get3A_322 {add = true} : memref<10240xf32, #tpu.memory_space<vmem>>[vector<16xi32>], vector<16xf32>,
      %scan3A_323 = arith.constant 0 : i32
      scf.yield %scan3A_323 : i32
    }
    %scan3A_159 = arith.constant 80 : i32
    %add3A_160 = arith.constant 10240 : i32
    %add3A_161 = arith.addi %mul3A_2, %add3A_160 : i32
    %dma_start3A_162 = tpu.memref_slice %arg2[%add3A_161] : memref<655360xi32, #tpu.memory_space<hbm>> -> memref<1280xi32, #tpu.memory_space<hbm>>
    %dma_start3A_163 = tpu.memref_slice %arg2[%add3A_161] : memref<655360xi32, #tpu.memory_space<hbm>> -> memref<1280xi32, #tpu.memory_space<hbm>>
    tpu.enqueue_dma source(%dma_start3A_163 : memref<1280xi32, #tpu.memory_space<hbm>>) target(%arg5 : memref<1280xi32, #tpu.memory_space<vmem>>) target_semaphore(%arg8 : memref<!tpu.dma_semaphore, #tpu.memory_space<semaphore_mem>>)
    %add3A_164 = arith.constant 10240 : i32
    %add3A_165 = arith.addi %mul3A_2, %add3A_164 : i32
    %dma_start3A_166 = tpu.memref_slice %arg3[%add3A_165] : memref<655360xf32, #tpu.memory_space<hbm>> -> memref<1280xf32, #tpu.memory_space<hbm>>
    %dma_start3A_167 = tpu.memref_slice %arg3[%add3A_165] : memref<655360xf32, #tpu.memory_space<hbm>> -> memref<1280xf32, #tpu.memory_space<hbm>>
    tpu.enqueue_dma source(%dma_start3A_167 : memref<1280xf32, #tpu.memory_space<hbm>>) target(%arg6 : memref<1280xf32, #tpu.memory_space<vmem>>) target_semaphore(%arg8 : memref<!tpu.dma_semaphore, #tpu.memory_space<semaphore_mem>>)
    %dma_wait3A_168 = tpu.memref_slice %arg2[%add3A_161] : memref<655360xi32, #tpu.memory_space<hbm>> -> memref<1280xi32, #tpu.memory_space<hbm>>
    %dma_wait3A_169 = tpu.memref_slice %arg2[%add3A_161] : memref<655360xi32, #tpu.memory_space<hbm>> -> memref<1280xi32, #tpu.memory_space<hbm>>
    tpu.wait_dma2 semaphore(%arg8 : memref<!tpu.dma_semaphore, #tpu.memory_space<semaphore_mem>>) src(%dma_wait3A_169 : memref<1280xi32, #tpu.memory_space<hbm>>) dst(%arg5 : memref<1280xi32, #tpu.memory_space<vmem>>)
    %dma_wait3A_170 = tpu.memref_slice %arg3[%add3A_165] : memref<655360xf32, #tpu.memory_space<hbm>> -> memref<1280xf32, #tpu.memory_space<hbm>>
    %dma_wait3A_171 = tpu.memref_slice %arg3[%add3A_165] : memref<655360xf32, #tpu.memory_space<hbm>> -> memref<1280xf32, #tpu.memory_space<hbm>>
    tpu.wait_dma2 semaphore(%arg8 : memref<!tpu.dma_semaphore, #tpu.memory_space<semaphore_mem>>) src(%dma_wait3A_171 : memref<1280xf32, #tpu.memory_space<hbm>>) dst(%arg6 : memref<1280xf32, #tpu.memory_space<vmem>>)
    %scan3A_172 = arith.constant 0 : i32
    %scan3A_173 = arith.constant 0 : i32
    %scan3A_174 = arith.constant 80 : i32
    %scan3A_175 = arith.addi %scan3A_173, %scan3A_174 : i32
    %scan3A_176 = arith.constant 1 : i32
    %scan3A_177 = scf.for %scan3A_314 = %scan3A_173 to %scan3A_175 step %scan3A_176 iter_args(%scan3A_315 = %scan3A_172) -> (i32)  : i32 {
      %mul3A_316 = arith.constant 16 : i32
      %mul3A_317 = arith.muli %scan3A_314, %mul3A_316 : i32
      %get3A = arith.index_cast %mul3A_317 : i32 to index
      %get3A_318 = tpu.vector_load %arg5[%get3A] {strides = array<i32>} : memref<1280xi32, #tpu.memory_space<vmem>>, vector<16xi32>,
      %mul3A_319 = arith.constant 16 : i32
      %mul3A_320 = arith.muli %scan3A_314, %mul3A_319 : i32
      %get3A_321 = arith.index_cast %mul3A_320 : i32 to index
      %get3A_322 = tpu.vector_load %arg6[%get3A_321] {strides = array<i32>} : memref<1280xf32, #tpu.memory_space<vmem>>, vector<16xf32>,
      tpu.vector_store_idx %arg7[%get3A_318], %get3A_322 {add = true} : memref<10240xf32, #tpu.memory_space<vmem>>[vector<16xi32>], vector<16xf32>,
      %scan3A_323 = arith.constant 0 : i32
      scf.yield %scan3A_323 : i32
    }
    %scan3A_178 = arith.constant 80 : i32
    %add3A_179 = arith.constant 11520 : i32
    %add3A_180 = arith.addi %mul3A_2, %add3A_179 : i32
    %dma_start3A_181 = tpu.memref_slice %arg2[%add3A_180] : memref<655360xi32, #tpu.memory_space<hbm>> -> memref<1280xi32, #tpu.memory_space<hbm>>
    %dma_start3A_182 = tpu.memref_slice %arg2[%add3A_180] : memref<655360xi32, #tpu.memory_space<hbm>> -> memref<1280xi32, #tpu.memory_space<hbm>>
    tpu.enqueue_dma source(%dma_start3A_182 : memref<1280xi32, #tpu.memory_space<hbm>>) target(%arg5 : memref<1280xi32, #tpu.memory_space<vmem>>) target_semaphore(%arg8 : memref<!tpu.dma_semaphore, #tpu.memory_space<semaphore_mem>>)
    %add3A_183 = arith.constant 11520 : i32
    %add3A_184 = arith.addi %mul3A_2, %add3A_183 : i32
    %dma_start3A_185 = tpu.memref_slice %arg3[%add3A_184] : memref<655360xf32, #tpu.memory_space<hbm>> -> memref<1280xf32, #tpu.memory_space<hbm>>
    %dma_start3A_186 = tpu.memref_slice %arg3[%add3A_184] : memref<655360xf32, #tpu.memory_space<hbm>> -> memref<1280xf32, #tpu.memory_space<hbm>>
    tpu.enqueue_dma source(%dma_start3A_186 : memref<1280xf32, #tpu.memory_space<hbm>>) target(%arg6 : memref<1280xf32, #tpu.memory_space<vmem>>) target_semaphore(%arg8 : memref<!tpu.dma_semaphore, #tpu.memory_space<semaphore_mem>>)
    %dma_wait3A_187 = tpu.memref_slice %arg2[%add3A_180] : memref<655360xi32, #tpu.memory_space<hbm>> -> memref<1280xi32, #tpu.memory_space<hbm>>
    %dma_wait3A_188 = tpu.memref_slice %arg2[%add3A_180] : memref<655360xi32, #tpu.memory_space<hbm>> -> memref<1280xi32, #tpu.memory_space<hbm>>
    tpu.wait_dma2 semaphore(%arg8 : memref<!tpu.dma_semaphore, #tpu.memory_space<semaphore_mem>>) src(%dma_wait3A_188 : memref<1280xi32, #tpu.memory_space<hbm>>) dst(%arg5 : memref<1280xi32, #tpu.memory_space<vmem>>)
    %dma_wait3A_189 = tpu.memref_slice %arg3[%add3A_184] : memref<655360xf32, #tpu.memory_space<hbm>> -> memref<1280xf32, #tpu.memory_space<hbm>>
    %dma_wait3A_190 = tpu.memref_slice %arg3[%add3A_184] : memref<655360xf32, #tpu.memory_space<hbm>> -> memref<1280xf32, #tpu.memory_space<hbm>>
    tpu.wait_dma2 semaphore(%arg8 : memref<!tpu.dma_semaphore, #tpu.memory_space<semaphore_mem>>) src(%dma_wait3A_190 : memref<1280xf32, #tpu.memory_space<hbm>>) dst(%arg6 : memref<1280xf32, #tpu.memory_space<vmem>>)
    %scan3A_191 = arith.constant 0 : i32
    %scan3A_192 = arith.constant 0 : i32
    %scan3A_193 = arith.constant 80 : i32
    %scan3A_194 = arith.addi %scan3A_192, %scan3A_193 : i32
    %scan3A_195 = arith.constant 1 : i32
    %scan3A_196 = scf.for %scan3A_314 = %scan3A_192 to %scan3A_194 step %scan3A_195 iter_args(%scan3A_315 = %scan3A_191) -> (i32)  : i32 {
      %mul3A_316 = arith.constant 16 : i32
      %mul3A_317 = arith.muli %scan3A_314, %mul3A_316 : i32
      %get3A = arith.index_cast %mul3A_317 : i32 to index
      %get3A_318 = tpu.vector_load %arg5[%get3A] {strides = array<i32>} : memref<1280xi32, #tpu.memory_space<vmem>>, vector<16xi32>,
      %mul3A_319 = arith.constant 16 : i32
      %mul3A_320 = arith.muli %scan3A_314, %mul3A_319 : i32
      %get3A_321 = arith.index_cast %mul3A_320 : i32 to index
      %get3A_322 = tpu.vector_load %arg6[%get3A_321] {strides = array<i32>} : memref<1280xf32, #tpu.memory_space<vmem>>, vector<16xf32>,
      tpu.vector_store_idx %arg7[%get3A_318], %get3A_322 {add = true} : memref<10240xf32, #tpu.memory_space<vmem>>[vector<16xi32>], vector<16xf32>,
      %scan3A_323 = arith.constant 0 : i32
      scf.yield %scan3A_323 : i32
    }
    %scan3A_197 = arith.constant 80 : i32
    %add3A_198 = arith.constant 12800 : i32
    %add3A_199 = arith.addi %mul3A_2, %add3A_198 : i32
    %dma_start3A_200 = tpu.memref_slice %arg2[%add3A_199] : memref<655360xi32, #tpu.memory_space<hbm>> -> memref<1280xi32, #tpu.memory_space<hbm>>
    %dma_start3A_201 = tpu.memref_slice %arg2[%add3A_199] : memref<655360xi32, #tpu.memory_space<hbm>> -> memref<1280xi32, #tpu.memory_space<hbm>>
    tpu.enqueue_dma source(%dma_start3A_201 : memref<1280xi32, #tpu.memory_space<hbm>>) target(%arg5 : memref<1280xi32, #tpu.memory_space<vmem>>) target_semaphore(%arg8 : memref<!tpu.dma_semaphore, #tpu.memory_space<semaphore_mem>>)
    %add3A_202 = arith.constant 12800 : i32
    %add3A_203 = arith.addi %mul3A_2, %add3A_202 : i32
    %dma_start3A_204 = tpu.memref_slice %arg3[%add3A_203] : memref<655360xf32, #tpu.memory_space<hbm>> -> memref<1280xf32, #tpu.memory_space<hbm>>
    %dma_start3A_205 = tpu.memref_slice %arg3[%add3A_203] : memref<655360xf32, #tpu.memory_space<hbm>> -> memref<1280xf32, #tpu.memory_space<hbm>>
    tpu.enqueue_dma source(%dma_start3A_205 : memref<1280xf32, #tpu.memory_space<hbm>>) target(%arg6 : memref<1280xf32, #tpu.memory_space<vmem>>) target_semaphore(%arg8 : memref<!tpu.dma_semaphore, #tpu.memory_space<semaphore_mem>>)
    %dma_wait3A_206 = tpu.memref_slice %arg2[%add3A_199] : memref<655360xi32, #tpu.memory_space<hbm>> -> memref<1280xi32, #tpu.memory_space<hbm>>
    %dma_wait3A_207 = tpu.memref_slice %arg2[%add3A_199] : memref<655360xi32, #tpu.memory_space<hbm>> -> memref<1280xi32, #tpu.memory_space<hbm>>
    tpu.wait_dma2 semaphore(%arg8 : memref<!tpu.dma_semaphore, #tpu.memory_space<semaphore_mem>>) src(%dma_wait3A_207 : memref<1280xi32, #tpu.memory_space<hbm>>) dst(%arg5 : memref<1280xi32, #tpu.memory_space<vmem>>)
    %dma_wait3A_208 = tpu.memref_slice %arg3[%add3A_203] : memref<655360xf32, #tpu.memory_space<hbm>> -> memref<1280xf32, #tpu.memory_space<hbm>>
    %dma_wait3A_209 = tpu.memref_slice %arg3[%add3A_203] : memref<655360xf32, #tpu.memory_space<hbm>> -> memref<1280xf32, #tpu.memory_space<hbm>>
    tpu.wait_dma2 semaphore(%arg8 : memref<!tpu.dma_semaphore, #tpu.memory_space<semaphore_mem>>) src(%dma_wait3A_209 : memref<1280xf32, #tpu.memory_space<hbm>>) dst(%arg6 : memref<1280xf32, #tpu.memory_space<vmem>>)
    %scan3A_210 = arith.constant 0 : i32
    %scan3A_211 = arith.constant 0 : i32
    %scan3A_212 = arith.constant 80 : i32
    %scan3A_213 = arith.addi %scan3A_211, %scan3A_212 : i32
    %scan3A_214 = arith.constant 1 : i32
    %scan3A_215 = scf.for %scan3A_314 = %scan3A_211 to %scan3A_213 step %scan3A_214 iter_args(%scan3A_315 = %scan3A_210) -> (i32)  : i32 {
      %mul3A_316 = arith.constant 16 : i32
      %mul3A_317 = arith.muli %scan3A_314, %mul3A_316 : i32
      %get3A = arith.index_cast %mul3A_317 : i32 to index
      %get3A_318 = tpu.vector_load %arg5[%get3A] {strides = array<i32>} : memref<1280xi32, #tpu.memory_space<vmem>>, vector<16xi32>,
      %mul3A_319 = arith.constant 16 : i32
      %mul3A_320 = arith.muli %scan3A_314, %mul3A_319 : i32
      %get3A_321 = arith.index_cast %mul3A_320 : i32 to index
      %get3A_322 = tpu.vector_load %arg6[%get3A_321] {strides = array<i32>} : memref<1280xf32, #tpu.memory_space<vmem>>, vector<16xf32>,
      tpu.vector_store_idx %arg7[%get3A_318], %get3A_322 {add = true} : memref<10240xf32, #tpu.memory_space<vmem>>[vector<16xi32>], vector<16xf32>,
      %scan3A_323 = arith.constant 0 : i32
      scf.yield %scan3A_323 : i32
    }
    %scan3A_216 = arith.constant 80 : i32
    %add3A_217 = arith.constant 14080 : i32
    %add3A_218 = arith.addi %mul3A_2, %add3A_217 : i32
    %dma_start3A_219 = tpu.memref_slice %arg2[%add3A_218] : memref<655360xi32, #tpu.memory_space<hbm>> -> memref<1280xi32, #tpu.memory_space<hbm>>
    %dma_start3A_220 = tpu.memref_slice %arg2[%add3A_218] : memref<655360xi32, #tpu.memory_space<hbm>> -> memref<1280xi32, #tpu.memory_space<hbm>>
    tpu.enqueue_dma source(%dma_start3A_220 : memref<1280xi32, #tpu.memory_space<hbm>>) target(%arg5 : memref<1280xi32, #tpu.memory_space<vmem>>) target_semaphore(%arg8 : memref<!tpu.dma_semaphore, #tpu.memory_space<semaphore_mem>>)
    %add3A_221 = arith.constant 14080 : i32
    %add3A_222 = arith.addi %mul3A_2, %add3A_221 : i32
    %dma_start3A_223 = tpu.memref_slice %arg3[%add3A_222] : memref<655360xf32, #tpu.memory_space<hbm>> -> memref<1280xf32, #tpu.memory_space<hbm>>
    %dma_start3A_224 = tpu.memref_slice %arg3[%add3A_222] : memref<655360xf32, #tpu.memory_space<hbm>> -> memref<1280xf32, #tpu.memory_space<hbm>>
    tpu.enqueue_dma source(%dma_start3A_224 : memref<1280xf32, #tpu.memory_space<hbm>>) target(%arg6 : memref<1280xf32, #tpu.memory_space<vmem>>) target_semaphore(%arg8 : memref<!tpu.dma_semaphore, #tpu.memory_space<semaphore_mem>>)
    %dma_wait3A_225 = tpu.memref_slice %arg2[%add3A_218] : memref<655360xi32, #tpu.memory_space<hbm>> -> memref<1280xi32, #tpu.memory_space<hbm>>
    %dma_wait3A_226 = tpu.memref_slice %arg2[%add3A_218] : memref<655360xi32, #tpu.memory_space<hbm>> -> memref<1280xi32, #tpu.memory_space<hbm>>
    tpu.wait_dma2 semaphore(%arg8 : memref<!tpu.dma_semaphore, #tpu.memory_space<semaphore_mem>>) src(%dma_wait3A_226 : memref<1280xi32, #tpu.memory_space<hbm>>) dst(%arg5 : memref<1280xi32, #tpu.memory_space<vmem>>)
    %dma_wait3A_227 = tpu.memref_slice %arg3[%add3A_222] : memref<655360xf32, #tpu.memory_space<hbm>> -> memref<1280xf32, #tpu.memory_space<hbm>>
    %dma_wait3A_228 = tpu.memref_slice %arg3[%add3A_222] : memref<655360xf32, #tpu.memory_space<hbm>> -> memref<1280xf32, #tpu.memory_space<hbm>>
    tpu.wait_dma2 semaphore(%arg8 : memref<!tpu.dma_semaphore, #tpu.memory_space<semaphore_mem>>) src(%dma_wait3A_228 : memref<1280xf32, #tpu.memory_space<hbm>>) dst(%arg6 : memref<1280xf32, #tpu.memory_space<vmem>>)
    %scan3A_229 = arith.constant 0 : i32
    %scan3A_230 = arith.constant 0 : i32
    %scan3A_231 = arith.constant 80 : i32
    %scan3A_232 = arith.addi %scan3A_230, %scan3A_231 : i32
    %scan3A_233 = arith.constant 1 : i32
    %scan3A_234 = scf.for %scan3A_314 = %scan3A_230 to %scan3A_232 step %scan3A_233 iter_args(%scan3A_315 = %scan3A_229) -> (i32)  : i32 {
      %mul3A_316 = arith.constant 16 : i32
      %mul3A_317 = arith.muli %scan3A_314, %mul3A_316 : i32
      %get3A = arith.index_cast %mul3A_317 : i32 to index
      %get3A_318 = tpu.vector_load %arg5[%get3A] {strides = array<i32>} : memref<1280xi32, #tpu.memory_space<vmem>>, vector<16xi32>,
      %mul3A_319 = arith.constant 16 : i32
      %mul3A_320 = arith.muli %scan3A_314, %mul3A_319 : i32
      %get3A_321 = arith.index_cast %mul3A_320 : i32 to index
      %get3A_322 = tpu.vector_load %arg6[%get3A_321] {strides = array<i32>} : memref<1280xf32, #tpu.memory_space<vmem>>, vector<16xf32>,
      tpu.vector_store_idx %arg7[%get3A_318], %get3A_322 {add = true} : memref<10240xf32, #tpu.memory_space<vmem>>[vector<16xi32>], vector<16xf32>,
      %scan3A_323 = arith.constant 0 : i32
      scf.yield %scan3A_323 : i32
    }
    %scan3A_235 = arith.constant 80 : i32
    %add3A_236 = arith.constant 15360 : i32
    %add3A_237 = arith.addi %mul3A_2, %add3A_236 : i32
    %dma_start3A_238 = tpu.memref_slice %arg2[%add3A_237] : memref<655360xi32, #tpu.memory_space<hbm>> -> memref<1280xi32, #tpu.memory_space<hbm>>
    %dma_start3A_239 = tpu.memref_slice %arg2[%add3A_237] : memref<655360xi32, #tpu.memory_space<hbm>> -> memref<1280xi32, #tpu.memory_space<hbm>>
    tpu.enqueue_dma source(%dma_start3A_239 : memref<1280xi32, #tpu.memory_space<hbm>>) target(%arg5 : memref<1280xi32, #tpu.memory_space<vmem>>) target_semaphore(%arg8 : memref<!tpu.dma_semaphore, #tpu.memory_space<semaphore_mem>>)
    %add3A_240 = arith.constant 15360 : i32
    %add3A_241 = arith.addi %mul3A_2, %add3A_240 : i32
    %dma_start3A_242 = tpu.memref_slice %arg3[%add3A_241] : memref<655360xf32, #tpu.memory_space<hbm>> -> memref<1280xf32, #tpu.memory_space<hbm>>
    %dma_start3A_243 = tpu.memref_slice %arg3[%add3A_241] : memref<655360xf32, #tpu.memory_space<hbm>> -> memref<1280xf32, #tpu.memory_space<hbm>>
    tpu.enqueue_dma source(%dma_start3A_243 : memref<1280xf32, #tpu.memory_space<hbm>>) target(%arg6 : memref<1280xf32, #tpu.memory_space<vmem>>) target_semaphore(%arg8 : memref<!tpu.dma_semaphore, #tpu.memory_space<semaphore_mem>>)
    %dma_wait3A_244 = tpu.memref_slice %arg2[%add3A_237] : memref<655360xi32, #tpu.memory_space<hbm>> -> memref<1280xi32, #tpu.memory_space<hbm>>
    %dma_wait3A_245 = tpu.memref_slice %arg2[%add3A_237] : memref<655360xi32, #tpu.memory_space<hbm>> -> memref<1280xi32, #tpu.memory_space<hbm>>
    tpu.wait_dma2 semaphore(%arg8 : memref<!tpu.dma_semaphore, #tpu.memory_space<semaphore_mem>>) src(%dma_wait3A_245 : memref<1280xi32, #tpu.memory_space<hbm>>) dst(%arg5 : memref<1280xi32, #tpu.memory_space<vmem>>)
    %dma_wait3A_246 = tpu.memref_slice %arg3[%add3A_241] : memref<655360xf32, #tpu.memory_space<hbm>> -> memref<1280xf32, #tpu.memory_space<hbm>>
    %dma_wait3A_247 = tpu.memref_slice %arg3[%add3A_241] : memref<655360xf32, #tpu.memory_space<hbm>> -> memref<1280xf32, #tpu.memory_space<hbm>>
    tpu.wait_dma2 semaphore(%arg8 : memref<!tpu.dma_semaphore, #tpu.memory_space<semaphore_mem>>) src(%dma_wait3A_247 : memref<1280xf32, #tpu.memory_space<hbm>>) dst(%arg6 : memref<1280xf32, #tpu.memory_space<vmem>>)
    %scan3A_248 = arith.constant 0 : i32
    %scan3A_249 = arith.constant 0 : i32
    %scan3A_250 = arith.constant 80 : i32
    %scan3A_251 = arith.addi %scan3A_249, %scan3A_250 : i32
    %scan3A_252 = arith.constant 1 : i32
    %scan3A_253 = scf.for %scan3A_314 = %scan3A_249 to %scan3A_251 step %scan3A_252 iter_args(%scan3A_315 = %scan3A_248) -> (i32)  : i32 {
      %mul3A_316 = arith.constant 16 : i32
      %mul3A_317 = arith.muli %scan3A_314, %mul3A_316 : i32
      %get3A = arith.index_cast %mul3A_317 : i32 to index
      %get3A_318 = tpu.vector_load %arg5[%get3A] {strides = array<i32>} : memref<1280xi32, #tpu.memory_space<vmem>>, vector<16xi32>,
      %mul3A_319 = arith.constant 16 : i32
      %mul3A_320 = arith.muli %scan3A_314, %mul3A_319 : i32
      %get3A_321 = arith.index_cast %mul3A_320 : i32 to index
      %get3A_322 = tpu.vector_load %arg6[%get3A_321] {strides = array<i32>} : memref<1280xf32, #tpu.memory_space<vmem>>, vector<16xf32>,
      tpu.vector_store_idx %arg7[%get3A_318], %get3A_322 {add = true} : memref<10240xf32, #tpu.memory_space<vmem>>[vector<16xi32>], vector<16xf32>,
      %scan3A_323 = arith.constant 0 : i32
      scf.yield %scan3A_323 : i32
    }
    %scan3A_254 = arith.constant 80 : i32
    %add3A_255 = arith.constant 16640 : i32
    %add3A_256 = arith.addi %mul3A_2, %add3A_255 : i32
    %dma_start3A_257 = tpu.memref_slice %arg2[%add3A_256] : memref<655360xi32, #tpu.memory_space<hbm>> -> memref<1280xi32, #tpu.memory_space<hbm>>
    %dma_start3A_258 = tpu.memref_slice %arg2[%add3A_256] : memref<655360xi32, #tpu.memory_space<hbm>> -> memref<1280xi32, #tpu.memory_space<hbm>>
    tpu.enqueue_dma source(%dma_start3A_258 : memref<1280xi32, #tpu.memory_space<hbm>>) target(%arg5 : memref<1280xi32, #tpu.memory_space<vmem>>) target_semaphore(%arg8 : memref<!tpu.dma_semaphore, #tpu.memory_space<semaphore_mem>>)
    %add3A_259 = arith.constant 16640 : i32
    %add3A_260 = arith.addi %mul3A_2, %add3A_259 : i32
    %dma_start3A_261 = tpu.memref_slice %arg3[%add3A_260] : memref<655360xf32, #tpu.memory_space<hbm>> -> memref<1280xf32, #tpu.memory_space<hbm>>
    %dma_start3A_262 = tpu.memref_slice %arg3[%add3A_260] : memref<655360xf32, #tpu.memory_space<hbm>> -> memref<1280xf32, #tpu.memory_space<hbm>>
    tpu.enqueue_dma source(%dma_start3A_262 : memref<1280xf32, #tpu.memory_space<hbm>>) target(%arg6 : memref<1280xf32, #tpu.memory_space<vmem>>) target_semaphore(%arg8 : memref<!tpu.dma_semaphore, #tpu.memory_space<semaphore_mem>>)
    %dma_wait3A_263 = tpu.memref_slice %arg2[%add3A_256] : memref<655360xi32, #tpu.memory_space<hbm>> -> memref<1280xi32, #tpu.memory_space<hbm>>
    %dma_wait3A_264 = tpu.memref_slice %arg2[%add3A_256] : memref<655360xi32, #tpu.memory_space<hbm>> -> memref<1280xi32, #tpu.memory_space<hbm>>
    tpu.wait_dma2 semaphore(%arg8 : memref<!tpu.dma_semaphore, #tpu.memory_space<semaphore_mem>>) src(%dma_wait3A_264 : memref<1280xi32, #tpu.memory_space<hbm>>) dst(%arg5 : memref<1280xi32, #tpu.memory_space<vmem>>)
    %dma_wait3A_265 = tpu.memref_slice %arg3[%add3A_260] : memref<655360xf32, #tpu.memory_space<hbm>> -> memref<1280xf32, #tpu.memory_space<hbm>>
    %dma_wait3A_266 = tpu.memref_slice %arg3[%add3A_260] : memref<655360xf32, #tpu.memory_space<hbm>> -> memref<1280xf32, #tpu.memory_space<hbm>>
    tpu.wait_dma2 semaphore(%arg8 : memref<!tpu.dma_semaphore, #tpu.memory_space<semaphore_mem>>) src(%dma_wait3A_266 : memref<1280xf32, #tpu.memory_space<hbm>>) dst(%arg6 : memref<1280xf32, #tpu.memory_space<vmem>>)
    %scan3A_267 = arith.constant 0 : i32
    %scan3A_268 = arith.constant 0 : i32
    %scan3A_269 = arith.constant 80 : i32
    %scan3A_270 = arith.addi %scan3A_268, %scan3A_269 : i32
    %scan3A_271 = arith.constant 1 : i32
    %scan3A_272 = scf.for %scan3A_314 = %scan3A_268 to %scan3A_270 step %scan3A_271 iter_args(%scan3A_315 = %scan3A_267) -> (i32)  : i32 {
      %mul3A_316 = arith.constant 16 : i32
      %mul3A_317 = arith.muli %scan3A_314, %mul3A_316 : i32
      %get3A = arith.index_cast %mul3A_317 : i32 to index
      %get3A_318 = tpu.vector_load %arg5[%get3A] {strides = array<i32>} : memref<1280xi32, #tpu.memory_space<vmem>>, vector<16xi32>,
      %mul3A_319 = arith.constant 16 : i32
      %mul3A_320 = arith.muli %scan3A_314, %mul3A_319 : i32
      %get3A_321 = arith.index_cast %mul3A_320 : i32 to index
      %get3A_322 = tpu.vector_load %arg6[%get3A_321] {strides = array<i32>} : memref<1280xf32, #tpu.memory_space<vmem>>, vector<16xf32>,
      tpu.vector_store_idx %arg7[%get3A_318], %get3A_322 {add = true} : memref<10240xf32, #tpu.memory_space<vmem>>[vector<16xi32>], vector<16xf32>,
      %scan3A_323 = arith.constant 0 : i32
      scf.yield %scan3A_323 : i32
    }
    %scan3A_273 = arith.constant 80 : i32
    %add3A_274 = arith.constant 17920 : i32
    %add3A_275 = arith.addi %mul3A_2, %add3A_274 : i32
    %dma_start3A_276 = tpu.memref_slice %arg2[%add3A_275] : memref<655360xi32, #tpu.memory_space<hbm>> -> memref<1280xi32, #tpu.memory_space<hbm>>
    %dma_start3A_277 = tpu.memref_slice %arg2[%add3A_275] : memref<655360xi32, #tpu.memory_space<hbm>> -> memref<1280xi32, #tpu.memory_space<hbm>>
    tpu.enqueue_dma source(%dma_start3A_277 : memref<1280xi32, #tpu.memory_space<hbm>>) target(%arg5 : memref<1280xi32, #tpu.memory_space<vmem>>) target_semaphore(%arg8 : memref<!tpu.dma_semaphore, #tpu.memory_space<semaphore_mem>>)
    %add3A_278 = arith.constant 17920 : i32
    %add3A_279 = arith.addi %mul3A_2, %add3A_278 : i32
    %dma_start3A_280 = tpu.memref_slice %arg3[%add3A_279] : memref<655360xf32, #tpu.memory_space<hbm>> -> memref<1280xf32, #tpu.memory_space<hbm>>
    %dma_start3A_281 = tpu.memref_slice %arg3[%add3A_279] : memref<655360xf32, #tpu.memory_space<hbm>> -> memref<1280xf32, #tpu.memory_space<hbm>>
    tpu.enqueue_dma source(%dma_start3A_281 : memref<1280xf32, #tpu.memory_space<hbm>>) target(%arg6 : memref<1280xf32, #tpu.memory_space<vmem>>) target_semaphore(%arg8 : memref<!tpu.dma_semaphore, #tpu.memory_space<semaphore_mem>>)
    %dma_wait3A_282 = tpu.memref_slice %arg2[%add3A_275] : memref<655360xi32, #tpu.memory_space<hbm>> -> memref<1280xi32, #tpu.memory_space<hbm>>
    %dma_wait3A_283 = tpu.memref_slice %arg2[%add3A_275] : memref<655360xi32, #tpu.memory_space<hbm>> -> memref<1280xi32, #tpu.memory_space<hbm>>
    tpu.wait_dma2 semaphore(%arg8 : memref<!tpu.dma_semaphore, #tpu.memory_space<semaphore_mem>>) src(%dma_wait3A_283 : memref<1280xi32, #tpu.memory_space<hbm>>) dst(%arg5 : memref<1280xi32, #tpu.memory_space<vmem>>)
    %dma_wait3A_284 = tpu.memref_slice %arg3[%add3A_279] : memref<655360xf32, #tpu.memory_space<hbm>> -> memref<1280xf32, #tpu.memory_space<hbm>>
    %dma_wait3A_285 = tpu.memref_slice %arg3[%add3A_279] : memref<655360xf32, #tpu.memory_space<hbm>> -> memref<1280xf32, #tpu.memory_space<hbm>>
    tpu.wait_dma2 semaphore(%arg8 : memref<!tpu.dma_semaphore, #tpu.memory_space<semaphore_mem>>) src(%dma_wait3A_285 : memref<1280xf32, #tpu.memory_space<hbm>>) dst(%arg6 : memref<1280xf32, #tpu.memory_space<vmem>>)
    %scan3A_286 = arith.constant 0 : i32
    %scan3A_287 = arith.constant 0 : i32
    %scan3A_288 = arith.constant 80 : i32
    %scan3A_289 = arith.addi %scan3A_287, %scan3A_288 : i32
    %scan3A_290 = arith.constant 1 : i32
    %scan3A_291 = scf.for %scan3A_314 = %scan3A_287 to %scan3A_289 step %scan3A_290 iter_args(%scan3A_315 = %scan3A_286) -> (i32)  : i32 {
      %mul3A_316 = arith.constant 16 : i32
      %mul3A_317 = arith.muli %scan3A_314, %mul3A_316 : i32
      %get3A = arith.index_cast %mul3A_317 : i32 to index
      %get3A_318 = tpu.vector_load %arg5[%get3A] {strides = array<i32>} : memref<1280xi32, #tpu.memory_space<vmem>>, vector<16xi32>,
      %mul3A_319 = arith.constant 16 : i32
      %mul3A_320 = arith.muli %scan3A_314, %mul3A_319 : i32
      %get3A_321 = arith.index_cast %mul3A_320 : i32 to index
      %get3A_322 = tpu.vector_load %arg6[%get3A_321] {strides = array<i32>} : memref<1280xf32, #tpu.memory_space<vmem>>, vector<16xf32>,
      tpu.vector_store_idx %arg7[%get3A_318], %get3A_322 {add = true} : memref<10240xf32, #tpu.memory_space<vmem>>[vector<16xi32>], vector<16xf32>,
      %scan3A_323 = arith.constant 0 : i32
      scf.yield %scan3A_323 : i32
    }
    %scan3A_292 = arith.constant 80 : i32
    %add3A_293 = arith.constant 19200 : i32
    %add3A_294 = arith.addi %mul3A_2, %add3A_293 : i32
    %dma_start3A_295 = tpu.memref_slice %arg2[%add3A_294] : memref<655360xi32, #tpu.memory_space<hbm>> -> memref<1280xi32, #tpu.memory_space<hbm>>
    %dma_start3A_296 = tpu.memref_slice %arg2[%add3A_294] : memref<655360xi32, #tpu.memory_space<hbm>> -> memref<1280xi32, #tpu.memory_space<hbm>>
    tpu.enqueue_dma source(%dma_start3A_296 : memref<1280xi32, #tpu.memory_space<hbm>>) target(%arg5 : memref<1280xi32, #tpu.memory_space<vmem>>) target_semaphore(%arg8 : memref<!tpu.dma_semaphore, #tpu.memory_space<semaphore_mem>>)
    %add3A_297 = arith.constant 19200 : i32
    %add3A_298 = arith.addi %mul3A_2, %add3A_297 : i32
    %dma_start3A_299 = tpu.memref_slice %arg3[%add3A_298] : memref<655360xf32, #tpu.memory_space<hbm>> -> memref<1280xf32, #tpu.memory_space<hbm>>
    %dma_start3A_300 = tpu.memref_slice %arg3[%add3A_298] : memref<655360xf32, #tpu.memory_space<hbm>> -> memref<1280xf32, #tpu.memory_space<hbm>>
    tpu.enqueue_dma source(%dma_start3A_300 : memref<1280xf32, #tpu.memory_space<hbm>>) target(%arg6 : memref<1280xf32, #tpu.memory_space<vmem>>) target_semaphore(%arg8 : memref<!tpu.dma_semaphore, #tpu.memory_space<semaphore_mem>>)
    %dma_wait3A_301 = tpu.memref_slice %arg2[%add3A_294] : memref<655360xi32, #tpu.memory_space<hbm>> -> memref<1280xi32, #tpu.memory_space<hbm>>
    %dma_wait3A_302 = tpu.memref_slice %arg2[%add3A_294] : memref<655360xi32, #tpu.memory_space<hbm>> -> memref<1280xi32, #tpu.memory_space<hbm>>
    tpu.wait_dma2 semaphore(%arg8 : memref<!tpu.dma_semaphore, #tpu.memory_space<semaphore_mem>>) src(%dma_wait3A_302 : memref<1280xi32, #tpu.memory_space<hbm>>) dst(%arg5 : memref<1280xi32, #tpu.memory_space<vmem>>)
    %dma_wait3A_303 = tpu.memref_slice %arg3[%add3A_298] : memref<655360xf32, #tpu.memory_space<hbm>> -> memref<1280xf32, #tpu.memory_space<hbm>>
    %dma_wait3A_304 = tpu.memref_slice %arg3[%add3A_298] : memref<655360xf32, #tpu.memory_space<hbm>> -> memref<1280xf32, #tpu.memory_space<hbm>>
    tpu.wait_dma2 semaphore(%arg8 : memref<!tpu.dma_semaphore, #tpu.memory_space<semaphore_mem>>) src(%dma_wait3A_304 : memref<1280xf32, #tpu.memory_space<hbm>>) dst(%arg6 : memref<1280xf32, #tpu.memory_space<vmem>>)
    %scan3A_305 = arith.constant 0 : i32
    %scan3A_306 = arith.constant 0 : i32
    %scan3A_307 = arith.constant 80 : i32
    %scan3A_308 = arith.addi %scan3A_306, %scan3A_307 : i32
    %scan3A_309 = arith.constant 1 : i32
    %scan3A_310 = scf.for %scan3A_314 = %scan3A_306 to %scan3A_308 step %scan3A_309 iter_args(%scan3A_315 = %scan3A_305) -> (i32)  : i32 {
      %mul3A_316 = arith.constant 16 : i32
      %mul3A_317 = arith.muli %scan3A_314, %mul3A_316 : i32
      %get3A = arith.index_cast %mul3A_317 : i32 to index
      %get3A_318 = tpu.vector_load %arg5[%get3A] {strides = array<i32>} : memref<1280xi32, #tpu.memory_space<vmem>>, vector<16xi32>,
      %mul3A_319 = arith.constant 16 : i32
      %mul3A_320 = arith.muli %scan3A_314, %mul3A_319 : i32
      %get3A_321 = arith.index_cast %mul3A_320 : i32 to index
      %get3A_322 = tpu.vector_load %arg6[%get3A_321] {strides = array<i32>} : memref<1280xf32, #tpu.memory_space<vmem>>, vector<16xf32>,
      tpu.vector_store_idx %arg7[%get3A_318], %get3A_322 {add = true} : memref<10240xf32, #tpu.memory_space<vmem>>[vector<16xi32>], vector<16xf32>,
      %scan3A_323 = arith.constant 0 : i32
      scf.yield %scan3A_323 : i32
    }
    %scan3A_311 = arith.constant 80 : i32
    %mul3A_312 = arith.constant 10240 : i32
    %mul3A_313 = arith.muli %add3A, %mul3A_312 : i32
    "tpu.region"() ({
      %run_scoped3A = tpu.sem_alloc : memref<!tpu.dma_semaphore, #tpu.memory_space<semaphore_mem>>
      %dma_start3A_314 = tpu.memref_slice %arg4[%mul3A_313] : memref<327680xf32, #tpu.memory_space<hbm>> -> memref<10240xf32, #tpu.memory_space<hbm>>
      %dma_start3A_315 = tpu.memref_slice %arg4[%mul3A_313] : memref<327680xf32, #tpu.memory_space<hbm>> -> memref<10240xf32, #tpu.memory_space<hbm>>
      tpu.enqueue_dma source(%arg7 : memref<10240xf32, #tpu.memory_space<vmem>>) target(%dma_start3A_315 : memref<10240xf32, #tpu.memory_space<hbm>>) target_semaphore(%run_scoped3A : memref<!tpu.dma_semaphore, #tpu.memory_space<semaphore_mem>>)
      %dma_wait3A_316 = tpu.memref_slice %arg4[%mul3A_313] : memref<327680xf32, #tpu.memory_space<hbm>> -> memref<10240xf32, #tpu.memory_space<hbm>>
      %dma_wait3A_317 = tpu.memref_slice %arg4[%mul3A_313] : memref<327680xf32, #tpu.memory_space<hbm>> -> memref<10240xf32, #tpu.memory_space<hbm>>
      tpu.wait_dma2 semaphore(%run_scoped3A : memref<!tpu.dma_semaphore, #tpu.memory_space<semaphore_mem>>) src(%arg7 : memref<10240xf32, #tpu.memory_space<vmem>>) dst(%dma_wait3A_317 : memref<10240xf32, #tpu.memory_space<hbm>>)
      tpu.yield
    }) : () -> ()
    return
  }
}

#map = affine_map<(d0, d1) -> (0, 0)>
#map1 = affine_map<(d0, d1) -> (0, 0, 0)>
module attributes {stable_mosaic.version = 14 : i64} {
  func.func @_agg_kernel(%arg0: i32, %arg1: i32, %arg2: memref<8192x80xi32, #tpu.memory_space<hbm>>, %arg3: memref<8192x80xi32, #tpu.memory_space<hbm>>, %arg4: memref<8192x80xf32, #tpu.memory_space<hbm>>, %arg5: memref<10240x128xf32, #tpu.memory_space<hbm>>, %arg6: memref<2x10240x128xf32, #tpu.memory_space<hbm>>, %arg7: memref<16x80xi32, #tpu.memory_space<vmem>>, %arg8: memref<16x80xi32, #tpu.memory_space<vmem>>, %arg9: memref<16x80xf32, #tpu.memory_space<vmem>>, %arg10: memref<80x128xf32, #tpu.memory_space<vmem>>, %arg11: memref<80x128xf32, #tpu.memory_space<vmem>>, %arg12: memref<10240x128xf32, #tpu.memory_space<vmem_shared>>, %arg13: memref<!tpu.dma_semaphore, #tpu.memory_space<semaphore_mem>>, %arg14: memref<!tpu.dma_semaphore, #tpu.memory_space<semaphore_mem>>) attributes {dimension_semantics = [#tpu.dimension_semantics<core_parallel>, #tpu.dimension_semantics<subcore_parallel>], iteration_bounds = array<i64: 2, 16>, scalar_prefetch = 0 : i64, scratch_operands = 8 : i64, tpu.core_type = #tpu.core_type<sc_vector_subcore>, window_params = [{transform_indices = #map}, {transform_indices = #map}, {transform_indices = #map}, {transform_indices = #map}, {transform_indices = #map1}]} {
    %eq3A = arith.constant 0 : i32
    %eq3A_0 = arith.cmpi eq, %arg0, %eq3A : i32
    %mul3A = arith.constant 320 : i32
    %mul3A_1 = arith.muli %arg1, %mul3A : i32
    %mul3A_2 = arith.constant 192 : i32
    %mul3A_3 = arith.muli %arg1, %mul3A_2 : i32
    %add3A = arith.constant 5120 : i32
    %add3A_4 = arith.addi %add3A, %mul3A_3 : i32
    %select_n3A = arith.select %eq3A_0, %mul3A_1, %add3A_4 : i32
    %eq3A_5 = arith.constant 0 : i32
    %eq3A_6 = arith.cmpi eq, %arg0, %eq3A_5 : i32
    %jit3A = arith.constant 20 : i32
    %jit3A_7 = arith.constant 12 : i32
    %select_n3A_8 = arith.select %eq3A_6, %jit3A, %jit3A_7 : i32
    %broadcast_in_dim3A = arith.constant 0.000000e+00 : f32
    %broadcast_in_dim3A_9 = vector.broadcast %broadcast_in_dim3A : f32 to vector<16xf32>
    %scan3A = arith.constant 0 : i32
    %scan3A_10 = arith.constant 0 : i32
    %scan3A_11 = arith.constant 80 : i32
    %scan3A_12 = arith.addi %scan3A_10, %scan3A_11 : i32
    %scan3A_13 = arith.constant 1 : i32
    %scan3A_14 = scf.for %scan3A_64 = %scan3A_10 to %scan3A_12 step %scan3A_13 iter_args(%scan3A_65 = %scan3A) -> (i32)  : i32 {
      %swap3A = arith.index_cast %scan3A_64 : i32 to index
      %swap3A_66 = arith.constant 0 : index
      %swap3A_67 = tpu.vector_load %arg10[%swap3A, %swap3A_66] {strides = array<i32>} : memref<80x128xf32, #tpu.memory_space<vmem>>, vector<16xf32>,
      tpu.vector_store %arg10[%swap3A, %swap3A_66], %broadcast_in_dim3A_9 {strides = array<i32>} : memref<80x128xf32, #tpu.memory_space<vmem>>, vector<16xf32>,
      %swap3A_68 = arith.index_cast %scan3A_64 : i32 to index
      %swap3A_69 = arith.constant 16 : index
      %swap3A_70 = tpu.vector_load %arg10[%swap3A_68, %swap3A_69] {strides = array<i32>} : memref<80x128xf32, #tpu.memory_space<vmem>>, vector<16xf32>,
      tpu.vector_store %arg10[%swap3A_68, %swap3A_69], %broadcast_in_dim3A_9 {strides = array<i32>} : memref<80x128xf32, #tpu.memory_space<vmem>>, vector<16xf32>,
      %swap3A_71 = arith.index_cast %scan3A_64 : i32 to index
      %swap3A_72 = arith.constant 32 : index
      %swap3A_73 = tpu.vector_load %arg10[%swap3A_71, %swap3A_72] {strides = array<i32>} : memref<80x128xf32, #tpu.memory_space<vmem>>, vector<16xf32>,
      tpu.vector_store %arg10[%swap3A_71, %swap3A_72], %broadcast_in_dim3A_9 {strides = array<i32>} : memref<80x128xf32, #tpu.memory_space<vmem>>, vector<16xf32>,
      %swap3A_74 = arith.index_cast %scan3A_64 : i32 to index
      %swap3A_75 = arith.constant 48 : index
      %swap3A_76 = tpu.vector_load %arg10[%swap3A_74, %swap3A_75] {strides = array<i32>} : memref<80x128xf32, #tpu.memory_space<vmem>>, vector<16xf32>,
      tpu.vector_store %arg10[%swap3A_74, %swap3A_75], %broadcast_in_dim3A_9 {strides = array<i32>} : memref<80x128xf32, #tpu.memory_space<vmem>>, vector<16xf32>,
      %swap3A_77 = arith.index_cast %scan3A_64 : i32 to index
      %swap3A_78 = arith.constant 64 : index
      %swap3A_79 = tpu.vector_load %arg10[%swap3A_77, %swap3A_78] {strides = array<i32>} : memref<80x128xf32, #tpu.memory_space<vmem>>, vector<16xf32>,
      tpu.vector_store %arg10[%swap3A_77, %swap3A_78], %broadcast_in_dim3A_9 {strides = array<i32>} : memref<80x128xf32, #tpu.memory_space<vmem>>, vector<16xf32>,
      %swap3A_80 = arith.index_cast %scan3A_64 : i32 to index
      %swap3A_81 = arith.constant 80 : index
      %swap3A_82 = tpu.vector_load %arg10[%swap3A_80, %swap3A_81] {strides = array<i32>} : memref<80x128xf32, #tpu.memory_space<vmem>>, vector<16xf32>,
      tpu.vector_store %arg10[%swap3A_80, %swap3A_81], %broadcast_in_dim3A_9 {strides = array<i32>} : memref<80x128xf32, #tpu.memory_space<vmem>>, vector<16xf32>,
      %swap3A_83 = arith.index_cast %scan3A_64 : i32 to index
      %swap3A_84 = arith.constant 96 : index
      %swap3A_85 = tpu.vector_load %arg10[%swap3A_83, %swap3A_84] {strides = array<i32>} : memref<80x128xf32, #tpu.memory_space<vmem>>, vector<16xf32>,
      tpu.vector_store %arg10[%swap3A_83, %swap3A_84], %broadcast_in_dim3A_9 {strides = array<i32>} : memref<80x128xf32, #tpu.memory_space<vmem>>, vector<16xf32>,
      %swap3A_86 = arith.index_cast %scan3A_64 : i32 to index
      %swap3A_87 = arith.constant 112 : index
      %swap3A_88 = tpu.vector_load %arg10[%swap3A_86, %swap3A_87] {strides = array<i32>} : memref<80x128xf32, #tpu.memory_space<vmem>>, vector<16xf32>,
      tpu.vector_store %arg10[%swap3A_86, %swap3A_87], %broadcast_in_dim3A_9 {strides = array<i32>} : memref<80x128xf32, #tpu.memory_space<vmem>>, vector<16xf32>,
      %scan3A_89 = arith.constant 0 : i32
      scf.yield %scan3A_89 : i32
    }
    %scan3A_15 = arith.constant 80 : i32
    %mul3A_16 = arith.constant 640 : i32
    %mul3A_17 = arith.muli %arg1, %mul3A_16 : i32
    %add3A_18 = arith.constant 0 : i32
    %add3A_19 = arith.addi %mul3A_17, %add3A_18 : i32
    "tpu.region"() ({
      %run_scoped3A = tpu.sem_alloc : memref<!tpu.dma_semaphore, #tpu.memory_space<semaphore_mem>>
      %dma_start3A = arith.constant 0 : i32
      %dma_start3A_64 = tpu.memref_slice %arg12[%add3A_19, %dma_start3A] : memref<10240x128xf32, #tpu.memory_space<vmem_shared>> -> memref<80x128xf32, #tpu.memory_space<vmem_shared>>
      %dma_start3A_65 = arith.constant 0 : i32
      %dma_start3A_66 = tpu.memref_slice %arg12[%add3A_19, %dma_start3A_65] : memref<10240x128xf32, #tpu.memory_space<vmem_shared>> -> memref<80x128xf32, #tpu.memory_space<vmem_shared>>
      tpu.enqueue_dma source(%arg10 : memref<80x128xf32, #tpu.memory_space<vmem>>) target(%dma_start3A_66 : memref<80x128xf32, #tpu.memory_space<vmem_shared>>) target_semaphore(%run_scoped3A : memref<!tpu.dma_semaphore, #tpu.memory_space<semaphore_mem>>)
      %dma_wait3A = arith.constant 0 : i32
      %dma_wait3A_67 = tpu.memref_slice %arg12[%add3A_19, %dma_wait3A] : memref<10240x128xf32, #tpu.memory_space<vmem_shared>> -> memref<80x128xf32, #tpu.memory_space<vmem_shared>>
      %dma_wait3A_68 = arith.constant 0 : i32
      %dma_wait3A_69 = tpu.memref_slice %arg12[%add3A_19, %dma_wait3A_68] : memref<10240x128xf32, #tpu.memory_space<vmem_shared>> -> memref<80x128xf32, #tpu.memory_space<vmem_shared>>
      tpu.wait_dma2 semaphore(%run_scoped3A : memref<!tpu.dma_semaphore, #tpu.memory_space<semaphore_mem>>) src(%arg10 : memref<80x128xf32, #tpu.memory_space<vmem>>) dst(%dma_wait3A_69 : memref<80x128xf32, #tpu.memory_space<vmem_shared>>)
      tpu.yield
    }) : () -> ()
    %mul3A_20 = arith.constant 640 : i32
    %mul3A_21 = arith.muli %arg1, %mul3A_20 : i32
    %add3A_22 = arith.constant 80 : i32
    %add3A_23 = arith.addi %mul3A_21, %add3A_22 : i32
    "tpu.region"() ({
      %run_scoped3A = tpu.sem_alloc : memref<!tpu.dma_semaphore, #tpu.memory_space<semaphore_mem>>
      %dma_start3A = arith.constant 0 : i32
      %dma_start3A_64 = tpu.memref_slice %arg12[%add3A_23, %dma_start3A] : memref<10240x128xf32, #tpu.memory_space<vmem_shared>> -> memref<80x128xf32, #tpu.memory_space<vmem_shared>>
      %dma_start3A_65 = arith.constant 0 : i32
      %dma_start3A_66 = tpu.memref_slice %arg12[%add3A_23, %dma_start3A_65] : memref<10240x128xf32, #tpu.memory_space<vmem_shared>> -> memref<80x128xf32, #tpu.memory_space<vmem_shared>>
      tpu.enqueue_dma source(%arg10 : memref<80x128xf32, #tpu.memory_space<vmem>>) target(%dma_start3A_66 : memref<80x128xf32, #tpu.memory_space<vmem_shared>>) target_semaphore(%run_scoped3A : memref<!tpu.dma_semaphore, #tpu.memory_space<semaphore_mem>>)
      %dma_wait3A = arith.constant 0 : i32
      %dma_wait3A_67 = tpu.memref_slice %arg12[%add3A_23, %dma_wait3A] : memref<10240x128xf32, #tpu.memory_space<vmem_shared>> -> memref<80x128xf32, #tpu.memory_space<vmem_shared>>
      %dma_wait3A_68 = arith.constant 0 : i32
      %dma_wait3A_69 = tpu.memref_slice %arg12[%add3A_23, %dma_wait3A_68] : memref<10240x128xf32, #tpu.memory_space<vmem_shared>> -> memref<80x128xf32, #tpu.memory_space<vmem_shared>>
      tpu.wait_dma2 semaphore(%run_scoped3A : memref<!tpu.dma_semaphore, #tpu.memory_space<semaphore_mem>>) src(%arg10 : memref<80x128xf32, #tpu.memory_space<vmem>>) dst(%dma_wait3A_69 : memref<80x128xf32, #tpu.memory_space<vmem_shared>>)
      tpu.yield
    }) : () -> ()
    %mul3A_24 = arith.constant 640 : i32
    %mul3A_25 = arith.muli %arg1, %mul3A_24 : i32
    %add3A_26 = arith.constant 160 : i32
    %add3A_27 = arith.addi %mul3A_25, %add3A_26 : i32
    "tpu.region"() ({
      %run_scoped3A = tpu.sem_alloc : memref<!tpu.dma_semaphore, #tpu.memory_space<semaphore_mem>>
      %dma_start3A = arith.constant 0 : i32
      %dma_start3A_64 = tpu.memref_slice %arg12[%add3A_27, %dma_start3A] : memref<10240x128xf32, #tpu.memory_space<vmem_shared>> -> memref<80x128xf32, #tpu.memory_space<vmem_shared>>
      %dma_start3A_65 = arith.constant 0 : i32
      %dma_start3A_66 = tpu.memref_slice %arg12[%add3A_27, %dma_start3A_65] : memref<10240x128xf32, #tpu.memory_space<vmem_shared>> -> memref<80x128xf32, #tpu.memory_space<vmem_shared>>
      tpu.enqueue_dma source(%arg10 : memref<80x128xf32, #tpu.memory_space<vmem>>) target(%dma_start3A_66 : memref<80x128xf32, #tpu.memory_space<vmem_shared>>) target_semaphore(%run_scoped3A : memref<!tpu.dma_semaphore, #tpu.memory_space<semaphore_mem>>)
      %dma_wait3A = arith.constant 0 : i32
      %dma_wait3A_67 = tpu.memref_slice %arg12[%add3A_27, %dma_wait3A] : memref<10240x128xf32, #tpu.memory_space<vmem_shared>> -> memref<80x128xf32, #tpu.memory_space<vmem_shared>>
      %dma_wait3A_68 = arith.constant 0 : i32
      %dma_wait3A_69 = tpu.memref_slice %arg12[%add3A_27, %dma_wait3A_68] : memref<10240x128xf32, #tpu.memory_space<vmem_shared>> -> memref<80x128xf32, #tpu.memory_space<vmem_shared>>
      tpu.wait_dma2 semaphore(%run_scoped3A : memref<!tpu.dma_semaphore, #tpu.memory_space<semaphore_mem>>) src(%arg10 : memref<80x128xf32, #tpu.memory_space<vmem>>) dst(%dma_wait3A_69 : memref<80x128xf32, #tpu.memory_space<vmem_shared>>)
      tpu.yield
    }) : () -> ()
    %mul3A_28 = arith.constant 640 : i32
    %mul3A_29 = arith.muli %arg1, %mul3A_28 : i32
    %add3A_30 = arith.constant 240 : i32
    %add3A_31 = arith.addi %mul3A_29, %add3A_30 : i32
    "tpu.region"() ({
      %run_scoped3A = tpu.sem_alloc : memref<!tpu.dma_semaphore, #tpu.memory_space<semaphore_mem>>
      %dma_start3A = arith.constant 0 : i32
      %dma_start3A_64 = tpu.memref_slice %arg12[%add3A_31, %dma_start3A] : memref<10240x128xf32, #tpu.memory_space<vmem_shared>> -> memref<80x128xf32, #tpu.memory_space<vmem_shared>>
      %dma_start3A_65 = arith.constant 0 : i32
      %dma_start3A_66 = tpu.memref_slice %arg12[%add3A_31, %dma_start3A_65] : memref<10240x128xf32, #tpu.memory_space<vmem_shared>> -> memref<80x128xf32, #tpu.memory_space<vmem_shared>>
      tpu.enqueue_dma source(%arg10 : memref<80x128xf32, #tpu.memory_space<vmem>>) target(%dma_start3A_66 : memref<80x128xf32, #tpu.memory_space<vmem_shared>>) target_semaphore(%run_scoped3A : memref<!tpu.dma_semaphore, #tpu.memory_space<semaphore_mem>>)
      %dma_wait3A = arith.constant 0 : i32
      %dma_wait3A_67 = tpu.memref_slice %arg12[%add3A_31, %dma_wait3A] : memref<10240x128xf32, #tpu.memory_space<vmem_shared>> -> memref<80x128xf32, #tpu.memory_space<vmem_shared>>
      %dma_wait3A_68 = arith.constant 0 : i32
      %dma_wait3A_69 = tpu.memref_slice %arg12[%add3A_31, %dma_wait3A_68] : memref<10240x128xf32, #tpu.memory_space<vmem_shared>> -> memref<80x128xf32, #tpu.memory_space<vmem_shared>>
      tpu.wait_dma2 semaphore(%run_scoped3A : memref<!tpu.dma_semaphore, #tpu.memory_space<semaphore_mem>>) src(%arg10 : memref<80x128xf32, #tpu.memory_space<vmem>>) dst(%dma_wait3A_69 : memref<80x128xf32, #tpu.memory_space<vmem_shared>>)
      tpu.yield
    }) : () -> ()
    %mul3A_32 = arith.constant 640 : i32
    %mul3A_33 = arith.muli %arg1, %mul3A_32 : i32
    %add3A_34 = arith.constant 320 : i32
    %add3A_35 = arith.addi %mul3A_33, %add3A_34 : i32
    "tpu.region"() ({
      %run_scoped3A = tpu.sem_alloc : memref<!tpu.dma_semaphore, #tpu.memory_space<semaphore_mem>>
      %dma_start3A = arith.constant 0 : i32
      %dma_start3A_64 = tpu.memref_slice %arg12[%add3A_35, %dma_start3A] : memref<10240x128xf32, #tpu.memory_space<vmem_shared>> -> memref<80x128xf32, #tpu.memory_space<vmem_shared>>
      %dma_start3A_65 = arith.constant 0 : i32
      %dma_start3A_66 = tpu.memref_slice %arg12[%add3A_35, %dma_start3A_65] : memref<10240x128xf32, #tpu.memory_space<vmem_shared>> -> memref<80x128xf32, #tpu.memory_space<vmem_shared>>
      tpu.enqueue_dma source(%arg10 : memref<80x128xf32, #tpu.memory_space<vmem>>) target(%dma_start3A_66 : memref<80x128xf32, #tpu.memory_space<vmem_shared>>) target_semaphore(%run_scoped3A : memref<!tpu.dma_semaphore, #tpu.memory_space<semaphore_mem>>)
      %dma_wait3A = arith.constant 0 : i32
      %dma_wait3A_67 = tpu.memref_slice %arg12[%add3A_35, %dma_wait3A] : memref<10240x128xf32, #tpu.memory_space<vmem_shared>> -> memref<80x128xf32, #tpu.memory_space<vmem_shared>>
      %dma_wait3A_68 = arith.constant 0 : i32
      %dma_wait3A_69 = tpu.memref_slice %arg12[%add3A_35, %dma_wait3A_68] : memref<10240x128xf32, #tpu.memory_space<vmem_shared>> -> memref<80x128xf32, #tpu.memory_space<vmem_shared>>
      tpu.wait_dma2 semaphore(%run_scoped3A : memref<!tpu.dma_semaphore, #tpu.memory_space<semaphore_mem>>) src(%arg10 : memref<80x128xf32, #tpu.memory_space<vmem>>) dst(%dma_wait3A_69 : memref<80x128xf32, #tpu.memory_space<vmem_shared>>)
      tpu.yield
    }) : () -> ()
    %mul3A_36 = arith.constant 640 : i32
    %mul3A_37 = arith.muli %arg1, %mul3A_36 : i32
    %add3A_38 = arith.constant 400 : i32
    %add3A_39 = arith.addi %mul3A_37, %add3A_38 : i32
    "tpu.region"() ({
      %run_scoped3A = tpu.sem_alloc : memref<!tpu.dma_semaphore, #tpu.memory_space<semaphore_mem>>
      %dma_start3A = arith.constant 0 : i32
      %dma_start3A_64 = tpu.memref_slice %arg12[%add3A_39, %dma_start3A] : memref<10240x128xf32, #tpu.memory_space<vmem_shared>> -> memref<80x128xf32, #tpu.memory_space<vmem_shared>>
      %dma_start3A_65 = arith.constant 0 : i32
      %dma_start3A_66 = tpu.memref_slice %arg12[%add3A_39, %dma_start3A_65] : memref<10240x128xf32, #tpu.memory_space<vmem_shared>> -> memref<80x128xf32, #tpu.memory_space<vmem_shared>>
      tpu.enqueue_dma source(%arg10 : memref<80x128xf32, #tpu.memory_space<vmem>>) target(%dma_start3A_66 : memref<80x128xf32, #tpu.memory_space<vmem_shared>>) target_semaphore(%run_scoped3A : memref<!tpu.dma_semaphore, #tpu.memory_space<semaphore_mem>>)
      %dma_wait3A = arith.constant 0 : i32
      %dma_wait3A_67 = tpu.memref_slice %arg12[%add3A_39, %dma_wait3A] : memref<10240x128xf32, #tpu.memory_space<vmem_shared>> -> memref<80x128xf32, #tpu.memory_space<vmem_shared>>
      %dma_wait3A_68 = arith.constant 0 : i32
      %dma_wait3A_69 = tpu.memref_slice %arg12[%add3A_39, %dma_wait3A_68] : memref<10240x128xf32, #tpu.memory_space<vmem_shared>> -> memref<80x128xf32, #tpu.memory_space<vmem_shared>>
      tpu.wait_dma2 semaphore(%run_scoped3A : memref<!tpu.dma_semaphore, #tpu.memory_space<semaphore_mem>>) src(%arg10 : memref<80x128xf32, #tpu.memory_space<vmem>>) dst(%dma_wait3A_69 : memref<80x128xf32, #tpu.memory_space<vmem_shared>>)
      tpu.yield
    }) : () -> ()
    %mul3A_40 = arith.constant 640 : i32
    %mul3A_41 = arith.muli %arg1, %mul3A_40 : i32
    %add3A_42 = arith.constant 480 : i32
    %add3A_43 = arith.addi %mul3A_41, %add3A_42 : i32
    "tpu.region"() ({
      %run_scoped3A = tpu.sem_alloc : memref<!tpu.dma_semaphore, #tpu.memory_space<semaphore_mem>>
      %dma_start3A = arith.constant 0 : i32
      %dma_start3A_64 = tpu.memref_slice %arg12[%add3A_43, %dma_start3A] : memref<10240x128xf32, #tpu.memory_space<vmem_shared>> -> memref<80x128xf32, #tpu.memory_space<vmem_shared>>
      %dma_start3A_65 = arith.constant 0 : i32
      %dma_start3A_66 = tpu.memref_slice %arg12[%add3A_43, %dma_start3A_65] : memref<10240x128xf32, #tpu.memory_space<vmem_shared>> -> memref<80x128xf32, #tpu.memory_space<vmem_shared>>
      tpu.enqueue_dma source(%arg10 : memref<80x128xf32, #tpu.memory_space<vmem>>) target(%dma_start3A_66 : memref<80x128xf32, #tpu.memory_space<vmem_shared>>) target_semaphore(%run_scoped3A : memref<!tpu.dma_semaphore, #tpu.memory_space<semaphore_mem>>)
      %dma_wait3A = arith.constant 0 : i32
      %dma_wait3A_67 = tpu.memref_slice %arg12[%add3A_43, %dma_wait3A] : memref<10240x128xf32, #tpu.memory_space<vmem_shared>> -> memref<80x128xf32, #tpu.memory_space<vmem_shared>>
      %dma_wait3A_68 = arith.constant 0 : i32
      %dma_wait3A_69 = tpu.memref_slice %arg12[%add3A_43, %dma_wait3A_68] : memref<10240x128xf32, #tpu.memory_space<vmem_shared>> -> memref<80x128xf32, #tpu.memory_space<vmem_shared>>
      tpu.wait_dma2 semaphore(%run_scoped3A : memref<!tpu.dma_semaphore, #tpu.memory_space<semaphore_mem>>) src(%arg10 : memref<80x128xf32, #tpu.memory_space<vmem>>) dst(%dma_wait3A_69 : memref<80x128xf32, #tpu.memory_space<vmem_shared>>)
      tpu.yield
    }) : () -> ()
    %mul3A_44 = arith.constant 640 : i32
    %mul3A_45 = arith.muli %arg1, %mul3A_44 : i32
    %add3A_46 = arith.constant 560 : i32
    %add3A_47 = arith.addi %mul3A_45, %add3A_46 : i32
    "tpu.region"() ({
      %run_scoped3A = tpu.sem_alloc : memref<!tpu.dma_semaphore, #tpu.memory_space<semaphore_mem>>
      %dma_start3A = arith.constant 0 : i32
      %dma_start3A_64 = tpu.memref_slice %arg12[%add3A_47, %dma_start3A] : memref<10240x128xf32, #tpu.memory_space<vmem_shared>> -> memref<80x128xf32, #tpu.memory_space<vmem_shared>>
      %dma_start3A_65 = arith.constant 0 : i32
      %dma_start3A_66 = tpu.memref_slice %arg12[%add3A_47, %dma_start3A_65] : memref<10240x128xf32, #tpu.memory_space<vmem_shared>> -> memref<80x128xf32, #tpu.memory_space<vmem_shared>>
      tpu.enqueue_dma source(%arg10 : memref<80x128xf32, #tpu.memory_space<vmem>>) target(%dma_start3A_66 : memref<80x128xf32, #tpu.memory_space<vmem_shared>>) target_semaphore(%run_scoped3A : memref<!tpu.dma_semaphore, #tpu.memory_space<semaphore_mem>>)
      %dma_wait3A = arith.constant 0 : i32
      %dma_wait3A_67 = tpu.memref_slice %arg12[%add3A_47, %dma_wait3A] : memref<10240x128xf32, #tpu.memory_space<vmem_shared>> -> memref<80x128xf32, #tpu.memory_space<vmem_shared>>
      %dma_wait3A_68 = arith.constant 0 : i32
      %dma_wait3A_69 = tpu.memref_slice %arg12[%add3A_47, %dma_wait3A_68] : memref<10240x128xf32, #tpu.memory_space<vmem_shared>> -> memref<80x128xf32, #tpu.memory_space<vmem_shared>>
      tpu.wait_dma2 semaphore(%run_scoped3A : memref<!tpu.dma_semaphore, #tpu.memory_space<semaphore_mem>>) src(%arg10 : memref<80x128xf32, #tpu.memory_space<vmem>>) dst(%dma_wait3A_69 : memref<80x128xf32, #tpu.memory_space<vmem_shared>>)
      tpu.yield
    }) : () -> ()
    %barrier3A = arith.constant 0 : index
    tpu.barrier barrier_id(%barrier3A)
    %while3A = arith.constant 0 : i32
    %while3A_48 = arith.constant 0 : i32
    %while3A_49 = arith.subi %select_n3A_8, %while3A : i32
    %while3A_50 = arith.addi %while3A, %while3A_49 : i32
    %while3A_51 = arith.constant 1 : i32
    %while3A_52 = arith.divsi %while3A_49, %while3A_51 : i32
    %while3A_53 = arith.muli %while3A_52, %while3A_51 : i32
    %while3A_54 = arith.addi %while3A, %while3A_53 : i32
    %while3A_55 = arith.constant 1 : i32
    %while3A_56 = scf.for %while3A_64 = %while3A to %while3A_54 step %while3A_55 iter_args(%while3A_65 = %while3A_48) -> (i32)  : i32 {
      %mul3A_66 = arith.constant 16 : i32
      %mul3A_67 = arith.muli %while3A_64, %mul3A_66 : i32
      %add3A_68 = arith.addi %select_n3A, %mul3A_67 : i32
      %dma_start3A = arith.constant 0 : i32
      %dma_start3A_69 = tpu.memref_slice %arg2[%add3A_68, %dma_start3A] : memref<8192x80xi32, #tpu.memory_space<hbm>> -> memref<16x80xi32, #tpu.memory_space<hbm>>
      %dma_start3A_70 = arith.constant 0 : i32
      %dma_start3A_71 = tpu.memref_slice %arg2[%add3A_68, %dma_start3A_70] : memref<8192x80xi32, #tpu.memory_space<hbm>> -> memref<16x80xi32, #tpu.memory_space<hbm>>
      tpu.enqueue_dma source(%dma_start3A_71 : memref<16x80xi32, #tpu.memory_space<hbm>>) target(%arg7 : memref<16x80xi32, #tpu.memory_space<vmem>>) target_semaphore(%arg13 : memref<!tpu.dma_semaphore, #tpu.memory_space<semaphore_mem>>)
      %dma_start3A_72 = arith.constant 0 : i32
      %dma_start3A_73 = tpu.memref_slice %arg3[%add3A_68, %dma_start3A_72] : memref<8192x80xi32, #tpu.memory_space<hbm>> -> memref<16x80xi32, #tpu.memory_space<hbm>>
      %dma_start3A_74 = arith.constant 0 : i32
      %dma_start3A_75 = tpu.memref_slice %arg3[%add3A_68, %dma_start3A_74] : memref<8192x80xi32, #tpu.memory_space<hbm>> -> memref<16x80xi32, #tpu.memory_space<hbm>>
      tpu.enqueue_dma source(%dma_start3A_75 : memref<16x80xi32, #tpu.memory_space<hbm>>) target(%arg8 : memref<16x80xi32, #tpu.memory_space<vmem>>) target_semaphore(%arg13 : memref<!tpu.dma_semaphore, #tpu.memory_space<semaphore_mem>>)
      %dma_start3A_76 = arith.constant 0 : i32
      %dma_start3A_77 = tpu.memref_slice %arg4[%add3A_68, %dma_start3A_76] : memref<8192x80xf32, #tpu.memory_space<hbm>> -> memref<16x80xf32, #tpu.memory_space<hbm>>
      %dma_start3A_78 = arith.constant 0 : i32
      %dma_start3A_79 = tpu.memref_slice %arg4[%add3A_68, %dma_start3A_78] : memref<8192x80xf32, #tpu.memory_space<hbm>> -> memref<16x80xf32, #tpu.memory_space<hbm>>
      tpu.enqueue_dma source(%dma_start3A_79 : memref<16x80xf32, #tpu.memory_space<hbm>>) target(%arg9 : memref<16x80xf32, #tpu.memory_space<vmem>>) target_semaphore(%arg13 : memref<!tpu.dma_semaphore, #tpu.memory_space<semaphore_mem>>)
      %dma_wait3A = arith.constant 0 : i32
      %dma_wait3A_80 = tpu.memref_slice %arg2[%add3A_68, %dma_wait3A] : memref<8192x80xi32, #tpu.memory_space<hbm>> -> memref<16x80xi32, #tpu.memory_space<hbm>>
      %dma_wait3A_81 = arith.constant 0 : i32
      %dma_wait3A_82 = tpu.memref_slice %arg2[%add3A_68, %dma_wait3A_81] : memref<8192x80xi32, #tpu.memory_space<hbm>> -> memref<16x80xi32, #tpu.memory_space<hbm>>
      tpu.wait_dma2 semaphore(%arg13 : memref<!tpu.dma_semaphore, #tpu.memory_space<semaphore_mem>>) src(%dma_wait3A_82 : memref<16x80xi32, #tpu.memory_space<hbm>>) dst(%arg7 : memref<16x80xi32, #tpu.memory_space<vmem>>)
      %dma_wait3A_83 = arith.constant 0 : i32
      %dma_wait3A_84 = tpu.memref_slice %arg3[%add3A_68, %dma_wait3A_83] : memref<8192x80xi32, #tpu.memory_space<hbm>> -> memref<16x80xi32, #tpu.memory_space<hbm>>
      %dma_wait3A_85 = arith.constant 0 : i32
      %dma_wait3A_86 = tpu.memref_slice %arg3[%add3A_68, %dma_wait3A_85] : memref<8192x80xi32, #tpu.memory_space<hbm>> -> memref<16x80xi32, #tpu.memory_space<hbm>>
      tpu.wait_dma2 semaphore(%arg13 : memref<!tpu.dma_semaphore, #tpu.memory_space<semaphore_mem>>) src(%dma_wait3A_86 : memref<16x80xi32, #tpu.memory_space<hbm>>) dst(%arg8 : memref<16x80xi32, #tpu.memory_space<vmem>>)
      %dma_wait3A_87 = arith.constant 0 : i32
      %dma_wait3A_88 = tpu.memref_slice %arg4[%add3A_68, %dma_wait3A_87] : memref<8192x80xf32, #tpu.memory_space<hbm>> -> memref<16x80xf32, #tpu.memory_space<hbm>>
      %dma_wait3A_89 = arith.constant 0 : i32
      %dma_wait3A_90 = tpu.memref_slice %arg4[%add3A_68, %dma_wait3A_89] : memref<8192x80xf32, #tpu.memory_space<hbm>> -> memref<16x80xf32, #tpu.memory_space<hbm>>
      tpu.wait_dma2 semaphore(%arg13 : memref<!tpu.dma_semaphore, #tpu.memory_space<semaphore_mem>>) src(%dma_wait3A_90 : memref<16x80xf32, #tpu.memory_space<hbm>>) dst(%arg9 : memref<16x80xf32, #tpu.memory_space<vmem>>)
      %dma_start3A_91 = arith.constant 0 : i32
      %dma_start3A_92 = arith.constant 0 : i32
      %dma_start3A_93 = tpu.memref_slice %arg7[%dma_start3A_91, %dma_start3A_92] : memref<16x80xi32, #tpu.memory_space<vmem>> -> memref<1x80xi32, #tpu.memory_space<vmem>>
      %dma_start3A_94 = tpu.memref_squeeze %dma_start3A_93 : memref<1x80xi32, #tpu.memory_space<vmem>> -> memref<80xi32, #tpu.memory_space<vmem>>
      %dma_start3A_95 = arith.constant 0 : i32
      %dma_start3A_96 = arith.constant 0 : i32
      %dma_start3A_97 = tpu.memref_slice %arg5[%dma_start3A_95, %dma_start3A_96] : memref<10240x128xf32, #tpu.memory_space<hbm>> -> memref<10240x128xf32, #tpu.memory_space<hbm>>
      tpu.enqueue_indirect_dma source(%dma_start3A_97 : memref<10240x128xf32, #tpu.memory_space<hbm>>) target(%arg10 : memref<80x128xf32, #tpu.memory_space<vmem>>) offsets(%dma_start3A_94 : memref<80xi32, #tpu.memory_space<vmem>>) semaphore(%arg14 : memref<!tpu.dma_semaphore, #tpu.memory_space<semaphore_mem>>)
      %scan3A_98 = arith.constant 0 : i32
      %scan3A_99 = arith.constant 0 : i32
      %scan3A_100 = arith.constant 8 : i32
      %scan3A_101 = arith.addi %scan3A_99, %scan3A_100 : i32
      %scan3A_102 = arith.constant 1 : i32
      %scan3A_103 = scf.for %scan3A_106 = %scan3A_99 to %scan3A_101 step %scan3A_102 iter_args(%scan3A_107 = %scan3A_98) -> (i32)  : i32 {
        %mul3A_108 = arith.constant 2 : i32
        %mul3A_109 = arith.muli %mul3A_108, %scan3A_106 : i32
        %add3A_110 = arith.constant 1 : i32
        %add3A_111 = arith.addi %mul3A_109, %add3A_110 : i32
        %dma_start3A_112 = arith.constant 0 : i32
        %dma_start3A_113 = tpu.memref_slice %arg7[%add3A_111, %dma_start3A_112] : memref<16x80xi32, #tpu.memory_space<vmem>> -> memref<1x80xi32, #tpu.memory_space<vmem>>
        %dma_start3A_114 = tpu.memref_squeeze %dma_start3A_113 : memref<1x80xi32, #tpu.memory_space<vmem>> -> memref<80xi32, #tpu.memory_space<vmem>>
        %dma_start3A_115 = arith.constant 0 : i32
        %dma_start3A_116 = arith.constant 0 : i32
        %dma_start3A_117 = tpu.memref_slice %arg5[%dma_start3A_115, %dma_start3A_116] : memref<10240x128xf32, #tpu.memory_space<hbm>> -> memref<10240x128xf32, #tpu.memory_space<hbm>>
        tpu.enqueue_indirect_dma source(%dma_start3A_117 : memref<10240x128xf32, #tpu.memory_space<hbm>>) target(%arg11 : memref<80x128xf32, #tpu.memory_space<vmem>>) offsets(%dma_start3A_114 : memref<80xi32, #tpu.memory_space<vmem>>) semaphore(%arg14 : memref<!tpu.dma_semaphore, #tpu.memory_space<semaphore_mem>>)
        %dma_wait3A_118 = arith.constant 0 : i32
        %dma_wait3A_119 = tpu.memref_slice %arg7[%mul3A_109, %dma_wait3A_118] : memref<16x80xi32, #tpu.memory_space<vmem>> -> memref<1x80xi32, #tpu.memory_space<vmem>>
        %dma_wait3A_120 = tpu.memref_squeeze %dma_wait3A_119 : memref<1x80xi32, #tpu.memory_space<vmem>> -> memref<80xi32, #tpu.memory_space<vmem>>
        %dma_wait3A_121 = arith.constant 0 : i32
        %dma_wait3A_122 = arith.constant 0 : i32
        %dma_wait3A_123 = tpu.memref_slice %arg5[%dma_wait3A_121, %dma_wait3A_122] : memref<10240x128xf32, #tpu.memory_space<hbm>> -> memref<10240x128xf32, #tpu.memory_space<hbm>>
        tpu.wait_indirect_dma semaphore(%arg14 : memref<!tpu.dma_semaphore, #tpu.memory_space<semaphore_mem>>) src(%dma_wait3A_123 : memref<10240x128xf32, #tpu.memory_space<hbm>>) dst(%arg10 : memref<80x128xf32, #tpu.memory_space<vmem>>)
        %scan3A_124 = arith.constant 0 : i32
        %scan3A_125 = arith.constant 0 : i32
        %scan3A_126 = arith.constant 40 : i32
        %scan3A_127 = arith.addi %scan3A_125, %scan3A_126 : i32
        %scan3A_128 = arith.constant 1 : i32
        %scan3A_129 = scf.for %scan3A_155 = %scan3A_125 to %scan3A_127 step %scan3A_128 iter_args(%scan3A_156 = %scan3A_124) -> (i32)  : i32 {
          %mul3A_157 = arith.constant 2 : i32
          %mul3A_158 = arith.muli %mul3A_157, %scan3A_155 : i32
          %broadcast_in_dim3A_159 = vector.broadcast %mul3A_109 : i32 to vector<16xi32>
          %broadcast_in_dim3A_160 = vector.broadcast %mul3A_158 : i32 to vector<16xi32>
          %gather3A = tpu.vector_load_idx %arg9[%broadcast_in_dim3A_159, %broadcast_in_dim3A_160] : memref<16x80xf32, #tpu.memory_space<vmem>>[vector<16xi32>, vector<16xi32>], vector<16xf32>,
          %broadcast_in_dim3A_161 = vector.broadcast %mul3A_109 : i32 to vector<16xi32>
          %add3A_162 = arith.constant 1 : i32
          %add3A_163 = arith.addi %mul3A_158, %add3A_162 : i32
          %broadcast_in_dim3A_164 = vector.broadcast %add3A_163 : i32 to vector<16xi32>
          %gather3A_165 = tpu.vector_load_idx %arg9[%broadcast_in_dim3A_161, %broadcast_in_dim3A_164] : memref<16x80xf32, #tpu.memory_space<vmem>>[vector<16xi32>, vector<16xi32>], vector<16xf32>,
          %get3A = arith.index_cast %mul3A_158 : i32 to index
          %get3A_166 = arith.constant 0 : index
          %get3A_167 = tpu.vector_load %arg10[%get3A, %get3A_166] {strides = array<i32>} : memref<80x128xf32, #tpu.memory_space<vmem>>, vector<16xf32>,
          %mul3A_168 = arith.mulf %get3A_167, %gather3A : vector<16xf32>
          %swap3A = arith.index_cast %mul3A_158 : i32 to index
          %swap3A_169 = arith.constant 0 : index
          %swap3A_170 = tpu.vector_load %arg10[%swap3A, %swap3A_169] {strides = array<i32>} : memref<80x128xf32, #tpu.memory_space<vmem>>, vector<16xf32>,
          tpu.vector_store %arg10[%swap3A, %swap3A_169], %mul3A_168 {strides = array<i32>} : memref<80x128xf32, #tpu.memory_space<vmem>>, vector<16xf32>,
          %get3A_171 = arith.index_cast %mul3A_158 : i32 to index
          %get3A_172 = arith.constant 16 : index
          %get3A_173 = tpu.vector_load %arg10[%get3A_171, %get3A_172] {strides = array<i32>} : memref<80x128xf32, #tpu.memory_space<vmem>>, vector<16xf32>,
          %mul3A_174 = arith.mulf %get3A_173, %gather3A : vector<16xf32>
          %swap3A_175 = arith.index_cast %mul3A_158 : i32 to index
          %swap3A_176 = arith.constant 16 : index
          %swap3A_177 = tpu.vector_load %arg10[%swap3A_175, %swap3A_176] {strides = array<i32>} : memref<80x128xf32, #tpu.memory_space<vmem>>, vector<16xf32>,
          tpu.vector_store %arg10[%swap3A_175, %swap3A_176], %mul3A_174 {strides = array<i32>} : memref<80x128xf32, #tpu.memory_space<vmem>>, vector<16xf32>,
          %get3A_178 = arith.index_cast %mul3A_158 : i32 to index
          %get3A_179 = arith.constant 32 : index
          %get3A_180 = tpu.vector_load %arg10[%get3A_178, %get3A_179] {strides = array<i32>} : memref<80x128xf32, #tpu.memory_space<vmem>>, vector<16xf32>,
          %mul3A_181 = arith.mulf %get3A_180, %gather3A : vector<16xf32>
          %swap3A_182 = arith.index_cast %mul3A_158 : i32 to index
          %swap3A_183 = arith.constant 32 : index
          %swap3A_184 = tpu.vector_load %arg10[%swap3A_182, %swap3A_183] {strides = array<i32>} : memref<80x128xf32, #tpu.memory_space<vmem>>, vector<16xf32>,
          tpu.vector_store %arg10[%swap3A_182, %swap3A_183], %mul3A_181 {strides = array<i32>} : memref<80x128xf32, #tpu.memory_space<vmem>>, vector<16xf32>,
          %get3A_185 = arith.index_cast %mul3A_158 : i32 to index
          %get3A_186 = arith.constant 48 : index
          %get3A_187 = tpu.vector_load %arg10[%get3A_185, %get3A_186] {strides = array<i32>} : memref<80x128xf32, #tpu.memory_space<vmem>>, vector<16xf32>,
          %mul3A_188 = arith.mulf %get3A_187, %gather3A : vector<16xf32>
          %swap3A_189 = arith.index_cast %mul3A_158 : i32 to index
          %swap3A_190 = arith.constant 48 : index
          %swap3A_191 = tpu.vector_load %arg10[%swap3A_189, %swap3A_190] {strides = array<i32>} : memref<80x128xf32, #tpu.memory_space<vmem>>, vector<16xf32>,
          tpu.vector_store %arg10[%swap3A_189, %swap3A_190], %mul3A_188 {strides = array<i32>} : memref<80x128xf32, #tpu.memory_space<vmem>>, vector<16xf32>,
          %get3A_192 = arith.index_cast %mul3A_158 : i32 to index
          %get3A_193 = arith.constant 64 : index
          %get3A_194 = tpu.vector_load %arg10[%get3A_192, %get3A_193] {strides = array<i32>} : memref<80x128xf32, #tpu.memory_space<vmem>>, vector<16xf32>,
          %mul3A_195 = arith.mulf %get3A_194, %gather3A : vector<16xf32>
          %swap3A_196 = arith.index_cast %mul3A_158 : i32 to index
          %swap3A_197 = arith.constant 64 : index
          %swap3A_198 = tpu.vector_load %arg10[%swap3A_196, %swap3A_197] {strides = array<i32>} : memref<80x128xf32, #tpu.memory_space<vmem>>, vector<16xf32>,
          tpu.vector_store %arg10[%swap3A_196, %swap3A_197], %mul3A_195 {strides = array<i32>} : memref<80x128xf32, #tpu.memory_space<vmem>>, vector<16xf32>,
          %get3A_199 = arith.index_cast %mul3A_158 : i32 to index
          %get3A_200 = arith.constant 80 : index
          %get3A_201 = tpu.vector_load %arg10[%get3A_199, %get3A_200] {strides = array<i32>} : memref<80x128xf32, #tpu.memory_space<vmem>>, vector<16xf32>,
          %mul3A_202 = arith.mulf %get3A_201, %gather3A : vector<16xf32>
          %swap3A_203 = arith.index_cast %mul3A_158 : i32 to index
          %swap3A_204 = arith.constant 80 : index
          %swap3A_205 = tpu.vector_load %arg10[%swap3A_203, %swap3A_204] {strides = array<i32>} : memref<80x128xf32, #tpu.memory_space<vmem>>, vector<16xf32>,
          tpu.vector_store %arg10[%swap3A_203, %swap3A_204], %mul3A_202 {strides = array<i32>} : memref<80x128xf32, #tpu.memory_space<vmem>>, vector<16xf32>,
          %get3A_206 = arith.index_cast %mul3A_158 : i32 to index
          %get3A_207 = arith.constant 96 : index
          %get3A_208 = tpu.vector_load %arg10[%get3A_206, %get3A_207] {strides = array<i32>} : memref<80x128xf32, #tpu.memory_space<vmem>>, vector<16xf32>,
          %mul3A_209 = arith.mulf %get3A_208, %gather3A : vector<16xf32>
          %swap3A_210 = arith.index_cast %mul3A_158 : i32 to index
          %swap3A_211 = arith.constant 96 : index
          %swap3A_212 = tpu.vector_load %arg10[%swap3A_210, %swap3A_211] {strides = array<i32>} : memref<80x128xf32, #tpu.memory_space<vmem>>, vector<16xf32>,
          tpu.vector_store %arg10[%swap3A_210, %swap3A_211], %mul3A_209 {strides = array<i32>} : memref<80x128xf32, #tpu.memory_space<vmem>>, vector<16xf32>,
          %get3A_213 = arith.index_cast %mul3A_158 : i32 to index
          %get3A_214 = arith.constant 112 : index
          %get3A_215 = tpu.vector_load %arg10[%get3A_213, %get3A_214] {strides = array<i32>} : memref<80x128xf32, #tpu.memory_space<vmem>>, vector<16xf32>,
          %mul3A_216 = arith.mulf %get3A_215, %gather3A : vector<16xf32>
          %swap3A_217 = arith.index_cast %mul3A_158 : i32 to index
          %swap3A_218 = arith.constant 112 : index
          %swap3A_219 = tpu.vector_load %arg10[%swap3A_217, %swap3A_218] {strides = array<i32>} : memref<80x128xf32, #tpu.memory_space<vmem>>, vector<16xf32>,
          tpu.vector_store %arg10[%swap3A_217, %swap3A_218], %mul3A_216 {strides = array<i32>} : memref<80x128xf32, #tpu.memory_space<vmem>>, vector<16xf32>,
          %add3A_220 = arith.constant 1 : i32
          %add3A_221 = arith.addi %mul3A_158, %add3A_220 : i32
          %get3A_222 = arith.index_cast %add3A_221 : i32 to index
          %get3A_223 = arith.constant 0 : index
          %get3A_224 = tpu.vector_load %arg10[%get3A_222, %get3A_223] {strides = array<i32>} : memref<80x128xf32, #tpu.memory_space<vmem>>, vector<16xf32>,
          %mul3A_225 = arith.mulf %get3A_224, %gather3A_165 : vector<16xf32>
          %add3A_226 = arith.constant 1 : i32
          %add3A_227 = arith.addi %mul3A_158, %add3A_226 : i32
          %swap3A_228 = arith.index_cast %add3A_227 : i32 to index
          %swap3A_229 = arith.constant 0 : index
          %swap3A_230 = tpu.vector_load %arg10[%swap3A_228, %swap3A_229] {strides = array<i32>} : memref<80x128xf32, #tpu.memory_space<vmem>>, vector<16xf32>,
          tpu.vector_store %arg10[%swap3A_228, %swap3A_229], %mul3A_225 {strides = array<i32>} : memref<80x128xf32, #tpu.memory_space<vmem>>, vector<16xf32>,
          %add3A_231 = arith.constant 1 : i32
          %add3A_232 = arith.addi %mul3A_158, %add3A_231 : i32
          %get3A_233 = arith.index_cast %add3A_232 : i32 to index
          %get3A_234 = arith.constant 16 : index
          %get3A_235 = tpu.vector_load %arg10[%get3A_233, %get3A_234] {strides = array<i32>} : memref<80x128xf32, #tpu.memory_space<vmem>>, vector<16xf32>,
          %mul3A_236 = arith.mulf %get3A_235, %gather3A_165 : vector<16xf32>
          %add3A_237 = arith.constant 1 : i32
          %add3A_238 = arith.addi %mul3A_158, %add3A_237 : i32
          %swap3A_239 = arith.index_cast %add3A_238 : i32 to index
          %swap3A_240 = arith.constant 16 : index
          %swap3A_241 = tpu.vector_load %arg10[%swap3A_239, %swap3A_240] {strides = array<i32>} : memref<80x128xf32, #tpu.memory_space<vmem>>, vector<16xf32>,
          tpu.vector_store %arg10[%swap3A_239, %swap3A_240], %mul3A_236 {strides = array<i32>} : memref<80x128xf32, #tpu.memory_space<vmem>>, vector<16xf32>,
          %add3A_242 = arith.constant 1 : i32
          %add3A_243 = arith.addi %mul3A_158, %add3A_242 : i32
          %get3A_244 = arith.index_cast %add3A_243 : i32 to index
          %get3A_245 = arith.constant 32 : index
          %get3A_246 = tpu.vector_load %arg10[%get3A_244, %get3A_245] {strides = array<i32>} : memref<80x128xf32, #tpu.memory_space<vmem>>, vector<16xf32>,
          %mul3A_247 = arith.mulf %get3A_246, %gather3A_165 : vector<16xf32>
          %add3A_248 = arith.constant 1 : i32
          %add3A_249 = arith.addi %mul3A_158, %add3A_248 : i32
          %swap3A_250 = arith.index_cast %add3A_249 : i32 to index
          %swap3A_251 = arith.constant 32 : index
          %swap3A_252 = tpu.vector_load %arg10[%swap3A_250, %swap3A_251] {strides = array<i32>} : memref<80x128xf32, #tpu.memory_space<vmem>>, vector<16xf32>,
          tpu.vector_store %arg10[%swap3A_250, %swap3A_251], %mul3A_247 {strides = array<i32>} : memref<80x128xf32, #tpu.memory_space<vmem>>, vector<16xf32>,
          %add3A_253 = arith.constant 1 : i32
          %add3A_254 = arith.addi %mul3A_158, %add3A_253 : i32
          %get3A_255 = arith.index_cast %add3A_254 : i32 to index
          %get3A_256 = arith.constant 48 : index
          %get3A_257 = tpu.vector_load %arg10[%get3A_255, %get3A_256] {strides = array<i32>} : memref<80x128xf32, #tpu.memory_space<vmem>>, vector<16xf32>,
          %mul3A_258 = arith.mulf %get3A_257, %gather3A_165 : vector<16xf32>
          %add3A_259 = arith.constant 1 : i32
          %add3A_260 = arith.addi %mul3A_158, %add3A_259 : i32
          %swap3A_261 = arith.index_cast %add3A_260 : i32 to index
          %swap3A_262 = arith.constant 48 : index
          %swap3A_263 = tpu.vector_load %arg10[%swap3A_261, %swap3A_262] {strides = array<i32>} : memref<80x128xf32, #tpu.memory_space<vmem>>, vector<16xf32>,
          tpu.vector_store %arg10[%swap3A_261, %swap3A_262], %mul3A_258 {strides = array<i32>} : memref<80x128xf32, #tpu.memory_space<vmem>>, vector<16xf32>,
          %add3A_264 = arith.constant 1 : i32
          %add3A_265 = arith.addi %mul3A_158, %add3A_264 : i32
          %get3A_266 = arith.index_cast %add3A_265 : i32 to index
          %get3A_267 = arith.constant 64 : index
          %get3A_268 = tpu.vector_load %arg10[%get3A_266, %get3A_267] {strides = array<i32>} : memref<80x128xf32, #tpu.memory_space<vmem>>, vector<16xf32>,
          %mul3A_269 = arith.mulf %get3A_268, %gather3A_165 : vector<16xf32>
          %add3A_270 = arith.constant 1 : i32
          %add3A_271 = arith.addi %mul3A_158, %add3A_270 : i32
          %swap3A_272 = arith.index_cast %add3A_271 : i32 to index
          %swap3A_273 = arith.constant 64 : index
          %swap3A_274 = tpu.vector_load %arg10[%swap3A_272, %swap3A_273] {strides = array<i32>} : memref<80x128xf32, #tpu.memory_space<vmem>>, vector<16xf32>,
          tpu.vector_store %arg10[%swap3A_272, %swap3A_273], %mul3A_269 {strides = array<i32>} : memref<80x128xf32, #tpu.memory_space<vmem>>, vector<16xf32>,
          %add3A_275 = arith.constant 1 : i32
          %add3A_276 = arith.addi %mul3A_158, %add3A_275 : i32
          %get3A_277 = arith.index_cast %add3A_276 : i32 to index
          %get3A_278 = arith.constant 80 : index
          %get3A_279 = tpu.vector_load %arg10[%get3A_277, %get3A_278] {strides = array<i32>} : memref<80x128xf32, #tpu.memory_space<vmem>>, vector<16xf32>,
          %mul3A_280 = arith.mulf %get3A_279, %gather3A_165 : vector<16xf32>
          %add3A_281 = arith.constant 1 : i32
          %add3A_282 = arith.addi %mul3A_158, %add3A_281 : i32
          %swap3A_283 = arith.index_cast %add3A_282 : i32 to index
          %swap3A_284 = arith.constant 80 : index
          %swap3A_285 = tpu.vector_load %arg10[%swap3A_283, %swap3A_284] {strides = array<i32>} : memref<80x128xf32, #tpu.memory_space<vmem>>, vector<16xf32>,
          tpu.vector_store %arg10[%swap3A_283, %swap3A_284], %mul3A_280 {strides = array<i32>} : memref<80x128xf32, #tpu.memory_space<vmem>>, vector<16xf32>,
          %add3A_286 = arith.constant 1 : i32
          %add3A_287 = arith.addi %mul3A_158, %add3A_286 : i32
          %get3A_288 = arith.index_cast %add3A_287 : i32 to index
          %get3A_289 = arith.constant 96 : index
          %get3A_290 = tpu.vector_load %arg10[%get3A_288, %get3A_289] {strides = array<i32>} : memref<80x128xf32, #tpu.memory_space<vmem>>, vector<16xf32>,
          %mul3A_291 = arith.mulf %get3A_290, %gather3A_165 : vector<16xf32>
          %add3A_292 = arith.constant 1 : i32
          %add3A_293 = arith.addi %mul3A_158, %add3A_292 : i32
          %swap3A_294 = arith.index_cast %add3A_293 : i32 to index
          %swap3A_295 = arith.constant 96 : index
          %swap3A_296 = tpu.vector_load %arg10[%swap3A_294, %swap3A_295] {strides = array<i32>} : memref<80x128xf32, #tpu.memory_space<vmem>>, vector<16xf32>,
          tpu.vector_store %arg10[%swap3A_294, %swap3A_295], %mul3A_291 {strides = array<i32>} : memref<80x128xf32, #tpu.memory_space<vmem>>, vector<16xf32>,
          %add3A_297 = arith.constant 1 : i32
          %add3A_298 = arith.addi %mul3A_158, %add3A_297 : i32
          %get3A_299 = arith.index_cast %add3A_298 : i32 to index
          %get3A_300 = arith.constant 112 : index
          %get3A_301 = tpu.vector_load %arg10[%get3A_299, %get3A_300] {strides = array<i32>} : memref<80x128xf32, #tpu.memory_space<vmem>>, vector<16xf32>,
          %mul3A_302 = arith.mulf %get3A_301, %gather3A_165 : vector<16xf32>
          %add3A_303 = arith.constant 1 : i32
          %add3A_304 = arith.addi %mul3A_158, %add3A_303 : i32
          %swap3A_305 = arith.index_cast %add3A_304 : i32 to index
          %swap3A_306 = arith.constant 112 : index
          %swap3A_307 = tpu.vector_load %arg10[%swap3A_305, %swap3A_306] {strides = array<i32>} : memref<80x128xf32, #tpu.memory_space<vmem>>, vector<16xf32>,
          tpu.vector_store %arg10[%swap3A_305, %swap3A_306], %mul3A_302 {strides = array<i32>} : memref<80x128xf32, #tpu.memory_space<vmem>>, vector<16xf32>,
          %scan3A_308 = arith.constant 0 : i32
          scf.yield %scan3A_308 : i32
        }
        %scan3A_130 = arith.constant 40 : i32
        "tpu.region"() ({
          %run_scoped3A = tpu.sem_alloc : memref<!tpu.dma_semaphore, #tpu.memory_space<semaphore_mem>>
          %dma_start3A_155 = arith.constant 0 : i32
          %dma_start3A_156 = tpu.memref_slice %arg8[%mul3A_109, %dma_start3A_155] : memref<16x80xi32, #tpu.memory_space<vmem>> -> memref<1x80xi32, #tpu.memory_space<vmem>>
          %dma_start3A_157 = tpu.memref_squeeze %dma_start3A_156 : memref<1x80xi32, #tpu.memory_space<vmem>> -> memref<80xi32, #tpu.memory_space<vmem>>
          %dma_start3A_158 = arith.constant 0 : i32
          %dma_start3A_159 = arith.constant 0 : i32
          %dma_start3A_160 = tpu.memref_slice %arg12[%dma_start3A_158, %dma_start3A_159] : memref<10240x128xf32, #tpu.memory_space<vmem_shared>> -> memref<10240x128xf32, #tpu.memory_space<vmem_shared>>
          tpu.enqueue_indirect_dma source(%arg10 : memref<80x128xf32, #tpu.memory_space<vmem>>) target(%dma_start3A_160 : memref<10240x128xf32, #tpu.memory_space<vmem_shared>>) offsets(%dma_start3A_157 : memref<80xi32, #tpu.memory_space<vmem>>) semaphore(%run_scoped3A : memref<!tpu.dma_semaphore, #tpu.memory_space<semaphore_mem>>) {add = true}
          %dma_wait3A_161 = arith.constant 0 : i32
          %dma_wait3A_162 = tpu.memref_slice %arg8[%mul3A_109, %dma_wait3A_161] : memref<16x80xi32, #tpu.memory_space<vmem>> -> memref<1x80xi32, #tpu.memory_space<vmem>>
          %dma_wait3A_163 = tpu.memref_squeeze %dma_wait3A_162 : memref<1x80xi32, #tpu.memory_space<vmem>> -> memref<80xi32, #tpu.memory_space<vmem>>
          %dma_wait3A_164 = arith.constant 0 : i32
          %dma_wait3A_165 = arith.constant 0 : i32
          %dma_wait3A_166 = tpu.memref_slice %arg12[%dma_wait3A_164, %dma_wait3A_165] : memref<10240x128xf32, #tpu.memory_space<vmem_shared>> -> memref<10240x128xf32, #tpu.memory_space<vmem_shared>>
          tpu.wait_indirect_dma semaphore(%run_scoped3A : memref<!tpu.dma_semaphore, #tpu.memory_space<semaphore_mem>>) src(%arg10 : memref<80x128xf32, #tpu.memory_space<vmem>>) dst(%dma_wait3A_166 : memref<10240x128xf32, #tpu.memory_space<vmem_shared>>)
          tpu.yield
        }) : () -> ()
        %add3A_131 = arith.constant 2 : i32
        %add3A_132 = arith.addi %mul3A_109, %add3A_131 : i32
        %lt3A = arith.constant 16 : i32
        %lt3A_133 = arith.cmpi slt, %add3A_132, %lt3A : i32
        %convert_element_type3A = arith.extui %lt3A_133 : i1 to i32
        %cond3A = arith.constant 0 : i32
        %cond3A_134 = arith.cmpi ne, %convert_element_type3A, %cond3A : i32
        scf.if %cond3A_134 {
          %add3A_155 = arith.constant 2 : i32
          %add3A_156 = arith.addi %mul3A_109, %add3A_155 : i32
          %dma_start3A_157 = arith.constant 0 : i32
          %dma_start3A_158 = tpu.memref_slice %arg7[%add3A_156, %dma_start3A_157] : memref<16x80xi32, #tpu.memory_space<vmem>> -> memref<1x80xi32, #tpu.memory_space<vmem>>
          %dma_start3A_159 = tpu.memref_squeeze %dma_start3A_158 : memref<1x80xi32, #tpu.memory_space<vmem>> -> memref<80xi32, #tpu.memory_space<vmem>>
          %dma_start3A_160 = arith.constant 0 : i32
          %dma_start3A_161 = arith.constant 0 : i32
          %dma_start3A_162 = tpu.memref_slice %arg5[%dma_start3A_160, %dma_start3A_161] : memref<10240x128xf32, #tpu.memory_space<hbm>> -> memref<10240x128xf32, #tpu.memory_space<hbm>>
          tpu.enqueue_indirect_dma source(%dma_start3A_162 : memref<10240x128xf32, #tpu.memory_space<hbm>>) target(%arg10 : memref<80x128xf32, #tpu.memory_space<vmem>>) offsets(%dma_start3A_159 : memref<80xi32, #tpu.memory_space<vmem>>) semaphore(%arg14 : memref<!tpu.dma_semaphore, #tpu.memory_space<semaphore_mem>>)
        } else {
        }
        %add3A_135 = arith.constant 1 : i32
        %add3A_136 = arith.addi %mul3A_109, %add3A_135 : i32
        %dma_wait3A_137 = arith.constant 0 : i32
        %dma_wait3A_138 = tpu.memref_slice %arg7[%add3A_136, %dma_wait3A_137] : memref<16x80xi32, #tpu.memory_space<vmem>> -> memref<1x80xi32, #tpu.memory_space<vmem>>
        %dma_wait3A_139 = tpu.memref_squeeze %dma_wait3A_138 : memref<1x80xi32, #tpu.memory_space<vmem>> -> memref<80xi32, #tpu.memory_space<vmem>>
        %dma_wait3A_140 = arith.constant 0 : i32
        %dma_wait3A_141 = arith.constant 0 : i32
        %dma_wait3A_142 = tpu.memref_slice %arg5[%dma_wait3A_140, %dma_wait3A_141] : memref<10240x128xf32, #tpu.memory_space<hbm>> -> memref<10240x128xf32, #tpu.memory_space<hbm>>
        tpu.wait_indirect_dma semaphore(%arg14 : memref<!tpu.dma_semaphore, #tpu.memory_space<semaphore_mem>>) src(%dma_wait3A_142 : memref<10240x128xf32, #tpu.memory_space<hbm>>) dst(%arg11 : memref<80x128xf32, #tpu.memory_space<vmem>>)
        %add3A_143 = arith.constant 1 : i32
        %add3A_144 = arith.addi %mul3A_109, %add3A_143 : i32
        %scan3A_145 = arith.constant 0 : i32
        %scan3A_146 = arith.constant 0 : i32
        %scan3A_147 = arith.constant 40 : i32
        %scan3A_148 = arith.addi %scan3A_146, %scan3A_147 : i32
        %scan3A_149 = arith.constant 1 : i32
        %scan3A_150 = scf.for %scan3A_155 = %scan3A_146 to %scan3A_148 step %scan3A_149 iter_args(%scan3A_156 = %scan3A_145) -> (i32)  : i32 {
          %mul3A_157 = arith.constant 2 : i32
          %mul3A_158 = arith.muli %mul3A_157, %scan3A_155 : i32
          %broadcast_in_dim3A_159 = vector.broadcast %add3A_144 : i32 to vector<16xi32>
          %broadcast_in_dim3A_160 = vector.broadcast %mul3A_158 : i32 to vector<16xi32>
          %gather3A = tpu.vector_load_idx %arg9[%broadcast_in_dim3A_159, %broadcast_in_dim3A_160] : memref<16x80xf32, #tpu.memory_space<vmem>>[vector<16xi32>, vector<16xi32>], vector<16xf32>,
          %broadcast_in_dim3A_161 = vector.broadcast %add3A_144 : i32 to vector<16xi32>
          %add3A_162 = arith.constant 1 : i32
          %add3A_163 = arith.addi %mul3A_158, %add3A_162 : i32
          %broadcast_in_dim3A_164 = vector.broadcast %add3A_163 : i32 to vector<16xi32>
          %gather3A_165 = tpu.vector_load_idx %arg9[%broadcast_in_dim3A_161, %broadcast_in_dim3A_164] : memref<16x80xf32, #tpu.memory_space<vmem>>[vector<16xi32>, vector<16xi32>], vector<16xf32>,
          %get3A = arith.index_cast %mul3A_158 : i32 to index
          %get3A_166 = arith.constant 0 : index
          %get3A_167 = tpu.vector_load %arg11[%get3A, %get3A_166] {strides = array<i32>} : memref<80x128xf32, #tpu.memory_space<vmem>>, vector<16xf32>,
          %mul3A_168 = arith.mulf %get3A_167, %gather3A : vector<16xf32>
          %swap3A = arith.index_cast %mul3A_158 : i32 to index
          %swap3A_169 = arith.constant 0 : index
          %swap3A_170 = tpu.vector_load %arg11[%swap3A, %swap3A_169] {strides = array<i32>} : memref<80x128xf32, #tpu.memory_space<vmem>>, vector<16xf32>,
          tpu.vector_store %arg11[%swap3A, %swap3A_169], %mul3A_168 {strides = array<i32>} : memref<80x128xf32, #tpu.memory_space<vmem>>, vector<16xf32>,
          %get3A_171 = arith.index_cast %mul3A_158 : i32 to index
          %get3A_172 = arith.constant 16 : index
          %get3A_173 = tpu.vector_load %arg11[%get3A_171, %get3A_172] {strides = array<i32>} : memref<80x128xf32, #tpu.memory_space<vmem>>, vector<16xf32>,
          %mul3A_174 = arith.mulf %get3A_173, %gather3A : vector<16xf32>
          %swap3A_175 = arith.index_cast %mul3A_158 : i32 to index
          %swap3A_176 = arith.constant 16 : index
          %swap3A_177 = tpu.vector_load %arg11[%swap3A_175, %swap3A_176] {strides = array<i32>} : memref<80x128xf32, #tpu.memory_space<vmem>>, vector<16xf32>,
          tpu.vector_store %arg11[%swap3A_175, %swap3A_176], %mul3A_174 {strides = array<i32>} : memref<80x128xf32, #tpu.memory_space<vmem>>, vector<16xf32>,
          %get3A_178 = arith.index_cast %mul3A_158 : i32 to index
          %get3A_179 = arith.constant 32 : index
          %get3A_180 = tpu.vector_load %arg11[%get3A_178, %get3A_179] {strides = array<i32>} : memref<80x128xf32, #tpu.memory_space<vmem>>, vector<16xf32>,
          %mul3A_181 = arith.mulf %get3A_180, %gather3A : vector<16xf32>
          %swap3A_182 = arith.index_cast %mul3A_158 : i32 to index
          %swap3A_183 = arith.constant 32 : index
          %swap3A_184 = tpu.vector_load %arg11[%swap3A_182, %swap3A_183] {strides = array<i32>} : memref<80x128xf32, #tpu.memory_space<vmem>>, vector<16xf32>,
          tpu.vector_store %arg11[%swap3A_182, %swap3A_183], %mul3A_181 {strides = array<i32>} : memref<80x128xf32, #tpu.memory_space<vmem>>, vector<16xf32>,
          %get3A_185 = arith.index_cast %mul3A_158 : i32 to index
          %get3A_186 = arith.constant 48 : index
          %get3A_187 = tpu.vector_load %arg11[%get3A_185, %get3A_186] {strides = array<i32>} : memref<80x128xf32, #tpu.memory_space<vmem>>, vector<16xf32>,
          %mul3A_188 = arith.mulf %get3A_187, %gather3A : vector<16xf32>
          %swap3A_189 = arith.index_cast %mul3A_158 : i32 to index
          %swap3A_190 = arith.constant 48 : index
          %swap3A_191 = tpu.vector_load %arg11[%swap3A_189, %swap3A_190] {strides = array<i32>} : memref<80x128xf32, #tpu.memory_space<vmem>>, vector<16xf32>,
          tpu.vector_store %arg11[%swap3A_189, %swap3A_190], %mul3A_188 {strides = array<i32>} : memref<80x128xf32, #tpu.memory_space<vmem>>, vector<16xf32>,
          %get3A_192 = arith.index_cast %mul3A_158 : i32 to index
          %get3A_193 = arith.constant 64 : index
          %get3A_194 = tpu.vector_load %arg11[%get3A_192, %get3A_193] {strides = array<i32>} : memref<80x128xf32, #tpu.memory_space<vmem>>, vector<16xf32>,
          %mul3A_195 = arith.mulf %get3A_194, %gather3A : vector<16xf32>
          %swap3A_196 = arith.index_cast %mul3A_158 : i32 to index
          %swap3A_197 = arith.constant 64 : index
          %swap3A_198 = tpu.vector_load %arg11[%swap3A_196, %swap3A_197] {strides = array<i32>} : memref<80x128xf32, #tpu.memory_space<vmem>>, vector<16xf32>,
          tpu.vector_store %arg11[%swap3A_196, %swap3A_197], %mul3A_195 {strides = array<i32>} : memref<80x128xf32, #tpu.memory_space<vmem>>, vector<16xf32>,
          %get3A_199 = arith.index_cast %mul3A_158 : i32 to index
          %get3A_200 = arith.constant 80 : index
          %get3A_201 = tpu.vector_load %arg11[%get3A_199, %get3A_200] {strides = array<i32>} : memref<80x128xf32, #tpu.memory_space<vmem>>, vector<16xf32>,
          %mul3A_202 = arith.mulf %get3A_201, %gather3A : vector<16xf32>
          %swap3A_203 = arith.index_cast %mul3A_158 : i32 to index
          %swap3A_204 = arith.constant 80 : index
          %swap3A_205 = tpu.vector_load %arg11[%swap3A_203, %swap3A_204] {strides = array<i32>} : memref<80x128xf32, #tpu.memory_space<vmem>>, vector<16xf32>,
          tpu.vector_store %arg11[%swap3A_203, %swap3A_204], %mul3A_202 {strides = array<i32>} : memref<80x128xf32, #tpu.memory_space<vmem>>, vector<16xf32>,
          %get3A_206 = arith.index_cast %mul3A_158 : i32 to index
          %get3A_207 = arith.constant 96 : index
          %get3A_208 = tpu.vector_load %arg11[%get3A_206, %get3A_207] {strides = array<i32>} : memref<80x128xf32, #tpu.memory_space<vmem>>, vector<16xf32>,
          %mul3A_209 = arith.mulf %get3A_208, %gather3A : vector<16xf32>
          %swap3A_210 = arith.index_cast %mul3A_158 : i32 to index
          %swap3A_211 = arith.constant 96 : index
          %swap3A_212 = tpu.vector_load %arg11[%swap3A_210, %swap3A_211] {strides = array<i32>} : memref<80x128xf32, #tpu.memory_space<vmem>>, vector<16xf32>,
          tpu.vector_store %arg11[%swap3A_210, %swap3A_211], %mul3A_209 {strides = array<i32>} : memref<80x128xf32, #tpu.memory_space<vmem>>, vector<16xf32>,
          %get3A_213 = arith.index_cast %mul3A_158 : i32 to index
          %get3A_214 = arith.constant 112 : index
          %get3A_215 = tpu.vector_load %arg11[%get3A_213, %get3A_214] {strides = array<i32>} : memref<80x128xf32, #tpu.memory_space<vmem>>, vector<16xf32>,
          %mul3A_216 = arith.mulf %get3A_215, %gather3A : vector<16xf32>
          %swap3A_217 = arith.index_cast %mul3A_158 : i32 to index
          %swap3A_218 = arith.constant 112 : index
          %swap3A_219 = tpu.vector_load %arg11[%swap3A_217, %swap3A_218] {strides = array<i32>} : memref<80x128xf32, #tpu.memory_space<vmem>>, vector<16xf32>,
          tpu.vector_store %arg11[%swap3A_217, %swap3A_218], %mul3A_216 {strides = array<i32>} : memref<80x128xf32, #tpu.memory_space<vmem>>, vector<16xf32>,
          %add3A_220 = arith.constant 1 : i32
          %add3A_221 = arith.addi %mul3A_158, %add3A_220 : i32
          %get3A_222 = arith.index_cast %add3A_221 : i32 to index
          %get3A_223 = arith.constant 0 : index
          %get3A_224 = tpu.vector_load %arg11[%get3A_222, %get3A_223] {strides = array<i32>} : memref<80x128xf32, #tpu.memory_space<vmem>>, vector<16xf32>,
          %mul3A_225 = arith.mulf %get3A_224, %gather3A_165 : vector<16xf32>
          %add3A_226 = arith.constant 1 : i32
          %add3A_227 = arith.addi %mul3A_158, %add3A_226 : i32
          %swap3A_228 = arith.index_cast %add3A_227 : i32 to index
          %swap3A_229 = arith.constant 0 : index
          %swap3A_230 = tpu.vector_load %arg11[%swap3A_228, %swap3A_229] {strides = array<i32>} : memref<80x128xf32, #tpu.memory_space<vmem>>, vector<16xf32>,
          tpu.vector_store %arg11[%swap3A_228, %swap3A_229], %mul3A_225 {strides = array<i32>} : memref<80x128xf32, #tpu.memory_space<vmem>>, vector<16xf32>,
          %add3A_231 = arith.constant 1 : i32
          %add3A_232 = arith.addi %mul3A_158, %add3A_231 : i32
          %get3A_233 = arith.index_cast %add3A_232 : i32 to index
          %get3A_234 = arith.constant 16 : index
          %get3A_235 = tpu.vector_load %arg11[%get3A_233, %get3A_234] {strides = array<i32>} : memref<80x128xf32, #tpu.memory_space<vmem>>, vector<16xf32>,
          %mul3A_236 = arith.mulf %get3A_235, %gather3A_165 : vector<16xf32>
          %add3A_237 = arith.constant 1 : i32
          %add3A_238 = arith.addi %mul3A_158, %add3A_237 : i32
          %swap3A_239 = arith.index_cast %add3A_238 : i32 to index
          %swap3A_240 = arith.constant 16 : index
          %swap3A_241 = tpu.vector_load %arg11[%swap3A_239, %swap3A_240] {strides = array<i32>} : memref<80x128xf32, #tpu.memory_space<vmem>>, vector<16xf32>,
          tpu.vector_store %arg11[%swap3A_239, %swap3A_240], %mul3A_236 {strides = array<i32>} : memref<80x128xf32, #tpu.memory_space<vmem>>, vector<16xf32>,
          %add3A_242 = arith.constant 1 : i32
          %add3A_243 = arith.addi %mul3A_158, %add3A_242 : i32
          %get3A_244 = arith.index_cast %add3A_243 : i32 to index
          %get3A_245 = arith.constant 32 : index
          %get3A_246 = tpu.vector_load %arg11[%get3A_244, %get3A_245] {strides = array<i32>} : memref<80x128xf32, #tpu.memory_space<vmem>>, vector<16xf32>,
          %mul3A_247 = arith.mulf %get3A_246, %gather3A_165 : vector<16xf32>
          %add3A_248 = arith.constant 1 : i32
          %add3A_249 = arith.addi %mul3A_158, %add3A_248 : i32
          %swap3A_250 = arith.index_cast %add3A_249 : i32 to index
          %swap3A_251 = arith.constant 32 : index
          %swap3A_252 = tpu.vector_load %arg11[%swap3A_250, %swap3A_251] {strides = array<i32>} : memref<80x128xf32, #tpu.memory_space<vmem>>, vector<16xf32>,
          tpu.vector_store %arg11[%swap3A_250, %swap3A_251], %mul3A_247 {strides = array<i32>} : memref<80x128xf32, #tpu.memory_space<vmem>>, vector<16xf32>,
          %add3A_253 = arith.constant 1 : i32
          %add3A_254 = arith.addi %mul3A_158, %add3A_253 : i32
          %get3A_255 = arith.index_cast %add3A_254 : i32 to index
          %get3A_256 = arith.constant 48 : index
          %get3A_257 = tpu.vector_load %arg11[%get3A_255, %get3A_256] {strides = array<i32>} : memref<80x128xf32, #tpu.memory_space<vmem>>, vector<16xf32>,
          %mul3A_258 = arith.mulf %get3A_257, %gather3A_165 : vector<16xf32>
          %add3A_259 = arith.constant 1 : i32
          %add3A_260 = arith.addi %mul3A_158, %add3A_259 : i32
          %swap3A_261 = arith.index_cast %add3A_260 : i32 to index
          %swap3A_262 = arith.constant 48 : index
          %swap3A_263 = tpu.vector_load %arg11[%swap3A_261, %swap3A_262] {strides = array<i32>} : memref<80x128xf32, #tpu.memory_space<vmem>>, vector<16xf32>,
          tpu.vector_store %arg11[%swap3A_261, %swap3A_262], %mul3A_258 {strides = array<i32>} : memref<80x128xf32, #tpu.memory_space<vmem>>, vector<16xf32>,
          %add3A_264 = arith.constant 1 : i32
          %add3A_265 = arith.addi %mul3A_158, %add3A_264 : i32
          %get3A_266 = arith.index_cast %add3A_265 : i32 to index
          %get3A_267 = arith.constant 64 : index
          %get3A_268 = tpu.vector_load %arg11[%get3A_266, %get3A_267] {strides = array<i32>} : memref<80x128xf32, #tpu.memory_space<vmem>>, vector<16xf32>,
          %mul3A_269 = arith.mulf %get3A_268, %gather3A_165 : vector<16xf32>
          %add3A_270 = arith.constant 1 : i32
          %add3A_271 = arith.addi %mul3A_158, %add3A_270 : i32
          %swap3A_272 = arith.index_cast %add3A_271 : i32 to index
          %swap3A_273 = arith.constant 64 : index
          %swap3A_274 = tpu.vector_load %arg11[%swap3A_272, %swap3A_273] {strides = array<i32>} : memref<80x128xf32, #tpu.memory_space<vmem>>, vector<16xf32>,
          tpu.vector_store %arg11[%swap3A_272, %swap3A_273], %mul3A_269 {strides = array<i32>} : memref<80x128xf32, #tpu.memory_space<vmem>>, vector<16xf32>,
          %add3A_275 = arith.constant 1 : i32
          %add3A_276 = arith.addi %mul3A_158, %add3A_275 : i32
          %get3A_277 = arith.index_cast %add3A_276 : i32 to index
          %get3A_278 = arith.constant 80 : index
          %get3A_279 = tpu.vector_load %arg11[%get3A_277, %get3A_278] {strides = array<i32>} : memref<80x128xf32, #tpu.memory_space<vmem>>, vector<16xf32>,
          %mul3A_280 = arith.mulf %get3A_279, %gather3A_165 : vector<16xf32>
          %add3A_281 = arith.constant 1 : i32
          %add3A_282 = arith.addi %mul3A_158, %add3A_281 : i32
          %swap3A_283 = arith.index_cast %add3A_282 : i32 to index
          %swap3A_284 = arith.constant 80 : index
          %swap3A_285 = tpu.vector_load %arg11[%swap3A_283, %swap3A_284] {strides = array<i32>} : memref<80x128xf32, #tpu.memory_space<vmem>>, vector<16xf32>,
          tpu.vector_store %arg11[%swap3A_283, %swap3A_284], %mul3A_280 {strides = array<i32>} : memref<80x128xf32, #tpu.memory_space<vmem>>, vector<16xf32>,
          %add3A_286 = arith.constant 1 : i32
          %add3A_287 = arith.addi %mul3A_158, %add3A_286 : i32
          %get3A_288 = arith.index_cast %add3A_287 : i32 to index
          %get3A_289 = arith.constant 96 : index
          %get3A_290 = tpu.vector_load %arg11[%get3A_288, %get3A_289] {strides = array<i32>} : memref<80x128xf32, #tpu.memory_space<vmem>>, vector<16xf32>,
          %mul3A_291 = arith.mulf %get3A_290, %gather3A_165 : vector<16xf32>
          %add3A_292 = arith.constant 1 : i32
          %add3A_293 = arith.addi %mul3A_158, %add3A_292 : i32
          %swap3A_294 = arith.index_cast %add3A_293 : i32 to index
          %swap3A_295 = arith.constant 96 : index
          %swap3A_296 = tpu.vector_load %arg11[%swap3A_294, %swap3A_295] {strides = array<i32>} : memref<80x128xf32, #tpu.memory_space<vmem>>, vector<16xf32>,
          tpu.vector_store %arg11[%swap3A_294, %swap3A_295], %mul3A_291 {strides = array<i32>} : memref<80x128xf32, #tpu.memory_space<vmem>>, vector<16xf32>,
          %add3A_297 = arith.constant 1 : i32
          %add3A_298 = arith.addi %mul3A_158, %add3A_297 : i32
          %get3A_299 = arith.index_cast %add3A_298 : i32 to index
          %get3A_300 = arith.constant 112 : index
          %get3A_301 = tpu.vector_load %arg11[%get3A_299, %get3A_300] {strides = array<i32>} : memref<80x128xf32, #tpu.memory_space<vmem>>, vector<16xf32>,
          %mul3A_302 = arith.mulf %get3A_301, %gather3A_165 : vector<16xf32>
          %add3A_303 = arith.constant 1 : i32
          %add3A_304 = arith.addi %mul3A_158, %add3A_303 : i32
          %swap3A_305 = arith.index_cast %add3A_304 : i32 to index
          %swap3A_306 = arith.constant 112 : index
          %swap3A_307 = tpu.vector_load %arg11[%swap3A_305, %swap3A_306] {strides = array<i32>} : memref<80x128xf32, #tpu.memory_space<vmem>>, vector<16xf32>,
          tpu.vector_store %arg11[%swap3A_305, %swap3A_306], %mul3A_302 {strides = array<i32>} : memref<80x128xf32, #tpu.memory_space<vmem>>, vector<16xf32>,
          %scan3A_308 = arith.constant 0 : i32
          scf.yield %scan3A_308 : i32
        }
        %scan3A_151 = arith.constant 40 : i32
        %add3A_152 = arith.constant 1 : i32
        %add3A_153 = arith.addi %mul3A_109, %add3A_152 : i32
        "tpu.region"() ({
          %run_scoped3A = tpu.sem_alloc : memref<!tpu.dma_semaphore, #tpu.memory_space<semaphore_mem>>
          %dma_start3A_155 = arith.constant 0 : i32
          %dma_start3A_156 = tpu.memref_slice %arg8[%add3A_153, %dma_start3A_155] : memref<16x80xi32, #tpu.memory_space<vmem>> -> memref<1x80xi32, #tpu.memory_space<vmem>>
          %dma_start3A_157 = tpu.memref_squeeze %dma_start3A_156 : memref<1x80xi32, #tpu.memory_space<vmem>> -> memref<80xi32, #tpu.memory_space<vmem>>
          %dma_start3A_158 = arith.constant 0 : i32
          %dma_start3A_159 = arith.constant 0 : i32
          %dma_start3A_160 = tpu.memref_slice %arg12[%dma_start3A_158, %dma_start3A_159] : memref<10240x128xf32, #tpu.memory_space<vmem_shared>> -> memref<10240x128xf32, #tpu.memory_space<vmem_shared>>
          tpu.enqueue_indirect_dma source(%arg11 : memref<80x128xf32, #tpu.memory_space<vmem>>) target(%dma_start3A_160 : memref<10240x128xf32, #tpu.memory_space<vmem_shared>>) offsets(%dma_start3A_157 : memref<80xi32, #tpu.memory_space<vmem>>) semaphore(%run_scoped3A : memref<!tpu.dma_semaphore, #tpu.memory_space<semaphore_mem>>) {add = true}
          %dma_wait3A_161 = arith.constant 0 : i32
          %dma_wait3A_162 = tpu.memref_slice %arg8[%add3A_153, %dma_wait3A_161] : memref<16x80xi32, #tpu.memory_space<vmem>> -> memref<1x80xi32, #tpu.memory_space<vmem>>
          %dma_wait3A_163 = tpu.memref_squeeze %dma_wait3A_162 : memref<1x80xi32, #tpu.memory_space<vmem>> -> memref<80xi32, #tpu.memory_space<vmem>>
          %dma_wait3A_164 = arith.constant 0 : i32
          %dma_wait3A_165 = arith.constant 0 : i32
          %dma_wait3A_166 = tpu.memref_slice %arg12[%dma_wait3A_164, %dma_wait3A_165] : memref<10240x128xf32, #tpu.memory_space<vmem_shared>> -> memref<10240x128xf32, #tpu.memory_space<vmem_shared>>
          tpu.wait_indirect_dma semaphore(%run_scoped3A : memref<!tpu.dma_semaphore, #tpu.memory_space<semaphore_mem>>) src(%arg11 : memref<80x128xf32, #tpu.memory_space<vmem>>) dst(%dma_wait3A_166 : memref<10240x128xf32, #tpu.memory_space<vmem_shared>>)
          tpu.yield
        }) : () -> ()
        %scan3A_154 = arith.constant 0 : i32
        scf.yield %scan3A_154 : i32
      }
      %scan3A_104 = arith.constant 8 : i32
      %while3A_105 = arith.constant 0 : i32
      scf.yield %while3A_105 : i32
    }
    %while3A_57 = arith.constant 1 : i32
    %while3A_58 = scf.for %while3A_64 = %while3A_54 to %while3A_50 step %while3A_57 iter_args(%while3A_65 = %while3A_56) -> (i32)  : i32 {
      %mul3A_66 = arith.constant 16 : i32
      %mul3A_67 = arith.muli %while3A_64, %mul3A_66 : i32
      %add3A_68 = arith.addi %select_n3A, %mul3A_67 : i32
      %dma_start3A = arith.constant 0 : i32
      %dma_start3A_69 = tpu.memref_slice %arg2[%add3A_68, %dma_start3A] : memref<8192x80xi32, #tpu.memory_space<hbm>> -> memref<16x80xi32, #tpu.memory_space<hbm>>
      %dma_start3A_70 = arith.constant 0 : i32
      %dma_start3A_71 = tpu.memref_slice %arg2[%add3A_68, %dma_start3A_70] : memref<8192x80xi32, #tpu.memory_space<hbm>> -> memref<16x80xi32, #tpu.memory_space<hbm>>
      tpu.enqueue_dma source(%dma_start3A_71 : memref<16x80xi32, #tpu.memory_space<hbm>>) target(%arg7 : memref<16x80xi32, #tpu.memory_space<vmem>>) target_semaphore(%arg13 : memref<!tpu.dma_semaphore, #tpu.memory_space<semaphore_mem>>)
      %dma_start3A_72 = arith.constant 0 : i32
      %dma_start3A_73 = tpu.memref_slice %arg3[%add3A_68, %dma_start3A_72] : memref<8192x80xi32, #tpu.memory_space<hbm>> -> memref<16x80xi32, #tpu.memory_space<hbm>>
      %dma_start3A_74 = arith.constant 0 : i32
      %dma_start3A_75 = tpu.memref_slice %arg3[%add3A_68, %dma_start3A_74] : memref<8192x80xi32, #tpu.memory_space<hbm>> -> memref<16x80xi32, #tpu.memory_space<hbm>>
      tpu.enqueue_dma source(%dma_start3A_75 : memref<16x80xi32, #tpu.memory_space<hbm>>) target(%arg8 : memref<16x80xi32, #tpu.memory_space<vmem>>) target_semaphore(%arg13 : memref<!tpu.dma_semaphore, #tpu.memory_space<semaphore_mem>>)
      %dma_start3A_76 = arith.constant 0 : i32
      %dma_start3A_77 = tpu.memref_slice %arg4[%add3A_68, %dma_start3A_76] : memref<8192x80xf32, #tpu.memory_space<hbm>> -> memref<16x80xf32, #tpu.memory_space<hbm>>
      %dma_start3A_78 = arith.constant 0 : i32
      %dma_start3A_79 = tpu.memref_slice %arg4[%add3A_68, %dma_start3A_78] : memref<8192x80xf32, #tpu.memory_space<hbm>> -> memref<16x80xf32, #tpu.memory_space<hbm>>
      tpu.enqueue_dma source(%dma_start3A_79 : memref<16x80xf32, #tpu.memory_space<hbm>>) target(%arg9 : memref<16x80xf32, #tpu.memory_space<vmem>>) target_semaphore(%arg13 : memref<!tpu.dma_semaphore, #tpu.memory_space<semaphore_mem>>)
      %dma_wait3A = arith.constant 0 : i32
      %dma_wait3A_80 = tpu.memref_slice %arg2[%add3A_68, %dma_wait3A] : memref<8192x80xi32, #tpu.memory_space<hbm>> -> memref<16x80xi32, #tpu.memory_space<hbm>>
      %dma_wait3A_81 = arith.constant 0 : i32
      %dma_wait3A_82 = tpu.memref_slice %arg2[%add3A_68, %dma_wait3A_81] : memref<8192x80xi32, #tpu.memory_space<hbm>> -> memref<16x80xi32, #tpu.memory_space<hbm>>
      tpu.wait_dma2 semaphore(%arg13 : memref<!tpu.dma_semaphore, #tpu.memory_space<semaphore_mem>>) src(%dma_wait3A_82 : memref<16x80xi32, #tpu.memory_space<hbm>>) dst(%arg7 : memref<16x80xi32, #tpu.memory_space<vmem>>)
      %dma_wait3A_83 = arith.constant 0 : i32
      %dma_wait3A_84 = tpu.memref_slice %arg3[%add3A_68, %dma_wait3A_83] : memref<8192x80xi32, #tpu.memory_space<hbm>> -> memref<16x80xi32, #tpu.memory_space<hbm>>
      %dma_wait3A_85 = arith.constant 0 : i32
      %dma_wait3A_86 = tpu.memref_slice %arg3[%add3A_68, %dma_wait3A_85] : memref<8192x80xi32, #tpu.memory_space<hbm>> -> memref<16x80xi32, #tpu.memory_space<hbm>>
      tpu.wait_dma2 semaphore(%arg13 : memref<!tpu.dma_semaphore, #tpu.memory_space<semaphore_mem>>) src(%dma_wait3A_86 : memref<16x80xi32, #tpu.memory_space<hbm>>) dst(%arg8 : memref<16x80xi32, #tpu.memory_space<vmem>>)
      %dma_wait3A_87 = arith.constant 0 : i32
      %dma_wait3A_88 = tpu.memref_slice %arg4[%add3A_68, %dma_wait3A_87] : memref<8192x80xf32, #tpu.memory_space<hbm>> -> memref<16x80xf32, #tpu.memory_space<hbm>>
      %dma_wait3A_89 = arith.constant 0 : i32
      %dma_wait3A_90 = tpu.memref_slice %arg4[%add3A_68, %dma_wait3A_89] : memref<8192x80xf32, #tpu.memory_space<hbm>> -> memref<16x80xf32, #tpu.memory_space<hbm>>
      tpu.wait_dma2 semaphore(%arg13 : memref<!tpu.dma_semaphore, #tpu.memory_space<semaphore_mem>>) src(%dma_wait3A_90 : memref<16x80xf32, #tpu.memory_space<hbm>>) dst(%arg9 : memref<16x80xf32, #tpu.memory_space<vmem>>)
      %dma_start3A_91 = arith.constant 0 : i32
      %dma_start3A_92 = arith.constant 0 : i32
      %dma_start3A_93 = tpu.memref_slice %arg7[%dma_start3A_91, %dma_start3A_92] : memref<16x80xi32, #tpu.memory_space<vmem>> -> memref<1x80xi32, #tpu.memory_space<vmem>>
      %dma_start3A_94 = tpu.memref_squeeze %dma_start3A_93 : memref<1x80xi32, #tpu.memory_space<vmem>> -> memref<80xi32, #tpu.memory_space<vmem>>
      %dma_start3A_95 = arith.constant 0 : i32
      %dma_start3A_96 = arith.constant 0 : i32
      %dma_start3A_97 = tpu.memref_slice %arg5[%dma_start3A_95, %dma_start3A_96] : memref<10240x128xf32, #tpu.memory_space<hbm>> -> memref<10240x128xf32, #tpu.memory_space<hbm>>
      tpu.enqueue_indirect_dma source(%dma_start3A_97 : memref<10240x128xf32, #tpu.memory_space<hbm>>) target(%arg10 : memref<80x128xf32, #tpu.memory_space<vmem>>) offsets(%dma_start3A_94 : memref<80xi32, #tpu.memory_space<vmem>>) semaphore(%arg14 : memref<!tpu.dma_semaphore, #tpu.memory_space<semaphore_mem>>)
      %scan3A_98 = arith.constant 0 : i32
      %scan3A_99 = arith.constant 0 : i32
      %scan3A_100 = arith.constant 8 : i32
      %scan3A_101 = arith.addi %scan3A_99, %scan3A_100 : i32
      %scan3A_102 = arith.constant 1 : i32
      %scan3A_103 = scf.for %scan3A_106 = %scan3A_99 to %scan3A_101 step %scan3A_102 iter_args(%scan3A_107 = %scan3A_98) -> (i32)  : i32 {
        %mul3A_108 = arith.constant 2 : i32
        %mul3A_109 = arith.muli %mul3A_108, %scan3A_106 : i32
        %add3A_110 = arith.constant 1 : i32
        %add3A_111 = arith.addi %mul3A_109, %add3A_110 : i32
        %dma_start3A_112 = arith.constant 0 : i32
        %dma_start3A_113 = tpu.memref_slice %arg7[%add3A_111, %dma_start3A_112] : memref<16x80xi32, #tpu.memory_space<vmem>> -> memref<1x80xi32, #tpu.memory_space<vmem>>
        %dma_start3A_114 = tpu.memref_squeeze %dma_start3A_113 : memref<1x80xi32, #tpu.memory_space<vmem>> -> memref<80xi32, #tpu.memory_space<vmem>>
        %dma_start3A_115 = arith.constant 0 : i32
        %dma_start3A_116 = arith.constant 0 : i32
        %dma_start3A_117 = tpu.memref_slice %arg5[%dma_start3A_115, %dma_start3A_116] : memref<10240x128xf32, #tpu.memory_space<hbm>> -> memref<10240x128xf32, #tpu.memory_space<hbm>>
        tpu.enqueue_indirect_dma source(%dma_start3A_117 : memref<10240x128xf32, #tpu.memory_space<hbm>>) target(%arg11 : memref<80x128xf32, #tpu.memory_space<vmem>>) offsets(%dma_start3A_114 : memref<80xi32, #tpu.memory_space<vmem>>) semaphore(%arg14 : memref<!tpu.dma_semaphore, #tpu.memory_space<semaphore_mem>>)
        %dma_wait3A_118 = arith.constant 0 : i32
        %dma_wait3A_119 = tpu.memref_slice %arg7[%mul3A_109, %dma_wait3A_118] : memref<16x80xi32, #tpu.memory_space<vmem>> -> memref<1x80xi32, #tpu.memory_space<vmem>>
        %dma_wait3A_120 = tpu.memref_squeeze %dma_wait3A_119 : memref<1x80xi32, #tpu.memory_space<vmem>> -> memref<80xi32, #tpu.memory_space<vmem>>
        %dma_wait3A_121 = arith.constant 0 : i32
        %dma_wait3A_122 = arith.constant 0 : i32
        %dma_wait3A_123 = tpu.memref_slice %arg5[%dma_wait3A_121, %dma_wait3A_122] : memref<10240x128xf32, #tpu.memory_space<hbm>> -> memref<10240x128xf32, #tpu.memory_space<hbm>>
        tpu.wait_indirect_dma semaphore(%arg14 : memref<!tpu.dma_semaphore, #tpu.memory_space<semaphore_mem>>) src(%dma_wait3A_123 : memref<10240x128xf32, #tpu.memory_space<hbm>>) dst(%arg10 : memref<80x128xf32, #tpu.memory_space<vmem>>)
        %scan3A_124 = arith.constant 0 : i32
        %scan3A_125 = arith.constant 0 : i32
        %scan3A_126 = arith.constant 40 : i32
        %scan3A_127 = arith.addi %scan3A_125, %scan3A_126 : i32
        %scan3A_128 = arith.constant 1 : i32
        %scan3A_129 = scf.for %scan3A_155 = %scan3A_125 to %scan3A_127 step %scan3A_128 iter_args(%scan3A_156 = %scan3A_124) -> (i32)  : i32 {
          %mul3A_157 = arith.constant 2 : i32
          %mul3A_158 = arith.muli %mul3A_157, %scan3A_155 : i32
          %broadcast_in_dim3A_159 = vector.broadcast %mul3A_109 : i32 to vector<16xi32>
          %broadcast_in_dim3A_160 = vector.broadcast %mul3A_158 : i32 to vector<16xi32>
          %gather3A = tpu.vector_load_idx %arg9[%broadcast_in_dim3A_159, %broadcast_in_dim3A_160] : memref<16x80xf32, #tpu.memory_space<vmem>>[vector<16xi32>, vector<16xi32>], vector<16xf32>,
          %broadcast_in_dim3A_161 = vector.broadcast %mul3A_109 : i32 to vector<16xi32>
          %add3A_162 = arith.constant 1 : i32
          %add3A_163 = arith.addi %mul3A_158, %add3A_162 : i32
          %broadcast_in_dim3A_164 = vector.broadcast %add3A_163 : i32 to vector<16xi32>
          %gather3A_165 = tpu.vector_load_idx %arg9[%broadcast_in_dim3A_161, %broadcast_in_dim3A_164] : memref<16x80xf32, #tpu.memory_space<vmem>>[vector<16xi32>, vector<16xi32>], vector<16xf32>,
          %get3A = arith.index_cast %mul3A_158 : i32 to index
          %get3A_166 = arith.constant 0 : index
          %get3A_167 = tpu.vector_load %arg10[%get3A, %get3A_166] {strides = array<i32>} : memref<80x128xf32, #tpu.memory_space<vmem>>, vector<16xf32>,
          %mul3A_168 = arith.mulf %get3A_167, %gather3A : vector<16xf32>
          %swap3A = arith.index_cast %mul3A_158 : i32 to index
          %swap3A_169 = arith.constant 0 : index
          %swap3A_170 = tpu.vector_load %arg10[%swap3A, %swap3A_169] {strides = array<i32>} : memref<80x128xf32, #tpu.memory_space<vmem>>, vector<16xf32>,
          tpu.vector_store %arg10[%swap3A, %swap3A_169], %mul3A_168 {strides = array<i32>} : memref<80x128xf32, #tpu.memory_space<vmem>>, vector<16xf32>,
          %get3A_171 = arith.index_cast %mul3A_158 : i32 to index
          %get3A_172 = arith.constant 16 : index
          %get3A_173 = tpu.vector_load %arg10[%get3A_171, %get3A_172] {strides = array<i32>} : memref<80x128xf32, #tpu.memory_space<vmem>>, vector<16xf32>,
          %mul3A_174 = arith.mulf %get3A_173, %gather3A : vector<16xf32>
          %swap3A_175 = arith.index_cast %mul3A_158 : i32 to index
          %swap3A_176 = arith.constant 16 : index
          %swap3A_177 = tpu.vector_load %arg10[%swap3A_175, %swap3A_176] {strides = array<i32>} : memref<80x128xf32, #tpu.memory_space<vmem>>, vector<16xf32>,
          tpu.vector_store %arg10[%swap3A_175, %swap3A_176], %mul3A_174 {strides = array<i32>} : memref<80x128xf32, #tpu.memory_space<vmem>>, vector<16xf32>,
          %get3A_178 = arith.index_cast %mul3A_158 : i32 to index
          %get3A_179 = arith.constant 32 : index
          %get3A_180 = tpu.vector_load %arg10[%get3A_178, %get3A_179] {strides = array<i32>} : memref<80x128xf32, #tpu.memory_space<vmem>>, vector<16xf32>,
          %mul3A_181 = arith.mulf %get3A_180, %gather3A : vector<16xf32>
          %swap3A_182 = arith.index_cast %mul3A_158 : i32 to index
          %swap3A_183 = arith.constant 32 : index
          %swap3A_184 = tpu.vector_load %arg10[%swap3A_182, %swap3A_183] {strides = array<i32>} : memref<80x128xf32, #tpu.memory_space<vmem>>, vector<16xf32>,
          tpu.vector_store %arg10[%swap3A_182, %swap3A_183], %mul3A_181 {strides = array<i32>} : memref<80x128xf32, #tpu.memory_space<vmem>>, vector<16xf32>,
          %get3A_185 = arith.index_cast %mul3A_158 : i32 to index
          %get3A_186 = arith.constant 48 : index
          %get3A_187 = tpu.vector_load %arg10[%get3A_185, %get3A_186] {strides = array<i32>} : memref<80x128xf32, #tpu.memory_space<vmem>>, vector<16xf32>,
          %mul3A_188 = arith.mulf %get3A_187, %gather3A : vector<16xf32>
          %swap3A_189 = arith.index_cast %mul3A_158 : i32 to index
          %swap3A_190 = arith.constant 48 : index
          %swap3A_191 = tpu.vector_load %arg10[%swap3A_189, %swap3A_190] {strides = array<i32>} : memref<80x128xf32, #tpu.memory_space<vmem>>, vector<16xf32>,
          tpu.vector_store %arg10[%swap3A_189, %swap3A_190], %mul3A_188 {strides = array<i32>} : memref<80x128xf32, #tpu.memory_space<vmem>>, vector<16xf32>,
          %get3A_192 = arith.index_cast %mul3A_158 : i32 to index
          %get3A_193 = arith.constant 64 : index
          %get3A_194 = tpu.vector_load %arg10[%get3A_192, %get3A_193] {strides = array<i32>} : memref<80x128xf32, #tpu.memory_space<vmem>>, vector<16xf32>,
          %mul3A_195 = arith.mulf %get3A_194, %gather3A : vector<16xf32>
          %swap3A_196 = arith.index_cast %mul3A_158 : i32 to index
          %swap3A_197 = arith.constant 64 : index
          %swap3A_198 = tpu.vector_load %arg10[%swap3A_196, %swap3A_197] {strides = array<i32>} : memref<80x128xf32, #tpu.memory_space<vmem>>, vector<16xf32>,
          tpu.vector_store %arg10[%swap3A_196, %swap3A_197], %mul3A_195 {strides = array<i32>} : memref<80x128xf32, #tpu.memory_space<vmem>>, vector<16xf32>,
          %get3A_199 = arith.index_cast %mul3A_158 : i32 to index
          %get3A_200 = arith.constant 80 : index
          %get3A_201 = tpu.vector_load %arg10[%get3A_199, %get3A_200] {strides = array<i32>} : memref<80x128xf32, #tpu.memory_space<vmem>>, vector<16xf32>,
          %mul3A_202 = arith.mulf %get3A_201, %gather3A : vector<16xf32>
          %swap3A_203 = arith.index_cast %mul3A_158 : i32 to index
          %swap3A_204 = arith.constant 80 : index
          %swap3A_205 = tpu.vector_load %arg10[%swap3A_203, %swap3A_204] {strides = array<i32>} : memref<80x128xf32, #tpu.memory_space<vmem>>, vector<16xf32>,
          tpu.vector_store %arg10[%swap3A_203, %swap3A_204], %mul3A_202 {strides = array<i32>} : memref<80x128xf32, #tpu.memory_space<vmem>>, vector<16xf32>,
          %get3A_206 = arith.index_cast %mul3A_158 : i32 to index
          %get3A_207 = arith.constant 96 : index
          %get3A_208 = tpu.vector_load %arg10[%get3A_206, %get3A_207] {strides = array<i32>} : memref<80x128xf32, #tpu.memory_space<vmem>>, vector<16xf32>,
          %mul3A_209 = arith.mulf %get3A_208, %gather3A : vector<16xf32>
          %swap3A_210 = arith.index_cast %mul3A_158 : i32 to index
          %swap3A_211 = arith.constant 96 : index
          %swap3A_212 = tpu.vector_load %arg10[%swap3A_210, %swap3A_211] {strides = array<i32>} : memref<80x128xf32, #tpu.memory_space<vmem>>, vector<16xf32>,
          tpu.vector_store %arg10[%swap3A_210, %swap3A_211], %mul3A_209 {strides = array<i32>} : memref<80x128xf32, #tpu.memory_space<vmem>>, vector<16xf32>,
          %get3A_213 = arith.index_cast %mul3A_158 : i32 to index
          %get3A_214 = arith.constant 112 : index
          %get3A_215 = tpu.vector_load %arg10[%get3A_213, %get3A_214] {strides = array<i32>} : memref<80x128xf32, #tpu.memory_space<vmem>>, vector<16xf32>,
          %mul3A_216 = arith.mulf %get3A_215, %gather3A : vector<16xf32>
          %swap3A_217 = arith.index_cast %mul3A_158 : i32 to index
          %swap3A_218 = arith.constant 112 : index
          %swap3A_219 = tpu.vector_load %arg10[%swap3A_217, %swap3A_218] {strides = array<i32>} : memref<80x128xf32, #tpu.memory_space<vmem>>, vector<16xf32>,
          tpu.vector_store %arg10[%swap3A_217, %swap3A_218], %mul3A_216 {strides = array<i32>} : memref<80x128xf32, #tpu.memory_space<vmem>>, vector<16xf32>,
          %add3A_220 = arith.constant 1 : i32
          %add3A_221 = arith.addi %mul3A_158, %add3A_220 : i32
          %get3A_222 = arith.index_cast %add3A_221 : i32 to index
          %get3A_223 = arith.constant 0 : index
          %get3A_224 = tpu.vector_load %arg10[%get3A_222, %get3A_223] {strides = array<i32>} : memref<80x128xf32, #tpu.memory_space<vmem>>, vector<16xf32>,
          %mul3A_225 = arith.mulf %get3A_224, %gather3A_165 : vector<16xf32>
          %add3A_226 = arith.constant 1 : i32
          %add3A_227 = arith.addi %mul3A_158, %add3A_226 : i32
          %swap3A_228 = arith.index_cast %add3A_227 : i32 to index
          %swap3A_229 = arith.constant 0 : index
          %swap3A_230 = tpu.vector_load %arg10[%swap3A_228, %swap3A_229] {strides = array<i32>} : memref<80x128xf32, #tpu.memory_space<vmem>>, vector<16xf32>,
          tpu.vector_store %arg10[%swap3A_228, %swap3A_229], %mul3A_225 {strides = array<i32>} : memref<80x128xf32, #tpu.memory_space<vmem>>, vector<16xf32>,
          %add3A_231 = arith.constant 1 : i32
          %add3A_232 = arith.addi %mul3A_158, %add3A_231 : i32
          %get3A_233 = arith.index_cast %add3A_232 : i32 to index
          %get3A_234 = arith.constant 16 : index
          %get3A_235 = tpu.vector_load %arg10[%get3A_233, %get3A_234] {strides = array<i32>} : memref<80x128xf32, #tpu.memory_space<vmem>>, vector<16xf32>,
          %mul3A_236 = arith.mulf %get3A_235, %gather3A_165 : vector<16xf32>
          %add3A_237 = arith.constant 1 : i32
          %add3A_238 = arith.addi %mul3A_158, %add3A_237 : i32
          %swap3A_239 = arith.index_cast %add3A_238 : i32 to index
          %swap3A_240 = arith.constant 16 : index
          %swap3A_241 = tpu.vector_load %arg10[%swap3A_239, %swap3A_240] {strides = array<i32>} : memref<80x128xf32, #tpu.memory_space<vmem>>, vector<16xf32>,
          tpu.vector_store %arg10[%swap3A_239, %swap3A_240], %mul3A_236 {strides = array<i32>} : memref<80x128xf32, #tpu.memory_space<vmem>>, vector<16xf32>,
          %add3A_242 = arith.constant 1 : i32
          %add3A_243 = arith.addi %mul3A_158, %add3A_242 : i32
          %get3A_244 = arith.index_cast %add3A_243 : i32 to index
          %get3A_245 = arith.constant 32 : index
          %get3A_246 = tpu.vector_load %arg10[%get3A_244, %get3A_245] {strides = array<i32>} : memref<80x128xf32, #tpu.memory_space<vmem>>, vector<16xf32>,
          %mul3A_247 = arith.mulf %get3A_246, %gather3A_165 : vector<16xf32>
          %add3A_248 = arith.constant 1 : i32
          %add3A_249 = arith.addi %mul3A_158, %add3A_248 : i32
          %swap3A_250 = arith.index_cast %add3A_249 : i32 to index
          %swap3A_251 = arith.constant 32 : index
          %swap3A_252 = tpu.vector_load %arg10[%swap3A_250, %swap3A_251] {strides = array<i32>} : memref<80x128xf32, #tpu.memory_space<vmem>>, vector<16xf32>,
          tpu.vector_store %arg10[%swap3A_250, %swap3A_251], %mul3A_247 {strides = array<i32>} : memref<80x128xf32, #tpu.memory_space<vmem>>, vector<16xf32>,
          %add3A_253 = arith.constant 1 : i32
          %add3A_254 = arith.addi %mul3A_158, %add3A_253 : i32
          %get3A_255 = arith.index_cast %add3A_254 : i32 to index
          %get3A_256 = arith.constant 48 : index
          %get3A_257 = tpu.vector_load %arg10[%get3A_255, %get3A_256] {strides = array<i32>} : memref<80x128xf32, #tpu.memory_space<vmem>>, vector<16xf32>,
          %mul3A_258 = arith.mulf %get3A_257, %gather3A_165 : vector<16xf32>
          %add3A_259 = arith.constant 1 : i32
          %add3A_260 = arith.addi %mul3A_158, %add3A_259 : i32
          %swap3A_261 = arith.index_cast %add3A_260 : i32 to index
          %swap3A_262 = arith.constant 48 : index
          %swap3A_263 = tpu.vector_load %arg10[%swap3A_261, %swap3A_262] {strides = array<i32>} : memref<80x128xf32, #tpu.memory_space<vmem>>, vector<16xf32>,
          tpu.vector_store %arg10[%swap3A_261, %swap3A_262], %mul3A_258 {strides = array<i32>} : memref<80x128xf32, #tpu.memory_space<vmem>>, vector<16xf32>,
          %add3A_264 = arith.constant 1 : i32
          %add3A_265 = arith.addi %mul3A_158, %add3A_264 : i32
          %get3A_266 = arith.index_cast %add3A_265 : i32 to index
          %get3A_267 = arith.constant 64 : index
          %get3A_268 = tpu.vector_load %arg10[%get3A_266, %get3A_267] {strides = array<i32>} : memref<80x128xf32, #tpu.memory_space<vmem>>, vector<16xf32>,
          %mul3A_269 = arith.mulf %get3A_268, %gather3A_165 : vector<16xf32>
          %add3A_270 = arith.constant 1 : i32
          %add3A_271 = arith.addi %mul3A_158, %add3A_270 : i32
          %swap3A_272 = arith.index_cast %add3A_271 : i32 to index
          %swap3A_273 = arith.constant 64 : index
          %swap3A_274 = tpu.vector_load %arg10[%swap3A_272, %swap3A_273] {strides = array<i32>} : memref<80x128xf32, #tpu.memory_space<vmem>>, vector<16xf32>,
          tpu.vector_store %arg10[%swap3A_272, %swap3A_273], %mul3A_269 {strides = array<i32>} : memref<80x128xf32, #tpu.memory_space<vmem>>, vector<16xf32>,
          %add3A_275 = arith.constant 1 : i32
          %add3A_276 = arith.addi %mul3A_158, %add3A_275 : i32
          %get3A_277 = arith.index_cast %add3A_276 : i32 to index
          %get3A_278 = arith.constant 80 : index
          %get3A_279 = tpu.vector_load %arg10[%get3A_277, %get3A_278] {strides = array<i32>} : memref<80x128xf32, #tpu.memory_space<vmem>>, vector<16xf32>,
          %mul3A_280 = arith.mulf %get3A_279, %gather3A_165 : vector<16xf32>
          %add3A_281 = arith.constant 1 : i32
          %add3A_282 = arith.addi %mul3A_158, %add3A_281 : i32
          %swap3A_283 = arith.index_cast %add3A_282 : i32 to index
          %swap3A_284 = arith.constant 80 : index
          %swap3A_285 = tpu.vector_load %arg10[%swap3A_283, %swap3A_284] {strides = array<i32>} : memref<80x128xf32, #tpu.memory_space<vmem>>, vector<16xf32>,
          tpu.vector_store %arg10[%swap3A_283, %swap3A_284], %mul3A_280 {strides = array<i32>} : memref<80x128xf32, #tpu.memory_space<vmem>>, vector<16xf32>,
          %add3A_286 = arith.constant 1 : i32
          %add3A_287 = arith.addi %mul3A_158, %add3A_286 : i32
          %get3A_288 = arith.index_cast %add3A_287 : i32 to index
          %get3A_289 = arith.constant 96 : index
          %get3A_290 = tpu.vector_load %arg10[%get3A_288, %get3A_289] {strides = array<i32>} : memref<80x128xf32, #tpu.memory_space<vmem>>, vector<16xf32>,
          %mul3A_291 = arith.mulf %get3A_290, %gather3A_165 : vector<16xf32>
          %add3A_292 = arith.constant 1 : i32
          %add3A_293 = arith.addi %mul3A_158, %add3A_292 : i32
          %swap3A_294 = arith.index_cast %add3A_293 : i32 to index
          %swap3A_295 = arith.constant 96 : index
          %swap3A_296 = tpu.vector_load %arg10[%swap3A_294, %swap3A_295] {strides = array<i32>} : memref<80x128xf32, #tpu.memory_space<vmem>>, vector<16xf32>,
          tpu.vector_store %arg10[%swap3A_294, %swap3A_295], %mul3A_291 {strides = array<i32>} : memref<80x128xf32, #tpu.memory_space<vmem>>, vector<16xf32>,
          %add3A_297 = arith.constant 1 : i32
          %add3A_298 = arith.addi %mul3A_158, %add3A_297 : i32
          %get3A_299 = arith.index_cast %add3A_298 : i32 to index
          %get3A_300 = arith.constant 112 : index
          %get3A_301 = tpu.vector_load %arg10[%get3A_299, %get3A_300] {strides = array<i32>} : memref<80x128xf32, #tpu.memory_space<vmem>>, vector<16xf32>,
          %mul3A_302 = arith.mulf %get3A_301, %gather3A_165 : vector<16xf32>
          %add3A_303 = arith.constant 1 : i32
          %add3A_304 = arith.addi %mul3A_158, %add3A_303 : i32
          %swap3A_305 = arith.index_cast %add3A_304 : i32 to index
          %swap3A_306 = arith.constant 112 : index
          %swap3A_307 = tpu.vector_load %arg10[%swap3A_305, %swap3A_306] {strides = array<i32>} : memref<80x128xf32, #tpu.memory_space<vmem>>, vector<16xf32>,
          tpu.vector_store %arg10[%swap3A_305, %swap3A_306], %mul3A_302 {strides = array<i32>} : memref<80x128xf32, #tpu.memory_space<vmem>>, vector<16xf32>,
          %scan3A_308 = arith.constant 0 : i32
          scf.yield %scan3A_308 : i32
        }
        %scan3A_130 = arith.constant 40 : i32
        "tpu.region"() ({
          %run_scoped3A = tpu.sem_alloc : memref<!tpu.dma_semaphore, #tpu.memory_space<semaphore_mem>>
          %dma_start3A_155 = arith.constant 0 : i32
          %dma_start3A_156 = tpu.memref_slice %arg8[%mul3A_109, %dma_start3A_155] : memref<16x80xi32, #tpu.memory_space<vmem>> -> memref<1x80xi32, #tpu.memory_space<vmem>>
          %dma_start3A_157 = tpu.memref_squeeze %dma_start3A_156 : memref<1x80xi32, #tpu.memory_space<vmem>> -> memref<80xi32, #tpu.memory_space<vmem>>
          %dma_start3A_158 = arith.constant 0 : i32
          %dma_start3A_159 = arith.constant 0 : i32
          %dma_start3A_160 = tpu.memref_slice %arg12[%dma_start3A_158, %dma_start3A_159] : memref<10240x128xf32, #tpu.memory_space<vmem_shared>> -> memref<10240x128xf32, #tpu.memory_space<vmem_shared>>
          tpu.enqueue_indirect_dma source(%arg10 : memref<80x128xf32, #tpu.memory_space<vmem>>) target(%dma_start3A_160 : memref<10240x128xf32, #tpu.memory_space<vmem_shared>>) offsets(%dma_start3A_157 : memref<80xi32, #tpu.memory_space<vmem>>) semaphore(%run_scoped3A : memref<!tpu.dma_semaphore, #tpu.memory_space<semaphore_mem>>) {add = true}
          %dma_wait3A_161 = arith.constant 0 : i32
          %dma_wait3A_162 = tpu.memref_slice %arg8[%mul3A_109, %dma_wait3A_161] : memref<16x80xi32, #tpu.memory_space<vmem>> -> memref<1x80xi32, #tpu.memory_space<vmem>>
          %dma_wait3A_163 = tpu.memref_squeeze %dma_wait3A_162 : memref<1x80xi32, #tpu.memory_space<vmem>> -> memref<80xi32, #tpu.memory_space<vmem>>
          %dma_wait3A_164 = arith.constant 0 : i32
          %dma_wait3A_165 = arith.constant 0 : i32
          %dma_wait3A_166 = tpu.memref_slice %arg12[%dma_wait3A_164, %dma_wait3A_165] : memref<10240x128xf32, #tpu.memory_space<vmem_shared>> -> memref<10240x128xf32, #tpu.memory_space<vmem_shared>>
          tpu.wait_indirect_dma semaphore(%run_scoped3A : memref<!tpu.dma_semaphore, #tpu.memory_space<semaphore_mem>>) src(%arg10 : memref<80x128xf32, #tpu.memory_space<vmem>>) dst(%dma_wait3A_166 : memref<10240x128xf32, #tpu.memory_space<vmem_shared>>)
          tpu.yield
        }) : () -> ()
        %add3A_131 = arith.constant 2 : i32
        %add3A_132 = arith.addi %mul3A_109, %add3A_131 : i32
        %lt3A = arith.constant 16 : i32
        %lt3A_133 = arith.cmpi slt, %add3A_132, %lt3A : i32
        %convert_element_type3A = arith.extui %lt3A_133 : i1 to i32
        %cond3A = arith.constant 0 : i32
        %cond3A_134 = arith.cmpi ne, %convert_element_type3A, %cond3A : i32
        scf.if %cond3A_134 {
          %add3A_155 = arith.constant 2 : i32
          %add3A_156 = arith.addi %mul3A_109, %add3A_155 : i32
          %dma_start3A_157 = arith.constant 0 : i32
          %dma_start3A_158 = tpu.memref_slice %arg7[%add3A_156, %dma_start3A_157] : memref<16x80xi32, #tpu.memory_space<vmem>> -> memref<1x80xi32, #tpu.memory_space<vmem>>
          %dma_start3A_159 = tpu.memref_squeeze %dma_start3A_158 : memref<1x80xi32, #tpu.memory_space<vmem>> -> memref<80xi32, #tpu.memory_space<vmem>>
          %dma_start3A_160 = arith.constant 0 : i32
          %dma_start3A_161 = arith.constant 0 : i32
          %dma_start3A_162 = tpu.memref_slice %arg5[%dma_start3A_160, %dma_start3A_161] : memref<10240x128xf32, #tpu.memory_space<hbm>> -> memref<10240x128xf32, #tpu.memory_space<hbm>>
          tpu.enqueue_indirect_dma source(%dma_start3A_162 : memref<10240x128xf32, #tpu.memory_space<hbm>>) target(%arg10 : memref<80x128xf32, #tpu.memory_space<vmem>>) offsets(%dma_start3A_159 : memref<80xi32, #tpu.memory_space<vmem>>) semaphore(%arg14 : memref<!tpu.dma_semaphore, #tpu.memory_space<semaphore_mem>>)
        } else {
        }
        %add3A_135 = arith.constant 1 : i32
        %add3A_136 = arith.addi %mul3A_109, %add3A_135 : i32
        %dma_wait3A_137 = arith.constant 0 : i32
        %dma_wait3A_138 = tpu.memref_slice %arg7[%add3A_136, %dma_wait3A_137] : memref<16x80xi32, #tpu.memory_space<vmem>> -> memref<1x80xi32, #tpu.memory_space<vmem>>
        %dma_wait3A_139 = tpu.memref_squeeze %dma_wait3A_138 : memref<1x80xi32, #tpu.memory_space<vmem>> -> memref<80xi32, #tpu.memory_space<vmem>>
        %dma_wait3A_140 = arith.constant 0 : i32
        %dma_wait3A_141 = arith.constant 0 : i32
        %dma_wait3A_142 = tpu.memref_slice %arg5[%dma_wait3A_140, %dma_wait3A_141] : memref<10240x128xf32, #tpu.memory_space<hbm>> -> memref<10240x128xf32, #tpu.memory_space<hbm>>
        tpu.wait_indirect_dma semaphore(%arg14 : memref<!tpu.dma_semaphore, #tpu.memory_space<semaphore_mem>>) src(%dma_wait3A_142 : memref<10240x128xf32, #tpu.memory_space<hbm>>) dst(%arg11 : memref<80x128xf32, #tpu.memory_space<vmem>>)
        %add3A_143 = arith.constant 1 : i32
        %add3A_144 = arith.addi %mul3A_109, %add3A_143 : i32
        %scan3A_145 = arith.constant 0 : i32
        %scan3A_146 = arith.constant 0 : i32
        %scan3A_147 = arith.constant 40 : i32
        %scan3A_148 = arith.addi %scan3A_146, %scan3A_147 : i32
        %scan3A_149 = arith.constant 1 : i32
        %scan3A_150 = scf.for %scan3A_155 = %scan3A_146 to %scan3A_148 step %scan3A_149 iter_args(%scan3A_156 = %scan3A_145) -> (i32)  : i32 {
          %mul3A_157 = arith.constant 2 : i32
          %mul3A_158 = arith.muli %mul3A_157, %scan3A_155 : i32
          %broadcast_in_dim3A_159 = vector.broadcast %add3A_144 : i32 to vector<16xi32>
          %broadcast_in_dim3A_160 = vector.broadcast %mul3A_158 : i32 to vector<16xi32>
          %gather3A = tpu.vector_load_idx %arg9[%broadcast_in_dim3A_159, %broadcast_in_dim3A_160] : memref<16x80xf32, #tpu.memory_space<vmem>>[vector<16xi32>, vector<16xi32>], vector<16xf32>,
          %broadcast_in_dim3A_161 = vector.broadcast %add3A_144 : i32 to vector<16xi32>
          %add3A_162 = arith.constant 1 : i32
          %add3A_163 = arith.addi %mul3A_158, %add3A_162 : i32
          %broadcast_in_dim3A_164 = vector.broadcast %add3A_163 : i32 to vector<16xi32>
          %gather3A_165 = tpu.vector_load_idx %arg9[%broadcast_in_dim3A_161, %broadcast_in_dim3A_164] : memref<16x80xf32, #tpu.memory_space<vmem>>[vector<16xi32>, vector<16xi32>], vector<16xf32>,
          %get3A = arith.index_cast %mul3A_158 : i32 to index
          %get3A_166 = arith.constant 0 : index
          %get3A_167 = tpu.vector_load %arg11[%get3A, %get3A_166] {strides = array<i32>} : memref<80x128xf32, #tpu.memory_space<vmem>>, vector<16xf32>,
          %mul3A_168 = arith.mulf %get3A_167, %gather3A : vector<16xf32>
          %swap3A = arith.index_cast %mul3A_158 : i32 to index
          %swap3A_169 = arith.constant 0 : index
          %swap3A_170 = tpu.vector_load %arg11[%swap3A, %swap3A_169] {strides = array<i32>} : memref<80x128xf32, #tpu.memory_space<vmem>>, vector<16xf32>,
          tpu.vector_store %arg11[%swap3A, %swap3A_169], %mul3A_168 {strides = array<i32>} : memref<80x128xf32, #tpu.memory_space<vmem>>, vector<16xf32>,
          %get3A_171 = arith.index_cast %mul3A_158 : i32 to index
          %get3A_172 = arith.constant 16 : index
          %get3A_173 = tpu.vector_load %arg11[%get3A_171, %get3A_172] {strides = array<i32>} : memref<80x128xf32, #tpu.memory_space<vmem>>, vector<16xf32>,
          %mul3A_174 = arith.mulf %get3A_173, %gather3A : vector<16xf32>
          %swap3A_175 = arith.index_cast %mul3A_158 : i32 to index
          %swap3A_176 = arith.constant 16 : index
          %swap3A_177 = tpu.vector_load %arg11[%swap3A_175, %swap3A_176] {strides = array<i32>} : memref<80x128xf32, #tpu.memory_space<vmem>>, vector<16xf32>,
          tpu.vector_store %arg11[%swap3A_175, %swap3A_176], %mul3A_174 {strides = array<i32>} : memref<80x128xf32, #tpu.memory_space<vmem>>, vector<16xf32>,
          %get3A_178 = arith.index_cast %mul3A_158 : i32 to index
          %get3A_179 = arith.constant 32 : index
          %get3A_180 = tpu.vector_load %arg11[%get3A_178, %get3A_179] {strides = array<i32>} : memref<80x128xf32, #tpu.memory_space<vmem>>, vector<16xf32>,
          %mul3A_181 = arith.mulf %get3A_180, %gather3A : vector<16xf32>
          %swap3A_182 = arith.index_cast %mul3A_158 : i32 to index
          %swap3A_183 = arith.constant 32 : index
          %swap3A_184 = tpu.vector_load %arg11[%swap3A_182, %swap3A_183] {strides = array<i32>} : memref<80x128xf32, #tpu.memory_space<vmem>>, vector<16xf32>,
          tpu.vector_store %arg11[%swap3A_182, %swap3A_183], %mul3A_181 {strides = array<i32>} : memref<80x128xf32, #tpu.memory_space<vmem>>, vector<16xf32>,
          %get3A_185 = arith.index_cast %mul3A_158 : i32 to index
          %get3A_186 = arith.constant 48 : index
          %get3A_187 = tpu.vector_load %arg11[%get3A_185, %get3A_186] {strides = array<i32>} : memref<80x128xf32, #tpu.memory_space<vmem>>, vector<16xf32>,
          %mul3A_188 = arith.mulf %get3A_187, %gather3A : vector<16xf32>
          %swap3A_189 = arith.index_cast %mul3A_158 : i32 to index
          %swap3A_190 = arith.constant 48 : index
          %swap3A_191 = tpu.vector_load %arg11[%swap3A_189, %swap3A_190] {strides = array<i32>} : memref<80x128xf32, #tpu.memory_space<vmem>>, vector<16xf32>,
          tpu.vector_store %arg11[%swap3A_189, %swap3A_190], %mul3A_188 {strides = array<i32>} : memref<80x128xf32, #tpu.memory_space<vmem>>, vector<16xf32>,
          %get3A_192 = arith.index_cast %mul3A_158 : i32 to index
          %get3A_193 = arith.constant 64 : index
          %get3A_194 = tpu.vector_load %arg11[%get3A_192, %get3A_193] {strides = array<i32>} : memref<80x128xf32, #tpu.memory_space<vmem>>, vector<16xf32>,
          %mul3A_195 = arith.mulf %get3A_194, %gather3A : vector<16xf32>
          %swap3A_196 = arith.index_cast %mul3A_158 : i32 to index
          %swap3A_197 = arith.constant 64 : index
          %swap3A_198 = tpu.vector_load %arg11[%swap3A_196, %swap3A_197] {strides = array<i32>} : memref<80x128xf32, #tpu.memory_space<vmem>>, vector<16xf32>,
          tpu.vector_store %arg11[%swap3A_196, %swap3A_197], %mul3A_195 {strides = array<i32>} : memref<80x128xf32, #tpu.memory_space<vmem>>, vector<16xf32>,
          %get3A_199 = arith.index_cast %mul3A_158 : i32 to index
          %get3A_200 = arith.constant 80 : index
          %get3A_201 = tpu.vector_load %arg11[%get3A_199, %get3A_200] {strides = array<i32>} : memref<80x128xf32, #tpu.memory_space<vmem>>, vector<16xf32>,
          %mul3A_202 = arith.mulf %get3A_201, %gather3A : vector<16xf32>
          %swap3A_203 = arith.index_cast %mul3A_158 : i32 to index
          %swap3A_204 = arith.constant 80 : index
          %swap3A_205 = tpu.vector_load %arg11[%swap3A_203, %swap3A_204] {strides = array<i32>} : memref<80x128xf32, #tpu.memory_space<vmem>>, vector<16xf32>,
          tpu.vector_store %arg11[%swap3A_203, %swap3A_204], %mul3A_202 {strides = array<i32>} : memref<80x128xf32, #tpu.memory_space<vmem>>, vector<16xf32>,
          %get3A_206 = arith.index_cast %mul3A_158 : i32 to index
          %get3A_207 = arith.constant 96 : index
          %get3A_208 = tpu.vector_load %arg11[%get3A_206, %get3A_207] {strides = array<i32>} : memref<80x128xf32, #tpu.memory_space<vmem>>, vector<16xf32>,
          %mul3A_209 = arith.mulf %get3A_208, %gather3A : vector<16xf32>
          %swap3A_210 = arith.index_cast %mul3A_158 : i32 to index
          %swap3A_211 = arith.constant 96 : index
          %swap3A_212 = tpu.vector_load %arg11[%swap3A_210, %swap3A_211] {strides = array<i32>} : memref<80x128xf32, #tpu.memory_space<vmem>>, vector<16xf32>,
          tpu.vector_store %arg11[%swap3A_210, %swap3A_211], %mul3A_209 {strides = array<i32>} : memref<80x128xf32, #tpu.memory_space<vmem>>, vector<16xf32>,
          %get3A_213 = arith.index_cast %mul3A_158 : i32 to index
          %get3A_214 = arith.constant 112 : index
          %get3A_215 = tpu.vector_load %arg11[%get3A_213, %get3A_214] {strides = array<i32>} : memref<80x128xf32, #tpu.memory_space<vmem>>, vector<16xf32>,
          %mul3A_216 = arith.mulf %get3A_215, %gather3A : vector<16xf32>
          %swap3A_217 = arith.index_cast %mul3A_158 : i32 to index
          %swap3A_218 = arith.constant 112 : index
          %swap3A_219 = tpu.vector_load %arg11[%swap3A_217, %swap3A_218] {strides = array<i32>} : memref<80x128xf32, #tpu.memory_space<vmem>>, vector<16xf32>,
          tpu.vector_store %arg11[%swap3A_217, %swap3A_218], %mul3A_216 {strides = array<i32>} : memref<80x128xf32, #tpu.memory_space<vmem>>, vector<16xf32>,
          %add3A_220 = arith.constant 1 : i32
          %add3A_221 = arith.addi %mul3A_158, %add3A_220 : i32
          %get3A_222 = arith.index_cast %add3A_221 : i32 to index
          %get3A_223 = arith.constant 0 : index
          %get3A_224 = tpu.vector_load %arg11[%get3A_222, %get3A_223] {strides = array<i32>} : memref<80x128xf32, #tpu.memory_space<vmem>>, vector<16xf32>,
          %mul3A_225 = arith.mulf %get3A_224, %gather3A_165 : vector<16xf32>
          %add3A_226 = arith.constant 1 : i32
          %add3A_227 = arith.addi %mul3A_158, %add3A_226 : i32
          %swap3A_228 = arith.index_cast %add3A_227 : i32 to index
          %swap3A_229 = arith.constant 0 : index
          %swap3A_230 = tpu.vector_load %arg11[%swap3A_228, %swap3A_229] {strides = array<i32>} : memref<80x128xf32, #tpu.memory_space<vmem>>, vector<16xf32>,
          tpu.vector_store %arg11[%swap3A_228, %swap3A_229], %mul3A_225 {strides = array<i32>} : memref<80x128xf32, #tpu.memory_space<vmem>>, vector<16xf32>,
          %add3A_231 = arith.constant 1 : i32
          %add3A_232 = arith.addi %mul3A_158, %add3A_231 : i32
          %get3A_233 = arith.index_cast %add3A_232 : i32 to index
          %get3A_234 = arith.constant 16 : index
          %get3A_235 = tpu.vector_load %arg11[%get3A_233, %get3A_234] {strides = array<i32>} : memref<80x128xf32, #tpu.memory_space<vmem>>, vector<16xf32>,
          %mul3A_236 = arith.mulf %get3A_235, %gather3A_165 : vector<16xf32>
          %add3A_237 = arith.constant 1 : i32
          %add3A_238 = arith.addi %mul3A_158, %add3A_237 : i32
          %swap3A_239 = arith.index_cast %add3A_238 : i32 to index
          %swap3A_240 = arith.constant 16 : index
          %swap3A_241 = tpu.vector_load %arg11[%swap3A_239, %swap3A_240] {strides = array<i32>} : memref<80x128xf32, #tpu.memory_space<vmem>>, vector<16xf32>,
          tpu.vector_store %arg11[%swap3A_239, %swap3A_240], %mul3A_236 {strides = array<i32>} : memref<80x128xf32, #tpu.memory_space<vmem>>, vector<16xf32>,
          %add3A_242 = arith.constant 1 : i32
          %add3A_243 = arith.addi %mul3A_158, %add3A_242 : i32
          %get3A_244 = arith.index_cast %add3A_243 : i32 to index
          %get3A_245 = arith.constant 32 : index
          %get3A_246 = tpu.vector_load %arg11[%get3A_244, %get3A_245] {strides = array<i32>} : memref<80x128xf32, #tpu.memory_space<vmem>>, vector<16xf32>,
          %mul3A_247 = arith.mulf %get3A_246, %gather3A_165 : vector<16xf32>
          %add3A_248 = arith.constant 1 : i32
          %add3A_249 = arith.addi %mul3A_158, %add3A_248 : i32
          %swap3A_250 = arith.index_cast %add3A_249 : i32 to index
          %swap3A_251 = arith.constant 32 : index
          %swap3A_252 = tpu.vector_load %arg11[%swap3A_250, %swap3A_251] {strides = array<i32>} : memref<80x128xf32, #tpu.memory_space<vmem>>, vector<16xf32>,
          tpu.vector_store %arg11[%swap3A_250, %swap3A_251], %mul3A_247 {strides = array<i32>} : memref<80x128xf32, #tpu.memory_space<vmem>>, vector<16xf32>,
          %add3A_253 = arith.constant 1 : i32
          %add3A_254 = arith.addi %mul3A_158, %add3A_253 : i32
          %get3A_255 = arith.index_cast %add3A_254 : i32 to index
          %get3A_256 = arith.constant 48 : index
          %get3A_257 = tpu.vector_load %arg11[%get3A_255, %get3A_256] {strides = array<i32>} : memref<80x128xf32, #tpu.memory_space<vmem>>, vector<16xf32>,
          %mul3A_258 = arith.mulf %get3A_257, %gather3A_165 : vector<16xf32>
          %add3A_259 = arith.constant 1 : i32
          %add3A_260 = arith.addi %mul3A_158, %add3A_259 : i32
          %swap3A_261 = arith.index_cast %add3A_260 : i32 to index
          %swap3A_262 = arith.constant 48 : index
          %swap3A_263 = tpu.vector_load %arg11[%swap3A_261, %swap3A_262] {strides = array<i32>} : memref<80x128xf32, #tpu.memory_space<vmem>>, vector<16xf32>,
          tpu.vector_store %arg11[%swap3A_261, %swap3A_262], %mul3A_258 {strides = array<i32>} : memref<80x128xf32, #tpu.memory_space<vmem>>, vector<16xf32>,
          %add3A_264 = arith.constant 1 : i32
          %add3A_265 = arith.addi %mul3A_158, %add3A_264 : i32
          %get3A_266 = arith.index_cast %add3A_265 : i32 to index
          %get3A_267 = arith.constant 64 : index
          %get3A_268 = tpu.vector_load %arg11[%get3A_266, %get3A_267] {strides = array<i32>} : memref<80x128xf32, #tpu.memory_space<vmem>>, vector<16xf32>,
          %mul3A_269 = arith.mulf %get3A_268, %gather3A_165 : vector<16xf32>
          %add3A_270 = arith.constant 1 : i32
          %add3A_271 = arith.addi %mul3A_158, %add3A_270 : i32
          %swap3A_272 = arith.index_cast %add3A_271 : i32 to index
          %swap3A_273 = arith.constant 64 : index
          %swap3A_274 = tpu.vector_load %arg11[%swap3A_272, %swap3A_273] {strides = array<i32>} : memref<80x128xf32, #tpu.memory_space<vmem>>, vector<16xf32>,
          tpu.vector_store %arg11[%swap3A_272, %swap3A_273], %mul3A_269 {strides = array<i32>} : memref<80x128xf32, #tpu.memory_space<vmem>>, vector<16xf32>,
          %add3A_275 = arith.constant 1 : i32
          %add3A_276 = arith.addi %mul3A_158, %add3A_275 : i32
          %get3A_277 = arith.index_cast %add3A_276 : i32 to index
          %get3A_278 = arith.constant 80 : index
          %get3A_279 = tpu.vector_load %arg11[%get3A_277, %get3A_278] {strides = array<i32>} : memref<80x128xf32, #tpu.memory_space<vmem>>, vector<16xf32>,
          %mul3A_280 = arith.mulf %get3A_279, %gather3A_165 : vector<16xf32>
          %add3A_281 = arith.constant 1 : i32
          %add3A_282 = arith.addi %mul3A_158, %add3A_281 : i32
          %swap3A_283 = arith.index_cast %add3A_282 : i32 to index
          %swap3A_284 = arith.constant 80 : index
          %swap3A_285 = tpu.vector_load %arg11[%swap3A_283, %swap3A_284] {strides = array<i32>} : memref<80x128xf32, #tpu.memory_space<vmem>>, vector<16xf32>,
          tpu.vector_store %arg11[%swap3A_283, %swap3A_284], %mul3A_280 {strides = array<i32>} : memref<80x128xf32, #tpu.memory_space<vmem>>, vector<16xf32>,
          %add3A_286 = arith.constant 1 : i32
          %add3A_287 = arith.addi %mul3A_158, %add3A_286 : i32
          %get3A_288 = arith.index_cast %add3A_287 : i32 to index
          %get3A_289 = arith.constant 96 : index
          %get3A_290 = tpu.vector_load %arg11[%get3A_288, %get3A_289] {strides = array<i32>} : memref<80x128xf32, #tpu.memory_space<vmem>>, vector<16xf32>,
          %mul3A_291 = arith.mulf %get3A_290, %gather3A_165 : vector<16xf32>
          %add3A_292 = arith.constant 1 : i32
          %add3A_293 = arith.addi %mul3A_158, %add3A_292 : i32
          %swap3A_294 = arith.index_cast %add3A_293 : i32 to index
          %swap3A_295 = arith.constant 96 : index
          %swap3A_296 = tpu.vector_load %arg11[%swap3A_294, %swap3A_295] {strides = array<i32>} : memref<80x128xf32, #tpu.memory_space<vmem>>, vector<16xf32>,
          tpu.vector_store %arg11[%swap3A_294, %swap3A_295], %mul3A_291 {strides = array<i32>} : memref<80x128xf32, #tpu.memory_space<vmem>>, vector<16xf32>,
          %add3A_297 = arith.constant 1 : i32
          %add3A_298 = arith.addi %mul3A_158, %add3A_297 : i32
          %get3A_299 = arith.index_cast %add3A_298 : i32 to index
          %get3A_300 = arith.constant 112 : index
          %get3A_301 = tpu.vector_load %arg11[%get3A_299, %get3A_300] {strides = array<i32>} : memref<80x128xf32, #tpu.memory_space<vmem>>, vector<16xf32>,
          %mul3A_302 = arith.mulf %get3A_301, %gather3A_165 : vector<16xf32>
          %add3A_303 = arith.constant 1 : i32
          %add3A_304 = arith.addi %mul3A_158, %add3A_303 : i32
          %swap3A_305 = arith.index_cast %add3A_304 : i32 to index
          %swap3A_306 = arith.constant 112 : index
          %swap3A_307 = tpu.vector_load %arg11[%swap3A_305, %swap3A_306] {strides = array<i32>} : memref<80x128xf32, #tpu.memory_space<vmem>>, vector<16xf32>,
          tpu.vector_store %arg11[%swap3A_305, %swap3A_306], %mul3A_302 {strides = array<i32>} : memref<80x128xf32, #tpu.memory_space<vmem>>, vector<16xf32>,
          %scan3A_308 = arith.constant 0 : i32
          scf.yield %scan3A_308 : i32
        }
        %scan3A_151 = arith.constant 40 : i32
        %add3A_152 = arith.constant 1 : i32
        %add3A_153 = arith.addi %mul3A_109, %add3A_152 : i32
        "tpu.region"() ({
          %run_scoped3A = tpu.sem_alloc : memref<!tpu.dma_semaphore, #tpu.memory_space<semaphore_mem>>
          %dma_start3A_155 = arith.constant 0 : i32
          %dma_start3A_156 = tpu.memref_slice %arg8[%add3A_153, %dma_start3A_155] : memref<16x80xi32, #tpu.memory_space<vmem>> -> memref<1x80xi32, #tpu.memory_space<vmem>>
          %dma_start3A_157 = tpu.memref_squeeze %dma_start3A_156 : memref<1x80xi32, #tpu.memory_space<vmem>> -> memref<80xi32, #tpu.memory_space<vmem>>
          %dma_start3A_158 = arith.constant 0 : i32
          %dma_start3A_159 = arith.constant 0 : i32
          %dma_start3A_160 = tpu.memref_slice %arg12[%dma_start3A_158, %dma_start3A_159] : memref<10240x128xf32, #tpu.memory_space<vmem_shared>> -> memref<10240x128xf32, #tpu.memory_space<vmem_shared>>
          tpu.enqueue_indirect_dma source(%arg11 : memref<80x128xf32, #tpu.memory_space<vmem>>) target(%dma_start3A_160 : memref<10240x128xf32, #tpu.memory_space<vmem_shared>>) offsets(%dma_start3A_157 : memref<80xi32, #tpu.memory_space<vmem>>) semaphore(%run_scoped3A : memref<!tpu.dma_semaphore, #tpu.memory_space<semaphore_mem>>) {add = true}
          %dma_wait3A_161 = arith.constant 0 : i32
          %dma_wait3A_162 = tpu.memref_slice %arg8[%add3A_153, %dma_wait3A_161] : memref<16x80xi32, #tpu.memory_space<vmem>> -> memref<1x80xi32, #tpu.memory_space<vmem>>
          %dma_wait3A_163 = tpu.memref_squeeze %dma_wait3A_162 : memref<1x80xi32, #tpu.memory_space<vmem>> -> memref<80xi32, #tpu.memory_space<vmem>>
          %dma_wait3A_164 = arith.constant 0 : i32
          %dma_wait3A_165 = arith.constant 0 : i32
          %dma_wait3A_166 = tpu.memref_slice %arg12[%dma_wait3A_164, %dma_wait3A_165] : memref<10240x128xf32, #tpu.memory_space<vmem_shared>> -> memref<10240x128xf32, #tpu.memory_space<vmem_shared>>
          tpu.wait_indirect_dma semaphore(%run_scoped3A : memref<!tpu.dma_semaphore, #tpu.memory_space<semaphore_mem>>) src(%arg11 : memref<80x128xf32, #tpu.memory_space<vmem>>) dst(%dma_wait3A_166 : memref<10240x128xf32, #tpu.memory_space<vmem_shared>>)
          tpu.yield
        }) : () -> ()
        %scan3A_154 = arith.constant 0 : i32
        scf.yield %scan3A_154 : i32
      }
      %scan3A_104 = arith.constant 8 : i32
      %while3A_105 = arith.constant 0 : i32
      scf.yield %while3A_105 : i32
    }
    %barrier3A_59 = arith.constant 0 : index
    tpu.barrier barrier_id(%barrier3A_59)
    %mul3A_60 = arith.constant 640 : i32
    %mul3A_61 = arith.muli %arg1, %mul3A_60 : i32
    %mul3A_62 = arith.constant 640 : i32
    %mul3A_63 = arith.muli %arg1, %mul3A_62 : i32
    "tpu.region"() ({
      %run_scoped3A = tpu.sem_alloc : memref<!tpu.dma_semaphore, #tpu.memory_space<semaphore_mem>>
      %dma_start3A = arith.constant 0 : i32
      %dma_start3A_64 = tpu.memref_slice %arg6[%arg0, %mul3A_63, %dma_start3A] : memref<2x10240x128xf32, #tpu.memory_space<hbm>> -> memref<1x640x128xf32, #tpu.memory_space<hbm>>
      %dma_start3A_65 = tpu.memref_squeeze %dma_start3A_64 : memref<1x640x128xf32, #tpu.memory_space<hbm>> -> memref<640x128xf32, #tpu.memory_space<hbm>>
      %dma_start3A_66 = arith.constant 0 : i32
      %dma_start3A_67 = tpu.memref_slice %arg12[%mul3A_61, %dma_start3A_66] : memref<10240x128xf32, #tpu.memory_space<vmem_shared>> -> memref<640x128xf32, #tpu.memory_space<vmem_shared>>
      tpu.enqueue_dma source(%dma_start3A_67 : memref<640x128xf32, #tpu.memory_space<vmem_shared>>) target(%dma_start3A_65 : memref<640x128xf32, #tpu.memory_space<hbm>>) target_semaphore(%run_scoped3A : memref<!tpu.dma_semaphore, #tpu.memory_space<semaphore_mem>>)
      %dma_wait3A = arith.constant 0 : i32
      %dma_wait3A_68 = tpu.memref_slice %arg6[%arg0, %mul3A_63, %dma_wait3A] : memref<2x10240x128xf32, #tpu.memory_space<hbm>> -> memref<1x640x128xf32, #tpu.memory_space<hbm>>
      %dma_wait3A_69 = tpu.memref_squeeze %dma_wait3A_68 : memref<1x640x128xf32, #tpu.memory_space<hbm>> -> memref<640x128xf32, #tpu.memory_space<hbm>>
      %dma_wait3A_70 = arith.constant 0 : i32
      %dma_wait3A_71 = tpu.memref_slice %arg12[%mul3A_61, %dma_wait3A_70] : memref<10240x128xf32, #tpu.memory_space<vmem_shared>> -> memref<640x128xf32, #tpu.memory_space<vmem_shared>>
      tpu.wait_dma2 semaphore(%run_scoped3A : memref<!tpu.dma_semaphore, #tpu.memory_space<semaphore_mem>>) src(%dma_wait3A_71 : memref<640x128xf32, #tpu.memory_space<vmem_shared>>) dst(%dma_wait3A_69 : memref<640x128xf32, #tpu.memory_space<hbm>>)
      tpu.yield
    }) : () -> ()
    return
  }
}

module attributes {stable_mosaic.version = 14 : i64} {
  func.func @_dinv_body(%arg0: memref<32x10240xf32, #tpu.memory_space<vmem>>, %arg1: memref<10240xf32, #tpu.memory_space<vmem>>) attributes {dimension_semantics = [], scalar_prefetch = 0 : i64, scratch_operands = 0 : i64, tpu.core_type = #tpu.core_type<tc>} {
    %get3A = arith.constant 0 : index
    %get3A_0 = arith.constant 0 : index
    %get3A_1 = vector.load %arg0[%get3A, %get3A_0] : memref<32x10240xf32, #tpu.memory_space<vmem>>, vector<32x10240xf32>
    %reduce_sum3A = arith.constant dense<0.000000e+00> : vector<10240xf32>
    %reduce_sum3A_2 = vector.multi_reduction <add>, %get3A_1, %reduce_sum3A [0] : vector<32x10240xf32> to vector<10240xf32>
    %max3A = arith.constant 9.99999996E-13 : f32
    %max3A_3 = vector.broadcast %max3A : f32 to vector<10240xf32>
    %max3A_4 = arith.maximumf %reduce_sum3A_2, %max3A_3 : vector<10240xf32>
    %rsqrt3A = math.rsqrt %max3A_4 : vector<10240xf32>
    %swap3A = arith.constant 0 : index
    %swap3A_5 = vector.load %arg1[%swap3A] : memref<10240xf32, #tpu.memory_space<vmem>>, vector<10240xf32>
    tpu.vector_store %arg1[%swap3A], %rsqrt3A {strides = array<i32>} : memref<10240xf32, #tpu.memory_space<vmem>>, vector<10240xf32>,
    return
  }
}

module attributes {stable_mosaic.version = 14 : i64} {
  func.func @_g0_body(%arg0: memref<10000x16xf32, #tpu.memory_space<vmem>>, %arg1: memref<10000x1xf32, #tpu.memory_space<vmem>>, %arg2: memref<16x128xf32, #tpu.memory_space<vmem>>, %arg3: memref<10000x128xf32, #tpu.memory_space<vmem>>) attributes {dimension_semantics = [], scalar_prefetch = 0 : i64, scratch_operands = 0 : i64, tpu.core_type = #tpu.core_type<tc>} {
    %get3A = arith.constant 0 : index
    %get3A_0 = arith.constant 0 : index
    %get3A_1 = vector.load %arg0[%get3A, %get3A_0] : memref<10000x16xf32, #tpu.memory_space<vmem>>, vector<10000x16xf32>
    %get3A_2 = arith.constant 0 : index
    %get3A_3 = arith.constant 0 : index
    %get3A_4 = vector.load %arg1[%get3A_2, %get3A_3] : memref<10000x1xf32, #tpu.memory_space<vmem>>, vector<10000x1xf32>
    %mul3A = vector.broadcast %get3A_4 : vector<10000x1xf32> to vector<10000x16xf32>
    %mul3A_5 = arith.mulf %get3A_1, %mul3A : vector<10000x16xf32>
    %get3A_6 = arith.constant 0 : index
    %get3A_7 = arith.constant 0 : index
    %get3A_8 = vector.load %arg2[%get3A_6, %get3A_7] : memref<16x128xf32, #tpu.memory_space<vmem>>, vector<16x128xf32>
    %dot_general3A = arith.constant dense<0.000000e+00> : vector<10000x128xf32>
    %dot_general3A_9 = tpu.matmul %mul3A_5, %get3A_8, %dot_general3A {dimension_numbers = #tpu.dot_dimension_numbers<[1], [0], [0], [1], [0, 0, 1, 1], [], []>, transpose_lhs_hint = false} : vector<10000x16xf32>, vector<16x128xf32>, vector<10000x128xf32> -> vector<10000x128xf32>
    %swap3A = arith.constant 0 : index
    %swap3A_10 = arith.constant 0 : index
    %swap3A_11 = vector.load %arg3[%swap3A, %swap3A_10] : memref<10000x128xf32, #tpu.memory_space<vmem>>, vector<10000x128xf32>
    tpu.vector_store %arg3[%swap3A, %swap3A_10], %dot_general3A_9 {strides = array<i32>} : memref<10000x128xf32, #tpu.memory_space<vmem>>, vector<10000x128xf32>,
    return
  }
}

module attributes {stable_mosaic.version = 14 : i64} {
  func.func @_h1_body(%arg0: memref<10240x128xf32, #tpu.memory_space<vmem>>, %arg1: memref<10240x128xf32, #tpu.memory_space<vmem>>, %arg2: memref<10240x1xf32, #tpu.memory_space<vmem>>, %arg3: memref<1x128xf32, #tpu.memory_space<vmem>>, %arg4: memref<10240x128xf32, #tpu.memory_space<vmem>>) attributes {dimension_semantics = [], scalar_prefetch = 0 : i64, scratch_operands = 0 : i64, tpu.core_type = #tpu.core_type<tc>} {
    %get3A = arith.constant 0 : index
    %get3A_0 = arith.constant 0 : index
    %get3A_1 = vector.load %arg2[%get3A, %get3A_0] : memref<10240x1xf32, #tpu.memory_space<vmem>>, vector<10240x1xf32>
    %get3A_2 = arith.constant 0 : index
    %get3A_3 = arith.constant 0 : index
    %get3A_4 = vector.load %arg0[%get3A_2, %get3A_3] : memref<10240x128xf32, #tpu.memory_space<vmem>>, vector<10240x128xf32>
    %get3A_5 = arith.constant 0 : index
    %get3A_6 = arith.constant 0 : index
    %get3A_7 = vector.load %arg1[%get3A_5, %get3A_6] : memref<10240x128xf32, #tpu.memory_space<vmem>>, vector<10240x128xf32>
    %add3A = arith.addf %get3A_4, %get3A_7 : vector<10240x128xf32>
    %mul3A = vector.broadcast %get3A_1 : vector<10240x1xf32> to vector<10240x128xf32>
    %mul3A_8 = arith.mulf %add3A, %mul3A : vector<10240x128xf32>
    %get3A_9 = arith.constant 0 : index
    %get3A_10 = arith.constant 0 : index
    %get3A_11 = vector.load %arg3[%get3A_9, %get3A_10] : memref<1x128xf32, #tpu.memory_space<vmem>>, vector<1x128xf32>
    %add3A_12 = vector.broadcast %get3A_11 : vector<1x128xf32> to vector<10240x128xf32>
    %add3A_13 = arith.addf %mul3A_8, %add3A_12 : vector<10240x128xf32>
    %max3A = arith.constant 0.000000e+00 : f32
    %max3A_14 = vector.broadcast %max3A : f32 to vector<10240x128xf32>
    %max3A_15 = arith.maximumf %add3A_13, %max3A_14 : vector<10240x128xf32>
    %mul3A_16 = vector.broadcast %get3A_1 : vector<10240x1xf32> to vector<10240x128xf32>
    %mul3A_17 = arith.mulf %max3A_15, %mul3A_16 : vector<10240x128xf32>
    %swap3A = arith.constant 0 : index
    %swap3A_18 = arith.constant 0 : index
    %swap3A_19 = vector.load %arg4[%swap3A, %swap3A_18] : memref<10240x128xf32, #tpu.memory_space<vmem>>, vector<10240x128xf32>
    tpu.vector_store %arg4[%swap3A, %swap3A_18], %mul3A_17 {strides = array<i32>} : memref<10240x128xf32, #tpu.memory_space<vmem>>, vector<10240x128xf32>,
    return
  }
}

module attributes {stable_mosaic.version = 14 : i64} {
  func.func @_out_body(%arg0: memref<10240x128xf32, #tpu.memory_space<vmem>>, %arg1: memref<10240x128xf32, #tpu.memory_space<vmem>>, %arg2: memref<10240x1xf32, #tpu.memory_space<vmem>>, %arg3: memref<128x128xf32, #tpu.memory_space<vmem>>, %arg4: memref<1x128xf32, #tpu.memory_space<vmem>>, %arg5: memref<128x16xf32, #tpu.memory_space<vmem>>, %arg6: memref<1x16xf32, #tpu.memory_space<vmem>>, %arg7: memref<10240x16xf32, #tpu.memory_space<vmem>>) attributes {dimension_semantics = [], scalar_prefetch = 0 : i64, scratch_operands = 0 : i64, tpu.core_type = #tpu.core_type<tc>} {
    %get3A = arith.constant 0 : index
    %get3A_0 = arith.constant 0 : index
    %get3A_1 = vector.load %arg0[%get3A, %get3A_0] : memref<10240x128xf32, #tpu.memory_space<vmem>>, vector<10240x128xf32>
    %get3A_2 = arith.constant 0 : index
    %get3A_3 = arith.constant 0 : index
    %get3A_4 = vector.load %arg1[%get3A_2, %get3A_3] : memref<10240x128xf32, #tpu.memory_space<vmem>>, vector<10240x128xf32>
    %add3A = arith.addf %get3A_1, %get3A_4 : vector<10240x128xf32>
    %get3A_5 = arith.constant 0 : index
    %get3A_6 = arith.constant 0 : index
    %get3A_7 = vector.load %arg2[%get3A_5, %get3A_6] : memref<10240x1xf32, #tpu.memory_space<vmem>>, vector<10240x1xf32>
    %mul3A = vector.broadcast %get3A_7 : vector<10240x1xf32> to vector<10240x128xf32>
    %mul3A_8 = arith.mulf %add3A, %mul3A : vector<10240x128xf32>
    %get3A_9 = arith.constant 0 : index
    %get3A_10 = arith.constant 0 : index
    %get3A_11 = vector.load %arg3[%get3A_9, %get3A_10] : memref<128x128xf32, #tpu.memory_space<vmem>>, vector<128x128xf32>
    %dot_general3A = arith.constant dense<0.000000e+00> : vector<10240x128xf32>
    %dot_general3A_12 = tpu.matmul %mul3A_8, %get3A_11, %dot_general3A {dimension_numbers = #tpu.dot_dimension_numbers<[1], [0], [0], [1], [0, 0, 1, 1], [], []>, transpose_lhs_hint = false} : vector<10240x128xf32>, vector<128x128xf32>, vector<10240x128xf32> -> vector<10240x128xf32>
    %get3A_13 = arith.constant 0 : index
    %get3A_14 = arith.constant 0 : index
    %get3A_15 = vector.load %arg4[%get3A_13, %get3A_14] : memref<1x128xf32, #tpu.memory_space<vmem>>, vector<1x128xf32>
    %add3A_16 = vector.broadcast %get3A_15 : vector<1x128xf32> to vector<10240x128xf32>
    %add3A_17 = arith.addf %dot_general3A_12, %add3A_16 : vector<10240x128xf32>
    %max3A = arith.constant 0.000000e+00 : f32
    %max3A_18 = vector.broadcast %max3A : f32 to vector<10240x128xf32>
    %max3A_19 = arith.maximumf %add3A_17, %max3A_18 : vector<10240x128xf32>
    %get3A_20 = arith.constant 0 : index
    %get3A_21 = arith.constant 0 : index
    %get3A_22 = vector.load %arg5[%get3A_20, %get3A_21] : memref<128x16xf32, #tpu.memory_space<vmem>>, vector<128x16xf32>
    %dot_general3A_23 = arith.constant dense<0.000000e+00> : vector<10240x16xf32>
    %dot_general3A_24 = tpu.matmul %max3A_19, %get3A_22, %dot_general3A_23 {dimension_numbers = #tpu.dot_dimension_numbers<[1], [0], [0], [1], [0, 0, 1, 1], [], []>, transpose_lhs_hint = false} : vector<10240x128xf32>, vector<128x16xf32>, vector<10240x16xf32> -> vector<10240x16xf32>
    %get3A_25 = arith.constant 0 : index
    %get3A_26 = arith.constant 0 : index
    %get3A_27 = vector.load %arg6[%get3A_25, %get3A_26] : memref<1x16xf32, #tpu.memory_space<vmem>>, vector<1x16xf32>
    %add3A_28 = vector.broadcast %get3A_27 : vector<1x16xf32> to vector<10240x16xf32>
    %add3A_29 = arith.addf %dot_general3A_24, %add3A_28 : vector<10240x16xf32>
    %swap3A = arith.constant 0 : index
    %swap3A_30 = arith.constant 0 : index
    %swap3A_31 = vector.load %arg7[%swap3A, %swap3A_30] : memref<10240x16xf32, #tpu.memory_space<vmem>>, vector<10240x16xf32>
    tpu.vector_store %arg7[%swap3A, %swap3A_30], %add3A_29 {strides = array<i32>} : memref<10240x16xf32, #tpu.memory_space<vmem>>, vector<10240x16xf32>,
    return
  }
}

</mosaic_0001>

<sc_bundles>
// kernel: kernel.12.cloned.1.call-start
scs
__scs_entry_jumppad:
0x0: {  	(pc) =	sbr.rel $0x88, $3  }
0x1: {  	(tag) =	ssettag $0x0;
	lr =	simm.s32 $0x1  }
0x2: {  	[smem:$0x3F98] =	sst lr;
	_ =	strace $0xD0000000  }
0x3: {  	_ = 	snop  }
0x4: {  	_ = 	snop  }
0x5: {  	_ = 	snop  }
0x6: {  	_ = 	snop  }
0x7: {  	_ = 	snop  }
__scs_overlays_trampoline_lowered:
0x8: {  	[smem:$0x3FA7] =	sst s0  }
0x9: {  	[smem:$0x3FA8] =	sst s1  }
0xa: {  	[smem:$0x3FA9] =	sst s2  }
0xb: {  	[smem:$0x3FAA] =	sst s3  }
0xc: {  	[smem:$0x3FAB] =	sst s4  }
0xd: {  	[smem:$0x3FAC] =	sst s5  }
0xe: {  	[smem:$0x3FAD] =	sst s6  }
0xf: {  	[smem:$0x3FAE] =	sst s7  }
0x10: {  	[smem:$0x3FAF] =	sst s8  }
0x11: {  	[smem:$0x3FB0] =	sst s9;
	s0 =	simm.s32 @!p0 $0x0  }
0x12: {  	s1 =	sld [smem:$0x3F96];
	s0 =	simm.s32 @p0 $0x1  }
0x13: {  	[smem:$0x3FB1] =	sst s0;
	s0 =	simm.s32 @!p1 $0x0  }
0x14: {  	s2 =	sld [smem:$0x3F95];
	s0 =	simm.s32 @p1 $0x1  }
0x15: {  	[smem:$0x3FB2] =	sst s0;
	s0 =	simm.s32 @!p2 $0x0  }
0x16: {  	s3 =	sld [smem:$0x3FDB];
	s0 =	simm.s32 @p2 $0x1  }
0x17: {  	s4 =	simm.s32 $0x1BF5;
	[smem:$0x3FB4] =	sst s0  }
0x18: {  	s0 =	sld [smem:$0x3F97];
	_ =	swait.ge [sflag:s4], $0x0  }
0x19: {  	s7 =	sld [smem:$0x3F98]  }
0x1a: {  	s8 =	sadd.s32 $0xFFFFE003, lr  }
0x1b: {  	s9 =	sadd.s32 $0xFFFFFEF7, lr;
	s5 =	simm.s32 $0xFFFFFFFF;
	p2 =	slt.u32 s8, $0xFFFFF086  }
0x1c: {  	p1 =	slt.u32 s9, $0xF7A;
	s5 =	simm.s32 @!p2 $0x0  }
0x1d: {  	s5 =	simm.s32 @p1 $0x1;
	p0 =	seq.s32 s7, s2  }
0x1e: {  	s7 =	smul.u32 @!p0 $0xF7A, s2;
	p2 =	seq.s32 @!p0 s5, $0x0  }
0x1f: {  	s9 =	smul.u32 $0xF7A, s1;
	s8 =	simm.s32 @!p0 $0x1BF5;
	p2 =	por !p2, p0  }
0x20: {  	[sflag:s8] =	ssyncset.s32 @!p0 $0xFFFFF086;
	s6 =	sadd.s32 @!p0 s3, s7;
	s7 =	simm.s32 @!p0 $0x108  }
0x21: {  	s3 =	sadd.s32 s3, s9;
	s6 =	sadd.s32 @!p0 $0x88, s6;
	s7 =	simm.s32 @p2 $0x1082  }
0x22: {  	[simem:s7], [sflag:s8] =	dma.local @!p0 [hbm:s6], $0xF7A  }
0x23: {  	s9 =	sor.u32 $0xD0000000, s2;
	s6 =	simm.s32 $0x108;
	_ =	swait.ge @!p0 [sflag:s8], $0x0  }
0x24: {  	s3 =	sadd.s32 $0x88, s3;
	s6 =	simm.s32 @!p1 $0x1082;
	[sflag:s4] =	ssyncset.s32 $0xFFFFF086  }
0x25: {  	[simem:s6], [sflag:s4] =	dma.local [hbm:s3], $0xF7A  }
0x26: {  	[smem:$0x3F98] =	sst s1;
	(tag) =	ssettag s2;
	_ =	strace s9  }
0x27: {  	s1 =	sld [smem:$0x3FA8]  }
0x28: {  	s2 =	sld [smem:$0x3FA9]  }
0x29: {  	s4 =	sld [smem:$0x3FAB]  }
0x2a: {  	p0 =	seq.s32 s5, $0x0;
	s5 =	sld [smem:$0x3FAC]  }
0x2b: {  	s6 =	sld [smem:$0x3FAD]  }
0x2c: {  	s7 =	sld [smem:$0x3FAE]  }
0x2d: {  	s3 =	simm.s32 $0x108;
	s8 =	sld [smem:$0x3FAF]  }
0x2e: {  	s3 =	simm.s32 @!p0 $0x1082;
	s9 =	sld [smem:$0x3FB0]  }
0x2f: {  	lr =	sadd.s32 s0, s3;
	s0 =	sld [smem:$0x3FA7]  }
0x30: {  	s3 =	sld [smem:$0x3FAA]  }
0x31: {  	[smem:$0x3FB3] =	sst s10  }
0x32: {  	s10 =	sld [smem:$0x3FB1];
	_ =	sdelay $0x3  }
0x33: {  	p0 =	seq.s32 s10, $0x1;
	s10 =	sld [smem:$0x3FB3];
	_ =	sdelay $0x3  }
0x34: {  	[smem:$0x3FB3] =	sst s10  }
0x35: {  	s10 =	sld [smem:$0x3FB2];
	_ =	sdelay $0x3  }
0x36: {  	p1 =	seq.s32 s10, $0x1;
	s10 =	sld [smem:$0x3FB3];
	_ =	sdelay $0x3  }
0x37: {  	[smem:$0x3FB3] =	sst s10  }
0x38: {  	s10 =	sld [smem:$0x3FB4]  }
0x39: {  	_ = 	snop;
	(pc) =	sbr.ind lr, $3  }
0x3a: {  	_ = 	snop  }
0x3b: {  	_ = 	snop  }
0x3c: {  	p2 =	seq.s32 s10, $0x1;
	s10 =	sld [smem:$0x3FB3]  }
0x3d: {  	_ =	shalt  }
0x3e: {  	_ =	shalt  }
0x3f: {  	_ =	shalt  }
0x40: {  	_ =	shalt  }
0x41: {  	_ =	shalt  }
0x42: {  	_ =	shalt  }
0x43: {  	_ =	shalt  }
0x44: {  	_ =	shalt  }
0x45: {  	_ =	shalt  }
0x46: {  	_ =	shalt  }
0x47: {  	_ =	shalt  }
0x48: {  	_ =	shalt  }
0x49: {  	_ =	shalt  }
0x4a: {  	_ =	shalt  }
0x4b: {  	_ =	shalt  }
0x4c: {  	_ =	shalt  }
0x4d: {  	_ =	shalt  }
0x4e: {  	_ =	shalt  }
0x4f: {  	_ =	shalt  }
0x50: {  	_ =	shalt  }
0x51: {  	_ =	shalt  }
0x52: {  	_ =	shalt  }
0x53: {  	_ =	shalt  }
0x54: {  	_ =	shalt  }
0x55: {  	_ =	shalt  }
0x56: {  	_ =	shalt  }
0x57: {  	_ =	shalt  }
0x58: {  	_ =	shalt  }
0x59: {  	_ =	shalt  }
0x5a: {  	_ =	shalt  }
0x5b: {  	_ =	shalt  }
0x5c: {  	_ =	shalt  }
0x5d: {  	_ =	shalt  }
0x5e: {  	_ =	shalt  }
0x5f: {  	_ =	shalt  }
0x60: {  	_ =	shalt  }
0x61: {  	_ =	shalt  }
0x62: {  	_ =	shalt  }
0x63: {  	_ =	shalt  }
0x64: {  	_ =	shalt  }
0x65: {  	_ =	shalt  }
0x66: {  	_ =	shalt  }
0x67: {  	_ =	shalt  }
0x68: {  	_ =	shalt  }
0x69: {  	_ =	shalt  }
0x6a: {  	_ =	shalt  }
0x6b: {  	_ =	shalt  }
0x6c: {  	_ =	shalt  }
0x6d: {  	_ =	shalt  }
0x6e: {  	_ =	shalt  }
0x6f: {  	_ =	shalt  }
0x70: {  	_ =	shalt  }
0x71: {  	_ =	shalt  }
0x72: {  	_ =	shalt  }
0x73: {  	_ =	shalt  }
0x74: {  	_ =	shalt  }
0x75: {  	_ =	shalt  }
0x76: {  	_ =	shalt  }
0x77: {  	_ =	shalt  }
0x78: {  	_ =	shalt  }
0x79: {  	_ =	shalt  }
0x7a: {  	_ =	shalt  }
0x7b: {  	_ =	shalt  }
0x7c: {  	_ =	shalt  }
0x7d: {  	_ =	shalt  }
0x7e: {  	_ =	shalt  }
0x7f: {  	_ =	shalt  }
0x80: {  	_ =	shalt  }
0x81: {  	_ =	shalt  }
0x82: {  	_ =	shalt  }
0x83: {  	_ =	shalt  }
0x84: {  	_ =	shalt  }
0x85: {  	_ =	shalt  }
0x86: {  	_ =	shalt  }
0x87: {  	_ =	shalt  }
.Lfunc_end0:
.L_simem_size_0:
called_computation.1_lowered:
.L_overlay_start_0:
0x88: {  	s2 =	sld [smem:$0x3FD9]  }
0x89: {  	s3 =	sld [smem:$0x3FFE];
	_ =	sdelay $0x1  }
0x8a: {  	s1 =	srdreg.scid  }
0x8b: {  	s0 =	sand.u32 $0x1, s1  }
0x8c: {  	s16 =	sshll.u32 s0, $0xA;
	s2 =	sadd.s32 s3, s2  }
0x8d: {  	s2 =	sadd.s32 s2, s16  }
0x8e: {  	[smem:$0x3FBF] =	sst s2  }
0x8f: {  	_ = 	snop  }
0x90: {  	(tm) =	ssettm $0x1  }
0x91: {  	s17 =	sld [smem:$0x3FFB];
	_ =	sdelay $0x3  }
0x92: {  	_ =	strace s17  }
0x93: {  	s2 =	sld [smem:$0x3FFC];
	_ =	sdelay $0x3  }
0x94: {  	_ =	strace s2  }
0x95: {  	s2 =	sld [smem:$0x3FFD];
	_ =	sdelay $0x3  }
0x96: {  	_ =	strace s2  }
0x97: {  	_ =	strace $0x8FFFFFFF  }
0x98: {  	s18 =	sld [smem:$0x3FDB];
	_ =	sdelay $0x1  }
0x99: {  	s19 =	simm.s32 $_scs_section_size  }
0x9a: {  	s4 =	simm.s32 $_size__tile_overlayer_lowered;
	s5 =	simm.s32 $_tile_overlayer_lowered  }
0x9b: {  	s22 =	simm.s32 $0x1BFF;
	s21 =	sshll.u32 s5, $0x1;
	s2 =	sadd.s32 s19, s18  }
0x9c: {  	s6 =	simm.s32 $0x0;
	s20 =	sshll.u32 s4, $0x1;
	s4 =	sadd.s32 s21, s2  }
0x9d: {  	[timem:s6], [sflag:s22] =	dma.local [hbm:s4], s20  }
0x9e: {  	_ =	swait.ge [sflag:s22], s20  }
0x9f: {  	s3 =	ssub.s32 $0x0, s20;
	[sflag:s22] =	ssyncset.done $0x0  }
0xa0: {  	[sflag:s22] =	ssyncadd.s32 s3;
	_ =	sdelay $0x1  }
0xa1: {  	s23 =	simm.s32 $0x1B8B  }
0xa2: {  	_ =	swait.ge [sflag:s23], $0x1  }
0xa3: {  	[sflag:s23] =	ssyncset.done $0x0  }
0xa4: {  	s25 =	simm.s32 $0x1B8E;
	s24 =	sld [smem:$0x3FFE];
	[sflag:s23] =	ssyncadd.s32 $0xFFFFFFFF  }
0xa5: {  	s26 =	simm.s32 $execute0_lowered;
	[smem:$0x3FD2] =	sst s25  }
0xa6: {  	s4 =	sshll.u32 s26, $0x1;
	_ =	strace $0x80000049;
	[dreg:$0x1] =	wrdreg $0xFFFFFFFF  }
0xa7: {  	s28 =	simm.s32 $_size_execute0_lowered;
	s2 =	sadd.s32 s2, s4;
	[dreg:$0x0] =	wrdreg $0x0  }
0xa8: {  	s4 =	sshll.u32 s28, $0x1;
	[dreg:$0x2] =	wrdreg s2  }
0xa9: {  	[dreg:$0x3] =	wrdreg s4  }
0xaa: {  	[dreg:$0x4] =	wrdreg $0xC0  }
0xab: {  	_ =	task [dreg:s6], $0x5FFFF  }
0xac: {  	[dreg:$0x1] =	wrdreg $0xFFFFFFFF  }
0xad: {  	[dreg:$0x0] =	wrdreg $0x60  }
0xae: {  	[dreg:$0x2] =	wrdreg s24  }
0xaf: {  	[dreg:$0x3] =	wrdreg $0x68000  }
0xb0: {  	[dreg:$0x4] =	wrdreg $0x9  }
0xb1: {  	_ =	task.clear_ibuf [dreg:s6], $0x5FFFF;
	_ =	strace $0x90000049  }
0xb2: {  	s29 =	simm.s32 $0x9;
	_ =	strace $0x8000004B  }
0xb3: {  	_ =	swait.ge [sflag:s29], $0x1  }
0xb4: {  	[sflag:s29] =	ssyncadd.s32 $0xFFFFFFFF  }
0xb5: {  	_ =	strace $0x9000004B  }
0xb6: {  	_ =	sfence  }
0xb7: {  	s30 =	sld [smem:$0x0];
	_ =	sdelay $0x2  }
0xb8: {  	s31 =	sshll.u32 s1, $0xD;
	s1 =	sshrl.u32 s1, $0x2  }
0xb9: {  	s3 =	sand.u32 $0x4000, s31;
	s1 =	sadd.s32 s1, s30  }
0xba: {  	s0 =	sor.u32 s3, s0;
	s1 =	sshll.u32 s1, $0x11  }
0xbb: {  	s0 =	sor.u32 s1, s0  }
0xbc: {  	s0 =	sadd.s32 $0x8F2B, s0  }
0xbd: {  	[sflag:s0] =	ssyncadd.remote.s32 $0x1  }
0xbe: {  	_ =	sfence.sel $0xFFFF  }
0xbf: {  	[dreg:$0x0] =	wrdreg $0xFFFFFFFF;
	(pc) =	sbr.abs _section_cstart, $3  }
0xc0: {  	[dreg:$0x1] =	wrdreg $0xFFFFFFFF  }
0xc1: {  	_ =	task.clear_ibuf [dreg:s6], $0x2FFFF;
	_ =	strace $0x9FFFFFFF  }
0xc2: {  	(tm) =	ssettm $0x7FFFFFFF  }
0xc3: {  	_ =	shalt  }
tec
execute0_lowered:
.L_overlay_start_1:
0x0: {  	(tag) =	ssettag $0x1  }
0x1: {  	s0 =	rddreg [dreg:$0x0]  }
0x2: {  	s1 =	rddreg [dreg:$0x1];
	s2 =	srdreg.scid;
	s3 =	simm.s32 $0x0  }
0x3: {  	s12 =	stileid.u32;
	s20 =	simm.s32 $0x1800;
	s21 =	simm.s32 $0x3  }
0x4: {  	s22 =	simm.s32 $0x800;
	s28 =	simm.s32 $0x2;
	s29 =	simm.s32 $0x0  }
0x5: {  	s2 =	sand.u32 $0x1, s2;
	[smem:$0x7FF] =	sst s3;
	s9 =	smul.u32 $0x14000, s12  }
0x6: {  	s4 =	sadd.s32 $0x74A00, s0;
	s5 =	sadd.s32 $0x34A00, s0;
	s10 =	smul.u32 $0xC0, s12  }
0x7: {  	s6 =	sadd.s32 $0x54A00, s0;
	s7 =	sadd.s32 $0x2A00, s0;
	s11 =	smul.u32 $0x50000, s12  }
0x8: {  	s8 =	smul.u32 $0x140000, s2;
	_ =	strace $0x8000004A;
	s23 =	ssub.s32 $0x2, s2  }
0x9: {  	p0 =	seq.s32 s2, $0x0;
	s2 =	smul.u32 $0x140, s12;
	s24 =	sshrl.u32 s23, $0x1  }
0xa: {  	s10 =	sadd.s32 $0x1400, s10;
	s25 =	sshrl.u32 s11, $0x2;
	s8 =	sadd.s32 s9, s8  }
0xb: {  	s19 =	ssub.s32 s23, s24;
	s10 =	smov.u32 @p0 s2;
	s9 =	sadd.s32 s25, s1  }
0xc: {  	s23 =	simm.s32 $0x1000;
	s24 =	simm.s32 $0x1;
	s25 =	simm.s32 $0x50  }
0xd: {  	s8 =	sshrl.u32 s8, $0x3;
	s26 =	sadd.s32 $0x2800, s9;
	s30 =	sadd.s32 $0x5000, s9  }
0xe: {  	s31 =	sadd.s32 $0x7800, s9;
	s13 =	sadd.s32 $0xA000, s9;
	s14 =	sadd.s32 $0xC800, s9  }
0xf: {  	s15 =	sadd.s32 $0xF000, s9;
	s16 =	sadd.s32 $0x11800, s9;
	[dreg:$0x3] =	wrdreg s26  }
0x10: {  	s17 =	sshll.u32 s10, $0x7;
	s19 =	smax.u32 s19, $0x1;
	[dreg:$0x4] =	wrdreg s30  }
0x11: {  	s0 =	sadd.s32 s8, s0;
	s8 =	simm.s32 $0x14;
	[dreg:$0x5] =	wrdreg s31  }
0x12: {  	v0 =	vimm.f32 $0.0e+00;
	s26 =	simm.s32 $0x4000;
	s8 =	simm.s32 @!p0 $0xC;
	s18 =	sadd.s32 $0x94A00, s0  }
.LBB2_1:
0x13: {  	s0 =	simm.s32 $0x0;
	s2 =	simm.s32 $0x200  }
.LBB2_2:
0x14: {  	p0 =	sne.s32 s2, $0x9E00;
	[tilespmem:s0+$0x1870] =	vst v0  }
0x15: {  	[tilespmem:s0+$0x1800] =	vst v0  }
0x16: {  	[tilespmem:s0+$0x1810] =	vst v0  }
.Ltmp0:
0x17: {  	[tilespmem:s0+$0x1820] =	vst v0;
	(pc) =	sbr.rel @p0 .LBB2_2-.Ltmp0, $4  }
0x18: {  	[tilespmem:s0+$0x1830] =	vst v0  }
0x19: {  	[tilespmem:s0+$0x1840] =	vst v0  }
0x1a: {  	[tilespmem:s0+$0x1850] =	vst v0  }
0x1b: {  	[tilespmem:s0+$0x1860] =	vst v0;
	s0 =	sshra.s32 s2, $0x2;
	s2 =	sadd.s32 $0x200, s2  }
0x1c: {  	[tilespmem:s0+$0x1870] =	vst v0  }
0x1d: {  	[tilespmem:s0+$0x1800] =	vst v0  }
0x1e: {  	[tilespmem:s0+$0x1810] =	vst v0  }
0x1f: {  	[tilespmem:s0+$0x1820] =	vst v0  }
0x20: {  	[tilespmem:s0+$0x1830] =	vst v0  }
0x21: {  	[tilespmem:s0+$0x1840] =	vst v0  }
0x22: {  	[tilespmem:s0+$0x1850] =	vst v0  }
0x23: {  	[tilespmem:s0+$0x1860] =	vst v0  }
0x24: {  	[spmem:s9] =	stream.linear.scatter [tilespmem:s20], [sflag:$0x3], $0x2800, $0x38;
	[tilespmem:$0x1A800] =	vst v63  }
0x25: {  	_ =	swait.ge [sflag:s21], $0x2800  }
0x26: {  	[sflag:s21] =	ssyncset.done $0x0  }
0x27: {  	s11 =	rddreg [dreg:$0x3];
	[sflag:s21] =	ssyncadd.s32 $0xFFFFD800  }
0x28: {  	[spmem:s11] =	stream.linear.scatter [tilespmem:s20], [sflag:$0x3], $0x2800, $0x38;
	[tilespmem:$0x1A800] =	vst v63  }
0x29: {  	_ =	swait.ge [sflag:s21], $0x2800  }
0x2a: {  	[sflag:s21] =	ssyncset.done $0x0  }
0x2b: {  	s12 =	rddreg [dreg:$0x4];
	[sflag:s21] =	ssyncadd.s32 $0xFFFFD800  }
0x2c: {  	[spmem:s12] =	stream.linear.scatter [tilespmem:s20], [sflag:$0x3], $0x2800, $0x38;
	[tilespmem:$0x1A800] =	vst v63  }
0x2d: {  	_ =	swait.ge [sflag:s21], $0x2800  }
0x2e: {  	[sflag:s21] =	ssyncset.done $0x0  }
0x2f: {  	s31 =	rddreg [dreg:$0x5];
	[sflag:s21] =	ssyncadd.s32 $0xFFFFD800  }
0x30: {  	[spmem:s31] =	stream.linear.scatter [tilespmem:s20], [sflag:$0x3], $0x2800, $0x38;
	[tilespmem:$0x1A800] =	vst v63  }
0x31: {  	_ =	swait.ge [sflag:s21], $0x2800  }
0x32: {  	[sflag:s21] =	ssyncset.done $0x0  }
0x33: {  	[sflag:s21] =	ssyncadd.s32 $0xFFFFD800  }
0x34: {  	[spmem:s13] =	stream.linear.scatter [tilespmem:s20], [sflag:$0x3], $0x2800, $0x38;
	[tilespmem:$0x1A800] =	vst v63  }
0x35: {  	_ =	swait.ge [sflag:s21], $0x2800  }
0x36: {  	[sflag:s21] =	ssyncset.done $0x0  }
0x37: {  	[sflag:s21] =	ssyncadd.s32 $0xFFFFD800  }
0x38: {  	[spmem:s14] =	stream.linear.scatter [tilespmem:s20], [sflag:$0x3], $0x2800, $0x38;
	[tilespmem:$0x1A800] =	vst v63  }
0x39: {  	_ =	swait.ge [sflag:s21], $0x2800  }
0x3a: {  	[sflag:s21] =	ssyncset.done $0x0  }
0x3b: {  	[sflag:s21] =	ssyncadd.s32 $0xFFFFD800  }
0x3c: {  	[spmem:s15] =	stream.linear.scatter [tilespmem:s20], [sflag:$0x3], $0x2800, $0x38;
	[tilespmem:$0x1A800] =	vst v63  }
0x3d: {  	_ =	swait.ge [sflag:s21], $0x2800  }
0x3e: {  	[sflag:s21] =	ssyncset.done $0x0  }
0x3f: {  	[sflag:s21] =	ssyncadd.s32 $0xFFFFD800  }
0x40: {  	[spmem:s16] =	stream.linear.scatter [tilespmem:s20], [sflag:$0x3], $0x2800, $0x38;
	[tilespmem:$0x1A800] =	vst v63  }
0x41: {  	_ =	swait.ge [sflag:s21], $0x2800  }
0x42: {  	[sflag:s21] =	ssyncset.done $0x0  }
0x43: {  	[sflag:s21] =	ssyncadd.s32 $0xFFFFD800  }
0x44: {  	s30 =	simm.s32 $0x0;
	[bflag:$0x0] =	sbarrier.arrive $0xFFFF  }
.LBB2_4:
0x45: {  	s0 =	sshll.u32 s30, $0xB  }
0x46: {  	s0 =	sadd.s32 s17, s0  }
0x47: {  	s0 =	sshrl.u32 s0, $0x3  }
0x48: {  	s2 =	sadd.s32 s4, s0  }
0x49: {  	[tilespmem:s29], [sflag:$0x1] =	stream.linear.gather [hbm4b:s2+s29], $0x800, $0x38;
	[tilespmem:$0x1A800] =	vst v63  }
0x4a: {  	s12 =	sadd.s32 s5, s0  }
0x4b: {  	[tilespmem:s22], [sflag:$0x1] =	stream.linear.gather [hbm4b:s12+s29], $0x800, $0x38;
	[tilespmem:$0x1A800] =	vst v63  }
0x4c: {  	s0 =	sadd.s32 s6, s0  }
0x4d: {  	[tilespmem:s23], [sflag:$0x1] =	stream.linear.gather [hbm4b:s0+s29], $0x800, $0x38;
	[tilespmem:$0x1A800] =	vst v63  }
0x4e: {  	_ =	swait.ge [sflag:s24], $0x800  }
0x4f: {  	[sflag:s24] =	ssyncset.done $0x0  }
0x50: {  	[sflag:s24] =	ssyncadd.s32 $0xFFFFF800  }
0x51: {  	_ =	swait.ge [sflag:s24], $0x800  }
0x52: {  	[sflag:s24] =	ssyncset.done $0x0  }
0x53: {  	[sflag:s24] =	ssyncadd.s32 $0xFFFFF800  }
0x54: {  	_ =	swait.ge [sflag:s24], $0x800  }
0x55: {  	[sflag:s24] =	ssyncset.done $0x0  }
0x56: {  	s31 =	simm.s32 $0x0;
	[sflag:s24] =	ssyncadd.s32 $0xFFFFF800  }
0x57: {  	[tilespmem:s20], [sflag:$0x2] =	stream.indirect.gather [hbm4b:s7+s25], $0x80, s29, s25, $0xb8;
	[tilespmem:$0x1A800] =	vst v63  }
.LBB2_5:
0x58: {  	s0 =	sshllo.u32 s31, $0x1  }
0x59: {  	s2 =	simm.s32 $0x1;
	s10 =	sshll.u32 s31, $0x8;
	s0 =	sshll.u32 s0, $0x7  }
0x5a: {  	v2 =	vmov s2;
	[tilespmem:s26], [sflag:$0x2] =	stream.indirect.gather [hbm4b:s7+s25], $0x80, s0, s25, $0xb8;
	[tilespmem:$0x1A800] =	vst v63  }
0x5b: {  	v1 =	vmov s10;
	v2 =	vand.u32 $0x7F, v2;
	_ =	swait.ge [sflag:s28], $0x2800  }
0x5c: {  	v2 =	vor.u32 v1, v2;
	[sflag:s28] =	ssyncset.done $0x0  }
0x5d: {  	s2 =	simm.s32 $0x1880;
	v2 =	vbroadcast v2, $0x0;
	[sflag:s28] =	ssyncadd.s32 $0xFFFFD800  }
0x5e: {  	v6 =	vld [tilespmem:s2+$0xFFFFFFF0]  }
0x5f: {  	v5 =	vld [tilespmem:s2+$0x50]  }
0x60: {  	s12 =	simm.s32 $0x0;
	v7 =	vld [tilespmem:s2+$0x70]  }
0x61: {  	v3 =	vmov s12;
	v8 =	vld [tilespmem:s2+$0x30]  }
0x62: {  	v3 =	vand.u32 $0x7E, v3;
	v4 =	vld [tilespmem:s2+$0x10]  }
0x63: {  	v3 =	vor.u32 v1, v3;
	v9 =	vld.idx.msk [tilespmem:v2+s23+$0x0], $0xffff  }
0x64: {  	v2 =	vbroadcast v3, $0x0;
	v3 =	vld [tilespmem:s2+$0x0]  }
0x65: {  	v10 =	vld [tilespmem:s2+$0x20]  }
0x66: {  	v11 =	vld [tilespmem:s2+$0x40]  }
0x67: {  	v12 =	vld [tilespmem:s2+$0x60]  }
0x68: {  	v13 =	vld [tilespmem:s2+$0xFFFFFFD0]  }
0x69: {  	v15 =	vld [tilespmem:s2+$0xFFFFFF80];
	v14 =	vmul.f32 v3, v9  }
0x6a: {  	v63 =	vld [tilespmem:s2+$0xFFFFFFA0];
	v10 =	vmul.f32 v10, v9  }
0x6b: {  	v5 =	vmul.f32 v5, v9;
	v3 =	vld.idx.msk [tilespmem:v2+s23+$0x0], $0xffff;
	[tilespmem:s2+$0x0] =	vst v14  }
0x6c: {  	v8 =	vmul.f32 v8, v9;
	v2 =	vmul.f32 v4, v9;
	v4 =	vld [tilespmem:s2+$0xFFFFFFE0];
	[tilespmem:s2+$0x20] =	vst v10  }
0x6d: {  	[tilespmem:s2+$0x50] =	vst v5;
	v5 =	vld [tilespmem:s2+$0xFFFFFF90]  }
0x6e: {  	v12 =	vmul.f32 v12, v9;
	[tilespmem:s2+$0x30] =	vst v8;
	v8 =	vld [tilespmem:s2+$0xFFFFFFC0]  }
0x6f: {  	v16 =	vmul.f32 v11, v9;
	v7 =	vmul.f32 v7, v9;
	[tilespmem:s2+$0x10] =	vst v2;
	v2 =	vld [tilespmem:s2+$0xFFFFFFB0]  }
0x70: {  	[tilespmem:s2+$0x60] =	vst v12;
	v9 =	vmul.f32 v15, v3;
	v11 =	vmul.f32 v6, v3  }
0x71: {  	s11 =	simm.s32 $0x1880;
	s10 =	simm.s32 $0x3;
	[tilespmem:s2+$0x40] =	vst v16;
	v6 =	vmul.f32 v63, v3;
	v10 =	vmul.f32 v13, v3  }
.LBB2_6:
0x72: {  	p0 =	sne.s32 s10, $0x4F  }
0x73: {  	v12 =	vmov s10;
	v5 =	vmul.f32 v5, v3;
	v4 =	vmul.f32 v4, v3;
	[tilespmem:s2+$0x70] =	vst v7;
	s11 =	sadd.s32 $0x100, s11;
	s12 =	smov.u32 s10;
	s10 =	sadd.s32 $0x2, s10  }
0x74: {  	v2 =	vmul.f32 v2, v3;
	v7 =	vand.u32 $0x7F, v12;
	v3 =	vmul.f32 v8, v3;
	[tilespmem:s2+$0xFFFFFFF0] =	vst v11  }
0x75: {  	v7 =	vor.u32 v1, v7;
	[tilespmem:s2+$0xFFFFFF80] =	vst v9  }
0x76: {  	v7 =	vbroadcast v7, $0x0;
	v11 =	vld [tilespmem:s11+$0xFFFFFFF0];
	[tilespmem:s2+$0xFFFFFFD0] =	vst v10  }
0x77: {  	v8 =	vld [tilespmem:s11+$0x50];
	[tilespmem:s2+$0xFFFFFFA0] =	vst v6  }
0x78: {  	v6 =	vld [tilespmem:s11+$0x70];
	[tilespmem:s2+$0xFFFFFFB0] =	vst v2  }
0x79: {  	s12 =	sadd.s32 $0xFFFFFFFF, s12;
	v2 =	vld [tilespmem:s11+$0xFFFFFFB0];
	[tilespmem:s2+$0xFFFFFFC0] =	vst v3  }
0x7a: {  	v3 =	vmov s12;
	v9 =	vld [tilespmem:s11+$0x30];
	[tilespmem:s2+$0xFFFFFFE0] =	vst v4  }
0x7b: {  	v3 =	vand.u32 $0x7E, v3;
	v4 =	vld [tilespmem:s11+$0x10];
	[tilespmem:s2+$0xFFFFFF90] =	vst v5;
	s2 =	smov.u32 s11  }
0x7c: {  	v3 =	vor.u32 v1, v3;
	v5 =	vld.idx.msk [tilespmem:v7+s23+$0x0], $0xffff  }
0x7d: {  	v3 =	vbroadcast v3, $0x0;
	v7 =	vld [tilespmem:s11+$0x0]  }
0x7e: {  	v10 =	vld [tilespmem:s11+$0x20]  }
0x7f: {  	v12 =	vld [tilespmem:s11+$0x40]  }
0x80: {  	v13 =	vld [tilespmem:s11+$0x60]  }
0x81: {  	v14 =	vld [tilespmem:s11+$0xFFFFFFD0]  }
0x82: {  	v16 =	vmul.f32 v4, v5;
	v15 =	vld [tilespmem:s11+$0xFFFFFF80];
	v7 =	vmul.f32 v7, v5  }
0x83: {  	v17 =	vmul.f32 v9, v5;
	v3 =	vld.idx.msk [tilespmem:v3+s23+$0x0], $0xffff;
	v10 =	vmul.f32 v10, v5  }
0x84: {  	v9 =	vmul.f32 v8, v5;
	v18 =	vld [tilespmem:s11+$0xFFFFFFA0];
	[tilespmem:s11+$0x0] =	vst v7;
	v12 =	vmul.f32 v12, v5  }
0x85: {  	v7 =	vmul.f32 v6, v5;
	v4 =	vld [tilespmem:s11+$0xFFFFFFE0];
	[tilespmem:s11+$0x10] =	vst v16;
	v13 =	vmul.f32 v13, v5  }
.Ltmp1:
0x86: {  	v5 =	vld [tilespmem:s11+$0xFFFFFF90];
	[tilespmem:s11+$0x20] =	vst v10;
	(pc) =	sbr.rel @p0 .LBB2_6-.Ltmp1, $4  }
0x87: {  	v8 =	vld [tilespmem:s11+$0xFFFFFFC0];
	[tilespmem:s11+$0x50] =	vst v9  }
0x88: {  	[tilespmem:s11+$0x60] =	vst v13  }
0x89: {  	v9 =	vmul.f32 v15, v3;
	v11 =	vmul.f32 v11, v3;
	[tilespmem:s11+$0x30] =	vst v17  }
0x8a: {  	v10 =	vmul.f32 v14, v3;
	v6 =	vmul.f32 v18, v3;
	[tilespmem:s11+$0x40] =	vst v12  }
0x8b: {  	[tilespmem:s2+$0x70] =	vst v7  }
0x8c: {  	[tilespmem:s2+$0xFFFFFFF0] =	vst v11  }
0x8d: {  	[tilespmem:s2+$0xFFFFFF80] =	vst v9  }
0x8e: {  	v1 =	vmul.f32 v2, v3;
	[tilespmem:s2+$0xFFFFFFD0] =	vst v10  }
0x8f: {  	v4 =	vmul.f32 v4, v3;
	[tilespmem:s2+$0xFFFFFFA0] =	vst v6  }
0x90: {  	v2 =	vmul.f32 v8, v3;
	[tilespmem:s2+$0xFFFFFFB0] =	vst v1  }
0x91: {  	s10 =	sshll.u32 s31, $0xA;
	v1 =	vmul.f32 v5, v3;
	[tilespmem:s2+$0xFFFFFFE0] =	vst v4  }
0x92: {  	s11 =	sshrl.u32 s10, $0x2;
	[tilespmem:s2+$0xFFFFFFC0] =	vst v2  }
0x93: {  	s11 =	sadd.s32 $0x800, s11;
	[tilespmem:s2+$0xFFFFFF90] =	vst v1  }
0x94: {  	[spmem:s1] =	stream.indirect.scatter.add.f32 [tilespmem:s20], [sflag:$0x3], $0x80, s11, s25, $0xb8;
	[tilespmem:$0x1A800] =	vst v63  }
0x95: {  	p0 =	seq.s32 s31, $0x7;
	s12 =	simm.s32 $0x1;
	_ =	swait.ge [sflag:s21], $0x2800  }
0x96: {  	s2 =	sshrl.u32 @!p0 s10, $0x2;
	s10 =	simm.s32 @!p0 $0x1800;
	[sflag:s21] =	ssyncset.done $0x0  }
0x97: {  	v2 =	vmov s12;
	s2 =	sadd.s32 @!p0 $0x100, s2;
	s11 =	simm.s32 @!p0 $0x50;
	[sflag:s21] =	ssyncadd.s32 $0xFFFFD800  }
0x98: {  	v1 =	vmov s0;
	v2 =	vand.u32 $0x7F, v2;
	[tilespmem:s10], [sflag:$0x2] =	stream.indirect.gather @!p0 [hbm4b:s7+s11], $0x80, s2, s11, $0xb8;
	[tilespmem:$0x1A800] =	vst v63  }
0x99: {  	v2 =	vor.u32 v1, v2;
	_ =	swait.ge [sflag:s28], $0x2800  }
0x9a: {  	v2 =	vbroadcast v2, $0x0;
	[sflag:s28] =	ssyncset.done $0x0  }
0x9b: {  	s2 =	simm.s32 $0x4080;
	[sflag:s28] =	ssyncadd.s32 $0xFFFFD800  }
0x9c: {  	v6 =	vld [tilespmem:s2+$0xFFFFFFF0]  }
0x9d: {  	s12 =	simm.s32 $0x0;
	v5 =	vld [tilespmem:s2+$0x50]  }
0x9e: {  	v3 =	vmov s12;
	v7 =	vld [tilespmem:s2+$0x70]  }
0x9f: {  	v3 =	vand.u32 $0x7E, v3;
	v8 =	vld [tilespmem:s2+$0x30]  }
0xa0: {  	v3 =	vor.u32 v1, v3;
	v9 =	vld.idx.msk [tilespmem:v2+s23+$0x0], $0xffff  }
0xa1: {  	v2 =	vbroadcast v3, $0x0;
	v3 =	vld [tilespmem:s2+$0x0]  }
0xa2: {  	v4 =	vld [tilespmem:s2+$0x10]  }
0xa3: {  	v10 =	vld [tilespmem:s2+$0x20]  }
0xa4: {  	v11 =	vld [tilespmem:s2+$0x40]  }
0xa5: {  	v12 =	vld [tilespmem:s2+$0x60]  }
0xa6: {  	v13 =	vld [tilespmem:s2+$0xFFFFFFD0]  }
0xa7: {  	v15 =	vld [tilespmem:s2+$0xFFFFFF80];
	v14 =	vmul.f32 v3, v9  }
0xa8: {  	v63 =	vld [tilespmem:s2+$0xFFFFFFA0];
	v10 =	vmul.f32 v10, v9  }
0xa9: {  	v5 =	vmul.f32 v5, v9;
	v3 =	vld.idx.msk [tilespmem:v2+s23+$0x0], $0xffff;
	[tilespmem:s2+$0x0] =	vst v14  }
0xaa: {  	v8 =	vmul.f32 v8, v9;
	v2 =	vmul.f32 v4, v9;
	v4 =	vld [tilespmem:s2+$0xFFFFFFE0];
	[tilespmem:s2+$0x20] =	vst v10  }
0xab: {  	[tilespmem:s2+$0x50] =	vst v5;
	v5 =	vld [tilespmem:s2+$0xFFFFFF90]  }
0xac: {  	v12 =	vmul.f32 v12, v9;
	[tilespmem:s2+$0x30] =	vst v8;
	v8 =	vld [tilespmem:s2+$0xFFFFFFC0]  }
0xad: {  	v16 =	vmul.f32 v11, v9;
	v7 =	vmul.f32 v7, v9;
	[tilespmem:s2+$0x10] =	vst v2;
	v2 =	vld [tilespmem:s2+$0xFFFFFFB0]  }
0xae: {  	[tilespmem:s2+$0x60] =	vst v12;
	v9 =	vmul.f32 v15, v3;
	v11 =	vmul.f32 v6, v3  }
0xaf: {  	s10 =	simm.s32 $0x3;
	s11 =	simm.s32 $0x4080;
	[tilespmem:s2+$0x40] =	vst v16;
	v6 =	vmul.f32 v63, v3;
	v10 =	vmul.f32 v13, v3  }
.LBB2_8:
0xb0: {  	p0 =	sne.s32 s10, $0x4F  }
0xb1: {  	v12 =	vmov s10;
	v5 =	vmul.f32 v5, v3;
	v4 =	vmul.f32 v4, v3;
	[tilespmem:s2+$0x70] =	vst v7;
	s11 =	sadd.s32 $0x100, s11;
	s12 =	smov.u32 s10;
	s10 =	sadd.s32 $0x2, s10  }
0xb2: {  	v2 =	vmul.f32 v2, v3;
	v7 =	vand.u32 $0x7F, v12;
	v3 =	vmul.f32 v8, v3;
	[tilespmem:s2+$0xFFFFFFF0] =	vst v11  }
0xb3: {  	v7 =	vor.u32 v1, v7;
	[tilespmem:s2+$0xFFFFFF80] =	vst v9  }
0xb4: {  	v7 =	vbroadcast v7, $0x0;
	v11 =	vld [tilespmem:s11+$0xFFFFFFF0];
	[tilespmem:s2+$0xFFFFFFD0] =	vst v10  }
0xb5: {  	v8 =	vld [tilespmem:s11+$0x50];
	[tilespmem:s2+$0xFFFFFFA0] =	vst v6  }
0xb6: {  	v6 =	vld [tilespmem:s11+$0x70];
	[tilespmem:s2+$0xFFFFFFB0] =	vst v2  }
0xb7: {  	s12 =	sadd.s32 $0xFFFFFFFF, s12;
	v2 =	vld [tilespmem:s11+$0xFFFFFFB0];
	[tilespmem:s2+$0xFFFFFFC0] =	vst v3  }
0xb8: {  	v3 =	vmov s12;
	v9 =	vld [tilespmem:s11+$0x30];
	[tilespmem:s2+$0xFFFFFFE0] =	vst v4  }
0xb9: {  	v3 =	vand.u32 $0x7E, v3;
	v4 =	vld [tilespmem:s11+$0x10];
	[tilespmem:s2+$0xFFFFFF90] =	vst v5;
	s2 =	smov.u32 s11  }
0xba: {  	v3 =	vor.u32 v1, v3;
	v5 =	vld.idx.msk [tilespmem:v7+s23+$0x0], $0xffff  }
0xbb: {  	v3 =	vbroadcast v3, $0x0;
	v7 =	vld [tilespmem:s11+$0x0]  }
0xbc: {  	v10 =	vld [tilespmem:s11+$0x20]  }
0xbd: {  	v12 =	vld [tilespmem:s11+$0x40]  }
0xbe: {  	v13 =	vld [tilespmem:s11+$0x60]  }
0xbf: {  	v14 =	vld [tilespmem:s11+$0xFFFFFFD0]  }
0xc0: {  	v16 =	vmul.f32 v4, v5;
	v15 =	vld [tilespmem:s11+$0xFFFFFF80];
	v7 =	vmul.f32 v7, v5  }
0xc1: {  	v17 =	vmul.f32 v9, v5;
	v3 =	vld.idx.msk [tilespmem:v3+s23+$0x0], $0xffff;
	v10 =	vmul.f32 v10, v5  }
0xc2: {  	v9 =	vmul.f32 v8, v5;
	v18 =	vld [tilespmem:s11+$0xFFFFFFA0];
	[tilespmem:s11+$0x0] =	vst v7;
	v12 =	vmul.f32 v12, v5  }
0xc3: {  	v7 =	vmul.f32 v6, v5;
	v4 =	vld [tilespmem:s11+$0xFFFFFFE0];
	[tilespmem:s11+$0x10] =	vst v16;
	v13 =	vmul.f32 v13, v5  }
.Ltmp2:
0xc4: {  	v5 =	vld [tilespmem:s11+$0xFFFFFF90];
	[tilespmem:s11+$0x20] =	vst v10;
	(pc) =	sbr.rel @p0 .LBB2_8-.Ltmp2, $4  }
0xc5: {  	v8 =	vld [tilespmem:s11+$0xFFFFFFC0];
	[tilespmem:s11+$0x50] =	vst v9  }
0xc6: {  	[tilespmem:s11+$0x60] =	vst v13  }
0xc7: {  	v9 =	vmul.f32 v15, v3;
	v11 =	vmul.f32 v11, v3;
	[tilespmem:s11+$0x30] =	vst v17  }
0xc8: {  	v10 =	vmul.f32 v14, v3;
	v6 =	vmul.f32 v18, v3;
	[tilespmem:s11+$0x40] =	vst v12  }
0xc9: {  	[tilespmem:s2+$0x70] =	vst v7  }
0xca: {  	[tilespmem:s2+$0xFFFFFFF0] =	vst v11  }
0xcb: {  	[tilespmem:s2+$0xFFFFFF80] =	vst v9  }
0xcc: {  	v1 =	vmul.f32 v2, v3;
	[tilespmem:s2+$0xFFFFFFD0] =	vst v10  }
0xcd: {  	v4 =	vmul.f32 v4, v3;
	[tilespmem:s2+$0xFFFFFFA0] =	vst v6  }
0xce: {  	v2 =	vmul.f32 v8, v3;
	[tilespmem:s2+$0xFFFFFFB0] =	vst v1  }
0xcf: {  	s31 =	sadd.s32 $0x1, s31;
	v1 =	vmul.f32 v5, v3;
	[tilespmem:s2+$0xFFFFFFE0] =	vst v4  }
0xd0: {  	p0 =	sne.s32 s31, $0x8;
	[tilespmem:s2+$0xFFFFFFC0] =	vst v2  }
.Ltmp3:
0xd1: {  	s0 =	sadd.s32 $0x800, s0;
	[tilespmem:s2+$0xFFFFFF90] =	vst v1;
	(pc) =	sbr.rel @p0 .LBB2_5-.Ltmp3, $4  }
0xd2: {  	[spmem:s1] =	stream.indirect.scatter.add.f32 [tilespmem:s26], [sflag:$0x3], $0x80, s0, s25, $0xb8;
	[tilespmem:$0x1A800] =	vst v63  }
0xd3: {  	_ =	swait.ge [sflag:s21], $0x2800  }
0xd4: {  	[sflag:s21] =	ssyncset.done $0x0  }
0xd5: {  	[sflag:s21] =	ssyncadd.s32 $0xFFFFD800  }
0xd6: {  	s30 =	sadd.s32 $0x1, s30  }
0xd7: {  	p0 =	sne.s32 s30, s8  }
.Ltmp4:
0xd8: {  	_ = 	snop;
	(pc) =	sbr.rel @p0 .LBB2_4-.Ltmp4, $1  }
0xd9: {  	_ =	sdelay $0x3  }
0xda: {  	s0 =	stileid.u32;
	s3 =	sadd.s32 $0x1, s3  }
0xdb: {  	[bflag:$0x0] =	sbarrier.arrive $0xFFFF;
	s0 =	sshll.u32 s0, $0x6;
	p0 =	sne.s32 s3, s19  }
.Ltmp5:
0xdc: {  	s2 =	sshrl.u32 s9, $0x3;
	s0 =	sor.u32 $0x1C03, s0;
	(pc) =	sbr.rel @p0 .LBB2_1-.Ltmp5, $4  }
0xdd: {  	[hbm:s18], [sflag:s0] =	dma.local [spmem:s2], $0x2800  }
0xde: {  	_ =	swait.ge [sflag:s21], $0x2800  }
0xdf: {  	[sflag:s21] =	ssyncset.done $0x0  }
0xe0: {  	[sflag:s21] =	ssyncadd.s32 $0xFFFFD800  }
0xe1: {  	_ =	sfence.sel $0x180000  }
0xe2: {  	[bflag:$0x0] =	sbarrier.arrive $0xFFFF  }
0xe3: {  	_ =	strace $0x9000004A  }
0xe4: {  	s0 =	stileid.u32;
	[bflag:$0x2] =	sbarrier.arrive $0xFFFF  }
0xe5: {  	p0 =	sne.s32 s0, $0x0;
	s0 =	rddreg [dreg:$0x2]  }
0xe6: {  	s0 =	sadd.s32 @!p0 $0x100000, s0  }
0xe7: {  	[sflag:s0] =	ssyncadd.tile.s32 @!p0 $0x1;
	_ =	shalt  }
.Lfunc_end2:
_tile_overlayer_lowered:
.L_overlay_start_2:
0xe8: {  	(tag) =	ssettag $0x2  }
0xe9: {  	s0 =	rddreg [dreg:$0x0];
	s2 =	stileid.u32  }
0xea: {  	s1 =	rddreg [dreg:$0x1];
	p0 =	sne.s32 s2, $0x0  }
0xeb: {  	s3 =	rddreg [dreg:$0x2];
	[bflag:$0x3] =	sbarrier.arrive $0xFFFF;
	s2 =	simm.s32 @!p0 $0x1C03  }
0xec: {  	[timem:s3], [sflag:s2] =	dma.local @!p0 [hbm:s0], s1  }
0xed: {  	s0 =	simm.s32 @!p0 $0x3  }
0xee: {  	_ =	swait.ge @!p0 [sflag:s0], s1  }
0xef: {  	s1 =	ssub.s32 @!p0 $0x0, s1;
	[sflag:s0] =	ssyncset.done @!p0 $0x0  }
0xf0: {  	[sflag:s0] =	ssyncadd.s32 @!p0 s1  }
0xf1: {  	[bflag:$0x3] =	sbarrier.arrive $0xFFFF  }
0xf2: {  	_ =	shalt  }

// kernel: kernel.15.cloned.1.call-start
scs
__scs_entry_jumppad:
0x0: {  	(pc) =	sbr.rel $0x88, $3  }
0x1: {  	(tag) =	ssettag $0x0;
	lr =	simm.s32 $0x1  }
0x2: {  	[smem:$0x3F98] =	sst lr;
	_ =	strace $0xD0000000  }
0x3: {  	_ = 	snop  }
0x4: {  	_ = 	snop  }
0x5: {  	_ = 	snop  }
0x6: {  	_ = 	snop  }
0x7: {  	_ = 	snop  }
__scs_overlays_trampoline_lowered:
0x8: {  	[smem:$0x3FA7] =	sst s0  }
0x9: {  	[smem:$0x3FA8] =	sst s1  }
0xa: {  	[smem:$0x3FA9] =	sst s2  }
0xb: {  	[smem:$0x3FAA] =	sst s3  }
0xc: {  	[smem:$0x3FAB] =	sst s4  }
0xd: {  	[smem:$0x3FAC] =	sst s5  }
0xe: {  	[smem:$0x3FAD] =	sst s6  }
0xf: {  	[smem:$0x3FAE] =	sst s7  }
0x10: {  	[smem:$0x3FAF] =	sst s8  }
0x11: {  	[smem:$0x3FB0] =	sst s9;
	s0 =	simm.s32 @!p0 $0x0  }
0x12: {  	s1 =	sld [smem:$0x3F96];
	s0 =	simm.s32 @p0 $0x1  }
0x13: {  	[smem:$0x3FB1] =	sst s0;
	s0 =	simm.s32 @!p1 $0x0  }
0x14: {  	s2 =	sld [smem:$0x3F95];
	s0 =	simm.s32 @p1 $0x1  }
0x15: {  	[smem:$0x3FB2] =	sst s0;
	s0 =	simm.s32 @!p2 $0x0  }
0x16: {  	s3 =	sld [smem:$0x3FDB];
	s0 =	simm.s32 @p2 $0x1  }
0x17: {  	s4 =	simm.s32 $0x1BF5;
	[smem:$0x3FB4] =	sst s0  }
0x18: {  	s0 =	sld [smem:$0x3F97];
	_ =	swait.ge [sflag:s4], $0x0  }
0x19: {  	s7 =	sld [smem:$0x3F98]  }
0x1a: {  	s8 =	sadd.s32 $0xFFFFE003, lr  }
0x1b: {  	s9 =	sadd.s32 $0xFFFFFEF7, lr;
	s5 =	simm.s32 $0xFFFFFFFF;
	p2 =	slt.u32 s8, $0xFFFFF086  }
0x1c: {  	p1 =	slt.u32 s9, $0xF7A;
	s5 =	simm.s32 @!p2 $0x0  }
0x1d: {  	s5 =	simm.s32 @p1 $0x1;
	p0 =	seq.s32 s7, s2  }
0x1e: {  	s7 =	smul.u32 @!p0 $0xF7A, s2;
	p2 =	seq.s32 @!p0 s5, $0x0  }
0x1f: {  	s9 =	smul.u32 $0xF7A, s1;
	s8 =	simm.s32 @!p0 $0x1BF5;
	p2 =	por !p2, p0  }
0x20: {  	[sflag:s8] =	ssyncset.s32 @!p0 $0xFFFFF086;
	s6 =	sadd.s32 @!p0 s3, s7;
	s7 =	simm.s32 @!p0 $0x108  }
0x21: {  	s3 =	sadd.s32 s3, s9;
	s6 =	sadd.s32 @!p0 $0x88, s6;
	s7 =	simm.s32 @p2 $0x1082  }
0x22: {  	[simem:s7], [sflag:s8] =	dma.local @!p0 [hbm:s6], $0xF7A  }
0x23: {  	s9 =	sor.u32 $0xD0000000, s2;
	s6 =	simm.s32 $0x108;
	_ =	swait.ge @!p0 [sflag:s8], $0x0  }
0x24: {  	s3 =	sadd.s32 $0x88, s3;
	s6 =	simm.s32 @!p1 $0x1082;
	[sflag:s4] =	ssyncset.s32 $0xFFFFF086  }
0x25: {  	[simem:s6], [sflag:s4] =	dma.local [hbm:s3], $0xF7A  }
0x26: {  	[smem:$0x3F98] =	sst s1;
	(tag) =	ssettag s2;
	_ =	strace s9  }
0x27: {  	s1 =	sld [smem:$0x3FA8]  }
0x28: {  	s2 =	sld [smem:$0x3FA9]  }
0x29: {  	s4 =	sld [smem:$0x3FAB]  }
0x2a: {  	p0 =	seq.s32 s5, $0x0;
	s5 =	sld [smem:$0x3FAC]  }
0x2b: {  	s6 =	sld [smem:$0x3FAD]  }
0x2c: {  	s7 =	sld [smem:$0x3FAE]  }
0x2d: {  	s3 =	simm.s32 $0x108;
	s8 =	sld [smem:$0x3FAF]  }
0x2e: {  	s3 =	simm.s32 @!p0 $0x1082;
	s9 =	sld [smem:$0x3FB0]  }
0x2f: {  	lr =	sadd.s32 s0, s3;
	s0 =	sld [smem:$0x3FA7]  }
0x30: {  	s3 =	sld [smem:$0x3FAA]  }
0x31: {  	[smem:$0x3FB3] =	sst s10  }
0x32: {  	s10 =	sld [smem:$0x3FB1];
	_ =	sdelay $0x3  }
0x33: {  	p0 =	seq.s32 s10, $0x1;
	s10 =	sld [smem:$0x3FB3];
	_ =	sdelay $0x3  }
0x34: {  	[smem:$0x3FB3] =	sst s10  }
0x35: {  	s10 =	sld [smem:$0x3FB2];
	_ =	sdelay $0x3  }
0x36: {  	p1 =	seq.s32 s10, $0x1;
	s10 =	sld [smem:$0x3FB3];
	_ =	sdelay $0x3  }
0x37: {  	[smem:$0x3FB3] =	sst s10  }
0x38: {  	s10 =	sld [smem:$0x3FB4]  }
0x39: {  	_ = 	snop;
	(pc) =	sbr.ind lr, $3  }
0x3a: {  	_ = 	snop  }
0x3b: {  	_ = 	snop  }
0x3c: {  	p2 =	seq.s32 s10, $0x1;
	s10 =	sld [smem:$0x3FB3]  }
0x3d: {  	_ =	shalt  }
0x3e: {  	_ =	shalt  }
0x3f: {  	_ =	shalt  }
0x40: {  	_ =	shalt  }
0x41: {  	_ =	shalt  }
0x42: {  	_ =	shalt  }
0x43: {  	_ =	shalt  }
0x44: {  	_ =	shalt  }
0x45: {  	_ =	shalt  }
0x46: {  	_ =	shalt  }
0x47: {  	_ =	shalt  }
0x48: {  	_ =	shalt  }
0x49: {  	_ =	shalt  }
0x4a: {  	_ =	shalt  }
0x4b: {  	_ =	shalt  }
0x4c: {  	_ =	shalt  }
0x4d: {  	_ =	shalt  }
0x4e: {  	_ =	shalt  }
0x4f: {  	_ =	shalt  }
0x50: {  	_ =	shalt  }
0x51: {  	_ =	shalt  }
0x52: {  	_ =	shalt  }
0x53: {  	_ =	shalt  }
0x54: {  	_ =	shalt  }
0x55: {  	_ =	shalt  }
0x56: {  	_ =	shalt  }
0x57: {  	_ =	shalt  }
0x58: {  	_ =	shalt  }
0x59: {  	_ =	shalt  }
0x5a: {  	_ =	shalt  }
0x5b: {  	_ =	shalt  }
0x5c: {  	_ =	shalt  }
0x5d: {  	_ =	shalt  }
0x5e: {  	_ =	shalt  }
0x5f: {  	_ =	shalt  }
0x60: {  	_ =	shalt  }
0x61: {  	_ =	shalt  }
0x62: {  	_ =	shalt  }
0x63: {  	_ =	shalt  }
0x64: {  	_ =	shalt  }
0x65: {  	_ =	shalt  }
0x66: {  	_ =	shalt  }
0x67: {  	_ =	shalt  }
0x68: {  	_ =	shalt  }
0x69: {  	_ =	shalt  }
0x6a: {  	_ =	shalt  }
0x6b: {  	_ =	shalt  }
0x6c: {  	_ =	shalt  }
0x6d: {  	_ =	shalt  }
0x6e: {  	_ =	shalt  }
0x6f: {  	_ =	shalt  }
0x70: {  	_ =	shalt  }
0x71: {  	_ =	shalt  }
0x72: {  	_ =	shalt  }
0x73: {  	_ =	shalt  }
0x74: {  	_ =	shalt  }
0x75: {  	_ =	shalt  }
0x76: {  	_ =	shalt  }
0x77: {  	_ =	shalt  }
0x78: {  	_ =	shalt  }
0x79: {  	_ =	shalt  }
0x7a: {  	_ =	shalt  }
0x7b: {  	_ =	shalt  }
0x7c: {  	_ =	shalt  }
0x7d: {  	_ =	shalt  }
0x7e: {  	_ =	shalt  }
0x7f: {  	_ =	shalt  }
0x80: {  	_ =	shalt  }
0x81: {  	_ =	shalt  }
0x82: {  	_ =	shalt  }
0x83: {  	_ =	shalt  }
0x84: {  	_ =	shalt  }
0x85: {  	_ =	shalt  }
0x86: {  	_ =	shalt  }
0x87: {  	_ =	shalt  }
.Lfunc_end0:
.L_simem_size_0:
called_computation.2_lowered:
.L_overlay_start_0:
0x88: {  	s2 =	sld [smem:$0x3FD9]  }
0x89: {  	s3 =	sld [smem:$0x3FFE];
	_ =	sdelay $0x1  }
0x8a: {  	s1 =	srdreg.scid  }
0x8b: {  	s0 =	sand.u32 $0x1, s1  }
0x8c: {  	s16 =	sshll.u32 s0, $0xA;
	s2 =	sadd.s32 s3, s2  }
0x8d: {  	s2 =	sadd.s32 s2, s16  }
0x8e: {  	[smem:$0x3FBF] =	sst s2  }
0x8f: {  	_ = 	snop  }
0x90: {  	(tm) =	ssettm $0x1  }
0x91: {  	s17 =	sld [smem:$0x3FFB];
	_ =	sdelay $0x3  }
0x92: {  	_ =	strace s17  }
0x93: {  	s2 =	sld [smem:$0x3FFC];
	_ =	sdelay $0x3  }
0x94: {  	_ =	strace s2  }
0x95: {  	s2 =	sld [smem:$0x3FFD];
	_ =	sdelay $0x3  }
0x96: {  	_ =	strace s2  }
0x97: {  	_ =	strace $0x8FFFFFFF  }
0x98: {  	s18 =	sld [smem:$0x3FDB];
	_ =	sdelay $0x1  }
0x99: {  	s19 =	simm.s32 $_scs_section_size  }
0x9a: {  	s4 =	simm.s32 $_size__tile_overlayer_lowered;
	s5 =	simm.s32 $_tile_overlayer_lowered  }
0x9b: {  	s22 =	simm.s32 $0x1BFF;
	s21 =	sshll.u32 s5, $0x1;
	s2 =	sadd.s32 s19, s18  }
0x9c: {  	s6 =	simm.s32 $0x0;
	s20 =	sshll.u32 s4, $0x1;
	s4 =	sadd.s32 s21, s2  }
0x9d: {  	[timem:s6], [sflag:s22] =	dma.local [hbm:s4], s20  }
0x9e: {  	_ =	swait.ge [sflag:s22], s20  }
0x9f: {  	s3 =	ssub.s32 $0x0, s20;
	[sflag:s22] =	ssyncset.done $0x0  }
0xa0: {  	[sflag:s22] =	ssyncadd.s32 s3;
	_ =	sdelay $0x1  }
0xa1: {  	s23 =	simm.s32 $0x1B8B  }
0xa2: {  	_ =	swait.ge [sflag:s23], $0x1  }
0xa3: {  	[sflag:s23] =	ssyncset.done $0x0  }
0xa4: {  	s25 =	simm.s32 $0x1B8E;
	s24 =	sld [smem:$0x3FFE];
	[sflag:s23] =	ssyncadd.s32 $0xFFFFFFFF  }
0xa5: {  	s26 =	simm.s32 $execute0_lowered;
	[smem:$0x3FD2] =	sst s25  }
0xa6: {  	s4 =	sshll.u32 s26, $0x1;
	_ =	strace $0x8000004C;
	[dreg:$0x1] =	wrdreg $0xFFFFFFFF  }
0xa7: {  	s28 =	simm.s32 $_size_execute0_lowered;
	s2 =	sadd.s32 s2, s4;
	[dreg:$0x0] =	wrdreg $0x0  }
0xa8: {  	s4 =	sshll.u32 s28, $0x1;
	[dreg:$0x2] =	wrdreg s2  }
0xa9: {  	[dreg:$0x3] =	wrdreg s4  }
0xaa: {  	[dreg:$0x4] =	wrdreg $0xC0  }
0xab: {  	_ =	task [dreg:s6], $0x5FFFF  }
0xac: {  	[dreg:$0x1] =	wrdreg $0xFFFFFFFF  }
0xad: {  	[dreg:$0x0] =	wrdreg $0x60  }
0xae: {  	[dreg:$0x2] =	wrdreg s24  }
0xaf: {  	[dreg:$0x3] =	wrdreg $0x68000  }
0xb0: {  	[dreg:$0x4] =	wrdreg $0x9  }
0xb1: {  	_ =	task.clear_ibuf [dreg:s6], $0x5FFFF;
	_ =	strace $0x9000004C  }
0xb2: {  	s29 =	simm.s32 $0x9;
	_ =	strace $0x8000004E  }
0xb3: {  	_ =	swait.ge [sflag:s29], $0x1  }
0xb4: {  	[sflag:s29] =	ssyncadd.s32 $0xFFFFFFFF  }
0xb5: {  	_ =	strace $0x9000004E  }
0xb6: {  	_ =	sfence  }
0xb7: {  	s30 =	sld [smem:$0x0];
	_ =	sdelay $0x2  }
0xb8: {  	s31 =	sshll.u32 s1, $0xD;
	s1 =	sshrl.u32 s1, $0x2  }
0xb9: {  	s3 =	sand.u32 $0x4000, s31;
	s1 =	sadd.s32 s1, s30  }
0xba: {  	s0 =	sor.u32 s3, s0;
	s1 =	sshll.u32 s1, $0x11  }
0xbb: {  	s0 =	sor.u32 s1, s0  }
0xbc: {  	s0 =	sadd.s32 $0x8F2B, s0  }
0xbd: {  	[sflag:s0] =	ssyncadd.remote.s32 $0x1  }
0xbe: {  	_ =	sfence.sel $0xFFFF  }
0xbf: {  	[dreg:$0x0] =	wrdreg $0xFFFFFFFF;
	(pc) =	sbr.abs _section_cstart, $3  }
0xc0: {  	[dreg:$0x1] =	wrdreg $0xFFFFFFFF  }
0xc1: {  	_ =	task.clear_ibuf [dreg:s6], $0x2FFFF;
	_ =	strace $0x9FFFFFFF  }
0xc2: {  	(tm) =	ssettm $0x7FFFFFFF  }
0xc3: {  	_ =	shalt  }
tec
execute0_lowered:
.L_overlay_start_1:
0x0: {  	(tag) =	ssettag $0x1  }
0x1: {  	s0 =	rddreg [dreg:$0x0]  }
0x2: {  	s1 =	rddreg [dreg:$0x1];
	s2 =	srdreg.scid;
	s3 =	simm.s32 $0x0  }
0x3: {  	s12 =	stileid.u32;
	s20 =	simm.s32 $0x1800;
	s21 =	simm.s32 $0x3  }
0x4: {  	s22 =	simm.s32 $0x800;
	s28 =	simm.s32 $0x2;
	s29 =	simm.s32 $0x0  }
0x5: {  	s2 =	sand.u32 $0x1, s2;
	[smem:$0x7FF] =	sst s3;
	s9 =	smul.u32 $0x14000, s12  }
0x6: {  	s4 =	sadd.s32 $0x74A00, s0;
	s5 =	sadd.s32 $0x34A00, s0;
	s10 =	smul.u32 $0xC0, s12  }
0x7: {  	s6 =	sadd.s32 $0x54A00, s0;
	s7 =	sadd.s32 $0x2A00, s0;
	s11 =	smul.u32 $0x50000, s12  }
0x8: {  	s8 =	smul.u32 $0x140000, s2;
	_ =	strace $0x8000004D;
	s23 =	ssub.s32 $0x2, s2  }
0x9: {  	p0 =	seq.s32 s2, $0x0;
	s2 =	smul.u32 $0x140, s12;
	s24 =	sshrl.u32 s23, $0x1  }
0xa: {  	s10 =	sadd.s32 $0x1400, s10;
	s25 =	sshrl.u32 s11, $0x2;
	s8 =	sadd.s32 s9, s8  }
0xb: {  	s19 =	ssub.s32 s23, s24;
	s10 =	smov.u32 @p0 s2;
	s9 =	sadd.s32 s25, s1  }
0xc: {  	s23 =	simm.s32 $0x1000;
	s24 =	simm.s32 $0x1;
	s25 =	simm.s32 $0x50  }
0xd: {  	s8 =	sshrl.u32 s8, $0x3;
	s26 =	sadd.s32 $0x2800, s9;
	s30 =	sadd.s32 $0x5000, s9  }
0xe: {  	s31 =	sadd.s32 $0x7800, s9;
	s13 =	sadd.s32 $0xA000, s9;
	s14 =	sadd.s32 $0xC800, s9  }
0xf: {  	s15 =	sadd.s32 $0xF000, s9;
	s16 =	sadd.s32 $0x11800, s9;
	[dreg:$0x3] =	wrdreg s26  }
0x10: {  	s17 =	sshll.u32 s10, $0x7;
	s19 =	smax.u32 s19, $0x1;
	[dreg:$0x4] =	wrdreg s30  }
0x11: {  	s0 =	sadd.s32 s8, s0;
	s8 =	simm.s32 $0x14;
	[dreg:$0x5] =	wrdreg s31  }
0x12: {  	v0 =	vimm.f32 $0.0e+00;
	s26 =	simm.s32 $0x4000;
	s8 =	simm.s32 @!p0 $0xC;
	s18 =	sadd.s32 $0x94A00, s0  }
.LBB2_1:
0x13: {  	s0 =	simm.s32 $0x0;
	s2 =	simm.s32 $0x200  }
.LBB2_2:
0x14: {  	p0 =	sne.s32 s2, $0x9E00;
	[tilespmem:s0+$0x1870] =	vst v0  }
0x15: {  	[tilespmem:s0+$0x1800] =	vst v0  }
0x16: {  	[tilespmem:s0+$0x1810] =	vst v0  }
.Ltmp0:
0x17: {  	[tilespmem:s0+$0x1820] =	vst v0;
	(pc) =	sbr.rel @p0 .LBB2_2-.Ltmp0, $4  }
0x18: {  	[tilespmem:s0+$0x1830] =	vst v0  }
0x19: {  	[tilespmem:s0+$0x1840] =	vst v0  }
0x1a: {  	[tilespmem:s0+$0x1850] =	vst v0  }
0x1b: {  	[tilespmem:s0+$0x1860] =	vst v0;
	s0 =	sshra.s32 s2, $0x2;
	s2 =	sadd.s32 $0x200, s2  }
0x1c: {  	[tilespmem:s0+$0x1870] =	vst v0  }
0x1d: {  	[tilespmem:s0+$0x1800] =	vst v0  }
0x1e: {  	[tilespmem:s0+$0x1810] =	vst v0  }
0x1f: {  	[tilespmem:s0+$0x1820] =	vst v0  }
0x20: {  	[tilespmem:s0+$0x1830] =	vst v0  }
0x21: {  	[tilespmem:s0+$0x1840] =	vst v0  }
0x22: {  	[tilespmem:s0+$0x1850] =	vst v0  }
0x23: {  	[tilespmem:s0+$0x1860] =	vst v0  }
0x24: {  	[spmem:s9] =	stream.linear.scatter [tilespmem:s20], [sflag:$0x3], $0x2800, $0x38;
	[tilespmem:$0x1A800] =	vst v63  }
0x25: {  	_ =	swait.ge [sflag:s21], $0x2800  }
0x26: {  	[sflag:s21] =	ssyncset.done $0x0  }
0x27: {  	s11 =	rddreg [dreg:$0x3];
	[sflag:s21] =	ssyncadd.s32 $0xFFFFD800  }
0x28: {  	[spmem:s11] =	stream.linear.scatter [tilespmem:s20], [sflag:$0x3], $0x2800, $0x38;
	[tilespmem:$0x1A800] =	vst v63  }
0x29: {  	_ =	swait.ge [sflag:s21], $0x2800  }
0x2a: {  	[sflag:s21] =	ssyncset.done $0x0  }
0x2b: {  	s12 =	rddreg [dreg:$0x4];
	[sflag:s21] =	ssyncadd.s32 $0xFFFFD800  }
0x2c: {  	[spmem:s12] =	stream.linear.scatter [tilespmem:s20], [sflag:$0x3], $0x2800, $0x38;
	[tilespmem:$0x1A800] =	vst v63  }
0x2d: {  	_ =	swait.ge [sflag:s21], $0x2800  }
0x2e: {  	[sflag:s21] =	ssyncset.done $0x0  }
0x2f: {  	s31 =	rddreg [dreg:$0x5];
	[sflag:s21] =	ssyncadd.s32 $0xFFFFD800  }
0x30: {  	[spmem:s31] =	stream.linear.scatter [tilespmem:s20], [sflag:$0x3], $0x2800, $0x38;
	[tilespmem:$0x1A800] =	vst v63  }
0x31: {  	_ =	swait.ge [sflag:s21], $0x2800  }
0x32: {  	[sflag:s21] =	ssyncset.done $0x0  }
0x33: {  	[sflag:s21] =	ssyncadd.s32 $0xFFFFD800  }
0x34: {  	[spmem:s13] =	stream.linear.scatter [tilespmem:s20], [sflag:$0x3], $0x2800, $0x38;
	[tilespmem:$0x1A800] =	vst v63  }
0x35: {  	_ =	swait.ge [sflag:s21], $0x2800  }
0x36: {  	[sflag:s21] =	ssyncset.done $0x0  }
0x37: {  	[sflag:s21] =	ssyncadd.s32 $0xFFFFD800  }
0x38: {  	[spmem:s14] =	stream.linear.scatter [tilespmem:s20], [sflag:$0x3], $0x2800, $0x38;
	[tilespmem:$0x1A800] =	vst v63  }
0x39: {  	_ =	swait.ge [sflag:s21], $0x2800  }
0x3a: {  	[sflag:s21] =	ssyncset.done $0x0  }
0x3b: {  	[sflag:s21] =	ssyncadd.s32 $0xFFFFD800  }
0x3c: {  	[spmem:s15] =	stream.linear.scatter [tilespmem:s20], [sflag:$0x3], $0x2800, $0x38;
	[tilespmem:$0x1A800] =	vst v63  }
0x3d: {  	_ =	swait.ge [sflag:s21], $0x2800  }
0x3e: {  	[sflag:s21] =	ssyncset.done $0x0  }
0x3f: {  	[sflag:s21] =	ssyncadd.s32 $0xFFFFD800  }
0x40: {  	[spmem:s16] =	stream.linear.scatter [tilespmem:s20], [sflag:$0x3], $0x2800, $0x38;
	[tilespmem:$0x1A800] =	vst v63  }
0x41: {  	_ =	swait.ge [sflag:s21], $0x2800  }
0x42: {  	[sflag:s21] =	ssyncset.done $0x0  }
0x43: {  	[sflag:s21] =	ssyncadd.s32 $0xFFFFD800  }
0x44: {  	s30 =	simm.s32 $0x0;
	[bflag:$0x0] =	sbarrier.arrive $0xFFFF  }
.LBB2_4:
0x45: {  	s0 =	sshll.u32 s30, $0xB  }
0x46: {  	s0 =	sadd.s32 s17, s0  }
0x47: {  	s0 =	sshrl.u32 s0, $0x3  }
0x48: {  	s2 =	sadd.s32 s4, s0  }
0x49: {  	[tilespmem:s29], [sflag:$0x1] =	stream.linear.gather [hbm4b:s2+s29], $0x800, $0x38;
	[tilespmem:$0x1A800] =	vst v63  }
0x4a: {  	s12 =	sadd.s32 s5, s0  }
0x4b: {  	[tilespmem:s22], [sflag:$0x1] =	stream.linear.gather [hbm4b:s12+s29], $0x800, $0x38;
	[tilespmem:$0x1A800] =	vst v63  }
0x4c: {  	s0 =	sadd.s32 s6, s0  }
0x4d: {  	[tilespmem:s23], [sflag:$0x1] =	stream.linear.gather [hbm4b:s0+s29], $0x800, $0x38;
	[tilespmem:$0x1A800] =	vst v63  }
0x4e: {  	_ =	swait.ge [sflag:s24], $0x800  }
0x4f: {  	[sflag:s24] =	ssyncset.done $0x0  }
0x50: {  	[sflag:s24] =	ssyncadd.s32 $0xFFFFF800  }
0x51: {  	_ =	swait.ge [sflag:s24], $0x800  }
0x52: {  	[sflag:s24] =	ssyncset.done $0x0  }
0x53: {  	[sflag:s24] =	ssyncadd.s32 $0xFFFFF800  }
0x54: {  	_ =	swait.ge [sflag:s24], $0x800  }
0x55: {  	[sflag:s24] =	ssyncset.done $0x0  }
0x56: {  	s31 =	simm.s32 $0x0;
	[sflag:s24] =	ssyncadd.s32 $0xFFFFF800  }
0x57: {  	[tilespmem:s20], [sflag:$0x2] =	stream.indirect.gather [hbm4b:s7+s25], $0x80, s29, s25, $0xb8;
	[tilespmem:$0x1A800] =	vst v63  }
.LBB2_5:
0x58: {  	s0 =	sshllo.u32 s31, $0x1  }
0x59: {  	s2 =	simm.s32 $0x1;
	s10 =	sshll.u32 s31, $0x8;
	s0 =	sshll.u32 s0, $0x7  }
0x5a: {  	v2 =	vmov s2;
	[tilespmem:s26], [sflag:$0x2] =	stream.indirect.gather [hbm4b:s7+s25], $0x80, s0, s25, $0xb8;
	[tilespmem:$0x1A800] =	vst v63  }
0x5b: {  	v1 =	vmov s10;
	v2 =	vand.u32 $0x7F, v2;
	_ =	swait.ge [sflag:s28], $0x2800  }
0x5c: {  	v2 =	vor.u32 v1, v2;
	[sflag:s28] =	ssyncset.done $0x0  }
0x5d: {  	s2 =	simm.s32 $0x1880;
	v2 =	vbroadcast v2, $0x0;
	[sflag:s28] =	ssyncadd.s32 $0xFFFFD800  }
0x5e: {  	v6 =	vld [tilespmem:s2+$0xFFFFFFF0]  }
0x5f: {  	v5 =	vld [tilespmem:s2+$0x50]  }
0x60: {  	s12 =	simm.s32 $0x0;
	v7 =	vld [tilespmem:s2+$0x70]  }
0x61: {  	v3 =	vmov s12;
	v8 =	vld [tilespmem:s2+$0x30]  }
0x62: {  	v3 =	vand.u32 $0x7E, v3;
	v4 =	vld [tilespmem:s2+$0x10]  }
0x63: {  	v3 =	vor.u32 v1, v3;
	v9 =	vld.idx.msk [tilespmem:v2+s23+$0x0], $0xffff  }
0x64: {  	v2 =	vbroadcast v3, $0x0;
	v3 =	vld [tilespmem:s2+$0x0]  }
0x65: {  	v10 =	vld [tilespmem:s2+$0x20]  }
0x66: {  	v11 =	vld [tilespmem:s2+$0x40]  }
0x67: {  	v12 =	vld [tilespmem:s2+$0x60]  }
0x68: {  	v13 =	vld [tilespmem:s2+$0xFFFFFFD0]  }
0x69: {  	v15 =	vld [tilespmem:s2+$0xFFFFFF80];
	v14 =	vmul.f32 v3, v9  }
0x6a: {  	v63 =	vld [tilespmem:s2+$0xFFFFFFA0];
	v10 =	vmul.f32 v10, v9  }
0x6b: {  	v5 =	vmul.f32 v5, v9;
	v3 =	vld.idx.msk [tilespmem:v2+s23+$0x0], $0xffff;
	[tilespmem:s2+$0x0] =	vst v14  }
0x6c: {  	v8 =	vmul.f32 v8, v9;
	v2 =	vmul.f32 v4, v9;
	v4 =	vld [tilespmem:s2+$0xFFFFFFE0];
	[tilespmem:s2+$0x20] =	vst v10  }
0x6d: {  	[tilespmem:s2+$0x50] =	vst v5;
	v5 =	vld [tilespmem:s2+$0xFFFFFF90]  }
0x6e: {  	v12 =	vmul.f32 v12, v9;
	[tilespmem:s2+$0x30] =	vst v8;
	v8 =	vld [tilespmem:s2+$0xFFFFFFC0]  }
0x6f: {  	v16 =	vmul.f32 v11, v9;
	v7 =	vmul.f32 v7, v9;
	[tilespmem:s2+$0x10] =	vst v2;
	v2 =	vld [tilespmem:s2+$0xFFFFFFB0]  }
0x70: {  	[tilespmem:s2+$0x60] =	vst v12;
	v9 =	vmul.f32 v15, v3;
	v11 =	vmul.f32 v6, v3  }
0x71: {  	s11 =	simm.s32 $0x1880;
	s10 =	simm.s32 $0x3;
	[tilespmem:s2+$0x40] =	vst v16;
	v6 =	vmul.f32 v63, v3;
	v10 =	vmul.f32 v13, v3  }
.LBB2_6:
0x72: {  	p0 =	sne.s32 s10, $0x4F  }
0x73: {  	v12 =	vmov s10;
	v5 =	vmul.f32 v5, v3;
	v4 =	vmul.f32 v4, v3;
	[tilespmem:s2+$0x70] =	vst v7;
	s11 =	sadd.s32 $0x100, s11;
	s12 =	smov.u32 s10;
	s10 =	sadd.s32 $0x2, s10  }
0x74: {  	v2 =	vmul.f32 v2, v3;
	v7 =	vand.u32 $0x7F, v12;
	v3 =	vmul.f32 v8, v3;
	[tilespmem:s2+$0xFFFFFFF0] =	vst v11  }
0x75: {  	v7 =	vor.u32 v1, v7;
	[tilespmem:s2+$0xFFFFFF80] =	vst v9  }
0x76: {  	v7 =	vbroadcast v7, $0x0;
	v11 =	vld [tilespmem:s11+$0xFFFFFFF0];
	[tilespmem:s2+$0xFFFFFFD0] =	vst v10  }
0x77: {  	v8 =	vld [tilespmem:s11+$0x50];
	[tilespmem:s2+$0xFFFFFFA0] =	vst v6  }
0x78: {  	v6 =	vld [tilespmem:s11+$0x70];
	[tilespmem:s2+$0xFFFFFFB0] =	vst v2  }
0x79: {  	s12 =	sadd.s32 $0xFFFFFFFF, s12;
	v2 =	vld [tilespmem:s11+$0xFFFFFFB0];
	[tilespmem:s2+$0xFFFFFFC0] =	vst v3  }
0x7a: {  	v3 =	vmov s12;
	v9 =	vld [tilespmem:s11+$0x30];
	[tilespmem:s2+$0xFFFFFFE0] =	vst v4  }
0x7b: {  	v3 =	vand.u32 $0x7E, v3;
	v4 =	vld [tilespmem:s11+$0x10];
	[tilespmem:s2+$0xFFFFFF90] =	vst v5;
	s2 =	smov.u32 s11  }
0x7c: {  	v3 =	vor.u32 v1, v3;
	v5 =	vld.idx.msk [tilespmem:v7+s23+$0x0], $0xffff  }
0x7d: {  	v3 =	vbroadcast v3, $0x0;
	v7 =	vld [tilespmem:s11+$0x0]  }
0x7e: {  	v10 =	vld [tilespmem:s11+$0x20]  }
0x7f: {  	v12 =	vld [tilespmem:s11+$0x40]  }
0x80: {  	v13 =	vld [tilespmem:s11+$0x60]  }
0x81: {  	v14 =	vld [tilespmem:s11+$0xFFFFFFD0]  }
0x82: {  	v16 =	vmul.f32 v4, v5;
	v15 =	vld [tilespmem:s11+$0xFFFFFF80];
	v7 =	vmul.f32 v7, v5  }
0x83: {  	v17 =	vmul.f32 v9, v5;
	v3 =	vld.idx.msk [tilespmem:v3+s23+$0x0], $0xffff;
	v10 =	vmul.f32 v10, v5  }
0x84: {  	v9 =	vmul.f32 v8, v5;
	v18 =	vld [tilespmem:s11+$0xFFFFFFA0];
	[tilespmem:s11+$0x0] =	vst v7;
	v12 =	vmul.f32 v12, v5  }
0x85: {  	v7 =	vmul.f32 v6, v5;
	v4 =	vld [tilespmem:s11+$0xFFFFFFE0];
	[tilespmem:s11+$0x10] =	vst v16;
	v13 =	vmul.f32 v13, v5  }
.Ltmp1:
0x86: {  	v5 =	vld [tilespmem:s11+$0xFFFFFF90];
	[tilespmem:s11+$0x20] =	vst v10;
	(pc) =	sbr.rel @p0 .LBB2_6-.Ltmp1, $4  }
0x87: {  	v8 =	vld [tilespmem:s11+$0xFFFFFFC0];
	[tilespmem:s11+$0x50] =	vst v9  }
0x88: {  	[tilespmem:s11+$0x60] =	vst v13  }
0x89: {  	v9 =	vmul.f32 v15, v3;
	v11 =	vmul.f32 v11, v3;
	[tilespmem:s11+$0x30] =	vst v17  }
0x8a: {  	v10 =	vmul.f32 v14, v3;
	v6 =	vmul.f32 v18, v3;
	[tilespmem:s11+$0x40] =	vst v12  }
0x8b: {  	[tilespmem:s2+$0x70] =	vst v7  }
0x8c: {  	[tilespmem:s2+$0xFFFFFFF0] =	vst v11  }
0x8d: {  	[tilespmem:s2+$0xFFFFFF80] =	vst v9  }
0x8e: {  	v1 =	vmul.f32 v2, v3;
	[tilespmem:s2+$0xFFFFFFD0] =	vst v10  }
0x8f: {  	v4 =	vmul.f32 v4, v3;
	[tilespmem:s2+$0xFFFFFFA0] =	vst v6  }
0x90: {  	v2 =	vmul.f32 v8, v3;
	[tilespmem:s2+$0xFFFFFFB0] =	vst v1  }
0x91: {  	s10 =	sshll.u32 s31, $0xA;
	v1 =	vmul.f32 v5, v3;
	[tilespmem:s2+$0xFFFFFFE0] =	vst v4  }
0x92: {  	s11 =	sshrl.u32 s10, $0x2;
	[tilespmem:s2+$0xFFFFFFC0] =	vst v2  }
0x93: {  	s11 =	sadd.s32 $0x800, s11;
	[tilespmem:s2+$0xFFFFFF90] =	vst v1  }
0x94: {  	[spmem:s1] =	stream.indirect.scatter.add.f32 [tilespmem:s20], [sflag:$0x3], $0x80, s11, s25, $0xb8;
	[tilespmem:$0x1A800] =	vst v63  }
0x95: {  	p0 =	seq.s32 s31, $0x7;
	s12 =	simm.s32 $0x1;
	_ =	swait.ge [sflag:s21], $0x2800  }
0x96: {  	s2 =	sshrl.u32 @!p0 s10, $0x2;
	s10 =	simm.s32 @!p0 $0x1800;
	[sflag:s21] =	ssyncset.done $0x0  }
0x97: {  	v2 =	vmov s12;
	s2 =	sadd.s32 @!p0 $0x100, s2;
	s11 =	simm.s32 @!p0 $0x50;
	[sflag:s21] =	ssyncadd.s32 $0xFFFFD800  }
0x98: {  	v1 =	vmov s0;
	v2 =	vand.u32 $0x7F, v2;
	[tilespmem:s10], [sflag:$0x2] =	stream.indirect.gather @!p0 [hbm4b:s7+s11], $0x80, s2, s11, $0xb8;
	[tilespmem:$0x1A800] =	vst v63  }
0x99: {  	v2 =	vor.u32 v1, v2;
	_ =	swait.ge [sflag:s28], $0x2800  }
0x9a: {  	v2 =	vbroadcast v2, $0x0;
	[sflag:s28] =	ssyncset.done $0x0  }
0x9b: {  	s2 =	simm.s32 $0x4080;
	[sflag:s28] =	ssyncadd.s32 $0xFFFFD800  }
0x9c: {  	v6 =	vld [tilespmem:s2+$0xFFFFFFF0]  }
0x9d: {  	s12 =	simm.s32 $0x0;
	v5 =	vld [tilespmem:s2+$0x50]  }
0x9e: {  	v3 =	vmov s12;
	v7 =	vld [tilespmem:s2+$0x70]  }
0x9f: {  	v3 =	vand.u32 $0x7E, v3;
	v8 =	vld [tilespmem:s2+$0x30]  }
0xa0: {  	v3 =	vor.u32 v1, v3;
	v9 =	vld.idx.msk [tilespmem:v2+s23+$0x0], $0xffff  }
0xa1: {  	v2 =	vbroadcast v3, $0x0;
	v3 =	vld [tilespmem:s2+$0x0]  }
0xa2: {  	v4 =	vld [tilespmem:s2+$0x10]  }
0xa3: {  	v10 =	vld [tilespmem:s2+$0x20]  }
0xa4: {  	v11 =	vld [tilespmem:s2+$0x40]  }
0xa5: {  	v12 =	vld [tilespmem:s2+$0x60]  }
0xa6: {  	v13 =	vld [tilespmem:s2+$0xFFFFFFD0]  }
0xa7: {  	v15 =	vld [tilespmem:s2+$0xFFFFFF80];
	v14 =	vmul.f32 v3, v9  }
0xa8: {  	v63 =	vld [tilespmem:s2+$0xFFFFFFA0];
	v10 =	vmul.f32 v10, v9  }
0xa9: {  	v5 =	vmul.f32 v5, v9;
	v3 =	vld.idx.msk [tilespmem:v2+s23+$0x0], $0xffff;
	[tilespmem:s2+$0x0] =	vst v14  }
0xaa: {  	v8 =	vmul.f32 v8, v9;
	v2 =	vmul.f32 v4, v9;
	v4 =	vld [tilespmem:s2+$0xFFFFFFE0];
	[tilespmem:s2+$0x20] =	vst v10  }
0xab: {  	[tilespmem:s2+$0x50] =	vst v5;
	v5 =	vld [tilespmem:s2+$0xFFFFFF90]  }
0xac: {  	v12 =	vmul.f32 v12, v9;
	[tilespmem:s2+$0x30] =	vst v8;
	v8 =	vld [tilespmem:s2+$0xFFFFFFC0]  }
0xad: {  	v16 =	vmul.f32 v11, v9;
	v7 =	vmul.f32 v7, v9;
	[tilespmem:s2+$0x10] =	vst v2;
	v2 =	vld [tilespmem:s2+$0xFFFFFFB0]  }
0xae: {  	[tilespmem:s2+$0x60] =	vst v12;
	v9 =	vmul.f32 v15, v3;
	v11 =	vmul.f32 v6, v3  }
0xaf: {  	s10 =	simm.s32 $0x3;
	s11 =	simm.s32 $0x4080;
	[tilespmem:s2+$0x40] =	vst v16;
	v6 =	vmul.f32 v63, v3;
	v10 =	vmul.f32 v13, v3  }
.LBB2_8:
0xb0: {  	p0 =	sne.s32 s10, $0x4F  }
0xb1: {  	v12 =	vmov s10;
	v5 =	vmul.f32 v5, v3;
	v4 =	vmul.f32 v4, v3;
	[tilespmem:s2+$0x70] =	vst v7;
	s11 =	sadd.s32 $0x100, s11;
	s12 =	smov.u32 s10;
	s10 =	sadd.s32 $0x2, s10  }
0xb2: {  	v2 =	vmul.f32 v2, v3;
	v7 =	vand.u32 $0x7F, v12;
	v3 =	vmul.f32 v8, v3;
	[tilespmem:s2+$0xFFFFFFF0] =	vst v11  }
0xb3: {  	v7 =	vor.u32 v1, v7;
	[tilespmem:s2+$0xFFFFFF80] =	vst v9  }
0xb4: {  	v7 =	vbroadcast v7, $0x0;
	v11 =	vld [tilespmem:s11+$0xFFFFFFF0];
	[tilespmem:s2+$0xFFFFFFD0] =	vst v10  }
0xb5: {  	v8 =	vld [tilespmem:s11+$0x50];
	[tilespmem:s2+$0xFFFFFFA0] =	vst v6  }
0xb6: {  	v6 =	vld [tilespmem:s11+$0x70];
	[tilespmem:s2+$0xFFFFFFB0] =	vst v2  }
0xb7: {  	s12 =	sadd.s32 $0xFFFFFFFF, s12;
	v2 =	vld [tilespmem:s11+$0xFFFFFFB0];
	[tilespmem:s2+$0xFFFFFFC0] =	vst v3  }
0xb8: {  	v3 =	vmov s12;
	v9 =	vld [tilespmem:s11+$0x30];
	[tilespmem:s2+$0xFFFFFFE0] =	vst v4  }
0xb9: {  	v3 =	vand.u32 $0x7E, v3;
	v4 =	vld [tilespmem:s11+$0x10];
	[tilespmem:s2+$0xFFFFFF90] =	vst v5;
	s2 =	smov.u32 s11  }
0xba: {  	v3 =	vor.u32 v1, v3;
	v5 =	vld.idx.msk [tilespmem:v7+s23+$0x0], $0xffff  }
0xbb: {  	v3 =	vbroadcast v3, $0x0;
	v7 =	vld [tilespmem:s11+$0x0]  }
0xbc: {  	v10 =	vld [tilespmem:s11+$0x20]  }
0xbd: {  	v12 =	vld [tilespmem:s11+$0x40]  }
0xbe: {  	v13 =	vld [tilespmem:s11+$0x60]  }
0xbf: {  	v14 =	vld [tilespmem:s11+$0xFFFFFFD0]  }
0xc0: {  	v16 =	vmul.f32 v4, v5;
	v15 =	vld [tilespmem:s11+$0xFFFFFF80];
	v7 =	vmul.f32 v7, v5  }
0xc1: {  	v17 =	vmul.f32 v9, v5;
	v3 =	vld.idx.msk [tilespmem:v3+s23+$0x0], $0xffff;
	v10 =	vmul.f32 v10, v5  }
0xc2: {  	v9 =	vmul.f32 v8, v5;
	v18 =	vld [tilespmem:s11+$0xFFFFFFA0];
	[tilespmem:s11+$0x0] =	vst v7;
	v12 =	vmul.f32 v12, v5  }
0xc3: {  	v7 =	vmul.f32 v6, v5;
	v4 =	vld [tilespmem:s11+$0xFFFFFFE0];
	[tilespmem:s11+$0x10] =	vst v16;
	v13 =	vmul.f32 v13, v5  }
.Ltmp2:
0xc4: {  	v5 =	vld [tilespmem:s11+$0xFFFFFF90];
	[tilespmem:s11+$0x20] =	vst v10;
	(pc) =	sbr.rel @p0 .LBB2_8-.Ltmp2, $4  }
0xc5: {  	v8 =	vld [tilespmem:s11+$0xFFFFFFC0];
	[tilespmem:s11+$0x50] =	vst v9  }
0xc6: {  	[tilespmem:s11+$0x60] =	vst v13  }
0xc7: {  	v9 =	vmul.f32 v15, v3;
	v11 =	vmul.f32 v11, v3;
	[tilespmem:s11+$0x30] =	vst v17  }
0xc8: {  	v10 =	vmul.f32 v14, v3;
	v6 =	vmul.f32 v18, v3;
	[tilespmem:s11+$0x40] =	vst v12  }
0xc9: {  	[tilespmem:s2+$0x70] =	vst v7  }
0xca: {  	[tilespmem:s2+$0xFFFFFFF0] =	vst v11  }
0xcb: {  	[tilespmem:s2+$0xFFFFFF80] =	vst v9  }
0xcc: {  	v1 =	vmul.f32 v2, v3;
	[tilespmem:s2+$0xFFFFFFD0] =	vst v10  }
0xcd: {  	v4 =	vmul.f32 v4, v3;
	[tilespmem:s2+$0xFFFFFFA0] =	vst v6  }
0xce: {  	v2 =	vmul.f32 v8, v3;
	[tilespmem:s2+$0xFFFFFFB0] =	vst v1  }
0xcf: {  	s31 =	sadd.s32 $0x1, s31;
	v1 =	vmul.f32 v5, v3;
	[tilespmem:s2+$0xFFFFFFE0] =	vst v4  }
0xd0: {  	p0 =	sne.s32 s31, $0x8;
	[tilespmem:s2+$0xFFFFFFC0] =	vst v2  }
.Ltmp3:
0xd1: {  	s0 =	sadd.s32 $0x800, s0;
	[tilespmem:s2+$0xFFFFFF90] =	vst v1;
	(pc) =	sbr.rel @p0 .LBB2_5-.Ltmp3, $4  }
0xd2: {  	[spmem:s1] =	stream.indirect.scatter.add.f32 [tilespmem:s26], [sflag:$0x3], $0x80, s0, s25, $0xb8;
	[tilespmem:$0x1A800] =	vst v63  }
0xd3: {  	_ =	swait.ge [sflag:s21], $0x2800  }
0xd4: {  	[sflag:s21] =	ssyncset.done $0x0  }
0xd5: {  	[sflag:s21] =	ssyncadd.s32 $0xFFFFD800  }
0xd6: {  	s30 =	sadd.s32 $0x1, s30  }
0xd7: {  	p0 =	sne.s32 s30, s8  }
.Ltmp4:
0xd8: {  	_ = 	snop;
	(pc) =	sbr.rel @p0 .LBB2_4-.Ltmp4, $1  }
0xd9: {  	_ =	sdelay $0x3  }
0xda: {  	s0 =	stileid.u32;
	s3 =	sadd.s32 $0x1, s3  }
0xdb: {  	[bflag:$0x0] =	sbarrier.arrive $0xFFFF;
	s0 =	sshll.u32 s0, $0x6;
	p0 =	sne.s32 s3, s19  }
.Ltmp5:
0xdc: {  	s2 =	sshrl.u32 s9, $0x3;
	s0 =	sor.u32 $0x1C03, s0;
	(pc) =	sbr.rel @p0 .LBB2_1-.Ltmp5, $4  }
0xdd: {  	[hbm:s18], [sflag:s0] =	dma.local [spmem:s2], $0x2800  }
0xde: {  	_ =	swait.ge [sflag:s21], $0x2800  }
0xdf: {  	[sflag:s21] =	ssyncset.done $0x0  }
0xe0: {  	[sflag:s21] =	ssyncadd.s32 $0xFFFFD800  }
0xe1: {  	_ =	sfence.sel $0x180000  }
0xe2: {  	[bflag:$0x0] =	sbarrier.arrive $0xFFFF  }
0xe3: {  	_ =	strace $0x9000004D  }
0xe4: {  	s0 =	stileid.u32;
	[bflag:$0x2] =	sbarrier.arrive $0xFFFF  }
0xe5: {  	p0 =	sne.s32 s0, $0x0;
	s0 =	rddreg [dreg:$0x2]  }
0xe6: {  	s0 =	sadd.s32 @!p0 $0x100000, s0  }
0xe7: {  	[sflag:s0] =	ssyncadd.tile.s32 @!p0 $0x1;
	_ =	shalt  }
.Lfunc_end2:
_tile_overlayer_lowered:
.L_overlay_start_2:
0xe8: {  	(tag) =	ssettag $0x2  }
0xe9: {  	s0 =	rddreg [dreg:$0x0];
	s2 =	stileid.u32  }
0xea: {  	s1 =	rddreg [dreg:$0x1];
	p0 =	sne.s32 s2, $0x0  }
0xeb: {  	s3 =	rddreg [dreg:$0x2];
	[bflag:$0x3] =	sbarrier.arrive $0xFFFF;
	s2 =	simm.s32 @!p0 $0x1C03  }
0xec: {  	[timem:s3], [sflag:s2] =	dma.local @!p0 [hbm:s0], s1  }
0xed: {  	s0 =	simm.s32 @!p0 $0x3  }
0xee: {  	_ =	swait.ge @!p0 [sflag:s0], s1  }
0xef: {  	s1 =	ssub.s32 @!p0 $0x0, s1;
	[sflag:s0] =	ssyncset.done @!p0 $0x0  }
0xf0: {  	[sflag:s0] =	ssyncadd.s32 @!p0 s1  }
0xf1: {  	[bflag:$0x3] =	sbarrier.arrive $0xFFFF  }
0xf2: {  	_ =	shalt  }

// kernel: kernel.9.cloned.1.call-start
scs
__scs_entry_jumppad:
0x0: {  	(pc) =	sbr.rel $0x88, $3  }
0x1: {  	(tag) =	ssettag $0x0;
	lr =	simm.s32 $0x1  }
0x2: {  	[smem:$0x3F98] =	sst lr;
	_ =	strace $0xD0000000  }
0x3: {  	_ = 	snop  }
0x4: {  	_ = 	snop  }
0x5: {  	_ = 	snop  }
0x6: {  	_ = 	snop  }
0x7: {  	_ = 	snop  }
__scs_overlays_trampoline_lowered:
0x8: {  	[smem:$0x3FA7] =	sst s0  }
0x9: {  	[smem:$0x3FA8] =	sst s1  }
0xa: {  	[smem:$0x3FA9] =	sst s2  }
0xb: {  	[smem:$0x3FAA] =	sst s3  }
0xc: {  	[smem:$0x3FAB] =	sst s4  }
0xd: {  	[smem:$0x3FAC] =	sst s5  }
0xe: {  	[smem:$0x3FAD] =	sst s6  }
0xf: {  	[smem:$0x3FAE] =	sst s7  }
0x10: {  	[smem:$0x3FAF] =	sst s8  }
0x11: {  	[smem:$0x3FB0] =	sst s9;
	s0 =	simm.s32 @!p0 $0x0  }
0x12: {  	s1 =	sld [smem:$0x3F96];
	s0 =	simm.s32 @p0 $0x1  }
0x13: {  	[smem:$0x3FB1] =	sst s0;
	s0 =	simm.s32 @!p1 $0x0  }
0x14: {  	s2 =	sld [smem:$0x3F95];
	s0 =	simm.s32 @p1 $0x1  }
0x15: {  	[smem:$0x3FB2] =	sst s0;
	s0 =	simm.s32 @!p2 $0x0  }
0x16: {  	s3 =	sld [smem:$0x3FDB];
	s0 =	simm.s32 @p2 $0x1  }
0x17: {  	s4 =	simm.s32 $0x1BF5;
	[smem:$0x3FB4] =	sst s0  }
0x18: {  	s0 =	sld [smem:$0x3F97];
	_ =	swait.ge [sflag:s4], $0x0  }
0x19: {  	s7 =	sld [smem:$0x3F98]  }
0x1a: {  	s8 =	sadd.s32 $0xFFFFE003, lr  }
0x1b: {  	s9 =	sadd.s32 $0xFFFFFEF7, lr;
	s5 =	simm.s32 $0xFFFFFFFF;
	p2 =	slt.u32 s8, $0xFFFFF086  }
0x1c: {  	p1 =	slt.u32 s9, $0xF7A;
	s5 =	simm.s32 @!p2 $0x0  }
0x1d: {  	s5 =	simm.s32 @p1 $0x1;
	p0 =	seq.s32 s7, s2  }
0x1e: {  	s7 =	smul.u32 @!p0 $0xF7A, s2;
	p2 =	seq.s32 @!p0 s5, $0x0  }
0x1f: {  	s9 =	smul.u32 $0xF7A, s1;
	s8 =	simm.s32 @!p0 $0x1BF5;
	p2 =	por !p2, p0  }
0x20: {  	[sflag:s8] =	ssyncset.s32 @!p0 $0xFFFFF086;
	s6 =	sadd.s32 @!p0 s3, s7;
	s7 =	simm.s32 @!p0 $0x108  }
0x21: {  	s3 =	sadd.s32 s3, s9;
	s6 =	sadd.s32 @!p0 $0x88, s6;
	s7 =	simm.s32 @p2 $0x1082  }
0x22: {  	[simem:s7], [sflag:s8] =	dma.local @!p0 [hbm:s6], $0xF7A  }
0x23: {  	s9 =	sor.u32 $0xD0000000, s2;
	s6 =	simm.s32 $0x108;
	_ =	swait.ge @!p0 [sflag:s8], $0x0  }
0x24: {  	s3 =	sadd.s32 $0x88, s3;
	s6 =	simm.s32 @!p1 $0x1082;
	[sflag:s4] =	ssyncset.s32 $0xFFFFF086  }
0x25: {  	[simem:s6], [sflag:s4] =	dma.local [hbm:s3], $0xF7A  }
0x26: {  	[smem:$0x3F98] =	sst s1;
	(tag) =	ssettag s2;
	_ =	strace s9  }
0x27: {  	s1 =	sld [smem:$0x3FA8]  }
0x28: {  	s2 =	sld [smem:$0x3FA9]  }
0x29: {  	s4 =	sld [smem:$0x3FAB]  }
0x2a: {  	p0 =	seq.s32 s5, $0x0;
	s5 =	sld [smem:$0x3FAC]  }
0x2b: {  	s6 =	sld [smem:$0x3FAD]  }
0x2c: {  	s7 =	sld [smem:$0x3FAE]  }
0x2d: {  	s3 =	simm.s32 $0x108;
	s8 =	sld [smem:$0x3FAF]  }
0x2e: {  	s3 =	simm.s32 @!p0 $0x1082;
	s9 =	sld [smem:$0x3FB0]  }
0x2f: {  	lr =	sadd.s32 s0, s3;
	s0 =	sld [smem:$0x3FA7]  }
0x30: {  	s3 =	sld [smem:$0x3FAA]  }
0x31: {  	[smem:$0x3FB3] =	sst s10  }
0x32: {  	s10 =	sld [smem:$0x3FB1];
	_ =	sdelay $0x3  }
0x33: {  	p0 =	seq.s32 s10, $0x1;
	s10 =	sld [smem:$0x3FB3];
	_ =	sdelay $0x3  }
0x34: {  	[smem:$0x3FB3] =	sst s10  }
0x35: {  	s10 =	sld [smem:$0x3FB2];
	_ =	sdelay $0x3  }
0x36: {  	p1 =	seq.s32 s10, $0x1;
	s10 =	sld [smem:$0x3FB3];
	_ =	sdelay $0x3  }
0x37: {  	[smem:$0x3FB3] =	sst s10  }
0x38: {  	s10 =	sld [smem:$0x3FB4]  }
0x39: {  	_ = 	snop;
	(pc) =	sbr.ind lr, $3  }
0x3a: {  	_ = 	snop  }
0x3b: {  	_ = 	snop  }
0x3c: {  	p2 =	seq.s32 s10, $0x1;
	s10 =	sld [smem:$0x3FB3]  }
0x3d: {  	_ =	shalt  }
0x3e: {  	_ =	shalt  }
0x3f: {  	_ =	shalt  }
0x40: {  	_ =	shalt  }
0x41: {  	_ =	shalt  }
0x42: {  	_ =	shalt  }
0x43: {  	_ =	shalt  }
0x44: {  	_ =	shalt  }
0x45: {  	_ =	shalt  }
0x46: {  	_ =	shalt  }
0x47: {  	_ =	shalt  }
0x48: {  	_ =	shalt  }
0x49: {  	_ =	shalt  }
0x4a: {  	_ =	shalt  }
0x4b: {  	_ =	shalt  }
0x4c: {  	_ =	shalt  }
0x4d: {  	_ =	shalt  }
0x4e: {  	_ =	shalt  }
0x4f: {  	_ =	shalt  }
0x50: {  	_ =	shalt  }
0x51: {  	_ =	shalt  }
0x52: {  	_ =	shalt  }
0x53: {  	_ =	shalt  }
0x54: {  	_ =	shalt  }
0x55: {  	_ =	shalt  }
0x56: {  	_ =	shalt  }
0x57: {  	_ =	shalt  }
0x58: {  	_ =	shalt  }
0x59: {  	_ =	shalt  }
0x5a: {  	_ =	shalt  }
0x5b: {  	_ =	shalt  }
0x5c: {  	_ =	shalt  }
0x5d: {  	_ =	shalt  }
0x5e: {  	_ =	shalt  }
0x5f: {  	_ =	shalt  }
0x60: {  	_ =	shalt  }
0x61: {  	_ =	shalt  }
0x62: {  	_ =	shalt  }
0x63: {  	_ =	shalt  }
0x64: {  	_ =	shalt  }
0x65: {  	_ =	shalt  }
0x66: {  	_ =	shalt  }
0x67: {  	_ =	shalt  }
0x68: {  	_ =	shalt  }
0x69: {  	_ =	shalt  }
0x6a: {  	_ =	shalt  }
0x6b: {  	_ =	shalt  }
0x6c: {  	_ =	shalt  }
0x6d: {  	_ =	shalt  }
0x6e: {  	_ =	shalt  }
0x6f: {  	_ =	shalt  }
0x70: {  	_ =	shalt  }
0x71: {  	_ =	shalt  }
0x72: {  	_ =	shalt  }
0x73: {  	_ =	shalt  }
0x74: {  	_ =	shalt  }
0x75: {  	_ =	shalt  }
0x76: {  	_ =	shalt  }
0x77: {  	_ =	shalt  }
0x78: {  	_ =	shalt  }
0x79: {  	_ =	shalt  }
0x7a: {  	_ =	shalt  }
0x7b: {  	_ =	shalt  }
0x7c: {  	_ =	shalt  }
0x7d: {  	_ =	shalt  }
0x7e: {  	_ =	shalt  }
0x7f: {  	_ =	shalt  }
0x80: {  	_ =	shalt  }
0x81: {  	_ =	shalt  }
0x82: {  	_ =	shalt  }
0x83: {  	_ =	shalt  }
0x84: {  	_ =	shalt  }
0x85: {  	_ =	shalt  }
0x86: {  	_ =	shalt  }
0x87: {  	_ =	shalt  }
.Lfunc_end0:
.L_simem_size_0:
called_computation_lowered:
.L_overlay_start_0:
0x88: {  	s2 =	sld [smem:$0x3FD9]  }
0x89: {  	s3 =	sld [smem:$0x3FFE];
	_ =	sdelay $0x1  }
0x8a: {  	s1 =	srdreg.scid  }
0x8b: {  	s0 =	sand.u32 $0x1, s1  }
0x8c: {  	s16 =	sshll.u32 s0, $0xA;
	s2 =	sadd.s32 s3, s2  }
0x8d: {  	s2 =	sadd.s32 s2, s16  }
0x8e: {  	[smem:$0x3FBF] =	sst s2  }
0x8f: {  	_ = 	snop  }
0x90: {  	(tm) =	ssettm $0x1  }
0x91: {  	s17 =	sld [smem:$0x3FFB];
	_ =	sdelay $0x3  }
0x92: {  	_ =	strace s17  }
0x93: {  	s2 =	sld [smem:$0x3FFC];
	_ =	sdelay $0x3  }
0x94: {  	_ =	strace s2  }
0x95: {  	s2 =	sld [smem:$0x3FFD];
	_ =	sdelay $0x3  }
0x96: {  	_ =	strace s2  }
0x97: {  	_ =	strace $0x8FFFFFFF  }
0x98: {  	s18 =	sld [smem:$0x3FDB];
	_ =	sdelay $0x1  }
0x99: {  	s19 =	simm.s32 $_scs_section_size  }
0x9a: {  	s4 =	simm.s32 $_size__tile_overlayer_lowered;
	s5 =	simm.s32 $_tile_overlayer_lowered  }
0x9b: {  	s22 =	simm.s32 $0x1BFF;
	s21 =	sshll.u32 s5, $0x1;
	s2 =	sadd.s32 s19, s18  }
0x9c: {  	s6 =	simm.s32 $0x0;
	s20 =	sshll.u32 s4, $0x1;
	s4 =	sadd.s32 s21, s2  }
0x9d: {  	[timem:s6], [sflag:s22] =	dma.local [hbm:s4], s20  }
0x9e: {  	_ =	swait.ge [sflag:s22], s20  }
0x9f: {  	s3 =	ssub.s32 $0x0, s20;
	[sflag:s22] =	ssyncset.done $0x0  }
0xa0: {  	[sflag:s22] =	ssyncadd.s32 s3;
	_ =	sdelay $0x1  }
0xa1: {  	s23 =	simm.s32 $0x1B8B  }
0xa2: {  	_ =	swait.ge [sflag:s23], $0x1  }
0xa3: {  	[sflag:s23] =	ssyncset.done $0x0  }
0xa4: {  	s25 =	simm.s32 $0x1B8E;
	s24 =	sld [smem:$0x3FFE];
	[sflag:s23] =	ssyncadd.s32 $0xFFFFFFFF  }
0xa5: {  	s26 =	simm.s32 $execute0_lowered;
	[smem:$0x3FD2] =	sst s25  }
0xa6: {  	s4 =	sshll.u32 s26, $0x1;
	_ =	strace $0x80000046;
	[dreg:$0x1] =	wrdreg $0xFFFFFFFF  }
0xa7: {  	s28 =	simm.s32 $_size_execute0_lowered;
	s2 =	sadd.s32 s2, s4;
	[dreg:$0x0] =	wrdreg $0x0  }
0xa8: {  	s4 =	sshll.u32 s28, $0x1;
	[dreg:$0x2] =	wrdreg s2  }
0xa9: {  	[dreg:$0x3] =	wrdreg s4  }
0xaa: {  	[dreg:$0x4] =	wrdreg $0xC0  }
0xab: {  	_ =	task [dreg:s6], $0x5FFFF  }
0xac: {  	[dreg:$0x1] =	wrdreg $0xFFFFFFFF  }
0xad: {  	[dreg:$0x0] =	wrdreg $0x60  }
0xae: {  	[dreg:$0x2] =	wrdreg s24  }
0xaf: {  	[dreg:$0x3] =	wrdreg $0x9  }
0xb0: {  	_ =	task.clear_ibuf [dreg:s6], $0x4FFFF;
	_ =	strace $0x90000046  }
0xb1: {  	s29 =	simm.s32 $0x9;
	_ =	strace $0x80000048  }
0xb2: {  	_ =	swait.ge [sflag:s29], $0x1  }
0xb3: {  	[sflag:s29] =	ssyncadd.s32 $0xFFFFFFFF  }
0xb4: {  	_ =	strace $0x90000048  }
0xb5: {  	_ =	sfence  }
0xb6: {  	s30 =	sld [smem:$0x0];
	_ =	sdelay $0x2  }
0xb7: {  	s31 =	sshll.u32 s1, $0xD;
	s1 =	sshrl.u32 s1, $0x2  }
0xb8: {  	s3 =	sand.u32 $0x4000, s31;
	s1 =	sadd.s32 s1, s30  }
0xb9: {  	s0 =	sor.u32 s3, s0;
	s1 =	sshll.u32 s1, $0x11  }
0xba: {  	s0 =	sor.u32 s1, s0  }
0xbb: {  	s0 =	sadd.s32 $0x8F2B, s0  }
0xbc: {  	[sflag:s0] =	ssyncadd.remote.s32 $0x1  }
0xbd: {  	_ =	sfence.sel $0xFFFF  }
0xbe: {  	[dreg:$0x0] =	wrdreg $0xFFFFFFFF;
	(pc) =	sbr.abs _section_cstart, $3  }
0xbf: {  	[dreg:$0x1] =	wrdreg $0xFFFFFFFF  }
0xc0: {  	_ =	task.clear_ibuf [dreg:s6], $0x2FFFF;
	_ =	strace $0x9FFFFFFF  }
0xc1: {  	(tm) =	ssettm $0x7FFFFFFF  }
tec
execute0_lowered:
.L_overlay_start_1:
0x0: {  	(tag) =	ssettag $0x1  }
0x1: {  	s0 =	srdreg.scid  }
0x2: {  	s0 =	sand.u32 $0x1, s0  }
0x3: {  	s2 =	stileid.u32;
	s1 =	sshll.u32 s0, $0x4  }
0x4: {  	s10 =	rddreg [dreg:$0x0];
	s4 =	simm.s32 $0x0;
	s1 =	sor.u32 s2, s1  }
0x5: {  	[smem:$0x7FF] =	sst s4;
	s0 =	ssub.s32 $0x2, s0;
	s3 =	smul.u32 $0x5000, s1  }
0x6: {  	s4 =	sadd.s32 $0x2A00, s10;
	s6 =	sshrl.u32 s0, $0x1;
	s1 =	smul.u32 $0x500, s1  }
0x7: {  	s5 =	sadd.s32 $0x16A00, s10;
	s6 =	ssub.s32 s0, s6;
	s3 =	sshrl.u32 s3, $0x3  }
0x8: {  	s8 =	sadd.s32 s1, s10;
	s7 =	sor.u32 $0xA0, s3;
	s13 =	sor.u32 $0x140, s3  }
0x9: {  	s14 =	sor.u32 $0x1E0, s3;
	s18 =	sadd.s32 $0x280, s3;
	s19 =	sadd.s32 $0x320, s3  }
0xa: {  	s23 =	sadd.s32 $0x3C0, s3;
	s24 =	sadd.s32 $0x460, s3;
	s25 =	sadd.s32 $0x500, s3  }
0xb: {  	s26 =	sadd.s32 $0x5A0, s3;
	s1 =	sadd.s32 $0x640, s3;
	s2 =	sadd.s32 $0x6E0, s3  }
0xc: {  	s9 =	sadd.s32 $0x820, s3;
	s29 =	sadd.s32 s4, s3;
	s11 =	sadd.s32 s4, s7  }
0xd: {  	s10 =	sadd.s32 $0x8C0, s3;
	s12 =	sadd.s32 s5, s7;
	[dreg:$0x2] =	wrdreg s11  }
0xe: {  	s31 =	sadd.s32 s5, s3;
	s15 =	sadd.s32 s4, s13;
	[dreg:$0x3] =	wrdreg s12  }
0xf: {  	s0 =	sadd.s32 s5, s13;
	s16 =	sadd.s32 s4, s14;
	[dreg:$0x4] =	wrdreg s15  }
0x10: {  	s17 =	sadd.s32 s5, s14;
	s20 =	sadd.s32 s4, s18;
	[dreg:$0x5] =	wrdreg s0  }
0x11: {  	s21 =	sadd.s32 s4, s19;
	s22 =	sadd.s32 s5, s19;
	[dreg:$0x6] =	wrdreg s16  }
0x12: {  	s13 =	sadd.s32 s5, s23;
	s14 =	sadd.s32 s4, s24;
	[dreg:$0x7] =	wrdreg s17  }
0x13: {  	s19 =	sadd.s32 s5, s26;
	s7 =	sadd.s32 $0x780, s3;
	[dreg:$0x8] =	wrdreg s20  }
0x14: {  	s28 =	sadd.s32 s5, s9;
	s30 =	sadd.s32 s4, s10;
	[dreg:$0xa] =	wrdreg s21  }
0x15: {  	s0 =	sadd.s32 s5, s18;
	[dreg:$0xb] =	wrdreg s22;
	s12 =	sadd.s32 s4, s23  }
0x16: {  	s15 =	sadd.s32 s5, s24;
	s16 =	sadd.s32 s4, s25;
	s17 =	sadd.s32 s5, s25  }
0x17: {  	s18 =	sadd.s32 s4, s26;
	s20 =	sadd.s32 s4, s1;
	s21 =	sadd.s32 s5, s1  }
0x18: {  	s22 =	sadd.s32 s4, s2;
	s23 =	sadd.s32 s5, s2;
	s24 =	sadd.s32 s4, s7  }
0x19: {  	s25 =	sadd.s32 s5, s7;
	s26 =	sadd.s32 s4, s9;
	s11 =	sadd.s32 $0x960, s3  }
0x1a: {  	s3 =	sadd.s32 $0x2AA00, s8;
	s7 =	simm.s32 $0xA00;
	s8 =	simm.s32 $0x2  }
0x1b: {  	s9 =	simm.s32 $0x0;
	[dreg:$0x9] =	wrdreg s0;
	s0 =	sadd.s32 s5, s10  }
0x1c: {  	s1 =	sadd.s32 s4, s11;
	s2 =	sadd.s32 s5, s11;
	s4 =	smax.u32 s6, $0x1  }
0x1d: {  	v0 =	vimm.f32 $0.0e+00;
	s5 =	simm.s32 $0x500;
	s6 =	simm.s32 $0x1;
	_ =	strace $0x80000047  }
.LBB2_1:
0x1e: {  	s10 =	simm.s32 $0x40;
	s11 =	simm.s32 $0x0  }
.LBB2_2:
0x1f: {  	p0 =	sne.s32 s10, $0x9FC0;
	[tilespmem:s11+$0xA00] =	vst v0;
	s11 =	smov.u32 s10;
	s10 =	sadd.s32 $0x40, s10  }
.Ltmp0:
0x20: {  	(pc) =	sbr.rel @p0 .LBB2_2-.Ltmp0, $2  }
0x21: {  	_ =	sdelay $0x2  }
0x22: {  	s11 =	sshra.s32 s11, $0x2  }
0x23: {  	[tilespmem:s11+$0xA00] =	vst v0;
	s10 =	simm.s32 $0x0  }
0x24: {  	[tilespmem:s10], [sflag:$0x1] =	stream.linear.gather [hbm4b:s29+s10], $0x500, $0x38;
	[tilespmem:$0x3200] =	vst v63  }
0x25: {  	_ = 	snop  }
0x26: {  	[tilespmem:s5], [sflag:$0x1] =	stream.linear.gather [hbm4b:s31+s10], $0x500, $0x38;
	[tilespmem:$0x3200] =	vst v63  }
0x27: {  	_ =	swait.ge [sflag:s6], $0x500  }
0x28: {  	[sflag:s6] =	ssyncset.done $0x0  }
0x29: {  	[sflag:s6] =	ssyncadd.s32 $0xFFFFFB00  }
0x2a: {  	_ =	swait.ge [sflag:s6], $0x500  }
0x2b: {  	[sflag:s6] =	ssyncset.done $0x0  }
0x2c: {  	s11 =	simm.s32 $0x0;
	s10 =	simm.s32 $0x40;
	[sflag:s6] =	ssyncadd.s32 $0xFFFFFB00  }
.LBB2_4:
0x2d: {  	p0 =	sne.s32 s10, $0x13C0;
	v1 =	vld [tilespmem:s11+$0x0];
	_ =	sdelay $0x2  }
0x2e: {  	v2 =	vld [tilespmem:s11+$0x500]  }
.Ltmp1:
0x2f: {  	(pc) =	sbr.rel @p0 .LBB2_4-.Ltmp1, $2  }
0x30: {  	_ =	sdelay $0x2  }
0x31: {  	s11 =	sshra.s32 s10, $0x2;
	s10 =	sadd.s32 $0x40, s10;
	[tilespmem:v1+s7+$0x0] =	vst.idx.add.f32.msk $0xffff, v2  }
0x32: {  	v1 =	vld [tilespmem:s11+$0x0];
	_ =	sdelay $0x2  }
0x33: {  	v2 =	vld [tilespmem:s11+$0x500];
	_ =	sdelay $0x4  }
0x34: {  	s10 =	simm.s32 $0x0;
	s11 =	rddreg [dreg:$0x2];
	[tilespmem:v1+s7+$0x0] =	vst.idx.add.f32.msk $0xffff, v2  }
0x35: {  	[tilespmem:s10], [sflag:$0x1] =	stream.linear.gather [hbm4b:s11+s10], $0x500, $0x38;
	[tilespmem:$0x3200] =	vst v63  }
0x36: {  	s11 =	rddreg [dreg:$0x3]  }
0x37: {  	[tilespmem:s5], [sflag:$0x1] =	stream.linear.gather [hbm4b:s11+s10], $0x500, $0x38;
	[tilespmem:$0x3200] =	vst v63  }
0x38: {  	_ =	swait.ge [sflag:s6], $0x500  }
0x39: {  	[sflag:s6] =	ssyncset.done $0x0  }
0x3a: {  	[sflag:s6] =	ssyncadd.s32 $0xFFFFFB00  }
0x3b: {  	_ =	swait.ge [sflag:s6], $0x500  }
0x3c: {  	[sflag:s6] =	ssyncset.done $0x0  }
0x3d: {  	s11 =	simm.s32 $0x0;
	s10 =	simm.s32 $0x40;
	[sflag:s6] =	ssyncadd.s32 $0xFFFFFB00  }
.LBB2_6:
0x3e: {  	p0 =	sne.s32 s10, $0x13C0;
	v1 =	vld [tilespmem:s11+$0x0];
	_ =	sdelay $0x2  }
0x3f: {  	v2 =	vld [tilespmem:s11+$0x500]  }
.Ltmp2:
0x40: {  	(pc) =	sbr.rel @p0 .LBB2_6-.Ltmp2, $2  }
0x41: {  	_ =	sdelay $0x2  }
0x42: {  	s11 =	sshra.s32 s10, $0x2;
	s10 =	sadd.s32 $0x40, s10;
	[tilespmem:v1+s7+$0x0] =	vst.idx.add.f32.msk $0xffff, v2  }
0x43: {  	v1 =	vld [tilespmem:s11+$0x0];
	_ =	sdelay $0x2  }
0x44: {  	v2 =	vld [tilespmem:s11+$0x500];
	_ =	sdelay $0x4  }
0x45: {  	s10 =	simm.s32 $0x0;
	s11 =	rddreg [dreg:$0x4];
	[tilespmem:v1+s7+$0x0] =	vst.idx.add.f32.msk $0xffff, v2  }
0x46: {  	[tilespmem:s10], [sflag:$0x1] =	stream.linear.gather [hbm4b:s11+s10], $0x500, $0x38;
	[tilespmem:$0x3200] =	vst v63  }
0x47: {  	s11 =	rddreg [dreg:$0x5]  }
0x48: {  	[tilespmem:s5], [sflag:$0x1] =	stream.linear.gather [hbm4b:s11+s10], $0x500, $0x38;
	[tilespmem:$0x3200] =	vst v63  }
0x49: {  	_ =	swait.ge [sflag:s6], $0x500  }
0x4a: {  	[sflag:s6] =	ssyncset.done $0x0  }
0x4b: {  	[sflag:s6] =	ssyncadd.s32 $0xFFFFFB00  }
0x4c: {  	_ =	swait.ge [sflag:s6], $0x500  }
0x4d: {  	[sflag:s6] =	ssyncset.done $0x0  }
0x4e: {  	s11 =	simm.s32 $0x0;
	s10 =	simm.s32 $0x40;
	[sflag:s6] =	ssyncadd.s32 $0xFFFFFB00  }
.LBB2_8:
0x4f: {  	p0 =	sne.s32 s10, $0x13C0;
	v1 =	vld [tilespmem:s11+$0x0];
	_ =	sdelay $0x2  }
0x50: {  	v2 =	vld [tilespmem:s11+$0x500]  }
.Ltmp3:
0x51: {  	(pc) =	sbr.rel @p0 .LBB2_8-.Ltmp3, $2  }
0x52: {  	_ =	sdelay $0x2  }
0x53: {  	s11 =	sshra.s32 s10, $0x2;
	s10 =	sadd.s32 $0x40, s10;
	[tilespmem:v1+s7+$0x0] =	vst.idx.add.f32.msk $0xffff, v2  }
0x54: {  	v1 =	vld [tilespmem:s11+$0x0];
	_ =	sdelay $0x2  }
0x55: {  	v2 =	vld [tilespmem:s11+$0x500];
	_ =	sdelay $0x4  }
0x56: {  	s10 =	simm.s32 $0x0;
	s11 =	rddreg [dreg:$0x6];
	[tilespmem:v1+s7+$0x0] =	vst.idx.add.f32.msk $0xffff, v2  }
0x57: {  	[tilespmem:s10], [sflag:$0x1] =	stream.linear.gather [hbm4b:s11+s10], $0x500, $0x38;
	[tilespmem:$0x3200] =	vst v63  }
0x58: {  	s11 =	rddreg [dreg:$0x7]  }
0x59: {  	[tilespmem:s5], [sflag:$0x1] =	stream.linear.gather [hbm4b:s11+s10], $0x500, $0x38;
	[tilespmem:$0x3200] =	vst v63  }
0x5a: {  	_ =	swait.ge [sflag:s6], $0x500  }
0x5b: {  	[sflag:s6] =	ssyncset.done $0x0  }
0x5c: {  	[sflag:s6] =	ssyncadd.s32 $0xFFFFFB00  }
0x5d: {  	_ =	swait.ge [sflag:s6], $0x500  }
0x5e: {  	[sflag:s6] =	ssyncset.done $0x0  }
0x5f: {  	s11 =	simm.s32 $0x0;
	s10 =	simm.s32 $0x40;
	[sflag:s6] =	ssyncadd.s32 $0xFFFFFB00  }
.LBB2_10:
0x60: {  	p0 =	sne.s32 s10, $0x13C0;
	v1 =	vld [tilespmem:s11+$0x0];
	_ =	sdelay $0x2  }
0x61: {  	v2 =	vld [tilespmem:s11+$0x500]  }
.Ltmp4:
0x62: {  	(pc) =	sbr.rel @p0 .LBB2_10-.Ltmp4, $2  }
0x63: {  	_ =	sdelay $0x2  }
0x64: {  	s11 =	sshra.s32 s10, $0x2;
	s10 =	sadd.s32 $0x40, s10;
	[tilespmem:v1+s7+$0x0] =	vst.idx.add.f32.msk $0xffff, v2  }
0x65: {  	v1 =	vld [tilespmem:s11+$0x0];
	_ =	sdelay $0x2  }
0x66: {  	v2 =	vld [tilespmem:s11+$0x500];
	_ =	sdelay $0x4  }
0x67: {  	s10 =	simm.s32 $0x0;
	s11 =	rddreg [dreg:$0x8];
	[tilespmem:v1+s7+$0x0] =	vst.idx.add.f32.msk $0xffff, v2  }
0x68: {  	[tilespmem:s10], [sflag:$0x1] =	stream.linear.gather [hbm4b:s11+s10], $0x500, $0x38;
	[tilespmem:$0x3200] =	vst v63  }
0x69: {  	s11 =	rddreg [dreg:$0x9]  }
0x6a: {  	[tilespmem:s5], [sflag:$0x1] =	stream.linear.gather [hbm4b:s11+s10], $0x500, $0x38;
	[tilespmem:$0x3200] =	vst v63  }
0x6b: {  	_ =	swait.ge [sflag:s6], $0x500  }
0x6c: {  	[sflag:s6] =	ssyncset.done $0x0  }
0x6d: {  	[sflag:s6] =	ssyncadd.s32 $0xFFFFFB00  }
0x6e: {  	_ =	swait.ge [sflag:s6], $0x500  }
0x6f: {  	[sflag:s6] =	ssyncset.done $0x0  }
0x70: {  	s11 =	simm.s32 $0x0;
	s10 =	simm.s32 $0x40;
	[sflag:s6] =	ssyncadd.s32 $0xFFFFFB00  }
.LBB2_12:
0x71: {  	p0 =	sne.s32 s10, $0x13C0;
	v1 =	vld [tilespmem:s11+$0x0];
	_ =	sdelay $0x2  }
0x72: {  	v2 =	vld [tilespmem:s11+$0x500]  }
.Ltmp5:
0x73: {  	(pc) =	sbr.rel @p0 .LBB2_12-.Ltmp5, $2  }
0x74: {  	_ =	sdelay $0x2  }
0x75: {  	s11 =	sshra.s32 s10, $0x2;
	s10 =	sadd.s32 $0x40, s10;
	[tilespmem:v1+s7+$0x0] =	vst.idx.add.f32.msk $0xffff, v2  }
0x76: {  	v1 =	vld [tilespmem:s11+$0x0];
	_ =	sdelay $0x2  }
0x77: {  	v2 =	vld [tilespmem:s11+$0x500];
	_ =	sdelay $0x4  }
0x78: {  	s10 =	simm.s32 $0x0;
	s11 =	rddreg [dreg:$0xa];
	[tilespmem:v1+s7+$0x0] =	vst.idx.add.f32.msk $0xffff, v2  }
0x79: {  	[tilespmem:s10], [sflag:$0x1] =	stream.linear.gather [hbm4b:s11+s10], $0x500, $0x38;
	[tilespmem:$0x3200] =	vst v63  }
0x7a: {  	s11 =	rddreg [dreg:$0xb]  }
0x7b: {  	[tilespmem:s5], [sflag:$0x1] =	stream.linear.gather [hbm4b:s11+s10], $0x500, $0x38;
	[tilespmem:$0x3200] =	vst v63  }
0x7c: {  	_ =	swait.ge [sflag:s6], $0x500  }
0x7d: {  	[sflag:s6] =	ssyncset.done $0x0  }
0x7e: {  	[sflag:s6] =	ssyncadd.s32 $0xFFFFFB00  }
0x7f: {  	_ =	swait.ge [sflag:s6], $0x500  }
0x80: {  	[sflag:s6] =	ssyncset.done $0x0  }
0x81: {  	s11 =	simm.s32 $0x0;
	s10 =	simm.s32 $0x40;
	[sflag:s6] =	ssyncadd.s32 $0xFFFFFB00  }
.LBB2_14:
0x82: {  	p0 =	sne.s32 s10, $0x13C0;
	v1 =	vld [tilespmem:s11+$0x0];
	_ =	sdelay $0x2  }
0x83: {  	v2 =	vld [tilespmem:s11+$0x500]  }
.Ltmp6:
0x84: {  	(pc) =	sbr.rel @p0 .LBB2_14-.Ltmp6, $2  }
0x85: {  	_ =	sdelay $0x2  }
0x86: {  	s11 =	sshra.s32 s10, $0x2;
	s10 =	sadd.s32 $0x40, s10;
	[tilespmem:v1+s7+$0x0] =	vst.idx.add.f32.msk $0xffff, v2  }
0x87: {  	v1 =	vld [tilespmem:s11+$0x0];
	_ =	sdelay $0x2  }
0x88: {  	v2 =	vld [tilespmem:s11+$0x500];
	_ =	sdelay $0x4  }
0x89: {  	s10 =	simm.s32 $0x0;
	[tilespmem:v1+s7+$0x0] =	vst.idx.add.f32.msk $0xffff, v2  }
0x8a: {  	[tilespmem:s10], [sflag:$0x1] =	stream.linear.gather [hbm4b:s12+s10], $0x500, $0x38;
	[tilespmem:$0x3200] =	vst v63  }
0x8b: {  	_ = 	snop  }
0x8c: {  	[tilespmem:s5], [sflag:$0x1] =	stream.linear.gather [hbm4b:s13+s10], $0x500, $0x38;
	[tilespmem:$0x3200] =	vst v63  }
0x8d: {  	_ =	swait.ge [sflag:s6], $0x500  }
0x8e: {  	[sflag:s6] =	ssyncset.done $0x0  }
0x8f: {  	[sflag:s6] =	ssyncadd.s32 $0xFFFFFB00  }
0x90: {  	_ =	swait.ge [sflag:s6], $0x500  }
0x91: {  	[sflag:s6] =	ssyncset.done $0x0  }
0x92: {  	s11 =	simm.s32 $0x0;
	s10 =	simm.s32 $0x40;
	[sflag:s6] =	ssyncadd.s32 $0xFFFFFB00  }
.LBB2_16:
0x93: {  	p0 =	sne.s32 s10, $0x13C0;
	v1 =	vld [tilespmem:s11+$0x0];
	_ =	sdelay $0x2  }
0x94: {  	v2 =	vld [tilespmem:s11+$0x500]  }
.Ltmp7:
0x95: {  	(pc) =	sbr.rel @p0 .LBB2_16-.Ltmp7, $2  }
0x96: {  	_ =	sdelay $0x2  }
0x97: {  	s11 =	sshra.s32 s10, $0x2;
	s10 =	sadd.s32 $0x40, s10;
	[tilespmem:v1+s7+$0x0] =	vst.idx.add.f32.msk $0xffff, v2  }
0x98: {  	v1 =	vld [tilespmem:s11+$0x0];
	_ =	sdelay $0x2  }
0x99: {  	v2 =	vld [tilespmem:s11+$0x500];
	_ =	sdelay $0x4  }
0x9a: {  	s10 =	simm.s32 $0x0;
	[tilespmem:v1+s7+$0x0] =	vst.idx.add.f32.msk $0xffff, v2  }
0x9b: {  	[tilespmem:s10], [sflag:$0x1] =	stream.linear.gather [hbm4b:s14+s10], $0x500, $0x38;
	[tilespmem:$0x3200] =	vst v63  }
0x9c: {  	_ = 	snop  }
0x9d: {  	[tilespmem:s5], [sflag:$0x1] =	stream.linear.gather [hbm4b:s15+s10], $0x500, $0x38;
	[tilespmem:$0x3200] =	vst v63  }
0x9e: {  	_ =	swait.ge [sflag:s6], $0x500  }
0x9f: {  	[sflag:s6] =	ssyncset.done $0x0  }
0xa0: {  	[sflag:s6] =	ssyncadd.s32 $0xFFFFFB00  }
0xa1: {  	_ =	swait.ge [sflag:s6], $0x500  }
0xa2: {  	[sflag:s6] =	ssyncset.done $0x0  }
0xa3: {  	s11 =	simm.s32 $0x0;
	s10 =	simm.s32 $0x40;
	[sflag:s6] =	ssyncadd.s32 $0xFFFFFB00  }
.LBB2_18:
0xa4: {  	p0 =	sne.s32 s10, $0x13C0;
	v1 =	vld [tilespmem:s11+$0x0];
	_ =	sdelay $0x2  }
0xa5: {  	v2 =	vld [tilespmem:s11+$0x500]  }
.Ltmp8:
0xa6: {  	(pc) =	sbr.rel @p0 .LBB2_18-.Ltmp8, $2  }
0xa7: {  	_ =	sdelay $0x2  }
0xa8: {  	s11 =	sshra.s32 s10, $0x2;
	s10 =	sadd.s32 $0x40, s10;
	[tilespmem:v1+s7+$0x0] =	vst.idx.add.f32.msk $0xffff, v2  }
0xa9: {  	v1 =	vld [tilespmem:s11+$0x0];
	_ =	sdelay $0x2  }
0xaa: {  	v2 =	vld [tilespmem:s11+$0x500];
	_ =	sdelay $0x4  }
0xab: {  	s10 =	simm.s32 $0x0;
	[tilespmem:v1+s7+$0x0] =	vst.idx.add.f32.msk $0xffff, v2  }
0xac: {  	[tilespmem:s10], [sflag:$0x1] =	stream.linear.gather [hbm4b:s16+s10], $0x500, $0x38;
	[tilespmem:$0x3200] =	vst v63  }
0xad: {  	_ = 	snop  }
0xae: {  	[tilespmem:s5], [sflag:$0x1] =	stream.linear.gather [hbm4b:s17+s10], $0x500, $0x38;
	[tilespmem:$0x3200] =	vst v63  }
0xaf: {  	_ =	swait.ge [sflag:s6], $0x500  }
0xb0: {  	[sflag:s6] =	ssyncset.done $0x0  }
0xb1: {  	[sflag:s6] =	ssyncadd.s32 $0xFFFFFB00  }
0xb2: {  	_ =	swait.ge [sflag:s6], $0x500  }
0xb3: {  	[sflag:s6] =	ssyncset.done $0x0  }
0xb4: {  	s11 =	simm.s32 $0x0;
	s10 =	simm.s32 $0x40;
	[sflag:s6] =	ssyncadd.s32 $0xFFFFFB00  }
.LBB2_20:
0xb5: {  	p0 =	sne.s32 s10, $0x13C0;
	v1 =	vld [tilespmem:s11+$0x0];
	_ =	sdelay $0x2  }
0xb6: {  	v2 =	vld [tilespmem:s11+$0x500]  }
.Ltmp9:
0xb7: {  	(pc) =	sbr.rel @p0 .LBB2_20-.Ltmp9, $2  }
0xb8: {  	_ =	sdelay $0x2  }
0xb9: {  	s11 =	sshra.s32 s10, $0x2;
	s10 =	sadd.s32 $0x40, s10;
	[tilespmem:v1+s7+$0x0] =	vst.idx.add.f32.msk $0xffff, v2  }
0xba: {  	v1 =	vld [tilespmem:s11+$0x0];
	_ =	sdelay $0x2  }
0xbb: {  	v2 =	vld [tilespmem:s11+$0x500];
	_ =	sdelay $0x4  }
0xbc: {  	s10 =	simm.s32 $0x0;
	[tilespmem:v1+s7+$0x0] =	vst.idx.add.f32.msk $0xffff, v2  }
0xbd: {  	[tilespmem:s10], [sflag:$0x1] =	stream.linear.gather [hbm4b:s18+s10], $0x500, $0x38;
	[tilespmem:$0x3200] =	vst v63  }
0xbe: {  	_ = 	snop  }
0xbf: {  	[tilespmem:s5], [sflag:$0x1] =	stream.linear.gather [hbm4b:s19+s10], $0x500, $0x38;
	[tilespmem:$0x3200] =	vst v63  }
0xc0: {  	_ =	swait.ge [sflag:s6], $0x500  }
0xc1: {  	[sflag:s6] =	ssyncset.done $0x0  }
0xc2: {  	[sflag:s6] =	ssyncadd.s32 $0xFFFFFB00  }
0xc3: {  	_ =	swait.ge [sflag:s6], $0x500  }
0xc4: {  	[sflag:s6] =	ssyncset.done $0x0  }
0xc5: {  	s11 =	simm.s32 $0x0;
	s10 =	simm.s32 $0x40;
	[sflag:s6] =	ssyncadd.s32 $0xFFFFFB00  }
.LBB2_22:
0xc6: {  	p0 =	sne.s32 s10, $0x13C0;
	v1 =	vld [tilespmem:s11+$0x0];
	_ =	sdelay $0x2  }
0xc7: {  	v2 =	vld [tilespmem:s11+$0x500]  }
.Ltmp10:
0xc8: {  	(pc) =	sbr.rel @p0 .LBB2_22-.Ltmp10, $2  }
0xc9: {  	_ =	sdelay $0x2  }
0xca: {  	s11 =	sshra.s32 s10, $0x2;
	s10 =	sadd.s32 $0x40, s10;
	[tilespmem:v1+s7+$0x0] =	vst.idx.add.f32.msk $0xffff, v2  }
0xcb: {  	v1 =	vld [tilespmem:s11+$0x0];
	_ =	sdelay $0x2  }
0xcc: {  	v2 =	vld [tilespmem:s11+$0x500];
	_ =	sdelay $0x4  }
0xcd: {  	s10 =	simm.s32 $0x0;
	[tilespmem:v1+s7+$0x0] =	vst.idx.add.f32.msk $0xffff, v2  }
0xce: {  	[tilespmem:s10], [sflag:$0x1] =	stream.linear.gather [hbm4b:s20+s10], $0x500, $0x38;
	[tilespmem:$0x3200] =	vst v63  }
0xcf: {  	_ = 	snop  }
0xd0: {  	[tilespmem:s5], [sflag:$0x1] =	stream.linear.gather [hbm4b:s21+s10], $0x500, $0x38;
	[tilespmem:$0x3200] =	vst v63  }
0xd1: {  	_ =	swait.ge [sflag:s6], $0x500  }
0xd2: {  	[sflag:s6] =	ssyncset.done $0x0  }
0xd3: {  	[sflag:s6] =	ssyncadd.s32 $0xFFFFFB00  }
0xd4: {  	_ =	swait.ge [sflag:s6], $0x500  }
0xd5: {  	[sflag:s6] =	ssyncset.done $0x0  }
0xd6: {  	s11 =	simm.s32 $0x0;
	s10 =	simm.s32 $0x40;
	[sflag:s6] =	ssyncadd.s32 $0xFFFFFB00  }
.LBB2_24:
0xd7: {  	p0 =	sne.s32 s10, $0x13C0;
	v1 =	vld [tilespmem:s11+$0x0];
	_ =	sdelay $0x2  }
0xd8: {  	v2 =	vld [tilespmem:s11+$0x500]  }
.Ltmp11:
0xd9: {  	(pc) =	sbr.rel @p0 .LBB2_24-.Ltmp11, $2  }
0xda: {  	_ =	sdelay $0x2  }
0xdb: {  	s11 =	sshra.s32 s10, $0x2;
	s10 =	sadd.s32 $0x40, s10;
	[tilespmem:v1+s7+$0x0] =	vst.idx.add.f32.msk $0xffff, v2  }
0xdc: {  	v1 =	vld [tilespmem:s11+$0x0];
	_ =	sdelay $0x2  }
0xdd: {  	v2 =	vld [tilespmem:s11+$0x500];
	_ =	sdelay $0x4  }
0xde: {  	s10 =	simm.s32 $0x0;
	[tilespmem:v1+s7+$0x0] =	vst.idx.add.f32.msk $0xffff, v2  }
0xdf: {  	[tilespmem:s10], [sflag:$0x1] =	stream.linear.gather [hbm4b:s22+s10], $0x500, $0x38;
	[tilespmem:$0x3200] =	vst v63  }
0xe0: {  	_ = 	snop  }
0xe1: {  	[tilespmem:s5], [sflag:$0x1] =	stream.linear.gather [hbm4b:s23+s10], $0x500, $0x38;
	[tilespmem:$0x3200] =	vst v63  }
0xe2: {  	_ =	swait.ge [sflag:s6], $0x500  }
0xe3: {  	[sflag:s6] =	ssyncset.done $0x0  }
0xe4: {  	[sflag:s6] =	ssyncadd.s32 $0xFFFFFB00  }
0xe5: {  	_ =	swait.ge [sflag:s6], $0x500  }
0xe6: {  	[sflag:s6] =	ssyncset.done $0x0  }
0xe7: {  	s11 =	simm.s32 $0x0;
	s10 =	simm.s32 $0x40;
	[sflag:s6] =	ssyncadd.s32 $0xFFFFFB00  }
.LBB2_26:
0xe8: {  	p0 =	sne.s32 s10, $0x13C0;
	v1 =	vld [tilespmem:s11+$0x0];
	_ =	sdelay $0x2  }
0xe9: {  	v2 =	vld [tilespmem:s11+$0x500]  }
.Ltmp12:
0xea: {  	(pc) =	sbr.rel @p0 .LBB2_26-.Ltmp12, $2  }
0xeb: {  	_ =	sdelay $0x2  }
0xec: {  	s11 =	sshra.s32 s10, $0x2;
	s10 =	sadd.s32 $0x40, s10;
	[tilespmem:v1+s7+$0x0] =	vst.idx.add.f32.msk $0xffff, v2  }
0xed: {  	v1 =	vld [tilespmem:s11+$0x0];
	_ =	sdelay $0x2  }
0xee: {  	v2 =	vld [tilespmem:s11+$0x500];
	_ =	sdelay $0x4  }
0xef: {  	s10 =	simm.s32 $0x0;
	[tilespmem:v1+s7+$0x0] =	vst.idx.add.f32.msk $0xffff, v2  }
0xf0: {  	[tilespmem:s10], [sflag:$0x1] =	stream.linear.gather [hbm4b:s24+s10], $0x500, $0x38;
	[tilespmem:$0x3200] =	vst v63  }
0xf1: {  	_ = 	snop  }
0xf2: {  	[tilespmem:s5], [sflag:$0x1] =	stream.linear.gather [hbm4b:s25+s10], $0x500, $0x38;
	[tilespmem:$0x3200] =	vst v63  }
0xf3: {  	_ =	swait.ge [sflag:s6], $0x500  }
0xf4: {  	[sflag:s6] =	ssyncset.done $0x0  }
0xf5: {  	[sflag:s6] =	ssyncadd.s32 $0xFFFFFB00  }
0xf6: {  	_ =	swait.ge [sflag:s6], $0x500  }
0xf7: {  	[sflag:s6] =	ssyncset.done $0x0  }
0xf8: {  	s11 =	simm.s32 $0x0;
	s10 =	simm.s32 $0x40;
	[sflag:s6] =	ssyncadd.s32 $0xFFFFFB00  }
.LBB2_28:
0xf9: {  	p0 =	sne.s32 s10, $0x13C0;
	v1 =	vld [tilespmem:s11+$0x0];
	_ =	sdelay $0x2  }
0xfa: {  	v2 =	vld [tilespmem:s11+$0x500]  }
.Ltmp13:
0xfb: {  	(pc) =	sbr.rel @p0 .LBB2_28-.Ltmp13, $2  }
0xfc: {  	_ =	sdelay $0x2  }
0xfd: {  	s11 =	sshra.s32 s10, $0x2;
	s10 =	sadd.s32 $0x40, s10;
	[tilespmem:v1+s7+$0x0] =	vst.idx.add.f32.msk $0xffff, v2  }
0xfe: {  	v1 =	vld [tilespmem:s11+$0x0];
	_ =	sdelay $0x2  }
0xff: {  	v2 =	vld [tilespmem:s11+$0x500];
	_ =	sdelay $0x4  }
0x100: {  	s10 =	simm.s32 $0x0;
	[tilespmem:v1+s7+$0x0] =	vst.idx.add.f32.msk $0xffff, v2  }
0x101: {  	[tilespmem:s10], [sflag:$0x1] =	stream.linear.gather [hbm4b:s26+s10], $0x500, $0x38;
	[tilespmem:$0x3200] =	vst v63  }
0x102: {  	_ = 	snop  }
0x103: {  	[tilespmem:s5], [sflag:$0x1] =	stream.linear.gather [hbm4b:s28+s10], $0x500, $0x38;
	[tilespmem:$0x3200] =	vst v63  }
0x104: {  	_ =	swait.ge [sflag:s6], $0x500  }
0x105: {  	[sflag:s6] =	ssyncset.done $0x0  }
0x106: {  	[sflag:s6] =	ssyncadd.s32 $0xFFFFFB00  }
0x107: {  	_ =	swait.ge [sflag:s6], $0x500  }
0x108: {  	[sflag:s6] =	ssyncset.done $0x0  }
0x109: {  	s11 =	simm.s32 $0x0;
	s10 =	simm.s32 $0x40;
	[sflag:s6] =	ssyncadd.s32 $0xFFFFFB00  }
.LBB2_30:
0x10a: {  	p0 =	sne.s32 s10, $0x13C0;
	v1 =	vld [tilespmem:s11+$0x0];
	_ =	sdelay $0x2  }
0x10b: {  	v2 =	vld [tilespmem:s11+$0x500]  }
.Ltmp14:
0x10c: {  	(pc) =	sbr.rel @p0 .LBB2_30-.Ltmp14, $2  }
0x10d: {  	_ =	sdelay $0x2  }
0x10e: {  	s11 =	sshra.s32 s10, $0x2;
	s10 =	sadd.s32 $0x40, s10;
	[tilespmem:v1+s7+$0x0] =	vst.idx.add.f32.msk $0xffff, v2  }
0x10f: {  	v1 =	vld [tilespmem:s11+$0x0];
	_ =	sdelay $0x2  }
0x110: {  	v2 =	vld [tilespmem:s11+$0x500];
	_ =	sdelay $0x4  }
0x111: {  	s10 =	simm.s32 $0x0;
	[tilespmem:v1+s7+$0x0] =	vst.idx.add.f32.msk $0xffff, v2  }
0x112: {  	[tilespmem:s10], [sflag:$0x1] =	stream.linear.gather [hbm4b:s30+s10], $0x500, $0x38;
	[tilespmem:$0x3200] =	vst v63  }
0x113: {  	_ = 	snop  }
0x114: {  	[tilespmem:s5], [sflag:$0x1] =	stream.linear.gather [hbm4b:s0+s10], $0x500, $0x38;
	[tilespmem:$0x3200] =	vst v63  }
0x115: {  	_ =	swait.ge [sflag:s6], $0x500  }
0x116: {  	[sflag:s6] =	ssyncset.done $0x0  }
0x117: {  	[sflag:s6] =	ssyncadd.s32 $0xFFFFFB00  }
0x118: {  	_ =	swait.ge [sflag:s6], $0x500  }
0x119: {  	[sflag:s6] =	ssyncset.done $0x0  }
0x11a: {  	s11 =	simm.s32 $0x0;
	s10 =	simm.s32 $0x40;
	[sflag:s6] =	ssyncadd.s32 $0xFFFFFB00  }
.LBB2_32:
0x11b: {  	p0 =	sne.s32 s10, $0x13C0;
	v1 =	vld [tilespmem:s11+$0x0];
	_ =	sdelay $0x2  }
0x11c: {  	v2 =	vld [tilespmem:s11+$0x500]  }
.Ltmp15:
0x11d: {  	(pc) =	sbr.rel @p0 .LBB2_32-.Ltmp15, $2  }
0x11e: {  	_ =	sdelay $0x2  }
0x11f: {  	s11 =	sshra.s32 s10, $0x2;
	s10 =	sadd.s32 $0x40, s10;
	[tilespmem:v1+s7+$0x0] =	vst.idx.add.f32.msk $0xffff, v2  }
0x120: {  	v1 =	vld [tilespmem:s11+$0x0];
	_ =	sdelay $0x2  }
0x121: {  	v2 =	vld [tilespmem:s11+$0x500];
	_ =	sdelay $0x4  }
0x122: {  	s10 =	simm.s32 $0x0;
	[tilespmem:v1+s7+$0x0] =	vst.idx.add.f32.msk $0xffff, v2  }
0x123: {  	[tilespmem:s10], [sflag:$0x1] =	stream.linear.gather [hbm4b:s1+s10], $0x500, $0x38;
	[tilespmem:$0x3200] =	vst v63  }
0x124: {  	_ = 	snop  }
0x125: {  	[tilespmem:s5], [sflag:$0x1] =	stream.linear.gather [hbm4b:s2+s10], $0x500, $0x38;
	[tilespmem:$0x3200] =	vst v63  }
0x126: {  	_ =	swait.ge [sflag:s6], $0x500  }
0x127: {  	[sflag:s6] =	ssyncset.done $0x0  }
0x128: {  	[sflag:s6] =	ssyncadd.s32 $0xFFFFFB00  }
0x129: {  	_ =	swait.ge [sflag:s6], $0x500  }
0x12a: {  	[sflag:s6] =	ssyncset.done $0x0  }
0x12b: {  	s11 =	simm.s32 $0x0;
	s10 =	simm.s32 $0x40;
	[sflag:s6] =	ssyncadd.s32 $0xFFFFFB00  }
.LBB2_34:
0x12c: {  	p0 =	sne.s32 s10, $0x13C0;
	v1 =	vld [tilespmem:s11+$0x0];
	_ =	sdelay $0x2  }
0x12d: {  	v2 =	vld [tilespmem:s11+$0x500]  }
.Ltmp16:
0x12e: {  	(pc) =	sbr.rel @p0 .LBB2_34-.Ltmp16, $2  }
0x12f: {  	_ =	sdelay $0x2  }
0x130: {  	s11 =	sshra.s32 s10, $0x2;
	s10 =	sadd.s32 $0x40, s10;
	[tilespmem:v1+s7+$0x0] =	vst.idx.add.f32.msk $0xffff, v2  }
0x131: {  	v1 =	vld [tilespmem:s11+$0x0];
	_ =	sdelay $0x2  }
0x132: {  	v2 =	vld [tilespmem:s11+$0x500];
	_ =	sdelay $0x2  }
0x133: {  	s9 =	sadd.s32 $0x1, s9  }
0x134: {  	p0 =	sne.s32 s9, s4  }
.Ltmp17:
0x135: {  	s10 =	simm.s32 $0x0;
	[tilespmem:v1+s7+$0x0] =	vst.idx.add.f32.msk $0xffff, v2;
	(pc) =	sbr.rel @p0 .LBB2_1-.Ltmp17, $4  }
0x136: {  	[hbm4b:s3+s10] =	stream.linear.scatter [tilespmem:s7], [sflag:$0x2], $0x2800, $0x38;
	[tilespmem:$0x3200] =	vst v63  }
0x137: {  	_ =	swait.ge [sflag:s8], $0x2800  }
0x138: {  	[sflag:s8] =	ssyncset.done $0x0  }
0x139: {  	[sflag:s8] =	ssyncadd.s32 $0xFFFFD800  }
0x13a: {  	_ =	sfence.sel $0x180000  }
0x13b: {  	[bflag:$0x0] =	sbarrier.arrive $0xFFFF  }
0x13c: {  	_ =	strace $0x90000047  }
0x13d: {  	s0 =	stileid.u32;
	[bflag:$0x2] =	sbarrier.arrive $0xFFFF  }
0x13e: {  	p0 =	sne.s32 s0, $0x0;
	s0 =	rddreg [dreg:$0x1]  }
0x13f: {  	s0 =	sadd.s32 @!p0 $0x100000, s0  }
0x140: {  	[sflag:s0] =	ssyncadd.tile.s32 @!p0 $0x1;
	_ =	shalt  }
.Lfunc_end2:
_tile_overlayer_lowered:
.L_overlay_start_2:
0x141: {  	(tag) =	ssettag $0x2  }
0x142: {  	s0 =	rddreg [dreg:$0x0];
	s2 =	stileid.u32  }
0x143: {  	s1 =	rddreg [dreg:$0x1];
	p0 =	sne.s32 s2, $0x0  }
0x144: {  	s3 =	rddreg [dreg:$0x2];
	[bflag:$0x3] =	sbarrier.arrive $0xFFFF;
	s2 =	simm.s32 @!p0 $0x1C02  }
0x145: {  	[timem:s3], [sflag:s2] =	dma.local @!p0 [hbm:s0], s1  }
0x146: {  	s0 =	simm.s32 @!p0 $0x2  }
0x147: {  	_ =	swait.ge @!p0 [sflag:s0], s1  }
0x148: {  	s1 =	ssub.s32 @!p0 $0x0, s1;
	[sflag:s0] =	ssyncset.done @!p0 $0x0  }
0x149: {  	[sflag:s0] =	ssyncadd.s32 @!p0 s1  }
0x14a: {  	[bflag:$0x3] =	sbarrier.arrive $0xFFFF  }
0x14b: {  	_ =	shalt  }

</sc_bundles>
